<compile_context>
chip_gen: v7x
topology: tpu7x:2x2x1
jax: 0.10.2.dev20260603
libtpu: 0.0.44.dev20260713+nightly
codegen_flags: <defaults>
</compile_context>

<pallas_src>
import functools

import jax
import jax.numpy as jnp
from jax import lax
from jax.experimental import pallas as pl
from jax.experimental.pallas import tpu as pltpu
from jax.experimental.pallas import tpu_sc as plsc

N = 8192
D_IN = 768
E = 8
HID = 256
D_OUT = 256
TOPK = 2

BR = 256
R_PAD = 18432
NBLK = R_PAD // BR
BT = 1024

NW = 32
GCH = 64
GNC = R_PAD // NW // GCH



def _gate_body(x_ref, wg1_ref, wg2_ref,
               a1_ref, a2_ref, w1_ref, w2_ref, r1_ref, r2_ref, cnt_ref,
               xb_ref, acc_ref):
    i = pl.program_id(0)

    @pl.when(i == 0)
    def _():
        acc_ref[...] = jnp.zeros_like(acc_ref)

    H = D_IN // 2
    lo = lax.bitcast_convert_type(
        x_ref[:, :H].astype(jnp.bfloat16), jnp.uint16).astype(jnp.int32)
    hi = lax.bitcast_convert_type(
        x_ref[:, H:].astype(jnp.bfloat16), jnp.uint16).astype(jnp.int32)
    xb_ref[...] = lo | (hi << 16)
    t = jnp.tanh(jnp.dot(x_ref[...], wg1_ref[...],
                         preferred_element_type=jnp.float32))
    logits = jnp.dot(t, wg2_ref[...], preferred_element_type=jnp.float32)
    m = jnp.max(logits, axis=-1, keepdims=True)
    ex = jnp.exp(logits - m)
    gw = ex / jnp.sum(ex, axis=-1, keepdims=True)
    a1 = jnp.argmax(gw, axis=-1)
    m1 = jnp.max(gw, axis=-1)
    lane = lax.broadcasted_iota(jnp.int32, gw.shape, 1)
    gw2 = jnp.where(lane == a1[:, None], -1.0, gw)
    a2 = jnp.argmax(gw2, axis=-1)
    m2 = jnp.max(gw2, axis=-1)
    s = m1 + m2 + 1e-12
    a1_ref[...] = a1.astype(jnp.int32)
    a2_ref[...] = a2.astype(jnp.int32)
    w1_ref[...] = m1 / s
    w2_ref[...] = m2 / s

    oh1 = (lane == a1[:, None]).astype(jnp.float32)
    oh2 = (lane == a2[:, None]).astype(jnp.float32)
    S = oh1 + oh2
    row = lax.broadcasted_iota(jnp.int32, (BT, BT), 0)
    col = lax.broadcasted_iota(jnp.int32, (BT, BT), 1)
    tri = (row > col).astype(jnp.float32)
    cex = jnp.dot(tri, S, preferred_element_type=jnp.float32)
    base = cex + acc_ref[...]
    r1_ref[...] = jnp.sum(base * oh1, axis=1).astype(jnp.int32)
    r2_ref[...] = jnp.sum(base * oh2, axis=1).astype(jnp.int32)
    new_acc = acc_ref[...] + jnp.sum(S, axis=0, keepdims=True)
    acc_ref[...] = new_acc
    cnt_ref[...] = new_acc.astype(jnp.int32)


def _gating(x, Wg1, Wg2):
    vec = lambda: pl.BlockSpec((BT,), lambda i: (i,))
    return pl.pallas_call(
        _gate_body,
        grid=(N // BT,),
        in_specs=[
            pl.BlockSpec((BT, D_IN), lambda i: (i, 0)),
            pl.BlockSpec((D_IN, 2 * E), lambda i: (0, 0)),
            pl.BlockSpec((2 * E, E), lambda i: (0, 0)),
        ],
        out_specs=[
            vec(), vec(), vec(), vec(), vec(), vec(),
            pl.BlockSpec((1, E), lambda i: (0, 0)),
            pl.BlockSpec((BT, D_IN // 2), lambda i: (i, 0)),
        ],
        out_shape=[
            jax.ShapeDtypeStruct((N,), jnp.int32),
            jax.ShapeDtypeStruct((N,), jnp.int32),
            jax.ShapeDtypeStruct((N,), jnp.float32),
            jax.ShapeDtypeStruct((N,), jnp.float32),
            jax.ShapeDtypeStruct((N,), jnp.int32),
            jax.ShapeDtypeStruct((N,), jnp.int32),
            jax.ShapeDtypeStruct((1, E), jnp.int32),
            jax.ShapeDtypeStruct((N, D_IN // 2), jnp.int32),
        ],
        scratch_shapes=[pltpu.VMEM((1, E), jnp.float32)],
    )(x, Wg1, Wg2)



def _dest_body(a1_ref, a2_ref, r1_ref, r2_ref, cnt_ref,
               p1_ref, p2_ref, eid_ref):
    counts = cnt_ref[...]
    bpe = (counts + (BR - 1)) >> 8
    er = lax.broadcasted_iota(jnp.int32, (E, E), 0)
    ec = lax.broadcasted_iota(jnp.int32, (E, E), 1)
    etri = (er < ec).astype(jnp.float32)
    pad_start_b = jnp.dot(bpe.astype(jnp.float32), etri,
                          preferred_element_type=jnp.float32)
    pad_start = pad_start_b.astype(jnp.int32) * BR

    lane1 = lax.broadcasted_iota(jnp.int32, (N, E), 1)
    oh1 = (lane1 == a1_ref[...][:, None]).astype(jnp.int32)
    oh2 = (lane1 == a2_ref[...][:, None]).astype(jnp.int32)
    p1_ref[...] = r1_ref[...] + jnp.sum(oh1 * pad_start, axis=1)
    p2_ref[...] = r2_ref[...] + jnp.sum(oh2 * pad_start, axis=1)

    pad_end = pad_start + bpe * BR
    blk = lax.broadcasted_iota(jnp.int32, (NBLK, E), 0) * BR
    eid = jnp.sum((blk >= pad_end).astype(jnp.int32), axis=1)
    eid_ref[...] = jnp.minimum(eid, E - 1)


def _slot_dest(a1, a2, r1, r2, counts):
    def full(s):
        return pl.BlockSpec(s, lambda: tuple(0 for _ in s))
    return pl.pallas_call(
        _dest_body,
        in_specs=[full((N,)), full((N,)), full((N,)), full((N,)),
                  full((1, E))],
        out_specs=[full((N,)), full((N,)), full((NBLK,))],
        out_shape=[
            jax.ShapeDtypeStruct((N,), jnp.int32),
            jax.ShapeDtypeStruct((N,), jnp.int32),
            jax.ShapeDtypeStruct((NBLK,), jnp.int32),
        ],
    )(a1, a2, r1, r2, counts)



@functools.lru_cache(maxsize=None)
def _sc_gather_x_kernel():
    @functools.partial(
        pl.kernel,
        out_type=jax.ShapeDtypeStruct((R_PAD, D_IN // 2), jnp.int32),
        mesh=plsc.VectorSubcoreMesh(core_axis_name="c", subcore_axis_name="s"),
        scratch_types=[
            pltpu.VMEM((GNC, GCH), jnp.int32),
            pltpu.VMEM((GCH, D_IN // 2), jnp.int32),
            pltpu.VMEM((GCH, D_IN // 2), jnp.int32),
            pltpu.SemaphoreType.DMA,
            pltpu.SemaphoreType.DMA,
            pltpu.SemaphoreType.DMA,
            pltpu.SemaphoreType.DMA,
        ],
    )
    def _sc_gather_x(tok_hbm, x_hbm, out_hbm, idx_v, buf0, buf1,
                     sg0, sg1, sw0, sw1):
        wid = lax.axis_index("s") * 2 + lax.axis_index("c")
        per_w = R_PAD // NW
        base = wid * per_w
        pltpu.sync_copy(tok_hbm.at[wid], idx_v)
        bufs = (buf0, buf1)
        gsem = (sg0, sg1)
        wsem = (sw0, sw1)
        g = [None] * GNC
        w = [None] * GNC

        def start_gather(ci):
            g[ci] = pltpu.async_copy(x_hbm.at[idx_v.at[ci]],
                                     bufs[ci % 2], gsem[ci % 2])

        start_gather(0)
        for ci in range(GNC):
            if ci + 1 < GNC:
                if ci + 1 >= 2:
                    w[ci - 1].wait()
                start_gather(ci + 1)
            g[ci].wait()
            w[ci] = pltpu.async_copy(
                bufs[ci % 2], out_hbm.at[pl.ds(base + ci * GCH, GCH)],
                wsem[ci % 2])
        w[GNC - 2].wait()
        w[GNC - 1].wait()

    return _sc_gather_x



def _ln(h):
    mu = jnp.mean(h, axis=-1, keepdims=True)
    var = jnp.mean((h - mu) ** 2, axis=-1, keepdims=True)
    return (h - mu) * lax.rsqrt(var + 1e-5)


def _gelu(h):
    return 0.5 * h * (1.0 + lax.erf(h * (2.0 ** -0.5)))


def _mlp_body(eid_ref, xg_ref, w_ref, W1a_ref, W1b_ref, b1_ref, g1_ref,
              be1_ref, W2_ref, b2_ref, g2_ref, be2_ref, W3_ref, b3_ref,
              o_ref):
    packed = xg_ref[...]
    x_lo = lax.bitcast_convert_type(packed << 16, jnp.float32)
    x_hi = lax.bitcast_convert_type(packed & jnp.int32(-65536), jnp.float32)
    h = (jnp.dot(x_lo, W1a_ref[0], preferred_element_type=jnp.float32)
         + jnp.dot(x_hi, W1b_ref[0], preferred_element_type=jnp.float32))
    h = h + b1_ref[0]
    h = _ln(h) * g1_ref[0] + be1_ref[0]
    h = _gelu(h)
    h = jnp.dot(h, W2_ref[0], preferred_element_type=jnp.float32) + b2_ref[0]
    h = _ln(h) * g2_ref[0] + be2_ref[0]
    h = _gelu(h)
    h = jnp.dot(h, W3_ref[0], preferred_element_type=jnp.float32) + b3_ref[0]
    o_ref[...] = h * w_ref[...]


def _grouped_mlp(block_eid, xg, slot_w, W1, b1, g1, be1, W2, b2, g2, be2, W3, b3):
    def we(block_shape):
        n = len(block_shape)
        return pl.BlockSpec((1,) + block_shape,
                            lambda i, eid, _n=n: (eid[i],) + (0,) * _n)

    grid_spec = pltpu.PrefetchScalarGridSpec(
        num_scalar_prefetch=1,
        grid=(NBLK,),
        in_specs=[
            pl.BlockSpec((BR, D_IN // 2), lambda i, eid: (i, 0)),
            pl.BlockSpec((BR, 1), lambda i, eid: (i, 0)),
            pl.BlockSpec((1, D_IN // 2, HID), lambda i, eid: (eid[i], 0, 0)),
            pl.BlockSpec((1, D_IN // 2, HID), lambda i, eid: (eid[i], 1, 0)),
            we((1, HID)), we((1, HID)), we((1, HID)),
            we((HID, HID)), we((1, HID)), we((1, HID)), we((1, HID)),
            we((HID, D_OUT)), we((1, D_OUT)),
        ],
        out_specs=pl.BlockSpec((BR, D_OUT), lambda i, eid: (i, 0)),
    )
    r3 = lambda a: a.reshape(E, 1, a.shape[-1])
    return pl.pallas_call(
        _mlp_body,
        grid_spec=grid_spec,
        out_shape=jax.ShapeDtypeStruct((R_PAD, D_OUT), jnp.float32),
    )(block_eid, xg, slot_w.reshape(R_PAD, 1),
      W1, W1, r3(b1), r3(g1), r3(be1), W2, r3(b2), r3(g2), r3(be2), W3,
      r3(b3))



CCH = 64


@functools.lru_cache(maxsize=None)
def _sc_combine_kernel():
    @functools.partial(
        pl.kernel,
        out_type=jax.ShapeDtypeStruct((N, D_OUT), jnp.float32),
        mesh=plsc.VectorSubcoreMesh(core_axis_name="c", subcore_axis_name="s"),
        scratch_types=[
            pltpu.VMEM((CCH,), jnp.int32),
            pltpu.VMEM((CCH,), jnp.int32),
            pltpu.VMEM((CCH, D_OUT), jnp.float32),
            pltpu.VMEM((CCH, D_OUT), jnp.float32),
            pltpu.SemaphoreType.DMA,
            pltpu.SemaphoreType.DMA,
        ],
    )
    def _sc_combine(p1_hbm, p2_hbm, y_hbm, out_hbm,
                    i1_v, i2_v, ra_v, rb_v, sem_a, sem_b):
        wid = lax.axis_index("s") * 2 + lax.axis_index("c")
        per_w = N // NW
        base = wid * per_w
        for ci in range(per_w // CCH):
            off = base + ci * CCH
            pltpu.sync_copy(p1_hbm.at[pl.ds(off, CCH)], i1_v)
            pltpu.sync_copy(p2_hbm.at[pl.ds(off, CCH)], i2_v)
            cpa = pltpu.async_copy(y_hbm.at[i1_v], ra_v, sem_a)
            cpb = pltpu.async_copy(y_hbm.at[i2_v], rb_v, sem_b)
            cpa.wait()
            cpb.wait()

            def row_body(r, _):
                for c in range(D_OUT // 16):
                    sl = pl.ds(c * 16, 16)
                    ra_v[r, sl] = ra_v[r, sl] + rb_v[r, sl]
                return 0

            lax.fori_loop(0, CCH, row_body, 0)
            pltpu.sync_copy(ra_v, out_hbm.at[pl.ds(off, CCH)])

    return _sc_combine



def kernel(x, Wg1, Wg2, W1, b1, g1, be1, W2, b2, g2, be2, W3, b3):
    a1, a2, w1, w2, r1, r2, counts, xb = _gating(x, Wg1, Wg2)
    p1, p2, block_eid = _slot_dest(a1, a2, r1, r2, counts)
    tok = jnp.arange(N, dtype=jnp.int32)
    slot_tok = (jnp.zeros((R_PAD,), jnp.int32).at[p1].set(tok)
                .at[p2].set(tok)).reshape(NW, GNC, GCH)
    slot_w = jnp.zeros((R_PAD,), jnp.float32).at[p1].set(w1).at[p2].set(w2)
    xg = _sc_gather_x_kernel()(slot_tok, xb)
    y = _grouped_mlp(block_eid, xg, slot_w,
                     W1, b1, g1, be1, W2, b2, g2, be2, W3, b3)
    return _sc_combine_kernel()(p1, p2, y)

# --- scband reference (transcript-rebuilt; emitter-appended) ---
"""Pipeline reference for scband-mo-elayer-54348516163739 (READ-ONLY COPY).

The authoritative reference and input builder live on the scoring server;
editing this copy changes nothing except your own understanding.
"""

import jax, jax.numpy as jnp
import numpy as np

N = 8192
D_IN = 768
E = 8
HID = 256
D_OUT = 256
TOPK = 2


def setup_inputs(seed: int = 0) -> dict:
    key = jax.random.key(seed)
    ks = jax.random.split(key, 8)
    s = 0.02
    x = jax.random.normal(ks[0], (N, D_IN), dtype=jnp.float32)
    Wg1 = jax.random.normal(ks[1], (D_IN, 2 * E), dtype=jnp.float32) * s
    Wg2 = jax.random.normal(ks[2], (2 * E, E), dtype=jnp.float32) * s
    W1 = jax.random.normal(ks[3], (E, D_IN, HID), dtype=jnp.float32) * s
    b1 = jnp.zeros((E, HID), dtype=jnp.float32)
    g1 = jnp.ones((E, HID), dtype=jnp.float32)
    be1 = jnp.zeros((E, HID), dtype=jnp.float32)
    W2 = jax.random.normal(ks[4], (E, HID, HID), dtype=jnp.float32) * s
    b2 = jnp.zeros((E, HID), dtype=jnp.float32)
    g2 = jnp.ones((E, HID), dtype=jnp.float32)
    be2 = jnp.zeros((E, HID), dtype=jnp.float32)
    W3 = jax.random.normal(ks[5], (E, HID, D_OUT), dtype=jnp.float32) * s
    b3 = jnp.zeros((E, D_OUT), dtype=jnp.float32)
    return {"x": x, "Wg1": Wg1, "Wg2": Wg2, "W1": W1, "b1": b1, "g1": g1, "be1": be1,
            "W2": W2, "b2": b2, "g2": g2, "be2": be2, "W3": W3, "b3": b3}


def _ln(h):
    mu = jnp.mean(h, axis=-1, keepdims=True)
    var = jnp.mean((h - mu) ** 2, axis=-1, keepdims=True)
    return (h - mu) / jnp.sqrt(var + 1e-5)


def reference(x, Wg1, Wg2, W1, b1, g1, be1, W2, b2, g2, be2, W3, b3):
    # gate (dropout is identity in eval; expert_counts EMA only updates in training)
    gate_logits = jnp.tanh(x @ Wg1) @ Wg2
    gate_weights = jax.nn.softmax(gate_logits, axis=-1)
    top_k_weights, top_k_indices = jax.lax.top_k(gate_weights, TOPK)
    top_k_weights = top_k_weights / (jnp.sum(top_k_weights, axis=-1, keepdims=True) + 1e-12)

    def expert(W1e, b1e, g1e, be1e, W2e, b2e, g2e, be2e, W3e, b3e):
        h = x @ W1e + b1e
        h = _ln(h) * g1e + be1e
        h = jax.nn.gelu(h, approximate=False)
        h = h @ W2e + b2e
        h = _ln(h) * g2e + be2e
        h = jax.nn.gelu(h, approximate=False)
        return h @ W3e + b3e

    outs = jax.vmap(expert)(W1, b1, g1, be1, W2, b2, g2, be2, W3, b3)  # [E, N, D_OUT]
    outs_t = jnp.transpose(outs, (1, 0, 2))  # [N, E, D_OUT]
    gathered = jnp.take_along_axis(outs_t, top_k_indices[:, :, None], axis=1)  # [N, K, D_OUT]
    output = jnp.sum(gathered * top_k_weights[:, :, None], axis=1)
    return output

if __name__ == "__main__":
    import jax
    _d = setup_inputs()
    print(jax.jit(kernel)(*tuple(_d.values())))

</pallas_src>

<mosaic_0001>
#map = affine_map<(d0, d1) -> (0, 0, 0)>
#map1 = affine_map<(d0, d1) -> (0, 0)>
module attributes {stable_mosaic.version = 14 : i64} {
  func.func @_sc_gather_x(%arg0: i32, %arg1: i32, %arg2: memref<32x9x64xi32, #tpu.memory_space<hbm>>, %arg3: memref<8192x384xi32, #tpu.memory_space<hbm>>, %arg4: memref<18432x384xi32, #tpu.memory_space<hbm>>, %arg5: memref<9x64xi32, #tpu.memory_space<vmem>>, %arg6: memref<64x384xi32, #tpu.memory_space<vmem>>, %arg7: memref<64x384xi32, #tpu.memory_space<vmem>>, %arg8: memref<!tpu.dma_semaphore, #tpu.memory_space<semaphore_mem>>, %arg9: memref<!tpu.dma_semaphore, #tpu.memory_space<semaphore_mem>>, %arg10: memref<!tpu.dma_semaphore, #tpu.memory_space<semaphore_mem>>, %arg11: memref<!tpu.dma_semaphore, #tpu.memory_space<semaphore_mem>>) attributes {dimension_semantics = [#tpu.dimension_semantics<core_parallel>, #tpu.dimension_semantics<subcore_parallel>], iteration_bounds = array<i64: 2, 16>, scalar_prefetch = 0 : i64, scratch_operands = 7 : i64, tpu.core_type = #tpu.core_type<sc_vector_subcore>, window_params = [{transform_indices = #map}, {transform_indices = #map1}, {transform_indices = #map1}]} {
    %mul3A = arith.constant 2 : i32
    %mul3A_0 = arith.muli %arg1, %mul3A : i32
    %add3A = arith.addi %mul3A_0, %arg0 : i32
    %mul3A_1 = arith.constant 576 : i32
    %mul3A_2 = arith.muli %add3A, %mul3A_1 : i32
    "tpu.region"() ({
      %run_scoped3A = tpu.sem_alloc : memref<!tpu.dma_semaphore, #tpu.memory_space<semaphore_mem>>
      %dma_start3A_217 = arith.constant 0 : i32
      %dma_start3A_218 = arith.constant 0 : i32
      %dma_start3A_219 = tpu.memref_slice %arg2[%add3A, %dma_start3A_217, %dma_start3A_218] : memref<32x9x64xi32, #tpu.memory_space<hbm>> -> memref<1x9x64xi32, #tpu.memory_space<hbm>>
      %dma_start3A_220 = tpu.memref_squeeze %dma_start3A_219 : memref<1x9x64xi32, #tpu.memory_space<hbm>> -> memref<9x64xi32, #tpu.memory_space<hbm>>
      %dma_start3A_221 = arith.constant 0 : i32
      %dma_start3A_222 = arith.constant 0 : i32
      %dma_start3A_223 = tpu.memref_slice %arg2[%add3A, %dma_start3A_221, %dma_start3A_222] : memref<32x9x64xi32, #tpu.memory_space<hbm>> -> memref<1x9x64xi32, #tpu.memory_space<hbm>>
      %dma_start3A_224 = tpu.memref_squeeze %dma_start3A_223 : memref<1x9x64xi32, #tpu.memory_space<hbm>> -> memref<9x64xi32, #tpu.memory_space<hbm>>
      tpu.enqueue_dma source(%dma_start3A_224 : memref<9x64xi32, #tpu.memory_space<hbm>>) target(%arg5 : memref<9x64xi32, #tpu.memory_space<vmem>>) target_semaphore(%run_scoped3A : memref<!tpu.dma_semaphore, #tpu.memory_space<semaphore_mem>>)
      %dma_wait3A_225 = arith.constant 0 : i32
      %dma_wait3A_226 = arith.constant 0 : i32
      %dma_wait3A_227 = tpu.memref_slice %arg2[%add3A, %dma_wait3A_225, %dma_wait3A_226] : memref<32x9x64xi32, #tpu.memory_space<hbm>> -> memref<1x9x64xi32, #tpu.memory_space<hbm>>
      %dma_wait3A_228 = tpu.memref_squeeze %dma_wait3A_227 : memref<1x9x64xi32, #tpu.memory_space<hbm>> -> memref<9x64xi32, #tpu.memory_space<hbm>>
      %dma_wait3A_229 = arith.constant 0 : i32
      %dma_wait3A_230 = arith.constant 0 : i32
      %dma_wait3A_231 = tpu.memref_slice %arg2[%add3A, %dma_wait3A_229, %dma_wait3A_230] : memref<32x9x64xi32, #tpu.memory_space<hbm>> -> memref<1x9x64xi32, #tpu.memory_space<hbm>>
      %dma_wait3A_232 = tpu.memref_squeeze %dma_wait3A_231 : memref<1x9x64xi32, #tpu.memory_space<hbm>> -> memref<9x64xi32, #tpu.memory_space<hbm>>
      tpu.wait_dma2 semaphore(%run_scoped3A : memref<!tpu.dma_semaphore, #tpu.memory_space<semaphore_mem>>) src(%dma_wait3A_232 : memref<9x64xi32, #tpu.memory_space<hbm>>) dst(%arg5 : memref<9x64xi32, #tpu.memory_space<vmem>>)
      tpu.yield
    }) : () -> ()
    %dma_start3A = arith.constant 0 : i32
    %dma_start3A_3 = arith.constant 0 : i32
    %dma_start3A_4 = tpu.memref_slice %arg5[%dma_start3A, %dma_start3A_3] : memref<9x64xi32, #tpu.memory_space<vmem>> -> memref<1x64xi32, #tpu.memory_space<vmem>>
    %dma_start3A_5 = tpu.memref_squeeze %dma_start3A_4 : memref<1x64xi32, #tpu.memory_space<vmem>> -> memref<64xi32, #tpu.memory_space<vmem>>
    %dma_start3A_6 = arith.constant 0 : i32
    %dma_start3A_7 = arith.constant 0 : i32
    %dma_start3A_8 = tpu.memref_slice %arg3[%dma_start3A_6, %dma_start3A_7] : memref<8192x384xi32, #tpu.memory_space<hbm>> -> memref<8192x384xi32, #tpu.memory_space<hbm>>
    tpu.enqueue_indirect_dma source(%dma_start3A_8 : memref<8192x384xi32, #tpu.memory_space<hbm>>) target(%arg6 : memref<64x384xi32, #tpu.memory_space<vmem>>) offsets(%dma_start3A_5 : memref<64xi32, #tpu.memory_space<vmem>>) semaphore(%arg8 : memref<!tpu.dma_semaphore, #tpu.memory_space<semaphore_mem>>)
    %dma_start3A_9 = arith.constant 1 : i32
    %dma_start3A_10 = arith.constant 0 : i32
    %dma_start3A_11 = tpu.memref_slice %arg5[%dma_start3A_9, %dma_start3A_10] : memref<9x64xi32, #tpu.memory_space<vmem>> -> memref<1x64xi32, #tpu.memory_space<vmem>>
    %dma_start3A_12 = tpu.memref_squeeze %dma_start3A_11 : memref<1x64xi32, #tpu.memory_space<vmem>> -> memref<64xi32, #tpu.memory_space<vmem>>
    %dma_start3A_13 = arith.constant 0 : i32
    %dma_start3A_14 = arith.constant 0 : i32
    %dma_start3A_15 = tpu.memref_slice %arg3[%dma_start3A_13, %dma_start3A_14] : memref<8192x384xi32, #tpu.memory_space<hbm>> -> memref<8192x384xi32, #tpu.memory_space<hbm>>
    tpu.enqueue_indirect_dma source(%dma_start3A_15 : memref<8192x384xi32, #tpu.memory_space<hbm>>) target(%arg7 : memref<64x384xi32, #tpu.memory_space<vmem>>) offsets(%dma_start3A_12 : memref<64xi32, #tpu.memory_space<vmem>>) semaphore(%arg9 : memref<!tpu.dma_semaphore, #tpu.memory_space<semaphore_mem>>)
    %dma_wait3A = arith.constant 0 : i32
    %dma_wait3A_16 = arith.constant 0 : i32
    %dma_wait3A_17 = tpu.memref_slice %arg5[%dma_wait3A, %dma_wait3A_16] : memref<9x64xi32, #tpu.memory_space<vmem>> -> memref<1x64xi32, #tpu.memory_space<vmem>>
    %dma_wait3A_18 = tpu.memref_squeeze %dma_wait3A_17 : memref<1x64xi32, #tpu.memory_space<vmem>> -> memref<64xi32, #tpu.memory_space<vmem>>
    %dma_wait3A_19 = arith.constant 0 : i32
    %dma_wait3A_20 = arith.constant 0 : i32
    %dma_wait3A_21 = tpu.memref_slice %arg3[%dma_wait3A_19, %dma_wait3A_20] : memref<8192x384xi32, #tpu.memory_space<hbm>> -> memref<8192x384xi32, #tpu.memory_space<hbm>>
    tpu.wait_indirect_dma semaphore(%arg8 : memref<!tpu.dma_semaphore, #tpu.memory_space<semaphore_mem>>) src(%dma_wait3A_21 : memref<8192x384xi32, #tpu.memory_space<hbm>>) dst(%arg6 : memref<64x384xi32, #tpu.memory_space<vmem>>)
    %add3A_22 = arith.constant 0 : i32
    %add3A_23 = arith.addi %mul3A_2, %add3A_22 : i32
    %dma_start3A_24 = arith.constant 0 : i32
    %dma_start3A_25 = tpu.memref_slice %arg4[%add3A_23, %dma_start3A_24] : memref<18432x384xi32, #tpu.memory_space<hbm>> -> memref<64x384xi32, #tpu.memory_space<hbm>>
    %dma_start3A_26 = arith.constant 0 : i32
    %dma_start3A_27 = tpu.memref_slice %arg4[%add3A_23, %dma_start3A_26] : memref<18432x384xi32, #tpu.memory_space<hbm>> -> memref<64x384xi32, #tpu.memory_space<hbm>>
    tpu.enqueue_dma source(%arg6 : memref<64x384xi32, #tpu.memory_space<vmem>>) target(%dma_start3A_27 : memref<64x384xi32, #tpu.memory_space<hbm>>) target_semaphore(%arg10 : memref<!tpu.dma_semaphore, #tpu.memory_space<semaphore_mem>>)
    %dma_wait3A_28 = arith.constant 0 : i32
    %dma_wait3A_29 = tpu.memref_slice %arg4[%add3A_23, %dma_wait3A_28] : memref<18432x384xi32, #tpu.memory_space<hbm>> -> memref<64x384xi32, #tpu.memory_space<hbm>>
    %dma_wait3A_30 = arith.constant 0 : i32
    %dma_wait3A_31 = tpu.memref_slice %arg4[%add3A_23, %dma_wait3A_30] : memref<18432x384xi32, #tpu.memory_space<hbm>> -> memref<64x384xi32, #tpu.memory_space<hbm>>
    tpu.wait_dma2 semaphore(%arg10 : memref<!tpu.dma_semaphore, #tpu.memory_space<semaphore_mem>>) src(%arg6 : memref<64x384xi32, #tpu.memory_space<vmem>>) dst(%dma_wait3A_31 : memref<64x384xi32, #tpu.memory_space<hbm>>)
    %dma_start3A_32 = arith.constant 2 : i32
    %dma_start3A_33 = arith.constant 0 : i32
    %dma_start3A_34 = tpu.memref_slice %arg5[%dma_start3A_32, %dma_start3A_33] : memref<9x64xi32, #tpu.memory_space<vmem>> -> memref<1x64xi32, #tpu.memory_space<vmem>>
    %dma_start3A_35 = tpu.memref_squeeze %dma_start3A_34 : memref<1x64xi32, #tpu.memory_space<vmem>> -> memref<64xi32, #tpu.memory_space<vmem>>
    %dma_start3A_36 = arith.constant 0 : i32
    %dma_start3A_37 = arith.constant 0 : i32
    %dma_start3A_38 = tpu.memref_slice %arg3[%dma_start3A_36, %dma_start3A_37] : memref<8192x384xi32, #tpu.memory_space<hbm>> -> memref<8192x384xi32, #tpu.memory_space<hbm>>
    tpu.enqueue_indirect_dma source(%dma_start3A_38 : memref<8192x384xi32, #tpu.memory_space<hbm>>) target(%arg6 : memref<64x384xi32, #tpu.memory_space<vmem>>) offsets(%dma_start3A_35 : memref<64xi32, #tpu.memory_space<vmem>>) semaphore(%arg8 : memref<!tpu.dma_semaphore, #tpu.memory_space<semaphore_mem>>)
    %dma_wait3A_39 = arith.constant 1 : i32
    %dma_wait3A_40 = arith.constant 0 : i32
    %dma_wait3A_41 = tpu.memref_slice %arg5[%dma_wait3A_39, %dma_wait3A_40] : memref<9x64xi32, #tpu.memory_space<vmem>> -> memref<1x64xi32, #tpu.memory_space<vmem>>
    %dma_wait3A_42 = tpu.memref_squeeze %dma_wait3A_41 : memref<1x64xi32, #tpu.memory_space<vmem>> -> memref<64xi32, #tpu.memory_space<vmem>>
    %dma_wait3A_43 = arith.constant 0 : i32
    %dma_wait3A_44 = arith.constant 0 : i32
    %dma_wait3A_45 = tpu.memref_slice %arg3[%dma_wait3A_43, %dma_wait3A_44] : memref<8192x384xi32, #tpu.memory_space<hbm>> -> memref<8192x384xi32, #tpu.memory_space<hbm>>
    tpu.wait_indirect_dma semaphore(%arg9 : memref<!tpu.dma_semaphore, #tpu.memory_space<semaphore_mem>>) src(%dma_wait3A_45 : memref<8192x384xi32, #tpu.memory_space<hbm>>) dst(%arg7 : memref<64x384xi32, #tpu.memory_space<vmem>>)
    %add3A_46 = arith.constant 64 : i32
    %add3A_47 = arith.addi %mul3A_2, %add3A_46 : i32
    %dma_start3A_48 = arith.constant 0 : i32
    %dma_start3A_49 = tpu.memref_slice %arg4[%add3A_47, %dma_start3A_48] : memref<18432x384xi32, #tpu.memory_space<hbm>> -> memref<64x384xi32, #tpu.memory_space<hbm>>
    %dma_start3A_50 = arith.constant 0 : i32
    %dma_start3A_51 = tpu.memref_slice %arg4[%add3A_47, %dma_start3A_50] : memref<18432x384xi32, #tpu.memory_space<hbm>> -> memref<64x384xi32, #tpu.memory_space<hbm>>
    tpu.enqueue_dma source(%arg7 : memref<64x384xi32, #tpu.memory_space<vmem>>) target(%dma_start3A_51 : memref<64x384xi32, #tpu.memory_space<hbm>>) target_semaphore(%arg11 : memref<!tpu.dma_semaphore, #tpu.memory_space<semaphore_mem>>)
    %dma_wait3A_52 = arith.constant 0 : i32
    %dma_wait3A_53 = tpu.memref_slice %arg4[%add3A_47, %dma_wait3A_52] : memref<18432x384xi32, #tpu.memory_space<hbm>> -> memref<64x384xi32, #tpu.memory_space<hbm>>
    %dma_wait3A_54 = arith.constant 0 : i32
    %dma_wait3A_55 = tpu.memref_slice %arg4[%add3A_47, %dma_wait3A_54] : memref<18432x384xi32, #tpu.memory_space<hbm>> -> memref<64x384xi32, #tpu.memory_space<hbm>>
    tpu.wait_dma2 semaphore(%arg11 : memref<!tpu.dma_semaphore, #tpu.memory_space<semaphore_mem>>) src(%arg7 : memref<64x384xi32, #tpu.memory_space<vmem>>) dst(%dma_wait3A_55 : memref<64x384xi32, #tpu.memory_space<hbm>>)
    %dma_start3A_56 = arith.constant 3 : i32
    %dma_start3A_57 = arith.constant 0 : i32
    %dma_start3A_58 = tpu.memref_slice %arg5[%dma_start3A_56, %dma_start3A_57] : memref<9x64xi32, #tpu.memory_space<vmem>> -> memref<1x64xi32, #tpu.memory_space<vmem>>
    %dma_start3A_59 = tpu.memref_squeeze %dma_start3A_58 : memref<1x64xi32, #tpu.memory_space<vmem>> -> memref<64xi32, #tpu.memory_space<vmem>>
    %dma_start3A_60 = arith.constant 0 : i32
    %dma_start3A_61 = arith.constant 0 : i32
    %dma_start3A_62 = tpu.memref_slice %arg3[%dma_start3A_60, %dma_start3A_61] : memref<8192x384xi32, #tpu.memory_space<hbm>> -> memref<8192x384xi32, #tpu.memory_space<hbm>>
    tpu.enqueue_indirect_dma source(%dma_start3A_62 : memref<8192x384xi32, #tpu.memory_space<hbm>>) target(%arg7 : memref<64x384xi32, #tpu.memory_space<vmem>>) offsets(%dma_start3A_59 : memref<64xi32, #tpu.memory_space<vmem>>) semaphore(%arg9 : memref<!tpu.dma_semaphore, #tpu.memory_space<semaphore_mem>>)
    %dma_wait3A_63 = arith.constant 2 : i32
    %dma_wait3A_64 = arith.constant 0 : i32
    %dma_wait3A_65 = tpu.memref_slice %arg5[%dma_wait3A_63, %dma_wait3A_64] : memref<9x64xi32, #tpu.memory_space<vmem>> -> memref<1x64xi32, #tpu.memory_space<vmem>>
    %dma_wait3A_66 = tpu.memref_squeeze %dma_wait3A_65 : memref<1x64xi32, #tpu.memory_space<vmem>> -> memref<64xi32, #tpu.memory_space<vmem>>
    %dma_wait3A_67 = arith.constant 0 : i32
    %dma_wait3A_68 = arith.constant 0 : i32
    %dma_wait3A_69 = tpu.memref_slice %arg3[%dma_wait3A_67, %dma_wait3A_68] : memref<8192x384xi32, #tpu.memory_space<hbm>> -> memref<8192x384xi32, #tpu.memory_space<hbm>>
    tpu.wait_indirect_dma semaphore(%arg8 : memref<!tpu.dma_semaphore, #tpu.memory_space<semaphore_mem>>) src(%dma_wait3A_69 : memref<8192x384xi32, #tpu.memory_space<hbm>>) dst(%arg6 : memref<64x384xi32, #tpu.memory_space<vmem>>)
    %add3A_70 = arith.constant 128 : i32
    %add3A_71 = arith.addi %mul3A_2, %add3A_70 : i32
    %dma_start3A_72 = arith.constant 0 : i32
    %dma_start3A_73 = tpu.memref_slice %arg4[%add3A_71, %dma_start3A_72] : memref<18432x384xi32, #tpu.memory_space<hbm>> -> memref<64x384xi32, #tpu.memory_space<hbm>>
    %dma_start3A_74 = arith.constant 0 : i32
    %dma_start3A_75 = tpu.memref_slice %arg4[%add3A_71, %dma_start3A_74] : memref<18432x384xi32, #tpu.memory_space<hbm>> -> memref<64x384xi32, #tpu.memory_space<hbm>>
    tpu.enqueue_dma source(%arg6 : memref<64x384xi32, #tpu.memory_space<vmem>>) target(%dma_start3A_75 : memref<64x384xi32, #tpu.memory_space<hbm>>) target_semaphore(%arg10 : memref<!tpu.dma_semaphore, #tpu.memory_space<semaphore_mem>>)
    %dma_wait3A_76 = arith.constant 0 : i32
    %dma_wait3A_77 = tpu.memref_slice %arg4[%add3A_71, %dma_wait3A_76] : memref<18432x384xi32, #tpu.memory_space<hbm>> -> memref<64x384xi32, #tpu.memory_space<hbm>>
    %dma_wait3A_78 = arith.constant 0 : i32
    %dma_wait3A_79 = tpu.memref_slice %arg4[%add3A_71, %dma_wait3A_78] : memref<18432x384xi32, #tpu.memory_space<hbm>> -> memref<64x384xi32, #tpu.memory_space<hbm>>
    tpu.wait_dma2 semaphore(%arg10 : memref<!tpu.dma_semaphore, #tpu.memory_space<semaphore_mem>>) src(%arg6 : memref<64x384xi32, #tpu.memory_space<vmem>>) dst(%dma_wait3A_79 : memref<64x384xi32, #tpu.memory_space<hbm>>)
    %dma_start3A_80 = arith.constant 4 : i32
    %dma_start3A_81 = arith.constant 0 : i32
    %dma_start3A_82 = tpu.memref_slice %arg5[%dma_start3A_80, %dma_start3A_81] : memref<9x64xi32, #tpu.memory_space<vmem>> -> memref<1x64xi32, #tpu.memory_space<vmem>>
    %dma_start3A_83 = tpu.memref_squeeze %dma_start3A_82 : memref<1x64xi32, #tpu.memory_space<vmem>> -> memref<64xi32, #tpu.memory_space<vmem>>
    %dma_start3A_84 = arith.constant 0 : i32
    %dma_start3A_85 = arith.constant 0 : i32
    %dma_start3A_86 = tpu.memref_slice %arg3[%dma_start3A_84, %dma_start3A_85] : memref<8192x384xi32, #tpu.memory_space<hbm>> -> memref<8192x384xi32, #tpu.memory_space<hbm>>
    tpu.enqueue_indirect_dma source(%dma_start3A_86 : memref<8192x384xi32, #tpu.memory_space<hbm>>) target(%arg6 : memref<64x384xi32, #tpu.memory_space<vmem>>) offsets(%dma_start3A_83 : memref<64xi32, #tpu.memory_space<vmem>>) semaphore(%arg8 : memref<!tpu.dma_semaphore, #tpu.memory_space<semaphore_mem>>)
    %dma_wait3A_87 = arith.constant 3 : i32
    %dma_wait3A_88 = arith.constant 0 : i32
    %dma_wait3A_89 = tpu.memref_slice %arg5[%dma_wait3A_87, %dma_wait3A_88] : memref<9x64xi32, #tpu.memory_space<vmem>> -> memref<1x64xi32, #tpu.memory_space<vmem>>
    %dma_wait3A_90 = tpu.memref_squeeze %dma_wait3A_89 : memref<1x64xi32, #tpu.memory_space<vmem>> -> memref<64xi32, #tpu.memory_space<vmem>>
    %dma_wait3A_91 = arith.constant 0 : i32
    %dma_wait3A_92 = arith.constant 0 : i32
    %dma_wait3A_93 = tpu.memref_slice %arg3[%dma_wait3A_91, %dma_wait3A_92] : memref<8192x384xi32, #tpu.memory_space<hbm>> -> memref<8192x384xi32, #tpu.memory_space<hbm>>
    tpu.wait_indirect_dma semaphore(%arg9 : memref<!tpu.dma_semaphore, #tpu.memory_space<semaphore_mem>>) src(%dma_wait3A_93 : memref<8192x384xi32, #tpu.memory_space<hbm>>) dst(%arg7 : memref<64x384xi32, #tpu.memory_space<vmem>>)
    %add3A_94 = arith.constant 192 : i32
    %add3A_95 = arith.addi %mul3A_2, %add3A_94 : i32
    %dma_start3A_96 = arith.constant 0 : i32
    %dma_start3A_97 = tpu.memref_slice %arg4[%add3A_95, %dma_start3A_96] : memref<18432x384xi32, #tpu.memory_space<hbm>> -> memref<64x384xi32, #tpu.memory_space<hbm>>
    %dma_start3A_98 = arith.constant 0 : i32
    %dma_start3A_99 = tpu.memref_slice %arg4[%add3A_95, %dma_start3A_98] : memref<18432x384xi32, #tpu.memory_space<hbm>> -> memref<64x384xi32, #tpu.memory_space<hbm>>
    tpu.enqueue_dma source(%arg7 : memref<64x384xi32, #tpu.memory_space<vmem>>) target(%dma_start3A_99 : memref<64x384xi32, #tpu.memory_space<hbm>>) target_semaphore(%arg11 : memref<!tpu.dma_semaphore, #tpu.memory_space<semaphore_mem>>)
    %dma_wait3A_100 = arith.constant 0 : i32
    %dma_wait3A_101 = tpu.memref_slice %arg4[%add3A_95, %dma_wait3A_100] : memref<18432x384xi32, #tpu.memory_space<hbm>> -> memref<64x384xi32, #tpu.memory_space<hbm>>
    %dma_wait3A_102 = arith.constant 0 : i32
    %dma_wait3A_103 = tpu.memref_slice %arg4[%add3A_95, %dma_wait3A_102] : memref<18432x384xi32, #tpu.memory_space<hbm>> -> memref<64x384xi32, #tpu.memory_space<hbm>>
    tpu.wait_dma2 semaphore(%arg11 : memref<!tpu.dma_semaphore, #tpu.memory_space<semaphore_mem>>) src(%arg7 : memref<64x384xi32, #tpu.memory_space<vmem>>) dst(%dma_wait3A_103 : memref<64x384xi32, #tpu.memory_space<hbm>>)
    %dma_start3A_104 = arith.constant 5 : i32
    %dma_start3A_105 = arith.constant 0 : i32
    %dma_start3A_106 = tpu.memref_slice %arg5[%dma_start3A_104, %dma_start3A_105] : memref<9x64xi32, #tpu.memory_space<vmem>> -> memref<1x64xi32, #tpu.memory_space<vmem>>
    %dma_start3A_107 = tpu.memref_squeeze %dma_start3A_106 : memref<1x64xi32, #tpu.memory_space<vmem>> -> memref<64xi32, #tpu.memory_space<vmem>>
    %dma_start3A_108 = arith.constant 0 : i32
    %dma_start3A_109 = arith.constant 0 : i32
    %dma_start3A_110 = tpu.memref_slice %arg3[%dma_start3A_108, %dma_start3A_109] : memref<8192x384xi32, #tpu.memory_space<hbm>> -> memref<8192x384xi32, #tpu.memory_space<hbm>>
    tpu.enqueue_indirect_dma source(%dma_start3A_110 : memref<8192x384xi32, #tpu.memory_space<hbm>>) target(%arg7 : memref<64x384xi32, #tpu.memory_space<vmem>>) offsets(%dma_start3A_107 : memref<64xi32, #tpu.memory_space<vmem>>) semaphore(%arg9 : memref<!tpu.dma_semaphore, #tpu.memory_space<semaphore_mem>>)
    %dma_wait3A_111 = arith.constant 4 : i32
    %dma_wait3A_112 = arith.constant 0 : i32
    %dma_wait3A_113 = tpu.memref_slice %arg5[%dma_wait3A_111, %dma_wait3A_112] : memref<9x64xi32, #tpu.memory_space<vmem>> -> memref<1x64xi32, #tpu.memory_space<vmem>>
    %dma_wait3A_114 = tpu.memref_squeeze %dma_wait3A_113 : memref<1x64xi32, #tpu.memory_space<vmem>> -> memref<64xi32, #tpu.memory_space<vmem>>
    %dma_wait3A_115 = arith.constant 0 : i32
    %dma_wait3A_116 = arith.constant 0 : i32
    %dma_wait3A_117 = tpu.memref_slice %arg3[%dma_wait3A_115, %dma_wait3A_116] : memref<8192x384xi32, #tpu.memory_space<hbm>> -> memref<8192x384xi32, #tpu.memory_space<hbm>>
    tpu.wait_indirect_dma semaphore(%arg8 : memref<!tpu.dma_semaphore, #tpu.memory_space<semaphore_mem>>) src(%dma_wait3A_117 : memref<8192x384xi32, #tpu.memory_space<hbm>>) dst(%arg6 : memref<64x384xi32, #tpu.memory_space<vmem>>)
    %add3A_118 = arith.constant 256 : i32
    %add3A_119 = arith.addi %mul3A_2, %add3A_118 : i32
    %dma_start3A_120 = arith.constant 0 : i32
    %dma_start3A_121 = tpu.memref_slice %arg4[%add3A_119, %dma_start3A_120] : memref<18432x384xi32, #tpu.memory_space<hbm>> -> memref<64x384xi32, #tpu.memory_space<hbm>>
    %dma_start3A_122 = arith.constant 0 : i32
    %dma_start3A_123 = tpu.memref_slice %arg4[%add3A_119, %dma_start3A_122] : memref<18432x384xi32, #tpu.memory_space<hbm>> -> memref<64x384xi32, #tpu.memory_space<hbm>>
    tpu.enqueue_dma source(%arg6 : memref<64x384xi32, #tpu.memory_space<vmem>>) target(%dma_start3A_123 : memref<64x384xi32, #tpu.memory_space<hbm>>) target_semaphore(%arg10 : memref<!tpu.dma_semaphore, #tpu.memory_space<semaphore_mem>>)
    %dma_wait3A_124 = arith.constant 0 : i32
    %dma_wait3A_125 = tpu.memref_slice %arg4[%add3A_119, %dma_wait3A_124] : memref<18432x384xi32, #tpu.memory_space<hbm>> -> memref<64x384xi32, #tpu.memory_space<hbm>>
    %dma_wait3A_126 = arith.constant 0 : i32
    %dma_wait3A_127 = tpu.memref_slice %arg4[%add3A_119, %dma_wait3A_126] : memref<18432x384xi32, #tpu.memory_space<hbm>> -> memref<64x384xi32, #tpu.memory_space<hbm>>
    tpu.wait_dma2 semaphore(%arg10 : memref<!tpu.dma_semaphore, #tpu.memory_space<semaphore_mem>>) src(%arg6 : memref<64x384xi32, #tpu.memory_space<vmem>>) dst(%dma_wait3A_127 : memref<64x384xi32, #tpu.memory_space<hbm>>)
    %dma_start3A_128 = arith.constant 6 : i32
    %dma_start3A_129 = arith.constant 0 : i32
    %dma_start3A_130 = tpu.memref_slice %arg5[%dma_start3A_128, %dma_start3A_129] : memref<9x64xi32, #tpu.memory_space<vmem>> -> memref<1x64xi32, #tpu.memory_space<vmem>>
    %dma_start3A_131 = tpu.memref_squeeze %dma_start3A_130 : memref<1x64xi32, #tpu.memory_space<vmem>> -> memref<64xi32, #tpu.memory_space<vmem>>
    %dma_start3A_132 = arith.constant 0 : i32
    %dma_start3A_133 = arith.constant 0 : i32
    %dma_start3A_134 = tpu.memref_slice %arg3[%dma_start3A_132, %dma_start3A_133] : memref<8192x384xi32, #tpu.memory_space<hbm>> -> memref<8192x384xi32, #tpu.memory_space<hbm>>
    tpu.enqueue_indirect_dma source(%dma_start3A_134 : memref<8192x384xi32, #tpu.memory_space<hbm>>) target(%arg6 : memref<64x384xi32, #tpu.memory_space<vmem>>) offsets(%dma_start3A_131 : memref<64xi32, #tpu.memory_space<vmem>>) semaphore(%arg8 : memref<!tpu.dma_semaphore, #tpu.memory_space<semaphore_mem>>)
    %dma_wait3A_135 = arith.constant 5 : i32
    %dma_wait3A_136 = arith.constant 0 : i32
    %dma_wait3A_137 = tpu.memref_slice %arg5[%dma_wait3A_135, %dma_wait3A_136] : memref<9x64xi32, #tpu.memory_space<vmem>> -> memref<1x64xi32, #tpu.memory_space<vmem>>
    %dma_wait3A_138 = tpu.memref_squeeze %dma_wait3A_137 : memref<1x64xi32, #tpu.memory_space<vmem>> -> memref<64xi32, #tpu.memory_space<vmem>>
    %dma_wait3A_139 = arith.constant 0 : i32
    %dma_wait3A_140 = arith.constant 0 : i32
    %dma_wait3A_141 = tpu.memref_slice %arg3[%dma_wait3A_139, %dma_wait3A_140] : memref<8192x384xi32, #tpu.memory_space<hbm>> -> memref<8192x384xi32, #tpu.memory_space<hbm>>
    tpu.wait_indirect_dma semaphore(%arg9 : memref<!tpu.dma_semaphore, #tpu.memory_space<semaphore_mem>>) src(%dma_wait3A_141 : memref<8192x384xi32, #tpu.memory_space<hbm>>) dst(%arg7 : memref<64x384xi32, #tpu.memory_space<vmem>>)
    %add3A_142 = arith.constant 320 : i32
    %add3A_143 = arith.addi %mul3A_2, %add3A_142 : i32
    %dma_start3A_144 = arith.constant 0 : i32
    %dma_start3A_145 = tpu.memref_slice %arg4[%add3A_143, %dma_start3A_144] : memref<18432x384xi32, #tpu.memory_space<hbm>> -> memref<64x384xi32, #tpu.memory_space<hbm>>
    %dma_start3A_146 = arith.constant 0 : i32
    %dma_start3A_147 = tpu.memref_slice %arg4[%add3A_143, %dma_start3A_146] : memref<18432x384xi32, #tpu.memory_space<hbm>> -> memref<64x384xi32, #tpu.memory_space<hbm>>
    tpu.enqueue_dma source(%arg7 : memref<64x384xi32, #tpu.memory_space<vmem>>) target(%dma_start3A_147 : memref<64x384xi32, #tpu.memory_space<hbm>>) target_semaphore(%arg11 : memref<!tpu.dma_semaphore, #tpu.memory_space<semaphore_mem>>)
    %dma_wait3A_148 = arith.constant 0 : i32
    %dma_wait3A_149 = tpu.memref_slice %arg4[%add3A_143, %dma_wait3A_148] : memref<18432x384xi32, #tpu.memory_space<hbm>> -> memref<64x384xi32, #tpu.memory_space<hbm>>
    %dma_wait3A_150 = arith.constant 0 : i32
    %dma_wait3A_151 = tpu.memref_slice %arg4[%add3A_143, %dma_wait3A_150] : memref<18432x384xi32, #tpu.memory_space<hbm>> -> memref<64x384xi32, #tpu.memory_space<hbm>>
    tpu.wait_dma2 semaphore(%arg11 : memref<!tpu.dma_semaphore, #tpu.memory_space<semaphore_mem>>) src(%arg7 : memref<64x384xi32, #tpu.memory_space<vmem>>) dst(%dma_wait3A_151 : memref<64x384xi32, #tpu.memory_space<hbm>>)
    %dma_start3A_152 = arith.constant 7 : i32
    %dma_start3A_153 = arith.constant 0 : i32
    %dma_start3A_154 = tpu.memref_slice %arg5[%dma_start3A_152, %dma_start3A_153] : memref<9x64xi32, #tpu.memory_space<vmem>> -> memref<1x64xi32, #tpu.memory_space<vmem>>
    %dma_start3A_155 = tpu.memref_squeeze %dma_start3A_154 : memref<1x64xi32, #tpu.memory_space<vmem>> -> memref<64xi32, #tpu.memory_space<vmem>>
    %dma_start3A_156 = arith.constant 0 : i32
    %dma_start3A_157 = arith.constant 0 : i32
    %dma_start3A_158 = tpu.memref_slice %arg3[%dma_start3A_156, %dma_start3A_157] : memref<8192x384xi32, #tpu.memory_space<hbm>> -> memref<8192x384xi32, #tpu.memory_space<hbm>>
    tpu.enqueue_indirect_dma source(%dma_start3A_158 : memref<8192x384xi32, #tpu.memory_space<hbm>>) target(%arg7 : memref<64x384xi32, #tpu.memory_space<vmem>>) offsets(%dma_start3A_155 : memref<64xi32, #tpu.memory_space<vmem>>) semaphore(%arg9 : memref<!tpu.dma_semaphore, #tpu.memory_space<semaphore_mem>>)
    %dma_wait3A_159 = arith.constant 6 : i32
    %dma_wait3A_160 = arith.constant 0 : i32
    %dma_wait3A_161 = tpu.memref_slice %arg5[%dma_wait3A_159, %dma_wait3A_160] : memref<9x64xi32, #tpu.memory_space<vmem>> -> memref<1x64xi32, #tpu.memory_space<vmem>>
    %dma_wait3A_162 = tpu.memref_squeeze %dma_wait3A_161 : memref<1x64xi32, #tpu.memory_space<vmem>> -> memref<64xi32, #tpu.memory_space<vmem>>
    %dma_wait3A_163 = arith.constant 0 : i32
    %dma_wait3A_164 = arith.constant 0 : i32
    %dma_wait3A_165 = tpu.memref_slice %arg3[%dma_wait3A_163, %dma_wait3A_164] : memref<8192x384xi32, #tpu.memory_space<hbm>> -> memref<8192x384xi32, #tpu.memory_space<hbm>>
    tpu.wait_indirect_dma semaphore(%arg8 : memref<!tpu.dma_semaphore, #tpu.memory_space<semaphore_mem>>) src(%dma_wait3A_165 : memref<8192x384xi32, #tpu.memory_space<hbm>>) dst(%arg6 : memref<64x384xi32, #tpu.memory_space<vmem>>)
    %add3A_166 = arith.constant 384 : i32
    %add3A_167 = arith.addi %mul3A_2, %add3A_166 : i32
    %dma_start3A_168 = arith.constant 0 : i32
    %dma_start3A_169 = tpu.memref_slice %arg4[%add3A_167, %dma_start3A_168] : memref<18432x384xi32, #tpu.memory_space<hbm>> -> memref<64x384xi32, #tpu.memory_space<hbm>>
    %dma_start3A_170 = arith.constant 0 : i32
    %dma_start3A_171 = tpu.memref_slice %arg4[%add3A_167, %dma_start3A_170] : memref<18432x384xi32, #tpu.memory_space<hbm>> -> memref<64x384xi32, #tpu.memory_space<hbm>>
    tpu.enqueue_dma source(%arg6 : memref<64x384xi32, #tpu.memory_space<vmem>>) target(%dma_start3A_171 : memref<64x384xi32, #tpu.memory_space<hbm>>) target_semaphore(%arg10 : memref<!tpu.dma_semaphore, #tpu.memory_space<semaphore_mem>>)
    %dma_wait3A_172 = arith.constant 0 : i32
    %dma_wait3A_173 = tpu.memref_slice %arg4[%add3A_167, %dma_wait3A_172] : memref<18432x384xi32, #tpu.memory_space<hbm>> -> memref<64x384xi32, #tpu.memory_space<hbm>>
    %dma_wait3A_174 = arith.constant 0 : i32
    %dma_wait3A_175 = tpu.memref_slice %arg4[%add3A_167, %dma_wait3A_174] : memref<18432x384xi32, #tpu.memory_space<hbm>> -> memref<64x384xi32, #tpu.memory_space<hbm>>
    tpu.wait_dma2 semaphore(%arg10 : memref<!tpu.dma_semaphore, #tpu.memory_space<semaphore_mem>>) src(%arg6 : memref<64x384xi32, #tpu.memory_space<vmem>>) dst(%dma_wait3A_175 : memref<64x384xi32, #tpu.memory_space<hbm>>)
    %dma_start3A_176 = arith.constant 8 : i32
    %dma_start3A_177 = arith.constant 0 : i32
    %dma_start3A_178 = tpu.memref_slice %arg5[%dma_start3A_176, %dma_start3A_177] : memref<9x64xi32, #tpu.memory_space<vmem>> -> memref<1x64xi32, #tpu.memory_space<vmem>>
    %dma_start3A_179 = tpu.memref_squeeze %dma_start3A_178 : memref<1x64xi32, #tpu.memory_space<vmem>> -> memref<64xi32, #tpu.memory_space<vmem>>
    %dma_start3A_180 = arith.constant 0 : i32
    %dma_start3A_181 = arith.constant 0 : i32
    %dma_start3A_182 = tpu.memref_slice %arg3[%dma_start3A_180, %dma_start3A_181] : memref<8192x384xi32, #tpu.memory_space<hbm>> -> memref<8192x384xi32, #tpu.memory_space<hbm>>
    tpu.enqueue_indirect_dma source(%dma_start3A_182 : memref<8192x384xi32, #tpu.memory_space<hbm>>) target(%arg6 : memref<64x384xi32, #tpu.memory_space<vmem>>) offsets(%dma_start3A_179 : memref<64xi32, #tpu.memory_space<vmem>>) semaphore(%arg8 : memref<!tpu.dma_semaphore, #tpu.memory_space<semaphore_mem>>)
    %dma_wait3A_183 = arith.constant 7 : i32
    %dma_wait3A_184 = arith.constant 0 : i32
    %dma_wait3A_185 = tpu.memref_slice %arg5[%dma_wait3A_183, %dma_wait3A_184] : memref<9x64xi32, #tpu.memory_space<vmem>> -> memref<1x64xi32, #tpu.memory_space<vmem>>
    %dma_wait3A_186 = tpu.memref_squeeze %dma_wait3A_185 : memref<1x64xi32, #tpu.memory_space<vmem>> -> memref<64xi32, #tpu.memory_space<vmem>>
    %dma_wait3A_187 = arith.constant 0 : i32
    %dma_wait3A_188 = arith.constant 0 : i32
    %dma_wait3A_189 = tpu.memref_slice %arg3[%dma_wait3A_187, %dma_wait3A_188] : memref<8192x384xi32, #tpu.memory_space<hbm>> -> memref<8192x384xi32, #tpu.memory_space<hbm>>
    tpu.wait_indirect_dma semaphore(%arg9 : memref<!tpu.dma_semaphore, #tpu.memory_space<semaphore_mem>>) src(%dma_wait3A_189 : memref<8192x384xi32, #tpu.memory_space<hbm>>) dst(%arg7 : memref<64x384xi32, #tpu.memory_space<vmem>>)
    %add3A_190 = arith.constant 448 : i32
    %add3A_191 = arith.addi %mul3A_2, %add3A_190 : i32
    %dma_start3A_192 = arith.constant 0 : i32
    %dma_start3A_193 = tpu.memref_slice %arg4[%add3A_191, %dma_start3A_192] : memref<18432x384xi32, #tpu.memory_space<hbm>> -> memref<64x384xi32, #tpu.memory_space<hbm>>
    %dma_start3A_194 = arith.constant 0 : i32
    %dma_start3A_195 = tpu.memref_slice %arg4[%add3A_191, %dma_start3A_194] : memref<18432x384xi32, #tpu.memory_space<hbm>> -> memref<64x384xi32, #tpu.memory_space<hbm>>
    tpu.enqueue_dma source(%arg7 : memref<64x384xi32, #tpu.memory_space<vmem>>) target(%dma_start3A_195 : memref<64x384xi32, #tpu.memory_space<hbm>>) target_semaphore(%arg11 : memref<!tpu.dma_semaphore, #tpu.memory_space<semaphore_mem>>)
    %dma_wait3A_196 = arith.constant 8 : i32
    %dma_wait3A_197 = arith.constant 0 : i32
    %dma_wait3A_198 = tpu.memref_slice %arg5[%dma_wait3A_196, %dma_wait3A_197] : memref<9x64xi32, #tpu.memory_space<vmem>> -> memref<1x64xi32, #tpu.memory_space<vmem>>
    %dma_wait3A_199 = tpu.memref_squeeze %dma_wait3A_198 : memref<1x64xi32, #tpu.memory_space<vmem>> -> memref<64xi32, #tpu.memory_space<vmem>>
    %dma_wait3A_200 = arith.constant 0 : i32
    %dma_wait3A_201 = arith.constant 0 : i32
    %dma_wait3A_202 = tpu.memref_slice %arg3[%dma_wait3A_200, %dma_wait3A_201] : memref<8192x384xi32, #tpu.memory_space<hbm>> -> memref<8192x384xi32, #tpu.memory_space<hbm>>
    tpu.wait_indirect_dma semaphore(%arg8 : memref<!tpu.dma_semaphore, #tpu.memory_space<semaphore_mem>>) src(%dma_wait3A_202 : memref<8192x384xi32, #tpu.memory_space<hbm>>) dst(%arg6 : memref<64x384xi32, #tpu.memory_space<vmem>>)
    %add3A_203 = arith.constant 512 : i32
    %add3A_204 = arith.addi %mul3A_2, %add3A_203 : i32
    %dma_start3A_205 = arith.constant 0 : i32
    %dma_start3A_206 = tpu.memref_slice %arg4[%add3A_204, %dma_start3A_205] : memref<18432x384xi32, #tpu.memory_space<hbm>> -> memref<64x384xi32, #tpu.memory_space<hbm>>
    %dma_start3A_207 = arith.constant 0 : i32
    %dma_start3A_208 = tpu.memref_slice %arg4[%add3A_204, %dma_start3A_207] : memref<18432x384xi32, #tpu.memory_space<hbm>> -> memref<64x384xi32, #tpu.memory_space<hbm>>
    tpu.enqueue_dma source(%arg6 : memref<64x384xi32, #tpu.memory_space<vmem>>) target(%dma_start3A_208 : memref<64x384xi32, #tpu.memory_space<hbm>>) target_semaphore(%arg10 : memref<!tpu.dma_semaphore, #tpu.memory_space<semaphore_mem>>)
    %dma_wait3A_209 = arith.constant 0 : i32
    %dma_wait3A_210 = tpu.memref_slice %arg4[%add3A_191, %dma_wait3A_209] : memref<18432x384xi32, #tpu.memory_space<hbm>> -> memref<64x384xi32, #tpu.memory_space<hbm>>
    %dma_wait3A_211 = arith.constant 0 : i32
    %dma_wait3A_212 = tpu.memref_slice %arg4[%add3A_191, %dma_wait3A_211] : memref<18432x384xi32, #tpu.memory_space<hbm>> -> memref<64x384xi32, #tpu.memory_space<hbm>>
    tpu.wait_dma2 semaphore(%arg11 : memref<!tpu.dma_semaphore, #tpu.memory_space<semaphore_mem>>) src(%arg7 : memref<64x384xi32, #tpu.memory_space<vmem>>) dst(%dma_wait3A_212 : memref<64x384xi32, #tpu.memory_space<hbm>>)
    %dma_wait3A_213 = arith.constant 0 : i32
    %dma_wait3A_214 = tpu.memref_slice %arg4[%add3A_204, %dma_wait3A_213] : memref<18432x384xi32, #tpu.memory_space<hbm>> -> memref<64x384xi32, #tpu.memory_space<hbm>>
    %dma_wait3A_215 = arith.constant 0 : i32
    %dma_wait3A_216 = tpu.memref_slice %arg4[%add3A_204, %dma_wait3A_215] : memref<18432x384xi32, #tpu.memory_space<hbm>> -> memref<64x384xi32, #tpu.memory_space<hbm>>
    tpu.wait_dma2 semaphore(%arg10 : memref<!tpu.dma_semaphore, #tpu.memory_space<semaphore_mem>>) src(%arg6 : memref<64x384xi32, #tpu.memory_space<vmem>>) dst(%dma_wait3A_216 : memref<64x384xi32, #tpu.memory_space<hbm>>)
    return
  }
}

#map = affine_map<(d0, d1) -> (0)>
#map1 = affine_map<(d0, d1) -> (0, 0)>
module attributes {stable_mosaic.version = 14 : i64} {
  func.func @_sc_combine(%arg0: i32, %arg1: i32, %arg2: memref<8192xi32, #tpu.memory_space<hbm>>, %arg3: memref<8192xi32, #tpu.memory_space<hbm>>, %arg4: memref<18432x256xf32, #tpu.memory_space<hbm>>, %arg5: memref<8192x256xf32, #tpu.memory_space<hbm>>, %arg6: memref<64xi32, #tpu.memory_space<vmem>>, %arg7: memref<64xi32, #tpu.memory_space<vmem>>, %arg8: memref<64x256xf32, #tpu.memory_space<vmem>>, %arg9: memref<64x256xf32, #tpu.memory_space<vmem>>, %arg10: memref<!tpu.dma_semaphore, #tpu.memory_space<semaphore_mem>>, %arg11: memref<!tpu.dma_semaphore, #tpu.memory_space<semaphore_mem>>) attributes {dimension_semantics = [#tpu.dimension_semantics<core_parallel>, #tpu.dimension_semantics<subcore_parallel>], iteration_bounds = array<i64: 2, 16>, scalar_prefetch = 0 : i64, scratch_operands = 6 : i64, tpu.core_type = #tpu.core_type<sc_vector_subcore>, window_params = [{transform_indices = #map}, {transform_indices = #map}, {transform_indices = #map1}, {transform_indices = #map1}]} {
    %mul3A = arith.constant 2 : i32
    %mul3A_0 = arith.muli %arg1, %mul3A : i32
    %add3A = arith.addi %mul3A_0, %arg0 : i32
    %mul3A_1 = arith.constant 256 : i32
    %mul3A_2 = arith.muli %add3A, %mul3A_1 : i32
    %add3A_3 = arith.constant 0 : i32
    %add3A_4 = arith.addi %mul3A_2, %add3A_3 : i32
    "tpu.region"() ({
      %run_scoped3A = tpu.sem_alloc : memref<!tpu.dma_semaphore, #tpu.memory_space<semaphore_mem>>
      %dma_start3A_84 = tpu.memref_slice %arg2[%add3A_4] : memref<8192xi32, #tpu.memory_space<hbm>> -> memref<64xi32, #tpu.memory_space<hbm>>
      %dma_start3A_85 = tpu.memref_slice %arg2[%add3A_4] : memref<8192xi32, #tpu.memory_space<hbm>> -> memref<64xi32, #tpu.memory_space<hbm>>
      tpu.enqueue_dma source(%dma_start3A_85 : memref<64xi32, #tpu.memory_space<hbm>>) target(%arg6 : memref<64xi32, #tpu.memory_space<vmem>>) target_semaphore(%run_scoped3A : memref<!tpu.dma_semaphore, #tpu.memory_space<semaphore_mem>>)
      %dma_wait3A_86 = tpu.memref_slice %arg2[%add3A_4] : memref<8192xi32, #tpu.memory_space<hbm>> -> memref<64xi32, #tpu.memory_space<hbm>>
      %dma_wait3A_87 = tpu.memref_slice %arg2[%add3A_4] : memref<8192xi32, #tpu.memory_space<hbm>> -> memref<64xi32, #tpu.memory_space<hbm>>
      tpu.wait_dma2 semaphore(%run_scoped3A : memref<!tpu.dma_semaphore, #tpu.memory_space<semaphore_mem>>) src(%dma_wait3A_87 : memref<64xi32, #tpu.memory_space<hbm>>) dst(%arg6 : memref<64xi32, #tpu.memory_space<vmem>>)
      tpu.yield
    }) : () -> ()
    "tpu.region"() ({
      %run_scoped3A = tpu.sem_alloc : memref<!tpu.dma_semaphore, #tpu.memory_space<semaphore_mem>>
      %dma_start3A_84 = tpu.memref_slice %arg3[%add3A_4] : memref<8192xi32, #tpu.memory_space<hbm>> -> memref<64xi32, #tpu.memory_space<hbm>>
      %dma_start3A_85 = tpu.memref_slice %arg3[%add3A_4] : memref<8192xi32, #tpu.memory_space<hbm>> -> memref<64xi32, #tpu.memory_space<hbm>>
      tpu.enqueue_dma source(%dma_start3A_85 : memref<64xi32, #tpu.memory_space<hbm>>) target(%arg7 : memref<64xi32, #tpu.memory_space<vmem>>) target_semaphore(%run_scoped3A : memref<!tpu.dma_semaphore, #tpu.memory_space<semaphore_mem>>)
      %dma_wait3A_86 = tpu.memref_slice %arg3[%add3A_4] : memref<8192xi32, #tpu.memory_space<hbm>> -> memref<64xi32, #tpu.memory_space<hbm>>
      %dma_wait3A_87 = tpu.memref_slice %arg3[%add3A_4] : memref<8192xi32, #tpu.memory_space<hbm>> -> memref<64xi32, #tpu.memory_space<hbm>>
      tpu.wait_dma2 semaphore(%run_scoped3A : memref<!tpu.dma_semaphore, #tpu.memory_space<semaphore_mem>>) src(%dma_wait3A_87 : memref<64xi32, #tpu.memory_space<hbm>>) dst(%arg7 : memref<64xi32, #tpu.memory_space<vmem>>)
      tpu.yield
    }) : () -> ()
    %dma_start3A = arith.constant 0 : i32
    %dma_start3A_5 = arith.constant 0 : i32
    %dma_start3A_6 = tpu.memref_slice %arg4[%dma_start3A, %dma_start3A_5] : memref<18432x256xf32, #tpu.memory_space<hbm>> -> memref<18432x256xf32, #tpu.memory_space<hbm>>
    tpu.enqueue_indirect_dma source(%dma_start3A_6 : memref<18432x256xf32, #tpu.memory_space<hbm>>) target(%arg8 : memref<64x256xf32, #tpu.memory_space<vmem>>) offsets(%arg6 : memref<64xi32, #tpu.memory_space<vmem>>) semaphore(%arg10 : memref<!tpu.dma_semaphore, #tpu.memory_space<semaphore_mem>>)
    %dma_start3A_7 = arith.constant 0 : i32
    %dma_start3A_8 = arith.constant 0 : i32
    %dma_start3A_9 = tpu.memref_slice %arg4[%dma_start3A_7, %dma_start3A_8] : memref<18432x256xf32, #tpu.memory_space<hbm>> -> memref<18432x256xf32, #tpu.memory_space<hbm>>
    tpu.enqueue_indirect_dma source(%dma_start3A_9 : memref<18432x256xf32, #tpu.memory_space<hbm>>) target(%arg9 : memref<64x256xf32, #tpu.memory_space<vmem>>) offsets(%arg7 : memref<64xi32, #tpu.memory_space<vmem>>) semaphore(%arg11 : memref<!tpu.dma_semaphore, #tpu.memory_space<semaphore_mem>>)
    %dma_wait3A = arith.constant 0 : i32
    %dma_wait3A_10 = arith.constant 0 : i32
    %dma_wait3A_11 = tpu.memref_slice %arg4[%dma_wait3A, %dma_wait3A_10] : memref<18432x256xf32, #tpu.memory_space<hbm>> -> memref<18432x256xf32, #tpu.memory_space<hbm>>
    tpu.wait_indirect_dma semaphore(%arg10 : memref<!tpu.dma_semaphore, #tpu.memory_space<semaphore_mem>>) src(%dma_wait3A_11 : memref<18432x256xf32, #tpu.memory_space<hbm>>) dst(%arg8 : memref<64x256xf32, #tpu.memory_space<vmem>>)
    %dma_wait3A_12 = arith.constant 0 : i32
    %dma_wait3A_13 = arith.constant 0 : i32
    %dma_wait3A_14 = tpu.memref_slice %arg4[%dma_wait3A_12, %dma_wait3A_13] : memref<18432x256xf32, #tpu.memory_space<hbm>> -> memref<18432x256xf32, #tpu.memory_space<hbm>>
    tpu.wait_indirect_dma semaphore(%arg11 : memref<!tpu.dma_semaphore, #tpu.memory_space<semaphore_mem>>) src(%dma_wait3A_14 : memref<18432x256xf32, #tpu.memory_space<hbm>>) dst(%arg9 : memref<64x256xf32, #tpu.memory_space<vmem>>)
    %scan3A = arith.constant 0 : i32
    %scan3A_15 = arith.constant 0 : i32
    %scan3A_16 = arith.constant 64 : i32
    %scan3A_17 = arith.addi %scan3A_15, %scan3A_16 : i32
    %scan3A_18 = arith.constant 1 : i32
    %scan3A_19 = scf.for %scan3A_84 = %scan3A_15 to %scan3A_17 step %scan3A_18 iter_args(%scan3A_85 = %scan3A) -> (i32)  : i32 {
      %get3A = arith.index_cast %scan3A_84 : i32 to index
      %get3A_86 = arith.constant 0 : index
      %get3A_87 = tpu.vector_load %arg8[%get3A, %get3A_86] {strides = array<i32>} : memref<64x256xf32, #tpu.memory_space<vmem>>, vector<1x16xf32>,
      %get3A_88 = vector.shape_cast %get3A_87 : vector<1x16xf32> to vector<16xf32>
      %get3A_89 = arith.index_cast %scan3A_84 : i32 to index
      %get3A_90 = arith.constant 0 : index
      %get3A_91 = tpu.vector_load %arg9[%get3A_89, %get3A_90] {strides = array<i32>} : memref<64x256xf32, #tpu.memory_space<vmem>>, vector<1x16xf32>,
      %get3A_92 = vector.shape_cast %get3A_91 : vector<1x16xf32> to vector<16xf32>
      %add3A_93 = arith.addf %get3A_88, %get3A_92 : vector<16xf32>
      %swap3A = arith.index_cast %scan3A_84 : i32 to index
      %swap3A_94 = arith.constant 0 : index
      %swap3A_95 = tpu.vector_load %arg8[%swap3A, %swap3A_94] {strides = array<i32>} : memref<64x256xf32, #tpu.memory_space<vmem>>, vector<1x16xf32>,
      %swap3A_96 = vector.shape_cast %swap3A_95 : vector<1x16xf32> to vector<16xf32>
      %swap3A_97 = vector.shape_cast %add3A_93 : vector<16xf32> to vector<1x16xf32>
      tpu.vector_store %arg8[%swap3A, %swap3A_94], %swap3A_97 {strides = array<i32>} : memref<64x256xf32, #tpu.memory_space<vmem>>, vector<1x16xf32>,
      %get3A_98 = arith.index_cast %scan3A_84 : i32 to index
      %get3A_99 = arith.constant 16 : index
      %get3A_100 = tpu.vector_load %arg8[%get3A_98, %get3A_99] {strides = array<i32>} : memref<64x256xf32, #tpu.memory_space<vmem>>, vector<1x16xf32>,
      %get3A_101 = vector.shape_cast %get3A_100 : vector<1x16xf32> to vector<16xf32>
      %get3A_102 = arith.index_cast %scan3A_84 : i32 to index
      %get3A_103 = arith.constant 16 : index
      %get3A_104 = tpu.vector_load %arg9[%get3A_102, %get3A_103] {strides = array<i32>} : memref<64x256xf32, #tpu.memory_space<vmem>>, vector<1x16xf32>,
      %get3A_105 = vector.shape_cast %get3A_104 : vector<1x16xf32> to vector<16xf32>
      %add3A_106 = arith.addf %get3A_101, %get3A_105 : vector<16xf32>
      %swap3A_107 = arith.index_cast %scan3A_84 : i32 to index
      %swap3A_108 = arith.constant 16 : index
      %swap3A_109 = tpu.vector_load %arg8[%swap3A_107, %swap3A_108] {strides = array<i32>} : memref<64x256xf32, #tpu.memory_space<vmem>>, vector<1x16xf32>,
      %swap3A_110 = vector.shape_cast %swap3A_109 : vector<1x16xf32> to vector<16xf32>
      %swap3A_111 = vector.shape_cast %add3A_106 : vector<16xf32> to vector<1x16xf32>
      tpu.vector_store %arg8[%swap3A_107, %swap3A_108], %swap3A_111 {strides = array<i32>} : memref<64x256xf32, #tpu.memory_space<vmem>>, vector<1x16xf32>,
      %get3A_112 = arith.index_cast %scan3A_84 : i32 to index
      %get3A_113 = arith.constant 32 : index
      %get3A_114 = tpu.vector_load %arg8[%get3A_112, %get3A_113] {strides = array<i32>} : memref<64x256xf32, #tpu.memory_space<vmem>>, vector<1x16xf32>,
      %get3A_115 = vector.shape_cast %get3A_114 : vector<1x16xf32> to vector<16xf32>
      %get3A_116 = arith.index_cast %scan3A_84 : i32 to index
      %get3A_117 = arith.constant 32 : index
      %get3A_118 = tpu.vector_load %arg9[%get3A_116, %get3A_117] {strides = array<i32>} : memref<64x256xf32, #tpu.memory_space<vmem>>, vector<1x16xf32>,
      %get3A_119 = vector.shape_cast %get3A_118 : vector<1x16xf32> to vector<16xf32>
      %add3A_120 = arith.addf %get3A_115, %get3A_119 : vector<16xf32>
      %swap3A_121 = arith.index_cast %scan3A_84 : i32 to index
      %swap3A_122 = arith.constant 32 : index
      %swap3A_123 = tpu.vector_load %arg8[%swap3A_121, %swap3A_122] {strides = array<i32>} : memref<64x256xf32, #tpu.memory_space<vmem>>, vector<1x16xf32>,
      %swap3A_124 = vector.shape_cast %swap3A_123 : vector<1x16xf32> to vector<16xf32>
      %swap3A_125 = vector.shape_cast %add3A_120 : vector<16xf32> to vector<1x16xf32>
      tpu.vector_store %arg8[%swap3A_121, %swap3A_122], %swap3A_125 {strides = array<i32>} : memref<64x256xf32, #tpu.memory_space<vmem>>, vector<1x16xf32>,
      %get3A_126 = arith.index_cast %scan3A_84 : i32 to index
      %get3A_127 = arith.constant 48 : index
      %get3A_128 = tpu.vector_load %arg8[%get3A_126, %get3A_127] {strides = array<i32>} : memref<64x256xf32, #tpu.memory_space<vmem>>, vector<1x16xf32>,
      %get3A_129 = vector.shape_cast %get3A_128 : vector<1x16xf32> to vector<16xf32>
      %get3A_130 = arith.index_cast %scan3A_84 : i32 to index
      %get3A_131 = arith.constant 48 : index
      %get3A_132 = tpu.vector_load %arg9[%get3A_130, %get3A_131] {strides = array<i32>} : memref<64x256xf32, #tpu.memory_space<vmem>>, vector<1x16xf32>,
      %get3A_133 = vector.shape_cast %get3A_132 : vector<1x16xf32> to vector<16xf32>
      %add3A_134 = arith.addf %get3A_129, %get3A_133 : vector<16xf32>
      %swap3A_135 = arith.index_cast %scan3A_84 : i32 to index
      %swap3A_136 = arith.constant 48 : index
      %swap3A_137 = tpu.vector_load %arg8[%swap3A_135, %swap3A_136] {strides = array<i32>} : memref<64x256xf32, #tpu.memory_space<vmem>>, vector<1x16xf32>,
      %swap3A_138 = vector.shape_cast %swap3A_137 : vector<1x16xf32> to vector<16xf32>
      %swap3A_139 = vector.shape_cast %add3A_134 : vector<16xf32> to vector<1x16xf32>
      tpu.vector_store %arg8[%swap3A_135, %swap3A_136], %swap3A_139 {strides = array<i32>} : memref<64x256xf32, #tpu.memory_space<vmem>>, vector<1x16xf32>,
      %get3A_140 = arith.index_cast %scan3A_84 : i32 to index
      %get3A_141 = arith.constant 64 : index
      %get3A_142 = tpu.vector_load %arg8[%get3A_140, %get3A_141] {strides = array<i32>} : memref<64x256xf32, #tpu.memory_space<vmem>>, vector<1x16xf32>,
      %get3A_143 = vector.shape_cast %get3A_142 : vector<1x16xf32> to vector<16xf32>
      %get3A_144 = arith.index_cast %scan3A_84 : i32 to index
      %get3A_145 = arith.constant 64 : index
      %get3A_146 = tpu.vector_load %arg9[%get3A_144, %get3A_145] {strides = array<i32>} : memref<64x256xf32, #tpu.memory_space<vmem>>, vector<1x16xf32>,
      %get3A_147 = vector.shape_cast %get3A_146 : vector<1x16xf32> to vector<16xf32>
      %add3A_148 = arith.addf %get3A_143, %get3A_147 : vector<16xf32>
      %swap3A_149 = arith.index_cast %scan3A_84 : i32 to index
      %swap3A_150 = arith.constant 64 : index
      %swap3A_151 = tpu.vector_load %arg8[%swap3A_149, %swap3A_150] {strides = array<i32>} : memref<64x256xf32, #tpu.memory_space<vmem>>, vector<1x16xf32>,
      %swap3A_152 = vector.shape_cast %swap3A_151 : vector<1x16xf32> to vector<16xf32>
      %swap3A_153 = vector.shape_cast %add3A_148 : vector<16xf32> to vector<1x16xf32>
      tpu.vector_store %arg8[%swap3A_149, %swap3A_150], %swap3A_153 {strides = array<i32>} : memref<64x256xf32, #tpu.memory_space<vmem>>, vector<1x16xf32>,
      %get3A_154 = arith.index_cast %scan3A_84 : i32 to index
      %get3A_155 = arith.constant 80 : index
      %get3A_156 = tpu.vector_load %arg8[%get3A_154, %get3A_155] {strides = array<i32>} : memref<64x256xf32, #tpu.memory_space<vmem>>, vector<1x16xf32>,
      %get3A_157 = vector.shape_cast %get3A_156 : vector<1x16xf32> to vector<16xf32>
      %get3A_158 = arith.index_cast %scan3A_84 : i32 to index
      %get3A_159 = arith.constant 80 : index
      %get3A_160 = tpu.vector_load %arg9[%get3A_158, %get3A_159] {strides = array<i32>} : memref<64x256xf32, #tpu.memory_space<vmem>>, vector<1x16xf32>,
      %get3A_161 = vector.shape_cast %get3A_160 : vector<1x16xf32> to vector<16xf32>
      %add3A_162 = arith.addf %get3A_157, %get3A_161 : vector<16xf32>
      %swap3A_163 = arith.index_cast %scan3A_84 : i32 to index
      %swap3A_164 = arith.constant 80 : index
      %swap3A_165 = tpu.vector_load %arg8[%swap3A_163, %swap3A_164] {strides = array<i32>} : memref<64x256xf32, #tpu.memory_space<vmem>>, vector<1x16xf32>,
      %swap3A_166 = vector.shape_cast %swap3A_165 : vector<1x16xf32> to vector<16xf32>
      %swap3A_167 = vector.shape_cast %add3A_162 : vector<16xf32> to vector<1x16xf32>
      tpu.vector_store %arg8[%swap3A_163, %swap3A_164], %swap3A_167 {strides = array<i32>} : memref<64x256xf32, #tpu.memory_space<vmem>>, vector<1x16xf32>,
      %get3A_168 = arith.index_cast %scan3A_84 : i32 to index
      %get3A_169 = arith.constant 96 : index
      %get3A_170 = tpu.vector_load %arg8[%get3A_168, %get3A_169] {strides = array<i32>} : memref<64x256xf32, #tpu.memory_space<vmem>>, vector<1x16xf32>,
      %get3A_171 = vector.shape_cast %get3A_170 : vector<1x16xf32> to vector<16xf32>
      %get3A_172 = arith.index_cast %scan3A_84 : i32 to index
      %get3A_173 = arith.constant 96 : index
      %get3A_174 = tpu.vector_load %arg9[%get3A_172, %get3A_173] {strides = array<i32>} : memref<64x256xf32, #tpu.memory_space<vmem>>, vector<1x16xf32>,
      %get3A_175 = vector.shape_cast %get3A_174 : vector<1x16xf32> to vector<16xf32>
      %add3A_176 = arith.addf %get3A_171, %get3A_175 : vector<16xf32>
      %swap3A_177 = arith.index_cast %scan3A_84 : i32 to index
      %swap3A_178 = arith.constant 96 : index
      %swap3A_179 = tpu.vector_load %arg8[%swap3A_177, %swap3A_178] {strides = array<i32>} : memref<64x256xf32, #tpu.memory_space<vmem>>, vector<1x16xf32>,
      %swap3A_180 = vector.shape_cast %swap3A_179 : vector<1x16xf32> to vector<16xf32>
      %swap3A_181 = vector.shape_cast %add3A_176 : vector<16xf32> to vector<1x16xf32>
      tpu.vector_store %arg8[%swap3A_177, %swap3A_178], %swap3A_181 {strides = array<i32>} : memref<64x256xf32, #tpu.memory_space<vmem>>, vector<1x16xf32>,
      %get3A_182 = arith.index_cast %scan3A_84 : i32 to index
      %get3A_183 = arith.constant 112 : index
      %get3A_184 = tpu.vector_load %arg8[%get3A_182, %get3A_183] {strides = array<i32>} : memref<64x256xf32, #tpu.memory_space<vmem>>, vector<1x16xf32>,
      %get3A_185 = vector.shape_cast %get3A_184 : vector<1x16xf32> to vector<16xf32>
      %get3A_186 = arith.index_cast %scan3A_84 : i32 to index
      %get3A_187 = arith.constant 112 : index
      %get3A_188 = tpu.vector_load %arg9[%get3A_186, %get3A_187] {strides = array<i32>} : memref<64x256xf32, #tpu.memory_space<vmem>>, vector<1x16xf32>,
      %get3A_189 = vector.shape_cast %get3A_188 : vector<1x16xf32> to vector<16xf32>
      %add3A_190 = arith.addf %get3A_185, %get3A_189 : vector<16xf32>
      %swap3A_191 = arith.index_cast %scan3A_84 : i32 to index
      %swap3A_192 = arith.constant 112 : index
      %swap3A_193 = tpu.vector_load %arg8[%swap3A_191, %swap3A_192] {strides = array<i32>} : memref<64x256xf32, #tpu.memory_space<vmem>>, vector<1x16xf32>,
      %swap3A_194 = vector.shape_cast %swap3A_193 : vector<1x16xf32> to vector<16xf32>
      %swap3A_195 = vector.shape_cast %add3A_190 : vector<16xf32> to vector<1x16xf32>
      tpu.vector_store %arg8[%swap3A_191, %swap3A_192], %swap3A_195 {strides = array<i32>} : memref<64x256xf32, #tpu.memory_space<vmem>>, vector<1x16xf32>,
      %get3A_196 = arith.index_cast %scan3A_84 : i32 to index
      %get3A_197 = arith.constant 128 : index
      %get3A_198 = tpu.vector_load %arg8[%get3A_196, %get3A_197] {strides = array<i32>} : memref<64x256xf32, #tpu.memory_space<vmem>>, vector<1x16xf32>,
      %get3A_199 = vector.shape_cast %get3A_198 : vector<1x16xf32> to vector<16xf32>
      %get3A_200 = arith.index_cast %scan3A_84 : i32 to index
      %get3A_201 = arith.constant 128 : index
      %get3A_202 = tpu.vector_load %arg9[%get3A_200, %get3A_201] {strides = array<i32>} : memref<64x256xf32, #tpu.memory_space<vmem>>, vector<1x16xf32>,
      %get3A_203 = vector.shape_cast %get3A_202 : vector<1x16xf32> to vector<16xf32>
      %add3A_204 = arith.addf %get3A_199, %get3A_203 : vector<16xf32>
      %swap3A_205 = arith.index_cast %scan3A_84 : i32 to index
      %swap3A_206 = arith.constant 128 : index
      %swap3A_207 = tpu.vector_load %arg8[%swap3A_205, %swap3A_206] {strides = array<i32>} : memref<64x256xf32, #tpu.memory_space<vmem>>, vector<1x16xf32>,
      %swap3A_208 = vector.shape_cast %swap3A_207 : vector<1x16xf32> to vector<16xf32>
      %swap3A_209 = vector.shape_cast %add3A_204 : vector<16xf32> to vector<1x16xf32>
      tpu.vector_store %arg8[%swap3A_205, %swap3A_206], %swap3A_209 {strides = array<i32>} : memref<64x256xf32, #tpu.memory_space<vmem>>, vector<1x16xf32>,
      %get3A_210 = arith.index_cast %scan3A_84 : i32 to index
      %get3A_211 = arith.constant 144 : index
      %get3A_212 = tpu.vector_load %arg8[%get3A_210, %get3A_211] {strides = array<i32>} : memref<64x256xf32, #tpu.memory_space<vmem>>, vector<1x16xf32>,
      %get3A_213 = vector.shape_cast %get3A_212 : vector<1x16xf32> to vector<16xf32>
      %get3A_214 = arith.index_cast %scan3A_84 : i32 to index
      %get3A_215 = arith.constant 144 : index
      %get3A_216 = tpu.vector_load %arg9[%get3A_214, %get3A_215] {strides = array<i32>} : memref<64x256xf32, #tpu.memory_space<vmem>>, vector<1x16xf32>,
      %get3A_217 = vector.shape_cast %get3A_216 : vector<1x16xf32> to vector<16xf32>
      %add3A_218 = arith.addf %get3A_213, %get3A_217 : vector<16xf32>
      %swap3A_219 = arith.index_cast %scan3A_84 : i32 to index
      %swap3A_220 = arith.constant 144 : index
      %swap3A_221 = tpu.vector_load %arg8[%swap3A_219, %swap3A_220] {strides = array<i32>} : memref<64x256xf32, #tpu.memory_space<vmem>>, vector<1x16xf32>,
      %swap3A_222 = vector.shape_cast %swap3A_221 : vector<1x16xf32> to vector<16xf32>
      %swap3A_223 = vector.shape_cast %add3A_218 : vector<16xf32> to vector<1x16xf32>
      tpu.vector_store %arg8[%swap3A_219, %swap3A_220], %swap3A_223 {strides = array<i32>} : memref<64x256xf32, #tpu.memory_space<vmem>>, vector<1x16xf32>,
      %get3A_224 = arith.index_cast %scan3A_84 : i32 to index
      %get3A_225 = arith.constant 160 : index
      %get3A_226 = tpu.vector_load %arg8[%get3A_224, %get3A_225] {strides = array<i32>} : memref<64x256xf32, #tpu.memory_space<vmem>>, vector<1x16xf32>,
      %get3A_227 = vector.shape_cast %get3A_226 : vector<1x16xf32> to vector<16xf32>
      %get3A_228 = arith.index_cast %scan3A_84 : i32 to index
      %get3A_229 = arith.constant 160 : index
      %get3A_230 = tpu.vector_load %arg9[%get3A_228, %get3A_229] {strides = array<i32>} : memref<64x256xf32, #tpu.memory_space<vmem>>, vector<1x16xf32>,
      %get3A_231 = vector.shape_cast %get3A_230 : vector<1x16xf32> to vector<16xf32>
      %add3A_232 = arith.addf %get3A_227, %get3A_231 : vector<16xf32>
      %swap3A_233 = arith.index_cast %scan3A_84 : i32 to index
      %swap3A_234 = arith.constant 160 : index
      %swap3A_235 = tpu.vector_load %arg8[%swap3A_233, %swap3A_234] {strides = array<i32>} : memref<64x256xf32, #tpu.memory_space<vmem>>, vector<1x16xf32>,
      %swap3A_236 = vector.shape_cast %swap3A_235 : vector<1x16xf32> to vector<16xf32>
      %swap3A_237 = vector.shape_cast %add3A_232 : vector<16xf32> to vector<1x16xf32>
      tpu.vector_store %arg8[%swap3A_233, %swap3A_234], %swap3A_237 {strides = array<i32>} : memref<64x256xf32, #tpu.memory_space<vmem>>, vector<1x16xf32>,
      %get3A_238 = arith.index_cast %scan3A_84 : i32 to index
      %get3A_239 = arith.constant 176 : index
      %get3A_240 = tpu.vector_load %arg8[%get3A_238, %get3A_239] {strides = array<i32>} : memref<64x256xf32, #tpu.memory_space<vmem>>, vector<1x16xf32>,
      %get3A_241 = vector.shape_cast %get3A_240 : vector<1x16xf32> to vector<16xf32>
      %get3A_242 = arith.index_cast %scan3A_84 : i32 to index
      %get3A_243 = arith.constant 176 : index
      %get3A_244 = tpu.vector_load %arg9[%get3A_242, %get3A_243] {strides = array<i32>} : memref<64x256xf32, #tpu.memory_space<vmem>>, vector<1x16xf32>,
      %get3A_245 = vector.shape_cast %get3A_244 : vector<1x16xf32> to vector<16xf32>
      %add3A_246 = arith.addf %get3A_241, %get3A_245 : vector<16xf32>
      %swap3A_247 = arith.index_cast %scan3A_84 : i32 to index
      %swap3A_248 = arith.constant 176 : index
      %swap3A_249 = tpu.vector_load %arg8[%swap3A_247, %swap3A_248] {strides = array<i32>} : memref<64x256xf32, #tpu.memory_space<vmem>>, vector<1x16xf32>,
      %swap3A_250 = vector.shape_cast %swap3A_249 : vector<1x16xf32> to vector<16xf32>
      %swap3A_251 = vector.shape_cast %add3A_246 : vector<16xf32> to vector<1x16xf32>
      tpu.vector_store %arg8[%swap3A_247, %swap3A_248], %swap3A_251 {strides = array<i32>} : memref<64x256xf32, #tpu.memory_space<vmem>>, vector<1x16xf32>,
      %get3A_252 = arith.index_cast %scan3A_84 : i32 to index
      %get3A_253 = arith.constant 192 : index
      %get3A_254 = tpu.vector_load %arg8[%get3A_252, %get3A_253] {strides = array<i32>} : memref<64x256xf32, #tpu.memory_space<vmem>>, vector<1x16xf32>,
      %get3A_255 = vector.shape_cast %get3A_254 : vector<1x16xf32> to vector<16xf32>
      %get3A_256 = arith.index_cast %scan3A_84 : i32 to index
      %get3A_257 = arith.constant 192 : index
      %get3A_258 = tpu.vector_load %arg9[%get3A_256, %get3A_257] {strides = array<i32>} : memref<64x256xf32, #tpu.memory_space<vmem>>, vector<1x16xf32>,
      %get3A_259 = vector.shape_cast %get3A_258 : vector<1x16xf32> to vector<16xf32>
      %add3A_260 = arith.addf %get3A_255, %get3A_259 : vector<16xf32>
      %swap3A_261 = arith.index_cast %scan3A_84 : i32 to index
      %swap3A_262 = arith.constant 192 : index
      %swap3A_263 = tpu.vector_load %arg8[%swap3A_261, %swap3A_262] {strides = array<i32>} : memref<64x256xf32, #tpu.memory_space<vmem>>, vector<1x16xf32>,
      %swap3A_264 = vector.shape_cast %swap3A_263 : vector<1x16xf32> to vector<16xf32>
      %swap3A_265 = vector.shape_cast %add3A_260 : vector<16xf32> to vector<1x16xf32>
      tpu.vector_store %arg8[%swap3A_261, %swap3A_262], %swap3A_265 {strides = array<i32>} : memref<64x256xf32, #tpu.memory_space<vmem>>, vector<1x16xf32>,
      %get3A_266 = arith.index_cast %scan3A_84 : i32 to index
      %get3A_267 = arith.constant 208 : index
      %get3A_268 = tpu.vector_load %arg8[%get3A_266, %get3A_267] {strides = array<i32>} : memref<64x256xf32, #tpu.memory_space<vmem>>, vector<1x16xf32>,
      %get3A_269 = vector.shape_cast %get3A_268 : vector<1x16xf32> to vector<16xf32>
      %get3A_270 = arith.index_cast %scan3A_84 : i32 to index
      %get3A_271 = arith.constant 208 : index
      %get3A_272 = tpu.vector_load %arg9[%get3A_270, %get3A_271] {strides = array<i32>} : memref<64x256xf32, #tpu.memory_space<vmem>>, vector<1x16xf32>,
      %get3A_273 = vector.shape_cast %get3A_272 : vector<1x16xf32> to vector<16xf32>
      %add3A_274 = arith.addf %get3A_269, %get3A_273 : vector<16xf32>
      %swap3A_275 = arith.index_cast %scan3A_84 : i32 to index
      %swap3A_276 = arith.constant 208 : index
      %swap3A_277 = tpu.vector_load %arg8[%swap3A_275, %swap3A_276] {strides = array<i32>} : memref<64x256xf32, #tpu.memory_space<vmem>>, vector<1x16xf32>,
      %swap3A_278 = vector.shape_cast %swap3A_277 : vector<1x16xf32> to vector<16xf32>
      %swap3A_279 = vector.shape_cast %add3A_274 : vector<16xf32> to vector<1x16xf32>
      tpu.vector_store %arg8[%swap3A_275, %swap3A_276], %swap3A_279 {strides = array<i32>} : memref<64x256xf32, #tpu.memory_space<vmem>>, vector<1x16xf32>,
      %get3A_280 = arith.index_cast %scan3A_84 : i32 to index
      %get3A_281 = arith.constant 224 : index
      %get3A_282 = tpu.vector_load %arg8[%get3A_280, %get3A_281] {strides = array<i32>} : memref<64x256xf32, #tpu.memory_space<vmem>>, vector<1x16xf32>,
      %get3A_283 = vector.shape_cast %get3A_282 : vector<1x16xf32> to vector<16xf32>
      %get3A_284 = arith.index_cast %scan3A_84 : i32 to index
      %get3A_285 = arith.constant 224 : index
      %get3A_286 = tpu.vector_load %arg9[%get3A_284, %get3A_285] {strides = array<i32>} : memref<64x256xf32, #tpu.memory_space<vmem>>, vector<1x16xf32>,
      %get3A_287 = vector.shape_cast %get3A_286 : vector<1x16xf32> to vector<16xf32>
      %add3A_288 = arith.addf %get3A_283, %get3A_287 : vector<16xf32>
      %swap3A_289 = arith.index_cast %scan3A_84 : i32 to index
      %swap3A_290 = arith.constant 224 : index
      %swap3A_291 = tpu.vector_load %arg8[%swap3A_289, %swap3A_290] {strides = array<i32>} : memref<64x256xf32, #tpu.memory_space<vmem>>, vector<1x16xf32>,
      %swap3A_292 = vector.shape_cast %swap3A_291 : vector<1x16xf32> to vector<16xf32>
      %swap3A_293 = vector.shape_cast %add3A_288 : vector<16xf32> to vector<1x16xf32>
      tpu.vector_store %arg8[%swap3A_289, %swap3A_290], %swap3A_293 {strides = array<i32>} : memref<64x256xf32, #tpu.memory_space<vmem>>, vector<1x16xf32>,
      %get3A_294 = arith.index_cast %scan3A_84 : i32 to index
      %get3A_295 = arith.constant 240 : index
      %get3A_296 = tpu.vector_load %arg8[%get3A_294, %get3A_295] {strides = array<i32>} : memref<64x256xf32, #tpu.memory_space<vmem>>, vector<1x16xf32>,
      %get3A_297 = vector.shape_cast %get3A_296 : vector<1x16xf32> to vector<16xf32>
      %get3A_298 = arith.index_cast %scan3A_84 : i32 to index
      %get3A_299 = arith.constant 240 : index
      %get3A_300 = tpu.vector_load %arg9[%get3A_298, %get3A_299] {strides = array<i32>} : memref<64x256xf32, #tpu.memory_space<vmem>>, vector<1x16xf32>,
      %get3A_301 = vector.shape_cast %get3A_300 : vector<1x16xf32> to vector<16xf32>
      %add3A_302 = arith.addf %get3A_297, %get3A_301 : vector<16xf32>
      %swap3A_303 = arith.index_cast %scan3A_84 : i32 to index
      %swap3A_304 = arith.constant 240 : index
      %swap3A_305 = tpu.vector_load %arg8[%swap3A_303, %swap3A_304] {strides = array<i32>} : memref<64x256xf32, #tpu.memory_space<vmem>>, vector<1x16xf32>,
      %swap3A_306 = vector.shape_cast %swap3A_305 : vector<1x16xf32> to vector<16xf32>
      %swap3A_307 = vector.shape_cast %add3A_302 : vector<16xf32> to vector<1x16xf32>
      tpu.vector_store %arg8[%swap3A_303, %swap3A_304], %swap3A_307 {strides = array<i32>} : memref<64x256xf32, #tpu.memory_space<vmem>>, vector<1x16xf32>,
      %scan3A_308 = arith.constant 0 : i32
      scf.yield %scan3A_308 : i32
    }
    %scan3A_20 = arith.constant 64 : i32
    "tpu.region"() ({
      %run_scoped3A = tpu.sem_alloc : memref<!tpu.dma_semaphore, #tpu.memory_space<semaphore_mem>>
      %dma_start3A_84 = arith.constant 0 : i32
      %dma_start3A_85 = tpu.memref_slice %arg5[%add3A_4, %dma_start3A_84] : memref<8192x256xf32, #tpu.memory_space<hbm>> -> memref<64x256xf32, #tpu.memory_space<hbm>>
      %dma_start3A_86 = arith.constant 0 : i32
      %dma_start3A_87 = tpu.memref_slice %arg5[%add3A_4, %dma_start3A_86] : memref<8192x256xf32, #tpu.memory_space<hbm>> -> memref<64x256xf32, #tpu.memory_space<hbm>>
      tpu.enqueue_dma source(%arg8 : memref<64x256xf32, #tpu.memory_space<vmem>>) target(%dma_start3A_87 : memref<64x256xf32, #tpu.memory_space<hbm>>) target_semaphore(%run_scoped3A : memref<!tpu.dma_semaphore, #tpu.memory_space<semaphore_mem>>)
      %dma_wait3A_88 = arith.constant 0 : i32
      %dma_wait3A_89 = tpu.memref_slice %arg5[%add3A_4, %dma_wait3A_88] : memref<8192x256xf32, #tpu.memory_space<hbm>> -> memref<64x256xf32, #tpu.memory_space<hbm>>
      %dma_wait3A_90 = arith.constant 0 : i32
      %dma_wait3A_91 = tpu.memref_slice %arg5[%add3A_4, %dma_wait3A_90] : memref<8192x256xf32, #tpu.memory_space<hbm>> -> memref<64x256xf32, #tpu.memory_space<hbm>>
      tpu.wait_dma2 semaphore(%run_scoped3A : memref<!tpu.dma_semaphore, #tpu.memory_space<semaphore_mem>>) src(%arg8 : memref<64x256xf32, #tpu.memory_space<vmem>>) dst(%dma_wait3A_91 : memref<64x256xf32, #tpu.memory_space<hbm>>)
      tpu.yield
    }) : () -> ()
    %add3A_21 = arith.constant 64 : i32
    %add3A_22 = arith.addi %mul3A_2, %add3A_21 : i32
    "tpu.region"() ({
      %run_scoped3A = tpu.sem_alloc : memref<!tpu.dma_semaphore, #tpu.memory_space<semaphore_mem>>
      %dma_start3A_84 = tpu.memref_slice %arg2[%add3A_22] : memref<8192xi32, #tpu.memory_space<hbm>> -> memref<64xi32, #tpu.memory_space<hbm>>
      %dma_start3A_85 = tpu.memref_slice %arg2[%add3A_22] : memref<8192xi32, #tpu.memory_space<hbm>> -> memref<64xi32, #tpu.memory_space<hbm>>
      tpu.enqueue_dma source(%dma_start3A_85 : memref<64xi32, #tpu.memory_space<hbm>>) target(%arg6 : memref<64xi32, #tpu.memory_space<vmem>>) target_semaphore(%run_scoped3A : memref<!tpu.dma_semaphore, #tpu.memory_space<semaphore_mem>>)
      %dma_wait3A_86 = tpu.memref_slice %arg2[%add3A_22] : memref<8192xi32, #tpu.memory_space<hbm>> -> memref<64xi32, #tpu.memory_space<hbm>>
      %dma_wait3A_87 = tpu.memref_slice %arg2[%add3A_22] : memref<8192xi32, #tpu.memory_space<hbm>> -> memref<64xi32, #tpu.memory_space<hbm>>
      tpu.wait_dma2 semaphore(%run_scoped3A : memref<!tpu.dma_semaphore, #tpu.memory_space<semaphore_mem>>) src(%dma_wait3A_87 : memref<64xi32, #tpu.memory_space<hbm>>) dst(%arg6 : memref<64xi32, #tpu.memory_space<vmem>>)
      tpu.yield
    }) : () -> ()
    "tpu.region"() ({
      %run_scoped3A = tpu.sem_alloc : memref<!tpu.dma_semaphore, #tpu.memory_space<semaphore_mem>>
      %dma_start3A_84 = tpu.memref_slice %arg3[%add3A_22] : memref<8192xi32, #tpu.memory_space<hbm>> -> memref<64xi32, #tpu.memory_space<hbm>>
      %dma_start3A_85 = tpu.memref_slice %arg3[%add3A_22] : memref<8192xi32, #tpu.memory_space<hbm>> -> memref<64xi32, #tpu.memory_space<hbm>>
      tpu.enqueue_dma source(%dma_start3A_85 : memref<64xi32, #tpu.memory_space<hbm>>) target(%arg7 : memref<64xi32, #tpu.memory_space<vmem>>) target_semaphore(%run_scoped3A : memref<!tpu.dma_semaphore, #tpu.memory_space<semaphore_mem>>)
      %dma_wait3A_86 = tpu.memref_slice %arg3[%add3A_22] : memref<8192xi32, #tpu.memory_space<hbm>> -> memref<64xi32, #tpu.memory_space<hbm>>
      %dma_wait3A_87 = tpu.memref_slice %arg3[%add3A_22] : memref<8192xi32, #tpu.memory_space<hbm>> -> memref<64xi32, #tpu.memory_space<hbm>>
      tpu.wait_dma2 semaphore(%run_scoped3A : memref<!tpu.dma_semaphore, #tpu.memory_space<semaphore_mem>>) src(%dma_wait3A_87 : memref<64xi32, #tpu.memory_space<hbm>>) dst(%arg7 : memref<64xi32, #tpu.memory_space<vmem>>)
      tpu.yield
    }) : () -> ()
    %dma_start3A_23 = arith.constant 0 : i32
    %dma_start3A_24 = arith.constant 0 : i32
    %dma_start3A_25 = tpu.memref_slice %arg4[%dma_start3A_23, %dma_start3A_24] : memref<18432x256xf32, #tpu.memory_space<hbm>> -> memref<18432x256xf32, #tpu.memory_space<hbm>>
    tpu.enqueue_indirect_dma source(%dma_start3A_25 : memref<18432x256xf32, #tpu.memory_space<hbm>>) target(%arg8 : memref<64x256xf32, #tpu.memory_space<vmem>>) offsets(%arg6 : memref<64xi32, #tpu.memory_space<vmem>>) semaphore(%arg10 : memref<!tpu.dma_semaphore, #tpu.memory_space<semaphore_mem>>)
    %dma_start3A_26 = arith.constant 0 : i32
    %dma_start3A_27 = arith.constant 0 : i32
    %dma_start3A_28 = tpu.memref_slice %arg4[%dma_start3A_26, %dma_start3A_27] : memref<18432x256xf32, #tpu.memory_space<hbm>> -> memref<18432x256xf32, #tpu.memory_space<hbm>>
    tpu.enqueue_indirect_dma source(%dma_start3A_28 : memref<18432x256xf32, #tpu.memory_space<hbm>>) target(%arg9 : memref<64x256xf32, #tpu.memory_space<vmem>>) offsets(%arg7 : memref<64xi32, #tpu.memory_space<vmem>>) semaphore(%arg11 : memref<!tpu.dma_semaphore, #tpu.memory_space<semaphore_mem>>)
    %dma_wait3A_29 = arith.constant 0 : i32
    %dma_wait3A_30 = arith.constant 0 : i32
    %dma_wait3A_31 = tpu.memref_slice %arg4[%dma_wait3A_29, %dma_wait3A_30] : memref<18432x256xf32, #tpu.memory_space<hbm>> -> memref<18432x256xf32, #tpu.memory_space<hbm>>
    tpu.wait_indirect_dma semaphore(%arg10 : memref<!tpu.dma_semaphore, #tpu.memory_space<semaphore_mem>>) src(%dma_wait3A_31 : memref<18432x256xf32, #tpu.memory_space<hbm>>) dst(%arg8 : memref<64x256xf32, #tpu.memory_space<vmem>>)
    %dma_wait3A_32 = arith.constant 0 : i32
    %dma_wait3A_33 = arith.constant 0 : i32
    %dma_wait3A_34 = tpu.memref_slice %arg4[%dma_wait3A_32, %dma_wait3A_33] : memref<18432x256xf32, #tpu.memory_space<hbm>> -> memref<18432x256xf32, #tpu.memory_space<hbm>>
    tpu.wait_indirect_dma semaphore(%arg11 : memref<!tpu.dma_semaphore, #tpu.memory_space<semaphore_mem>>) src(%dma_wait3A_34 : memref<18432x256xf32, #tpu.memory_space<hbm>>) dst(%arg9 : memref<64x256xf32, #tpu.memory_space<vmem>>)
    %scan3A_35 = arith.constant 0 : i32
    %scan3A_36 = arith.constant 0 : i32
    %scan3A_37 = arith.constant 64 : i32
    %scan3A_38 = arith.addi %scan3A_36, %scan3A_37 : i32
    %scan3A_39 = arith.constant 1 : i32
    %scan3A_40 = scf.for %scan3A_84 = %scan3A_36 to %scan3A_38 step %scan3A_39 iter_args(%scan3A_85 = %scan3A_35) -> (i32)  : i32 {
      %get3A = arith.index_cast %scan3A_84 : i32 to index
      %get3A_86 = arith.constant 0 : index
      %get3A_87 = tpu.vector_load %arg8[%get3A, %get3A_86] {strides = array<i32>} : memref<64x256xf32, #tpu.memory_space<vmem>>, vector<1x16xf32>,
      %get3A_88 = vector.shape_cast %get3A_87 : vector<1x16xf32> to vector<16xf32>
      %get3A_89 = arith.index_cast %scan3A_84 : i32 to index
      %get3A_90 = arith.constant 0 : index
      %get3A_91 = tpu.vector_load %arg9[%get3A_89, %get3A_90] {strides = array<i32>} : memref<64x256xf32, #tpu.memory_space<vmem>>, vector<1x16xf32>,
      %get3A_92 = vector.shape_cast %get3A_91 : vector<1x16xf32> to vector<16xf32>
      %add3A_93 = arith.addf %get3A_88, %get3A_92 : vector<16xf32>
      %swap3A = arith.index_cast %scan3A_84 : i32 to index
      %swap3A_94 = arith.constant 0 : index
      %swap3A_95 = tpu.vector_load %arg8[%swap3A, %swap3A_94] {strides = array<i32>} : memref<64x256xf32, #tpu.memory_space<vmem>>, vector<1x16xf32>,
      %swap3A_96 = vector.shape_cast %swap3A_95 : vector<1x16xf32> to vector<16xf32>
      %swap3A_97 = vector.shape_cast %add3A_93 : vector<16xf32> to vector<1x16xf32>
      tpu.vector_store %arg8[%swap3A, %swap3A_94], %swap3A_97 {strides = array<i32>} : memref<64x256xf32, #tpu.memory_space<vmem>>, vector<1x16xf32>,
      %get3A_98 = arith.index_cast %scan3A_84 : i32 to index
      %get3A_99 = arith.constant 16 : index
      %get3A_100 = tpu.vector_load %arg8[%get3A_98, %get3A_99] {strides = array<i32>} : memref<64x256xf32, #tpu.memory_space<vmem>>, vector<1x16xf32>,
      %get3A_101 = vector.shape_cast %get3A_100 : vector<1x16xf32> to vector<16xf32>
      %get3A_102 = arith.index_cast %scan3A_84 : i32 to index
      %get3A_103 = arith.constant 16 : index
      %get3A_104 = tpu.vector_load %arg9[%get3A_102, %get3A_103] {strides = array<i32>} : memref<64x256xf32, #tpu.memory_space<vmem>>, vector<1x16xf32>,
      %get3A_105 = vector.shape_cast %get3A_104 : vector<1x16xf32> to vector<16xf32>
      %add3A_106 = arith.addf %get3A_101, %get3A_105 : vector<16xf32>
      %swap3A_107 = arith.index_cast %scan3A_84 : i32 to index
      %swap3A_108 = arith.constant 16 : index
      %swap3A_109 = tpu.vector_load %arg8[%swap3A_107, %swap3A_108] {strides = array<i32>} : memref<64x256xf32, #tpu.memory_space<vmem>>, vector<1x16xf32>,
      %swap3A_110 = vector.shape_cast %swap3A_109 : vector<1x16xf32> to vector<16xf32>
      %swap3A_111 = vector.shape_cast %add3A_106 : vector<16xf32> to vector<1x16xf32>
      tpu.vector_store %arg8[%swap3A_107, %swap3A_108], %swap3A_111 {strides = array<i32>} : memref<64x256xf32, #tpu.memory_space<vmem>>, vector<1x16xf32>,
      %get3A_112 = arith.index_cast %scan3A_84 : i32 to index
      %get3A_113 = arith.constant 32 : index
      %get3A_114 = tpu.vector_load %arg8[%get3A_112, %get3A_113] {strides = array<i32>} : memref<64x256xf32, #tpu.memory_space<vmem>>, vector<1x16xf32>,
      %get3A_115 = vector.shape_cast %get3A_114 : vector<1x16xf32> to vector<16xf32>
      %get3A_116 = arith.index_cast %scan3A_84 : i32 to index
      %get3A_117 = arith.constant 32 : index
      %get3A_118 = tpu.vector_load %arg9[%get3A_116, %get3A_117] {strides = array<i32>} : memref<64x256xf32, #tpu.memory_space<vmem>>, vector<1x16xf32>,
      %get3A_119 = vector.shape_cast %get3A_118 : vector<1x16xf32> to vector<16xf32>
      %add3A_120 = arith.addf %get3A_115, %get3A_119 : vector<16xf32>
      %swap3A_121 = arith.index_cast %scan3A_84 : i32 to index
      %swap3A_122 = arith.constant 32 : index
      %swap3A_123 = tpu.vector_load %arg8[%swap3A_121, %swap3A_122] {strides = array<i32>} : memref<64x256xf32, #tpu.memory_space<vmem>>, vector<1x16xf32>,
      %swap3A_124 = vector.shape_cast %swap3A_123 : vector<1x16xf32> to vector<16xf32>
      %swap3A_125 = vector.shape_cast %add3A_120 : vector<16xf32> to vector<1x16xf32>
      tpu.vector_store %arg8[%swap3A_121, %swap3A_122], %swap3A_125 {strides = array<i32>} : memref<64x256xf32, #tpu.memory_space<vmem>>, vector<1x16xf32>,
      %get3A_126 = arith.index_cast %scan3A_84 : i32 to index
      %get3A_127 = arith.constant 48 : index
      %get3A_128 = tpu.vector_load %arg8[%get3A_126, %get3A_127] {strides = array<i32>} : memref<64x256xf32, #tpu.memory_space<vmem>>, vector<1x16xf32>,
      %get3A_129 = vector.shape_cast %get3A_128 : vector<1x16xf32> to vector<16xf32>
      %get3A_130 = arith.index_cast %scan3A_84 : i32 to index
      %get3A_131 = arith.constant 48 : index
      %get3A_132 = tpu.vector_load %arg9[%get3A_130, %get3A_131] {strides = array<i32>} : memref<64x256xf32, #tpu.memory_space<vmem>>, vector<1x16xf32>,
      %get3A_133 = vector.shape_cast %get3A_132 : vector<1x16xf32> to vector<16xf32>
      %add3A_134 = arith.addf %get3A_129, %get3A_133 : vector<16xf32>
      %swap3A_135 = arith.index_cast %scan3A_84 : i32 to index
      %swap3A_136 = arith.constant 48 : index
      %swap3A_137 = tpu.vector_load %arg8[%swap3A_135, %swap3A_136] {strides = array<i32>} : memref<64x256xf32, #tpu.memory_space<vmem>>, vector<1x16xf32>,
      %swap3A_138 = vector.shape_cast %swap3A_137 : vector<1x16xf32> to vector<16xf32>
      %swap3A_139 = vector.shape_cast %add3A_134 : vector<16xf32> to vector<1x16xf32>
      tpu.vector_store %arg8[%swap3A_135, %swap3A_136], %swap3A_139 {strides = array<i32>} : memref<64x256xf32, #tpu.memory_space<vmem>>, vector<1x16xf32>,
      %get3A_140 = arith.index_cast %scan3A_84 : i32 to index
      %get3A_141 = arith.constant 64 : index
      %get3A_142 = tpu.vector_load %arg8[%get3A_140, %get3A_141] {strides = array<i32>} : memref<64x256xf32, #tpu.memory_space<vmem>>, vector<1x16xf32>,
      %get3A_143 = vector.shape_cast %get3A_142 : vector<1x16xf32> to vector<16xf32>
      %get3A_144 = arith.index_cast %scan3A_84 : i32 to index
      %get3A_145 = arith.constant 64 : index
      %get3A_146 = tpu.vector_load %arg9[%get3A_144, %get3A_145] {strides = array<i32>} : memref<64x256xf32, #tpu.memory_space<vmem>>, vector<1x16xf32>,
      %get3A_147 = vector.shape_cast %get3A_146 : vector<1x16xf32> to vector<16xf32>
      %add3A_148 = arith.addf %get3A_143, %get3A_147 : vector<16xf32>
      %swap3A_149 = arith.index_cast %scan3A_84 : i32 to index
      %swap3A_150 = arith.constant 64 : index
      %swap3A_151 = tpu.vector_load %arg8[%swap3A_149, %swap3A_150] {strides = array<i32>} : memref<64x256xf32, #tpu.memory_space<vmem>>, vector<1x16xf32>,
      %swap3A_152 = vector.shape_cast %swap3A_151 : vector<1x16xf32> to vector<16xf32>
      %swap3A_153 = vector.shape_cast %add3A_148 : vector<16xf32> to vector<1x16xf32>
      tpu.vector_store %arg8[%swap3A_149, %swap3A_150], %swap3A_153 {strides = array<i32>} : memref<64x256xf32, #tpu.memory_space<vmem>>, vector<1x16xf32>,
      %get3A_154 = arith.index_cast %scan3A_84 : i32 to index
      %get3A_155 = arith.constant 80 : index
      %get3A_156 = tpu.vector_load %arg8[%get3A_154, %get3A_155] {strides = array<i32>} : memref<64x256xf32, #tpu.memory_space<vmem>>, vector<1x16xf32>,
      %get3A_157 = vector.shape_cast %get3A_156 : vector<1x16xf32> to vector<16xf32>
      %get3A_158 = arith.index_cast %scan3A_84 : i32 to index
      %get3A_159 = arith.constant 80 : index
      %get3A_160 = tpu.vector_load %arg9[%get3A_158, %get3A_159] {strides = array<i32>} : memref<64x256xf32, #tpu.memory_space<vmem>>, vector<1x16xf32>,
      %get3A_161 = vector.shape_cast %get3A_160 : vector<1x16xf32> to vector<16xf32>
      %add3A_162 = arith.addf %get3A_157, %get3A_161 : vector<16xf32>
      %swap3A_163 = arith.index_cast %scan3A_84 : i32 to index
      %swap3A_164 = arith.constant 80 : index
      %swap3A_165 = tpu.vector_load %arg8[%swap3A_163, %swap3A_164] {strides = array<i32>} : memref<64x256xf32, #tpu.memory_space<vmem>>, vector<1x16xf32>,
      %swap3A_166 = vector.shape_cast %swap3A_165 : vector<1x16xf32> to vector<16xf32>
      %swap3A_167 = vector.shape_cast %add3A_162 : vector<16xf32> to vector<1x16xf32>
      tpu.vector_store %arg8[%swap3A_163, %swap3A_164], %swap3A_167 {strides = array<i32>} : memref<64x256xf32, #tpu.memory_space<vmem>>, vector<1x16xf32>,
      %get3A_168 = arith.index_cast %scan3A_84 : i32 to index
      %get3A_169 = arith.constant 96 : index
      %get3A_170 = tpu.vector_load %arg8[%get3A_168, %get3A_169] {strides = array<i32>} : memref<64x256xf32, #tpu.memory_space<vmem>>, vector<1x16xf32>,
      %get3A_171 = vector.shape_cast %get3A_170 : vector<1x16xf32> to vector<16xf32>
      %get3A_172 = arith.index_cast %scan3A_84 : i32 to index
      %get3A_173 = arith.constant 96 : index
      %get3A_174 = tpu.vector_load %arg9[%get3A_172, %get3A_173] {strides = array<i32>} : memref<64x256xf32, #tpu.memory_space<vmem>>, vector<1x16xf32>,
      %get3A_175 = vector.shape_cast %get3A_174 : vector<1x16xf32> to vector<16xf32>
      %add3A_176 = arith.addf %get3A_171, %get3A_175 : vector<16xf32>
      %swap3A_177 = arith.index_cast %scan3A_84 : i32 to index
      %swap3A_178 = arith.constant 96 : index
      %swap3A_179 = tpu.vector_load %arg8[%swap3A_177, %swap3A_178] {strides = array<i32>} : memref<64x256xf32, #tpu.memory_space<vmem>>, vector<1x16xf32>,
      %swap3A_180 = vector.shape_cast %swap3A_179 : vector<1x16xf32> to vector<16xf32>
      %swap3A_181 = vector.shape_cast %add3A_176 : vector<16xf32> to vector<1x16xf32>
      tpu.vector_store %arg8[%swap3A_177, %swap3A_178], %swap3A_181 {strides = array<i32>} : memref<64x256xf32, #tpu.memory_space<vmem>>, vector<1x16xf32>,
      %get3A_182 = arith.index_cast %scan3A_84 : i32 to index
      %get3A_183 = arith.constant 112 : index
      %get3A_184 = tpu.vector_load %arg8[%get3A_182, %get3A_183] {strides = array<i32>} : memref<64x256xf32, #tpu.memory_space<vmem>>, vector<1x16xf32>,
      %get3A_185 = vector.shape_cast %get3A_184 : vector<1x16xf32> to vector<16xf32>
      %get3A_186 = arith.index_cast %scan3A_84 : i32 to index
      %get3A_187 = arith.constant 112 : index
      %get3A_188 = tpu.vector_load %arg9[%get3A_186, %get3A_187] {strides = array<i32>} : memref<64x256xf32, #tpu.memory_space<vmem>>, vector<1x16xf32>,
      %get3A_189 = vector.shape_cast %get3A_188 : vector<1x16xf32> to vector<16xf32>
      %add3A_190 = arith.addf %get3A_185, %get3A_189 : vector<16xf32>
      %swap3A_191 = arith.index_cast %scan3A_84 : i32 to index
      %swap3A_192 = arith.constant 112 : index
      %swap3A_193 = tpu.vector_load %arg8[%swap3A_191, %swap3A_192] {strides = array<i32>} : memref<64x256xf32, #tpu.memory_space<vmem>>, vector<1x16xf32>,
      %swap3A_194 = vector.shape_cast %swap3A_193 : vector<1x16xf32> to vector<16xf32>
      %swap3A_195 = vector.shape_cast %add3A_190 : vector<16xf32> to vector<1x16xf32>
      tpu.vector_store %arg8[%swap3A_191, %swap3A_192], %swap3A_195 {strides = array<i32>} : memref<64x256xf32, #tpu.memory_space<vmem>>, vector<1x16xf32>,
      %get3A_196 = arith.index_cast %scan3A_84 : i32 to index
      %get3A_197 = arith.constant 128 : index
      %get3A_198 = tpu.vector_load %arg8[%get3A_196, %get3A_197] {strides = array<i32>} : memref<64x256xf32, #tpu.memory_space<vmem>>, vector<1x16xf32>,
      %get3A_199 = vector.shape_cast %get3A_198 : vector<1x16xf32> to vector<16xf32>
      %get3A_200 = arith.index_cast %scan3A_84 : i32 to index
      %get3A_201 = arith.constant 128 : index
      %get3A_202 = tpu.vector_load %arg9[%get3A_200, %get3A_201] {strides = array<i32>} : memref<64x256xf32, #tpu.memory_space<vmem>>, vector<1x16xf32>,
      %get3A_203 = vector.shape_cast %get3A_202 : vector<1x16xf32> to vector<16xf32>
      %add3A_204 = arith.addf %get3A_199, %get3A_203 : vector<16xf32>
      %swap3A_205 = arith.index_cast %scan3A_84 : i32 to index
      %swap3A_206 = arith.constant 128 : index
      %swap3A_207 = tpu.vector_load %arg8[%swap3A_205, %swap3A_206] {strides = array<i32>} : memref<64x256xf32, #tpu.memory_space<vmem>>, vector<1x16xf32>,
      %swap3A_208 = vector.shape_cast %swap3A_207 : vector<1x16xf32> to vector<16xf32>
      %swap3A_209 = vector.shape_cast %add3A_204 : vector<16xf32> to vector<1x16xf32>
      tpu.vector_store %arg8[%swap3A_205, %swap3A_206], %swap3A_209 {strides = array<i32>} : memref<64x256xf32, #tpu.memory_space<vmem>>, vector<1x16xf32>,
      %get3A_210 = arith.index_cast %scan3A_84 : i32 to index
      %get3A_211 = arith.constant 144 : index
      %get3A_212 = tpu.vector_load %arg8[%get3A_210, %get3A_211] {strides = array<i32>} : memref<64x256xf32, #tpu.memory_space<vmem>>, vector<1x16xf32>,
      %get3A_213 = vector.shape_cast %get3A_212 : vector<1x16xf32> to vector<16xf32>
      %get3A_214 = arith.index_cast %scan3A_84 : i32 to index
      %get3A_215 = arith.constant 144 : index
      %get3A_216 = tpu.vector_load %arg9[%get3A_214, %get3A_215] {strides = array<i32>} : memref<64x256xf32, #tpu.memory_space<vmem>>, vector<1x16xf32>,
      %get3A_217 = vector.shape_cast %get3A_216 : vector<1x16xf32> to vector<16xf32>
      %add3A_218 = arith.addf %get3A_213, %get3A_217 : vector<16xf32>
      %swap3A_219 = arith.index_cast %scan3A_84 : i32 to index
      %swap3A_220 = arith.constant 144 : index
      %swap3A_221 = tpu.vector_load %arg8[%swap3A_219, %swap3A_220] {strides = array<i32>} : memref<64x256xf32, #tpu.memory_space<vmem>>, vector<1x16xf32>,
      %swap3A_222 = vector.shape_cast %swap3A_221 : vector<1x16xf32> to vector<16xf32>
      %swap3A_223 = vector.shape_cast %add3A_218 : vector<16xf32> to vector<1x16xf32>
      tpu.vector_store %arg8[%swap3A_219, %swap3A_220], %swap3A_223 {strides = array<i32>} : memref<64x256xf32, #tpu.memory_space<vmem>>, vector<1x16xf32>,
      %get3A_224 = arith.index_cast %scan3A_84 : i32 to index
      %get3A_225 = arith.constant 160 : index
      %get3A_226 = tpu.vector_load %arg8[%get3A_224, %get3A_225] {strides = array<i32>} : memref<64x256xf32, #tpu.memory_space<vmem>>, vector<1x16xf32>,
      %get3A_227 = vector.shape_cast %get3A_226 : vector<1x16xf32> to vector<16xf32>
      %get3A_228 = arith.index_cast %scan3A_84 : i32 to index
      %get3A_229 = arith.constant 160 : index
      %get3A_230 = tpu.vector_load %arg9[%get3A_228, %get3A_229] {strides = array<i32>} : memref<64x256xf32, #tpu.memory_space<vmem>>, vector<1x16xf32>,
      %get3A_231 = vector.shape_cast %get3A_230 : vector<1x16xf32> to vector<16xf32>
      %add3A_232 = arith.addf %get3A_227, %get3A_231 : vector<16xf32>
      %swap3A_233 = arith.index_cast %scan3A_84 : i32 to index
      %swap3A_234 = arith.constant 160 : index
      %swap3A_235 = tpu.vector_load %arg8[%swap3A_233, %swap3A_234] {strides = array<i32>} : memref<64x256xf32, #tpu.memory_space<vmem>>, vector<1x16xf32>,
      %swap3A_236 = vector.shape_cast %swap3A_235 : vector<1x16xf32> to vector<16xf32>
      %swap3A_237 = vector.shape_cast %add3A_232 : vector<16xf32> to vector<1x16xf32>
      tpu.vector_store %arg8[%swap3A_233, %swap3A_234], %swap3A_237 {strides = array<i32>} : memref<64x256xf32, #tpu.memory_space<vmem>>, vector<1x16xf32>,
      %get3A_238 = arith.index_cast %scan3A_84 : i32 to index
      %get3A_239 = arith.constant 176 : index
      %get3A_240 = tpu.vector_load %arg8[%get3A_238, %get3A_239] {strides = array<i32>} : memref<64x256xf32, #tpu.memory_space<vmem>>, vector<1x16xf32>,
      %get3A_241 = vector.shape_cast %get3A_240 : vector<1x16xf32> to vector<16xf32>
      %get3A_242 = arith.index_cast %scan3A_84 : i32 to index
      %get3A_243 = arith.constant 176 : index
      %get3A_244 = tpu.vector_load %arg9[%get3A_242, %get3A_243] {strides = array<i32>} : memref<64x256xf32, #tpu.memory_space<vmem>>, vector<1x16xf32>,
      %get3A_245 = vector.shape_cast %get3A_244 : vector<1x16xf32> to vector<16xf32>
      %add3A_246 = arith.addf %get3A_241, %get3A_245 : vector<16xf32>
      %swap3A_247 = arith.index_cast %scan3A_84 : i32 to index
      %swap3A_248 = arith.constant 176 : index
      %swap3A_249 = tpu.vector_load %arg8[%swap3A_247, %swap3A_248] {strides = array<i32>} : memref<64x256xf32, #tpu.memory_space<vmem>>, vector<1x16xf32>,
      %swap3A_250 = vector.shape_cast %swap3A_249 : vector<1x16xf32> to vector<16xf32>
      %swap3A_251 = vector.shape_cast %add3A_246 : vector<16xf32> to vector<1x16xf32>
      tpu.vector_store %arg8[%swap3A_247, %swap3A_248], %swap3A_251 {strides = array<i32>} : memref<64x256xf32, #tpu.memory_space<vmem>>, vector<1x16xf32>,
      %get3A_252 = arith.index_cast %scan3A_84 : i32 to index
      %get3A_253 = arith.constant 192 : index
      %get3A_254 = tpu.vector_load %arg8[%get3A_252, %get3A_253] {strides = array<i32>} : memref<64x256xf32, #tpu.memory_space<vmem>>, vector<1x16xf32>,
      %get3A_255 = vector.shape_cast %get3A_254 : vector<1x16xf32> to vector<16xf32>
      %get3A_256 = arith.index_cast %scan3A_84 : i32 to index
      %get3A_257 = arith.constant 192 : index
      %get3A_258 = tpu.vector_load %arg9[%get3A_256, %get3A_257] {strides = array<i32>} : memref<64x256xf32, #tpu.memory_space<vmem>>, vector<1x16xf32>,
      %get3A_259 = vector.shape_cast %get3A_258 : vector<1x16xf32> to vector<16xf32>
      %add3A_260 = arith.addf %get3A_255, %get3A_259 : vector<16xf32>
      %swap3A_261 = arith.index_cast %scan3A_84 : i32 to index
      %swap3A_262 = arith.constant 192 : index
      %swap3A_263 = tpu.vector_load %arg8[%swap3A_261, %swap3A_262] {strides = array<i32>} : memref<64x256xf32, #tpu.memory_space<vmem>>, vector<1x16xf32>,
      %swap3A_264 = vector.shape_cast %swap3A_263 : vector<1x16xf32> to vector<16xf32>
      %swap3A_265 = vector.shape_cast %add3A_260 : vector<16xf32> to vector<1x16xf32>
      tpu.vector_store %arg8[%swap3A_261, %swap3A_262], %swap3A_265 {strides = array<i32>} : memref<64x256xf32, #tpu.memory_space<vmem>>, vector<1x16xf32>,
      %get3A_266 = arith.index_cast %scan3A_84 : i32 to index
      %get3A_267 = arith.constant 208 : index
      %get3A_268 = tpu.vector_load %arg8[%get3A_266, %get3A_267] {strides = array<i32>} : memref<64x256xf32, #tpu.memory_space<vmem>>, vector<1x16xf32>,
      %get3A_269 = vector.shape_cast %get3A_268 : vector<1x16xf32> to vector<16xf32>
      %get3A_270 = arith.index_cast %scan3A_84 : i32 to index
      %get3A_271 = arith.constant 208 : index
      %get3A_272 = tpu.vector_load %arg9[%get3A_270, %get3A_271] {strides = array<i32>} : memref<64x256xf32, #tpu.memory_space<vmem>>, vector<1x16xf32>,
      %get3A_273 = vector.shape_cast %get3A_272 : vector<1x16xf32> to vector<16xf32>
      %add3A_274 = arith.addf %get3A_269, %get3A_273 : vector<16xf32>
      %swap3A_275 = arith.index_cast %scan3A_84 : i32 to index
      %swap3A_276 = arith.constant 208 : index
      %swap3A_277 = tpu.vector_load %arg8[%swap3A_275, %swap3A_276] {strides = array<i32>} : memref<64x256xf32, #tpu.memory_space<vmem>>, vector<1x16xf32>,
      %swap3A_278 = vector.shape_cast %swap3A_277 : vector<1x16xf32> to vector<16xf32>
      %swap3A_279 = vector.shape_cast %add3A_274 : vector<16xf32> to vector<1x16xf32>
      tpu.vector_store %arg8[%swap3A_275, %swap3A_276], %swap3A_279 {strides = array<i32>} : memref<64x256xf32, #tpu.memory_space<vmem>>, vector<1x16xf32>,
      %get3A_280 = arith.index_cast %scan3A_84 : i32 to index
      %get3A_281 = arith.constant 224 : index
      %get3A_282 = tpu.vector_load %arg8[%get3A_280, %get3A_281] {strides = array<i32>} : memref<64x256xf32, #tpu.memory_space<vmem>>, vector<1x16xf32>,
      %get3A_283 = vector.shape_cast %get3A_282 : vector<1x16xf32> to vector<16xf32>
      %get3A_284 = arith.index_cast %scan3A_84 : i32 to index
      %get3A_285 = arith.constant 224 : index
      %get3A_286 = tpu.vector_load %arg9[%get3A_284, %get3A_285] {strides = array<i32>} : memref<64x256xf32, #tpu.memory_space<vmem>>, vector<1x16xf32>,
      %get3A_287 = vector.shape_cast %get3A_286 : vector<1x16xf32> to vector<16xf32>
      %add3A_288 = arith.addf %get3A_283, %get3A_287 : vector<16xf32>
      %swap3A_289 = arith.index_cast %scan3A_84 : i32 to index
      %swap3A_290 = arith.constant 224 : index
      %swap3A_291 = tpu.vector_load %arg8[%swap3A_289, %swap3A_290] {strides = array<i32>} : memref<64x256xf32, #tpu.memory_space<vmem>>, vector<1x16xf32>,
      %swap3A_292 = vector.shape_cast %swap3A_291 : vector<1x16xf32> to vector<16xf32>
      %swap3A_293 = vector.shape_cast %add3A_288 : vector<16xf32> to vector<1x16xf32>
      tpu.vector_store %arg8[%swap3A_289, %swap3A_290], %swap3A_293 {strides = array<i32>} : memref<64x256xf32, #tpu.memory_space<vmem>>, vector<1x16xf32>,
      %get3A_294 = arith.index_cast %scan3A_84 : i32 to index
      %get3A_295 = arith.constant 240 : index
      %get3A_296 = tpu.vector_load %arg8[%get3A_294, %get3A_295] {strides = array<i32>} : memref<64x256xf32, #tpu.memory_space<vmem>>, vector<1x16xf32>,
      %get3A_297 = vector.shape_cast %get3A_296 : vector<1x16xf32> to vector<16xf32>
      %get3A_298 = arith.index_cast %scan3A_84 : i32 to index
      %get3A_299 = arith.constant 240 : index
      %get3A_300 = tpu.vector_load %arg9[%get3A_298, %get3A_299] {strides = array<i32>} : memref<64x256xf32, #tpu.memory_space<vmem>>, vector<1x16xf32>,
      %get3A_301 = vector.shape_cast %get3A_300 : vector<1x16xf32> to vector<16xf32>
      %add3A_302 = arith.addf %get3A_297, %get3A_301 : vector<16xf32>
      %swap3A_303 = arith.index_cast %scan3A_84 : i32 to index
      %swap3A_304 = arith.constant 240 : index
      %swap3A_305 = tpu.vector_load %arg8[%swap3A_303, %swap3A_304] {strides = array<i32>} : memref<64x256xf32, #tpu.memory_space<vmem>>, vector<1x16xf32>,
      %swap3A_306 = vector.shape_cast %swap3A_305 : vector<1x16xf32> to vector<16xf32>
      %swap3A_307 = vector.shape_cast %add3A_302 : vector<16xf32> to vector<1x16xf32>
      tpu.vector_store %arg8[%swap3A_303, %swap3A_304], %swap3A_307 {strides = array<i32>} : memref<64x256xf32, #tpu.memory_space<vmem>>, vector<1x16xf32>,
      %scan3A_308 = arith.constant 0 : i32
      scf.yield %scan3A_308 : i32
    }
    %scan3A_41 = arith.constant 64 : i32
    "tpu.region"() ({
      %run_scoped3A = tpu.sem_alloc : memref<!tpu.dma_semaphore, #tpu.memory_space<semaphore_mem>>
      %dma_start3A_84 = arith.constant 0 : i32
      %dma_start3A_85 = tpu.memref_slice %arg5[%add3A_22, %dma_start3A_84] : memref<8192x256xf32, #tpu.memory_space<hbm>> -> memref<64x256xf32, #tpu.memory_space<hbm>>
      %dma_start3A_86 = arith.constant 0 : i32
      %dma_start3A_87 = tpu.memref_slice %arg5[%add3A_22, %dma_start3A_86] : memref<8192x256xf32, #tpu.memory_space<hbm>> -> memref<64x256xf32, #tpu.memory_space<hbm>>
      tpu.enqueue_dma source(%arg8 : memref<64x256xf32, #tpu.memory_space<vmem>>) target(%dma_start3A_87 : memref<64x256xf32, #tpu.memory_space<hbm>>) target_semaphore(%run_scoped3A : memref<!tpu.dma_semaphore, #tpu.memory_space<semaphore_mem>>)
      %dma_wait3A_88 = arith.constant 0 : i32
      %dma_wait3A_89 = tpu.memref_slice %arg5[%add3A_22, %dma_wait3A_88] : memref<8192x256xf32, #tpu.memory_space<hbm>> -> memref<64x256xf32, #tpu.memory_space<hbm>>
      %dma_wait3A_90 = arith.constant 0 : i32
      %dma_wait3A_91 = tpu.memref_slice %arg5[%add3A_22, %dma_wait3A_90] : memref<8192x256xf32, #tpu.memory_space<hbm>> -> memref<64x256xf32, #tpu.memory_space<hbm>>
      tpu.wait_dma2 semaphore(%run_scoped3A : memref<!tpu.dma_semaphore, #tpu.memory_space<semaphore_mem>>) src(%arg8 : memref<64x256xf32, #tpu.memory_space<vmem>>) dst(%dma_wait3A_91 : memref<64x256xf32, #tpu.memory_space<hbm>>)
      tpu.yield
    }) : () -> ()
    %add3A_42 = arith.constant 128 : i32
    %add3A_43 = arith.addi %mul3A_2, %add3A_42 : i32
    "tpu.region"() ({
      %run_scoped3A = tpu.sem_alloc : memref<!tpu.dma_semaphore, #tpu.memory_space<semaphore_mem>>
      %dma_start3A_84 = tpu.memref_slice %arg2[%add3A_43] : memref<8192xi32, #tpu.memory_space<hbm>> -> memref<64xi32, #tpu.memory_space<hbm>>
      %dma_start3A_85 = tpu.memref_slice %arg2[%add3A_43] : memref<8192xi32, #tpu.memory_space<hbm>> -> memref<64xi32, #tpu.memory_space<hbm>>
      tpu.enqueue_dma source(%dma_start3A_85 : memref<64xi32, #tpu.memory_space<hbm>>) target(%arg6 : memref<64xi32, #tpu.memory_space<vmem>>) target_semaphore(%run_scoped3A : memref<!tpu.dma_semaphore, #tpu.memory_space<semaphore_mem>>)
      %dma_wait3A_86 = tpu.memref_slice %arg2[%add3A_43] : memref<8192xi32, #tpu.memory_space<hbm>> -> memref<64xi32, #tpu.memory_space<hbm>>
      %dma_wait3A_87 = tpu.memref_slice %arg2[%add3A_43] : memref<8192xi32, #tpu.memory_space<hbm>> -> memref<64xi32, #tpu.memory_space<hbm>>
      tpu.wait_dma2 semaphore(%run_scoped3A : memref<!tpu.dma_semaphore, #tpu.memory_space<semaphore_mem>>) src(%dma_wait3A_87 : memref<64xi32, #tpu.memory_space<hbm>>) dst(%arg6 : memref<64xi32, #tpu.memory_space<vmem>>)
      tpu.yield
    }) : () -> ()
    "tpu.region"() ({
      %run_scoped3A = tpu.sem_alloc : memref<!tpu.dma_semaphore, #tpu.memory_space<semaphore_mem>>
      %dma_start3A_84 = tpu.memref_slice %arg3[%add3A_43] : memref<8192xi32, #tpu.memory_space<hbm>> -> memref<64xi32, #tpu.memory_space<hbm>>
      %dma_start3A_85 = tpu.memref_slice %arg3[%add3A_43] : memref<8192xi32, #tpu.memory_space<hbm>> -> memref<64xi32, #tpu.memory_space<hbm>>
      tpu.enqueue_dma source(%dma_start3A_85 : memref<64xi32, #tpu.memory_space<hbm>>) target(%arg7 : memref<64xi32, #tpu.memory_space<vmem>>) target_semaphore(%run_scoped3A : memref<!tpu.dma_semaphore, #tpu.memory_space<semaphore_mem>>)
      %dma_wait3A_86 = tpu.memref_slice %arg3[%add3A_43] : memref<8192xi32, #tpu.memory_space<hbm>> -> memref<64xi32, #tpu.memory_space<hbm>>
      %dma_wait3A_87 = tpu.memref_slice %arg3[%add3A_43] : memref<8192xi32, #tpu.memory_space<hbm>> -> memref<64xi32, #tpu.memory_space<hbm>>
      tpu.wait_dma2 semaphore(%run_scoped3A : memref<!tpu.dma_semaphore, #tpu.memory_space<semaphore_mem>>) src(%dma_wait3A_87 : memref<64xi32, #tpu.memory_space<hbm>>) dst(%arg7 : memref<64xi32, #tpu.memory_space<vmem>>)
      tpu.yield
    }) : () -> ()
    %dma_start3A_44 = arith.constant 0 : i32
    %dma_start3A_45 = arith.constant 0 : i32
    %dma_start3A_46 = tpu.memref_slice %arg4[%dma_start3A_44, %dma_start3A_45] : memref<18432x256xf32, #tpu.memory_space<hbm>> -> memref<18432x256xf32, #tpu.memory_space<hbm>>
    tpu.enqueue_indirect_dma source(%dma_start3A_46 : memref<18432x256xf32, #tpu.memory_space<hbm>>) target(%arg8 : memref<64x256xf32, #tpu.memory_space<vmem>>) offsets(%arg6 : memref<64xi32, #tpu.memory_space<vmem>>) semaphore(%arg10 : memref<!tpu.dma_semaphore, #tpu.memory_space<semaphore_mem>>)
    %dma_start3A_47 = arith.constant 0 : i32
    %dma_start3A_48 = arith.constant 0 : i32
    %dma_start3A_49 = tpu.memref_slice %arg4[%dma_start3A_47, %dma_start3A_48] : memref<18432x256xf32, #tpu.memory_space<hbm>> -> memref<18432x256xf32, #tpu.memory_space<hbm>>
    tpu.enqueue_indirect_dma source(%dma_start3A_49 : memref<18432x256xf32, #tpu.memory_space<hbm>>) target(%arg9 : memref<64x256xf32, #tpu.memory_space<vmem>>) offsets(%arg7 : memref<64xi32, #tpu.memory_space<vmem>>) semaphore(%arg11 : memref<!tpu.dma_semaphore, #tpu.memory_space<semaphore_mem>>)
    %dma_wait3A_50 = arith.constant 0 : i32
    %dma_wait3A_51 = arith.constant 0 : i32
    %dma_wait3A_52 = tpu.memref_slice %arg4[%dma_wait3A_50, %dma_wait3A_51] : memref<18432x256xf32, #tpu.memory_space<hbm>> -> memref<18432x256xf32, #tpu.memory_space<hbm>>
    tpu.wait_indirect_dma semaphore(%arg10 : memref<!tpu.dma_semaphore, #tpu.memory_space<semaphore_mem>>) src(%dma_wait3A_52 : memref<18432x256xf32, #tpu.memory_space<hbm>>) dst(%arg8 : memref<64x256xf32, #tpu.memory_space<vmem>>)
    %dma_wait3A_53 = arith.constant 0 : i32
    %dma_wait3A_54 = arith.constant 0 : i32
    %dma_wait3A_55 = tpu.memref_slice %arg4[%dma_wait3A_53, %dma_wait3A_54] : memref<18432x256xf32, #tpu.memory_space<hbm>> -> memref<18432x256xf32, #tpu.memory_space<hbm>>
    tpu.wait_indirect_dma semaphore(%arg11 : memref<!tpu.dma_semaphore, #tpu.memory_space<semaphore_mem>>) src(%dma_wait3A_55 : memref<18432x256xf32, #tpu.memory_space<hbm>>) dst(%arg9 : memref<64x256xf32, #tpu.memory_space<vmem>>)
    %scan3A_56 = arith.constant 0 : i32
    %scan3A_57 = arith.constant 0 : i32
    %scan3A_58 = arith.constant 64 : i32
    %scan3A_59 = arith.addi %scan3A_57, %scan3A_58 : i32
    %scan3A_60 = arith.constant 1 : i32
    %scan3A_61 = scf.for %scan3A_84 = %scan3A_57 to %scan3A_59 step %scan3A_60 iter_args(%scan3A_85 = %scan3A_56) -> (i32)  : i32 {
      %get3A = arith.index_cast %scan3A_84 : i32 to index
      %get3A_86 = arith.constant 0 : index
      %get3A_87 = tpu.vector_load %arg8[%get3A, %get3A_86] {strides = array<i32>} : memref<64x256xf32, #tpu.memory_space<vmem>>, vector<1x16xf32>,
      %get3A_88 = vector.shape_cast %get3A_87 : vector<1x16xf32> to vector<16xf32>
      %get3A_89 = arith.index_cast %scan3A_84 : i32 to index
      %get3A_90 = arith.constant 0 : index
      %get3A_91 = tpu.vector_load %arg9[%get3A_89, %get3A_90] {strides = array<i32>} : memref<64x256xf32, #tpu.memory_space<vmem>>, vector<1x16xf32>,
      %get3A_92 = vector.shape_cast %get3A_91 : vector<1x16xf32> to vector<16xf32>
      %add3A_93 = arith.addf %get3A_88, %get3A_92 : vector<16xf32>
      %swap3A = arith.index_cast %scan3A_84 : i32 to index
      %swap3A_94 = arith.constant 0 : index
      %swap3A_95 = tpu.vector_load %arg8[%swap3A, %swap3A_94] {strides = array<i32>} : memref<64x256xf32, #tpu.memory_space<vmem>>, vector<1x16xf32>,
      %swap3A_96 = vector.shape_cast %swap3A_95 : vector<1x16xf32> to vector<16xf32>
      %swap3A_97 = vector.shape_cast %add3A_93 : vector<16xf32> to vector<1x16xf32>
      tpu.vector_store %arg8[%swap3A, %swap3A_94], %swap3A_97 {strides = array<i32>} : memref<64x256xf32, #tpu.memory_space<vmem>>, vector<1x16xf32>,
      %get3A_98 = arith.index_cast %scan3A_84 : i32 to index
      %get3A_99 = arith.constant 16 : index
      %get3A_100 = tpu.vector_load %arg8[%get3A_98, %get3A_99] {strides = array<i32>} : memref<64x256xf32, #tpu.memory_space<vmem>>, vector<1x16xf32>,
      %get3A_101 = vector.shape_cast %get3A_100 : vector<1x16xf32> to vector<16xf32>
      %get3A_102 = arith.index_cast %scan3A_84 : i32 to index
      %get3A_103 = arith.constant 16 : index
      %get3A_104 = tpu.vector_load %arg9[%get3A_102, %get3A_103] {strides = array<i32>} : memref<64x256xf32, #tpu.memory_space<vmem>>, vector<1x16xf32>,
      %get3A_105 = vector.shape_cast %get3A_104 : vector<1x16xf32> to vector<16xf32>
      %add3A_106 = arith.addf %get3A_101, %get3A_105 : vector<16xf32>
      %swap3A_107 = arith.index_cast %scan3A_84 : i32 to index
      %swap3A_108 = arith.constant 16 : index
      %swap3A_109 = tpu.vector_load %arg8[%swap3A_107, %swap3A_108] {strides = array<i32>} : memref<64x256xf32, #tpu.memory_space<vmem>>, vector<1x16xf32>,
      %swap3A_110 = vector.shape_cast %swap3A_109 : vector<1x16xf32> to vector<16xf32>
      %swap3A_111 = vector.shape_cast %add3A_106 : vector<16xf32> to vector<1x16xf32>
      tpu.vector_store %arg8[%swap3A_107, %swap3A_108], %swap3A_111 {strides = array<i32>} : memref<64x256xf32, #tpu.memory_space<vmem>>, vector<1x16xf32>,
      %get3A_112 = arith.index_cast %scan3A_84 : i32 to index
      %get3A_113 = arith.constant 32 : index
      %get3A_114 = tpu.vector_load %arg8[%get3A_112, %get3A_113] {strides = array<i32>} : memref<64x256xf32, #tpu.memory_space<vmem>>, vector<1x16xf32>,
      %get3A_115 = vector.shape_cast %get3A_114 : vector<1x16xf32> to vector<16xf32>
      %get3A_116 = arith.index_cast %scan3A_84 : i32 to index
      %get3A_117 = arith.constant 32 : index
      %get3A_118 = tpu.vector_load %arg9[%get3A_116, %get3A_117] {strides = array<i32>} : memref<64x256xf32, #tpu.memory_space<vmem>>, vector<1x16xf32>,
      %get3A_119 = vector.shape_cast %get3A_118 : vector<1x16xf32> to vector<16xf32>
      %add3A_120 = arith.addf %get3A_115, %get3A_119 : vector<16xf32>
      %swap3A_121 = arith.index_cast %scan3A_84 : i32 to index
      %swap3A_122 = arith.constant 32 : index
      %swap3A_123 = tpu.vector_load %arg8[%swap3A_121, %swap3A_122] {strides = array<i32>} : memref<64x256xf32, #tpu.memory_space<vmem>>, vector<1x16xf32>,
      %swap3A_124 = vector.shape_cast %swap3A_123 : vector<1x16xf32> to vector<16xf32>
      %swap3A_125 = vector.shape_cast %add3A_120 : vector<16xf32> to vector<1x16xf32>
      tpu.vector_store %arg8[%swap3A_121, %swap3A_122], %swap3A_125 {strides = array<i32>} : memref<64x256xf32, #tpu.memory_space<vmem>>, vector<1x16xf32>,
      %get3A_126 = arith.index_cast %scan3A_84 : i32 to index
      %get3A_127 = arith.constant 48 : index
      %get3A_128 = tpu.vector_load %arg8[%get3A_126, %get3A_127] {strides = array<i32>} : memref<64x256xf32, #tpu.memory_space<vmem>>, vector<1x16xf32>,
      %get3A_129 = vector.shape_cast %get3A_128 : vector<1x16xf32> to vector<16xf32>
      %get3A_130 = arith.index_cast %scan3A_84 : i32 to index
      %get3A_131 = arith.constant 48 : index
      %get3A_132 = tpu.vector_load %arg9[%get3A_130, %get3A_131] {strides = array<i32>} : memref<64x256xf32, #tpu.memory_space<vmem>>, vector<1x16xf32>,
      %get3A_133 = vector.shape_cast %get3A_132 : vector<1x16xf32> to vector<16xf32>
      %add3A_134 = arith.addf %get3A_129, %get3A_133 : vector<16xf32>
      %swap3A_135 = arith.index_cast %scan3A_84 : i32 to index
      %swap3A_136 = arith.constant 48 : index
      %swap3A_137 = tpu.vector_load %arg8[%swap3A_135, %swap3A_136] {strides = array<i32>} : memref<64x256xf32, #tpu.memory_space<vmem>>, vector<1x16xf32>,
      %swap3A_138 = vector.shape_cast %swap3A_137 : vector<1x16xf32> to vector<16xf32>
      %swap3A_139 = vector.shape_cast %add3A_134 : vector<16xf32> to vector<1x16xf32>
      tpu.vector_store %arg8[%swap3A_135, %swap3A_136], %swap3A_139 {strides = array<i32>} : memref<64x256xf32, #tpu.memory_space<vmem>>, vector<1x16xf32>,
      %get3A_140 = arith.index_cast %scan3A_84 : i32 to index
      %get3A_141 = arith.constant 64 : index
      %get3A_142 = tpu.vector_load %arg8[%get3A_140, %get3A_141] {strides = array<i32>} : memref<64x256xf32, #tpu.memory_space<vmem>>, vector<1x16xf32>,
      %get3A_143 = vector.shape_cast %get3A_142 : vector<1x16xf32> to vector<16xf32>
      %get3A_144 = arith.index_cast %scan3A_84 : i32 to index
      %get3A_145 = arith.constant 64 : index
      %get3A_146 = tpu.vector_load %arg9[%get3A_144, %get3A_145] {strides = array<i32>} : memref<64x256xf32, #tpu.memory_space<vmem>>, vector<1x16xf32>,
      %get3A_147 = vector.shape_cast %get3A_146 : vector<1x16xf32> to vector<16xf32>
      %add3A_148 = arith.addf %get3A_143, %get3A_147 : vector<16xf32>
      %swap3A_149 = arith.index_cast %scan3A_84 : i32 to index
      %swap3A_150 = arith.constant 64 : index
      %swap3A_151 = tpu.vector_load %arg8[%swap3A_149, %swap3A_150] {strides = array<i32>} : memref<64x256xf32, #tpu.memory_space<vmem>>, vector<1x16xf32>,
      %swap3A_152 = vector.shape_cast %swap3A_151 : vector<1x16xf32> to vector<16xf32>
      %swap3A_153 = vector.shape_cast %add3A_148 : vector<16xf32> to vector<1x16xf32>
      tpu.vector_store %arg8[%swap3A_149, %swap3A_150], %swap3A_153 {strides = array<i32>} : memref<64x256xf32, #tpu.memory_space<vmem>>, vector<1x16xf32>,
      %get3A_154 = arith.index_cast %scan3A_84 : i32 to index
      %get3A_155 = arith.constant 80 : index
      %get3A_156 = tpu.vector_load %arg8[%get3A_154, %get3A_155] {strides = array<i32>} : memref<64x256xf32, #tpu.memory_space<vmem>>, vector<1x16xf32>,
      %get3A_157 = vector.shape_cast %get3A_156 : vector<1x16xf32> to vector<16xf32>
      %get3A_158 = arith.index_cast %scan3A_84 : i32 to index
      %get3A_159 = arith.constant 80 : index
      %get3A_160 = tpu.vector_load %arg9[%get3A_158, %get3A_159] {strides = array<i32>} : memref<64x256xf32, #tpu.memory_space<vmem>>, vector<1x16xf32>,
      %get3A_161 = vector.shape_cast %get3A_160 : vector<1x16xf32> to vector<16xf32>
      %add3A_162 = arith.addf %get3A_157, %get3A_161 : vector<16xf32>
      %swap3A_163 = arith.index_cast %scan3A_84 : i32 to index
      %swap3A_164 = arith.constant 80 : index
      %swap3A_165 = tpu.vector_load %arg8[%swap3A_163, %swap3A_164] {strides = array<i32>} : memref<64x256xf32, #tpu.memory_space<vmem>>, vector<1x16xf32>,
      %swap3A_166 = vector.shape_cast %swap3A_165 : vector<1x16xf32> to vector<16xf32>
      %swap3A_167 = vector.shape_cast %add3A_162 : vector<16xf32> to vector<1x16xf32>
      tpu.vector_store %arg8[%swap3A_163, %swap3A_164], %swap3A_167 {strides = array<i32>} : memref<64x256xf32, #tpu.memory_space<vmem>>, vector<1x16xf32>,
      %get3A_168 = arith.index_cast %scan3A_84 : i32 to index
      %get3A_169 = arith.constant 96 : index
      %get3A_170 = tpu.vector_load %arg8[%get3A_168, %get3A_169] {strides = array<i32>} : memref<64x256xf32, #tpu.memory_space<vmem>>, vector<1x16xf32>,
      %get3A_171 = vector.shape_cast %get3A_170 : vector<1x16xf32> to vector<16xf32>
      %get3A_172 = arith.index_cast %scan3A_84 : i32 to index
      %get3A_173 = arith.constant 96 : index
      %get3A_174 = tpu.vector_load %arg9[%get3A_172, %get3A_173] {strides = array<i32>} : memref<64x256xf32, #tpu.memory_space<vmem>>, vector<1x16xf32>,
      %get3A_175 = vector.shape_cast %get3A_174 : vector<1x16xf32> to vector<16xf32>
      %add3A_176 = arith.addf %get3A_171, %get3A_175 : vector<16xf32>
      %swap3A_177 = arith.index_cast %scan3A_84 : i32 to index
      %swap3A_178 = arith.constant 96 : index
      %swap3A_179 = tpu.vector_load %arg8[%swap3A_177, %swap3A_178] {strides = array<i32>} : memref<64x256xf32, #tpu.memory_space<vmem>>, vector<1x16xf32>,
      %swap3A_180 = vector.shape_cast %swap3A_179 : vector<1x16xf32> to vector<16xf32>
      %swap3A_181 = vector.shape_cast %add3A_176 : vector<16xf32> to vector<1x16xf32>
      tpu.vector_store %arg8[%swap3A_177, %swap3A_178], %swap3A_181 {strides = array<i32>} : memref<64x256xf32, #tpu.memory_space<vmem>>, vector<1x16xf32>,
      %get3A_182 = arith.index_cast %scan3A_84 : i32 to index
      %get3A_183 = arith.constant 112 : index
      %get3A_184 = tpu.vector_load %arg8[%get3A_182, %get3A_183] {strides = array<i32>} : memref<64x256xf32, #tpu.memory_space<vmem>>, vector<1x16xf32>,
      %get3A_185 = vector.shape_cast %get3A_184 : vector<1x16xf32> to vector<16xf32>
      %get3A_186 = arith.index_cast %scan3A_84 : i32 to index
      %get3A_187 = arith.constant 112 : index
      %get3A_188 = tpu.vector_load %arg9[%get3A_186, %get3A_187] {strides = array<i32>} : memref<64x256xf32, #tpu.memory_space<vmem>>, vector<1x16xf32>,
      %get3A_189 = vector.shape_cast %get3A_188 : vector<1x16xf32> to vector<16xf32>
      %add3A_190 = arith.addf %get3A_185, %get3A_189 : vector<16xf32>
      %swap3A_191 = arith.index_cast %scan3A_84 : i32 to index
      %swap3A_192 = arith.constant 112 : index
      %swap3A_193 = tpu.vector_load %arg8[%swap3A_191, %swap3A_192] {strides = array<i32>} : memref<64x256xf32, #tpu.memory_space<vmem>>, vector<1x16xf32>,
      %swap3A_194 = vector.shape_cast %swap3A_193 : vector<1x16xf32> to vector<16xf32>
      %swap3A_195 = vector.shape_cast %add3A_190 : vector<16xf32> to vector<1x16xf32>
      tpu.vector_store %arg8[%swap3A_191, %swap3A_192], %swap3A_195 {strides = array<i32>} : memref<64x256xf32, #tpu.memory_space<vmem>>, vector<1x16xf32>,
      %get3A_196 = arith.index_cast %scan3A_84 : i32 to index
      %get3A_197 = arith.constant 128 : index
      %get3A_198 = tpu.vector_load %arg8[%get3A_196, %get3A_197] {strides = array<i32>} : memref<64x256xf32, #tpu.memory_space<vmem>>, vector<1x16xf32>,
      %get3A_199 = vector.shape_cast %get3A_198 : vector<1x16xf32> to vector<16xf32>
      %get3A_200 = arith.index_cast %scan3A_84 : i32 to index
      %get3A_201 = arith.constant 128 : index
      %get3A_202 = tpu.vector_load %arg9[%get3A_200, %get3A_201] {strides = array<i32>} : memref<64x256xf32, #tpu.memory_space<vmem>>, vector<1x16xf32>,
      %get3A_203 = vector.shape_cast %get3A_202 : vector<1x16xf32> to vector<16xf32>
      %add3A_204 = arith.addf %get3A_199, %get3A_203 : vector<16xf32>
      %swap3A_205 = arith.index_cast %scan3A_84 : i32 to index
      %swap3A_206 = arith.constant 128 : index
      %swap3A_207 = tpu.vector_load %arg8[%swap3A_205, %swap3A_206] {strides = array<i32>} : memref<64x256xf32, #tpu.memory_space<vmem>>, vector<1x16xf32>,
      %swap3A_208 = vector.shape_cast %swap3A_207 : vector<1x16xf32> to vector<16xf32>
      %swap3A_209 = vector.shape_cast %add3A_204 : vector<16xf32> to vector<1x16xf32>
      tpu.vector_store %arg8[%swap3A_205, %swap3A_206], %swap3A_209 {strides = array<i32>} : memref<64x256xf32, #tpu.memory_space<vmem>>, vector<1x16xf32>,
      %get3A_210 = arith.index_cast %scan3A_84 : i32 to index
      %get3A_211 = arith.constant 144 : index
      %get3A_212 = tpu.vector_load %arg8[%get3A_210, %get3A_211] {strides = array<i32>} : memref<64x256xf32, #tpu.memory_space<vmem>>, vector<1x16xf32>,
      %get3A_213 = vector.shape_cast %get3A_212 : vector<1x16xf32> to vector<16xf32>
      %get3A_214 = arith.index_cast %scan3A_84 : i32 to index
      %get3A_215 = arith.constant 144 : index
      %get3A_216 = tpu.vector_load %arg9[%get3A_214, %get3A_215] {strides = array<i32>} : memref<64x256xf32, #tpu.memory_space<vmem>>, vector<1x16xf32>,
      %get3A_217 = vector.shape_cast %get3A_216 : vector<1x16xf32> to vector<16xf32>
      %add3A_218 = arith.addf %get3A_213, %get3A_217 : vector<16xf32>
      %swap3A_219 = arith.index_cast %scan3A_84 : i32 to index
      %swap3A_220 = arith.constant 144 : index
      %swap3A_221 = tpu.vector_load %arg8[%swap3A_219, %swap3A_220] {strides = array<i32>} : memref<64x256xf32, #tpu.memory_space<vmem>>, vector<1x16xf32>,
      %swap3A_222 = vector.shape_cast %swap3A_221 : vector<1x16xf32> to vector<16xf32>
      %swap3A_223 = vector.shape_cast %add3A_218 : vector<16xf32> to vector<1x16xf32>
      tpu.vector_store %arg8[%swap3A_219, %swap3A_220], %swap3A_223 {strides = array<i32>} : memref<64x256xf32, #tpu.memory_space<vmem>>, vector<1x16xf32>,
      %get3A_224 = arith.index_cast %scan3A_84 : i32 to index
      %get3A_225 = arith.constant 160 : index
      %get3A_226 = tpu.vector_load %arg8[%get3A_224, %get3A_225] {strides = array<i32>} : memref<64x256xf32, #tpu.memory_space<vmem>>, vector<1x16xf32>,
      %get3A_227 = vector.shape_cast %get3A_226 : vector<1x16xf32> to vector<16xf32>
      %get3A_228 = arith.index_cast %scan3A_84 : i32 to index
      %get3A_229 = arith.constant 160 : index
      %get3A_230 = tpu.vector_load %arg9[%get3A_228, %get3A_229] {strides = array<i32>} : memref<64x256xf32, #tpu.memory_space<vmem>>, vector<1x16xf32>,
      %get3A_231 = vector.shape_cast %get3A_230 : vector<1x16xf32> to vector<16xf32>
      %add3A_232 = arith.addf %get3A_227, %get3A_231 : vector<16xf32>
      %swap3A_233 = arith.index_cast %scan3A_84 : i32 to index
      %swap3A_234 = arith.constant 160 : index
      %swap3A_235 = tpu.vector_load %arg8[%swap3A_233, %swap3A_234] {strides = array<i32>} : memref<64x256xf32, #tpu.memory_space<vmem>>, vector<1x16xf32>,
      %swap3A_236 = vector.shape_cast %swap3A_235 : vector<1x16xf32> to vector<16xf32>
      %swap3A_237 = vector.shape_cast %add3A_232 : vector<16xf32> to vector<1x16xf32>
      tpu.vector_store %arg8[%swap3A_233, %swap3A_234], %swap3A_237 {strides = array<i32>} : memref<64x256xf32, #tpu.memory_space<vmem>>, vector<1x16xf32>,
      %get3A_238 = arith.index_cast %scan3A_84 : i32 to index
      %get3A_239 = arith.constant 176 : index
      %get3A_240 = tpu.vector_load %arg8[%get3A_238, %get3A_239] {strides = array<i32>} : memref<64x256xf32, #tpu.memory_space<vmem>>, vector<1x16xf32>,
      %get3A_241 = vector.shape_cast %get3A_240 : vector<1x16xf32> to vector<16xf32>
      %get3A_242 = arith.index_cast %scan3A_84 : i32 to index
      %get3A_243 = arith.constant 176 : index
      %get3A_244 = tpu.vector_load %arg9[%get3A_242, %get3A_243] {strides = array<i32>} : memref<64x256xf32, #tpu.memory_space<vmem>>, vector<1x16xf32>,
      %get3A_245 = vector.shape_cast %get3A_244 : vector<1x16xf32> to vector<16xf32>
      %add3A_246 = arith.addf %get3A_241, %get3A_245 : vector<16xf32>
      %swap3A_247 = arith.index_cast %scan3A_84 : i32 to index
      %swap3A_248 = arith.constant 176 : index
      %swap3A_249 = tpu.vector_load %arg8[%swap3A_247, %swap3A_248] {strides = array<i32>} : memref<64x256xf32, #tpu.memory_space<vmem>>, vector<1x16xf32>,
      %swap3A_250 = vector.shape_cast %swap3A_249 : vector<1x16xf32> to vector<16xf32>
      %swap3A_251 = vector.shape_cast %add3A_246 : vector<16xf32> to vector<1x16xf32>
      tpu.vector_store %arg8[%swap3A_247, %swap3A_248], %swap3A_251 {strides = array<i32>} : memref<64x256xf32, #tpu.memory_space<vmem>>, vector<1x16xf32>,
      %get3A_252 = arith.index_cast %scan3A_84 : i32 to index
      %get3A_253 = arith.constant 192 : index
      %get3A_254 = tpu.vector_load %arg8[%get3A_252, %get3A_253] {strides = array<i32>} : memref<64x256xf32, #tpu.memory_space<vmem>>, vector<1x16xf32>,
      %get3A_255 = vector.shape_cast %get3A_254 : vector<1x16xf32> to vector<16xf32>
      %get3A_256 = arith.index_cast %scan3A_84 : i32 to index
      %get3A_257 = arith.constant 192 : index
      %get3A_258 = tpu.vector_load %arg9[%get3A_256, %get3A_257] {strides = array<i32>} : memref<64x256xf32, #tpu.memory_space<vmem>>, vector<1x16xf32>,
      %get3A_259 = vector.shape_cast %get3A_258 : vector<1x16xf32> to vector<16xf32>
      %add3A_260 = arith.addf %get3A_255, %get3A_259 : vector<16xf32>
      %swap3A_261 = arith.index_cast %scan3A_84 : i32 to index
      %swap3A_262 = arith.constant 192 : index
      %swap3A_263 = tpu.vector_load %arg8[%swap3A_261, %swap3A_262] {strides = array<i32>} : memref<64x256xf32, #tpu.memory_space<vmem>>, vector<1x16xf32>,
      %swap3A_264 = vector.shape_cast %swap3A_263 : vector<1x16xf32> to vector<16xf32>
      %swap3A_265 = vector.shape_cast %add3A_260 : vector<16xf32> to vector<1x16xf32>
      tpu.vector_store %arg8[%swap3A_261, %swap3A_262], %swap3A_265 {strides = array<i32>} : memref<64x256xf32, #tpu.memory_space<vmem>>, vector<1x16xf32>,
      %get3A_266 = arith.index_cast %scan3A_84 : i32 to index
      %get3A_267 = arith.constant 208 : index
      %get3A_268 = tpu.vector_load %arg8[%get3A_266, %get3A_267] {strides = array<i32>} : memref<64x256xf32, #tpu.memory_space<vmem>>, vector<1x16xf32>,
      %get3A_269 = vector.shape_cast %get3A_268 : vector<1x16xf32> to vector<16xf32>
      %get3A_270 = arith.index_cast %scan3A_84 : i32 to index
      %get3A_271 = arith.constant 208 : index
      %get3A_272 = tpu.vector_load %arg9[%get3A_270, %get3A_271] {strides = array<i32>} : memref<64x256xf32, #tpu.memory_space<vmem>>, vector<1x16xf32>,
      %get3A_273 = vector.shape_cast %get3A_272 : vector<1x16xf32> to vector<16xf32>
      %add3A_274 = arith.addf %get3A_269, %get3A_273 : vector<16xf32>
      %swap3A_275 = arith.index_cast %scan3A_84 : i32 to index
      %swap3A_276 = arith.constant 208 : index
      %swap3A_277 = tpu.vector_load %arg8[%swap3A_275, %swap3A_276] {strides = array<i32>} : memref<64x256xf32, #tpu.memory_space<vmem>>, vector<1x16xf32>,
      %swap3A_278 = vector.shape_cast %swap3A_277 : vector<1x16xf32> to vector<16xf32>
      %swap3A_279 = vector.shape_cast %add3A_274 : vector<16xf32> to vector<1x16xf32>
      tpu.vector_store %arg8[%swap3A_275, %swap3A_276], %swap3A_279 {strides = array<i32>} : memref<64x256xf32, #tpu.memory_space<vmem>>, vector<1x16xf32>,
      %get3A_280 = arith.index_cast %scan3A_84 : i32 to index
      %get3A_281 = arith.constant 224 : index
      %get3A_282 = tpu.vector_load %arg8[%get3A_280, %get3A_281] {strides = array<i32>} : memref<64x256xf32, #tpu.memory_space<vmem>>, vector<1x16xf32>,
      %get3A_283 = vector.shape_cast %get3A_282 : vector<1x16xf32> to vector<16xf32>
      %get3A_284 = arith.index_cast %scan3A_84 : i32 to index
      %get3A_285 = arith.constant 224 : index
      %get3A_286 = tpu.vector_load %arg9[%get3A_284, %get3A_285] {strides = array<i32>} : memref<64x256xf32, #tpu.memory_space<vmem>>, vector<1x16xf32>,
      %get3A_287 = vector.shape_cast %get3A_286 : vector<1x16xf32> to vector<16xf32>
      %add3A_288 = arith.addf %get3A_283, %get3A_287 : vector<16xf32>
      %swap3A_289 = arith.index_cast %scan3A_84 : i32 to index
      %swap3A_290 = arith.constant 224 : index
      %swap3A_291 = tpu.vector_load %arg8[%swap3A_289, %swap3A_290] {strides = array<i32>} : memref<64x256xf32, #tpu.memory_space<vmem>>, vector<1x16xf32>,
      %swap3A_292 = vector.shape_cast %swap3A_291 : vector<1x16xf32> to vector<16xf32>
      %swap3A_293 = vector.shape_cast %add3A_288 : vector<16xf32> to vector<1x16xf32>
      tpu.vector_store %arg8[%swap3A_289, %swap3A_290], %swap3A_293 {strides = array<i32>} : memref<64x256xf32, #tpu.memory_space<vmem>>, vector<1x16xf32>,
      %get3A_294 = arith.index_cast %scan3A_84 : i32 to index
      %get3A_295 = arith.constant 240 : index
      %get3A_296 = tpu.vector_load %arg8[%get3A_294, %get3A_295] {strides = array<i32>} : memref<64x256xf32, #tpu.memory_space<vmem>>, vector<1x16xf32>,
      %get3A_297 = vector.shape_cast %get3A_296 : vector<1x16xf32> to vector<16xf32>
      %get3A_298 = arith.index_cast %scan3A_84 : i32 to index
      %get3A_299 = arith.constant 240 : index
      %get3A_300 = tpu.vector_load %arg9[%get3A_298, %get3A_299] {strides = array<i32>} : memref<64x256xf32, #tpu.memory_space<vmem>>, vector<1x16xf32>,
      %get3A_301 = vector.shape_cast %get3A_300 : vector<1x16xf32> to vector<16xf32>
      %add3A_302 = arith.addf %get3A_297, %get3A_301 : vector<16xf32>
      %swap3A_303 = arith.index_cast %scan3A_84 : i32 to index
      %swap3A_304 = arith.constant 240 : index
      %swap3A_305 = tpu.vector_load %arg8[%swap3A_303, %swap3A_304] {strides = array<i32>} : memref<64x256xf32, #tpu.memory_space<vmem>>, vector<1x16xf32>,
      %swap3A_306 = vector.shape_cast %swap3A_305 : vector<1x16xf32> to vector<16xf32>
      %swap3A_307 = vector.shape_cast %add3A_302 : vector<16xf32> to vector<1x16xf32>
      tpu.vector_store %arg8[%swap3A_303, %swap3A_304], %swap3A_307 {strides = array<i32>} : memref<64x256xf32, #tpu.memory_space<vmem>>, vector<1x16xf32>,
      %scan3A_308 = arith.constant 0 : i32
      scf.yield %scan3A_308 : i32
    }
    %scan3A_62 = arith.constant 64 : i32
    "tpu.region"() ({
      %run_scoped3A = tpu.sem_alloc : memref<!tpu.dma_semaphore, #tpu.memory_space<semaphore_mem>>
      %dma_start3A_84 = arith.constant 0 : i32
      %dma_start3A_85 = tpu.memref_slice %arg5[%add3A_43, %dma_start3A_84] : memref<8192x256xf32, #tpu.memory_space<hbm>> -> memref<64x256xf32, #tpu.memory_space<hbm>>
      %dma_start3A_86 = arith.constant 0 : i32
      %dma_start3A_87 = tpu.memref_slice %arg5[%add3A_43, %dma_start3A_86] : memref<8192x256xf32, #tpu.memory_space<hbm>> -> memref<64x256xf32, #tpu.memory_space<hbm>>
      tpu.enqueue_dma source(%arg8 : memref<64x256xf32, #tpu.memory_space<vmem>>) target(%dma_start3A_87 : memref<64x256xf32, #tpu.memory_space<hbm>>) target_semaphore(%run_scoped3A : memref<!tpu.dma_semaphore, #tpu.memory_space<semaphore_mem>>)
      %dma_wait3A_88 = arith.constant 0 : i32
      %dma_wait3A_89 = tpu.memref_slice %arg5[%add3A_43, %dma_wait3A_88] : memref<8192x256xf32, #tpu.memory_space<hbm>> -> memref<64x256xf32, #tpu.memory_space<hbm>>
      %dma_wait3A_90 = arith.constant 0 : i32
      %dma_wait3A_91 = tpu.memref_slice %arg5[%add3A_43, %dma_wait3A_90] : memref<8192x256xf32, #tpu.memory_space<hbm>> -> memref<64x256xf32, #tpu.memory_space<hbm>>
      tpu.wait_dma2 semaphore(%run_scoped3A : memref<!tpu.dma_semaphore, #tpu.memory_space<semaphore_mem>>) src(%arg8 : memref<64x256xf32, #tpu.memory_space<vmem>>) dst(%dma_wait3A_91 : memref<64x256xf32, #tpu.memory_space<hbm>>)
      tpu.yield
    }) : () -> ()
    %add3A_63 = arith.constant 192 : i32
    %add3A_64 = arith.addi %mul3A_2, %add3A_63 : i32
    "tpu.region"() ({
      %run_scoped3A = tpu.sem_alloc : memref<!tpu.dma_semaphore, #tpu.memory_space<semaphore_mem>>
      %dma_start3A_84 = tpu.memref_slice %arg2[%add3A_64] : memref<8192xi32, #tpu.memory_space<hbm>> -> memref<64xi32, #tpu.memory_space<hbm>>
      %dma_start3A_85 = tpu.memref_slice %arg2[%add3A_64] : memref<8192xi32, #tpu.memory_space<hbm>> -> memref<64xi32, #tpu.memory_space<hbm>>
      tpu.enqueue_dma source(%dma_start3A_85 : memref<64xi32, #tpu.memory_space<hbm>>) target(%arg6 : memref<64xi32, #tpu.memory_space<vmem>>) target_semaphore(%run_scoped3A : memref<!tpu.dma_semaphore, #tpu.memory_space<semaphore_mem>>)
      %dma_wait3A_86 = tpu.memref_slice %arg2[%add3A_64] : memref<8192xi32, #tpu.memory_space<hbm>> -> memref<64xi32, #tpu.memory_space<hbm>>
      %dma_wait3A_87 = tpu.memref_slice %arg2[%add3A_64] : memref<8192xi32, #tpu.memory_space<hbm>> -> memref<64xi32, #tpu.memory_space<hbm>>
      tpu.wait_dma2 semaphore(%run_scoped3A : memref<!tpu.dma_semaphore, #tpu.memory_space<semaphore_mem>>) src(%dma_wait3A_87 : memref<64xi32, #tpu.memory_space<hbm>>) dst(%arg6 : memref<64xi32, #tpu.memory_space<vmem>>)
      tpu.yield
    }) : () -> ()
    "tpu.region"() ({
      %run_scoped3A = tpu.sem_alloc : memref<!tpu.dma_semaphore, #tpu.memory_space<semaphore_mem>>
      %dma_start3A_84 = tpu.memref_slice %arg3[%add3A_64] : memref<8192xi32, #tpu.memory_space<hbm>> -> memref<64xi32, #tpu.memory_space<hbm>>
      %dma_start3A_85 = tpu.memref_slice %arg3[%add3A_64] : memref<8192xi32, #tpu.memory_space<hbm>> -> memref<64xi32, #tpu.memory_space<hbm>>
      tpu.enqueue_dma source(%dma_start3A_85 : memref<64xi32, #tpu.memory_space<hbm>>) target(%arg7 : memref<64xi32, #tpu.memory_space<vmem>>) target_semaphore(%run_scoped3A : memref<!tpu.dma_semaphore, #tpu.memory_space<semaphore_mem>>)
      %dma_wait3A_86 = tpu.memref_slice %arg3[%add3A_64] : memref<8192xi32, #tpu.memory_space<hbm>> -> memref<64xi32, #tpu.memory_space<hbm>>
      %dma_wait3A_87 = tpu.memref_slice %arg3[%add3A_64] : memref<8192xi32, #tpu.memory_space<hbm>> -> memref<64xi32, #tpu.memory_space<hbm>>
      tpu.wait_dma2 semaphore(%run_scoped3A : memref<!tpu.dma_semaphore, #tpu.memory_space<semaphore_mem>>) src(%dma_wait3A_87 : memref<64xi32, #tpu.memory_space<hbm>>) dst(%arg7 : memref<64xi32, #tpu.memory_space<vmem>>)
      tpu.yield
    }) : () -> ()
    %dma_start3A_65 = arith.constant 0 : i32
    %dma_start3A_66 = arith.constant 0 : i32
    %dma_start3A_67 = tpu.memref_slice %arg4[%dma_start3A_65, %dma_start3A_66] : memref<18432x256xf32, #tpu.memory_space<hbm>> -> memref<18432x256xf32, #tpu.memory_space<hbm>>
    tpu.enqueue_indirect_dma source(%dma_start3A_67 : memref<18432x256xf32, #tpu.memory_space<hbm>>) target(%arg8 : memref<64x256xf32, #tpu.memory_space<vmem>>) offsets(%arg6 : memref<64xi32, #tpu.memory_space<vmem>>) semaphore(%arg10 : memref<!tpu.dma_semaphore, #tpu.memory_space<semaphore_mem>>)
    %dma_start3A_68 = arith.constant 0 : i32
    %dma_start3A_69 = arith.constant 0 : i32
    %dma_start3A_70 = tpu.memref_slice %arg4[%dma_start3A_68, %dma_start3A_69] : memref<18432x256xf32, #tpu.memory_space<hbm>> -> memref<18432x256xf32, #tpu.memory_space<hbm>>
    tpu.enqueue_indirect_dma source(%dma_start3A_70 : memref<18432x256xf32, #tpu.memory_space<hbm>>) target(%arg9 : memref<64x256xf32, #tpu.memory_space<vmem>>) offsets(%arg7 : memref<64xi32, #tpu.memory_space<vmem>>) semaphore(%arg11 : memref<!tpu.dma_semaphore, #tpu.memory_space<semaphore_mem>>)
    %dma_wait3A_71 = arith.constant 0 : i32
    %dma_wait3A_72 = arith.constant 0 : i32
    %dma_wait3A_73 = tpu.memref_slice %arg4[%dma_wait3A_71, %dma_wait3A_72] : memref<18432x256xf32, #tpu.memory_space<hbm>> -> memref<18432x256xf32, #tpu.memory_space<hbm>>
    tpu.wait_indirect_dma semaphore(%arg10 : memref<!tpu.dma_semaphore, #tpu.memory_space<semaphore_mem>>) src(%dma_wait3A_73 : memref<18432x256xf32, #tpu.memory_space<hbm>>) dst(%arg8 : memref<64x256xf32, #tpu.memory_space<vmem>>)
    %dma_wait3A_74 = arith.constant 0 : i32
    %dma_wait3A_75 = arith.constant 0 : i32
    %dma_wait3A_76 = tpu.memref_slice %arg4[%dma_wait3A_74, %dma_wait3A_75] : memref<18432x256xf32, #tpu.memory_space<hbm>> -> memref<18432x256xf32, #tpu.memory_space<hbm>>
    tpu.wait_indirect_dma semaphore(%arg11 : memref<!tpu.dma_semaphore, #tpu.memory_space<semaphore_mem>>) src(%dma_wait3A_76 : memref<18432x256xf32, #tpu.memory_space<hbm>>) dst(%arg9 : memref<64x256xf32, #tpu.memory_space<vmem>>)
    %scan3A_77 = arith.constant 0 : i32
    %scan3A_78 = arith.constant 0 : i32
    %scan3A_79 = arith.constant 64 : i32
    %scan3A_80 = arith.addi %scan3A_78, %scan3A_79 : i32
    %scan3A_81 = arith.constant 1 : i32
    %scan3A_82 = scf.for %scan3A_84 = %scan3A_78 to %scan3A_80 step %scan3A_81 iter_args(%scan3A_85 = %scan3A_77) -> (i32)  : i32 {
      %get3A = arith.index_cast %scan3A_84 : i32 to index
      %get3A_86 = arith.constant 0 : index
      %get3A_87 = tpu.vector_load %arg8[%get3A, %get3A_86] {strides = array<i32>} : memref<64x256xf32, #tpu.memory_space<vmem>>, vector<1x16xf32>,
      %get3A_88 = vector.shape_cast %get3A_87 : vector<1x16xf32> to vector<16xf32>
      %get3A_89 = arith.index_cast %scan3A_84 : i32 to index
      %get3A_90 = arith.constant 0 : index
      %get3A_91 = tpu.vector_load %arg9[%get3A_89, %get3A_90] {strides = array<i32>} : memref<64x256xf32, #tpu.memory_space<vmem>>, vector<1x16xf32>,
      %get3A_92 = vector.shape_cast %get3A_91 : vector<1x16xf32> to vector<16xf32>
      %add3A_93 = arith.addf %get3A_88, %get3A_92 : vector<16xf32>
      %swap3A = arith.index_cast %scan3A_84 : i32 to index
      %swap3A_94 = arith.constant 0 : index
      %swap3A_95 = tpu.vector_load %arg8[%swap3A, %swap3A_94] {strides = array<i32>} : memref<64x256xf32, #tpu.memory_space<vmem>>, vector<1x16xf32>,
      %swap3A_96 = vector.shape_cast %swap3A_95 : vector<1x16xf32> to vector<16xf32>
      %swap3A_97 = vector.shape_cast %add3A_93 : vector<16xf32> to vector<1x16xf32>
      tpu.vector_store %arg8[%swap3A, %swap3A_94], %swap3A_97 {strides = array<i32>} : memref<64x256xf32, #tpu.memory_space<vmem>>, vector<1x16xf32>,
      %get3A_98 = arith.index_cast %scan3A_84 : i32 to index
      %get3A_99 = arith.constant 16 : index
      %get3A_100 = tpu.vector_load %arg8[%get3A_98, %get3A_99] {strides = array<i32>} : memref<64x256xf32, #tpu.memory_space<vmem>>, vector<1x16xf32>,
      %get3A_101 = vector.shape_cast %get3A_100 : vector<1x16xf32> to vector<16xf32>
      %get3A_102 = arith.index_cast %scan3A_84 : i32 to index
      %get3A_103 = arith.constant 16 : index
      %get3A_104 = tpu.vector_load %arg9[%get3A_102, %get3A_103] {strides = array<i32>} : memref<64x256xf32, #tpu.memory_space<vmem>>, vector<1x16xf32>,
      %get3A_105 = vector.shape_cast %get3A_104 : vector<1x16xf32> to vector<16xf32>
      %add3A_106 = arith.addf %get3A_101, %get3A_105 : vector<16xf32>
      %swap3A_107 = arith.index_cast %scan3A_84 : i32 to index
      %swap3A_108 = arith.constant 16 : index
      %swap3A_109 = tpu.vector_load %arg8[%swap3A_107, %swap3A_108] {strides = array<i32>} : memref<64x256xf32, #tpu.memory_space<vmem>>, vector<1x16xf32>,
      %swap3A_110 = vector.shape_cast %swap3A_109 : vector<1x16xf32> to vector<16xf32>
      %swap3A_111 = vector.shape_cast %add3A_106 : vector<16xf32> to vector<1x16xf32>
      tpu.vector_store %arg8[%swap3A_107, %swap3A_108], %swap3A_111 {strides = array<i32>} : memref<64x256xf32, #tpu.memory_space<vmem>>, vector<1x16xf32>,
      %get3A_112 = arith.index_cast %scan3A_84 : i32 to index
      %get3A_113 = arith.constant 32 : index
      %get3A_114 = tpu.vector_load %arg8[%get3A_112, %get3A_113] {strides = array<i32>} : memref<64x256xf32, #tpu.memory_space<vmem>>, vector<1x16xf32>,
      %get3A_115 = vector.shape_cast %get3A_114 : vector<1x16xf32> to vector<16xf32>
      %get3A_116 = arith.index_cast %scan3A_84 : i32 to index
      %get3A_117 = arith.constant 32 : index
      %get3A_118 = tpu.vector_load %arg9[%get3A_116, %get3A_117] {strides = array<i32>} : memref<64x256xf32, #tpu.memory_space<vmem>>, vector<1x16xf32>,
      %get3A_119 = vector.shape_cast %get3A_118 : vector<1x16xf32> to vector<16xf32>
      %add3A_120 = arith.addf %get3A_115, %get3A_119 : vector<16xf32>
      %swap3A_121 = arith.index_cast %scan3A_84 : i32 to index
      %swap3A_122 = arith.constant 32 : index
      %swap3A_123 = tpu.vector_load %arg8[%swap3A_121, %swap3A_122] {strides = array<i32>} : memref<64x256xf32, #tpu.memory_space<vmem>>, vector<1x16xf32>,
      %swap3A_124 = vector.shape_cast %swap3A_123 : vector<1x16xf32> to vector<16xf32>
      %swap3A_125 = vector.shape_cast %add3A_120 : vector<16xf32> to vector<1x16xf32>
      tpu.vector_store %arg8[%swap3A_121, %swap3A_122], %swap3A_125 {strides = array<i32>} : memref<64x256xf32, #tpu.memory_space<vmem>>, vector<1x16xf32>,
      %get3A_126 = arith.index_cast %scan3A_84 : i32 to index
      %get3A_127 = arith.constant 48 : index
      %get3A_128 = tpu.vector_load %arg8[%get3A_126, %get3A_127] {strides = array<i32>} : memref<64x256xf32, #tpu.memory_space<vmem>>, vector<1x16xf32>,
      %get3A_129 = vector.shape_cast %get3A_128 : vector<1x16xf32> to vector<16xf32>
      %get3A_130 = arith.index_cast %scan3A_84 : i32 to index
      %get3A_131 = arith.constant 48 : index
      %get3A_132 = tpu.vector_load %arg9[%get3A_130, %get3A_131] {strides = array<i32>} : memref<64x256xf32, #tpu.memory_space<vmem>>, vector<1x16xf32>,
      %get3A_133 = vector.shape_cast %get3A_132 : vector<1x16xf32> to vector<16xf32>
      %add3A_134 = arith.addf %get3A_129, %get3A_133 : vector<16xf32>
      %swap3A_135 = arith.index_cast %scan3A_84 : i32 to index
      %swap3A_136 = arith.constant 48 : index
      %swap3A_137 = tpu.vector_load %arg8[%swap3A_135, %swap3A_136] {strides = array<i32>} : memref<64x256xf32, #tpu.memory_space<vmem>>, vector<1x16xf32>,
      %swap3A_138 = vector.shape_cast %swap3A_137 : vector<1x16xf32> to vector<16xf32>
      %swap3A_139 = vector.shape_cast %add3A_134 : vector<16xf32> to vector<1x16xf32>
      tpu.vector_store %arg8[%swap3A_135, %swap3A_136], %swap3A_139 {strides = array<i32>} : memref<64x256xf32, #tpu.memory_space<vmem>>, vector<1x16xf32>,
      %get3A_140 = arith.index_cast %scan3A_84 : i32 to index
      %get3A_141 = arith.constant 64 : index
      %get3A_142 = tpu.vector_load %arg8[%get3A_140, %get3A_141] {strides = array<i32>} : memref<64x256xf32, #tpu.memory_space<vmem>>, vector<1x16xf32>,
      %get3A_143 = vector.shape_cast %get3A_142 : vector<1x16xf32> to vector<16xf32>
      %get3A_144 = arith.index_cast %scan3A_84 : i32 to index
      %get3A_145 = arith.constant 64 : index
      %get3A_146 = tpu.vector_load %arg9[%get3A_144, %get3A_145] {strides = array<i32>} : memref<64x256xf32, #tpu.memory_space<vmem>>, vector<1x16xf32>,
      %get3A_147 = vector.shape_cast %get3A_146 : vector<1x16xf32> to vector<16xf32>
      %add3A_148 = arith.addf %get3A_143, %get3A_147 : vector<16xf32>
      %swap3A_149 = arith.index_cast %scan3A_84 : i32 to index
      %swap3A_150 = arith.constant 64 : index
      %swap3A_151 = tpu.vector_load %arg8[%swap3A_149, %swap3A_150] {strides = array<i32>} : memref<64x256xf32, #tpu.memory_space<vmem>>, vector<1x16xf32>,
      %swap3A_152 = vector.shape_cast %swap3A_151 : vector<1x16xf32> to vector<16xf32>
      %swap3A_153 = vector.shape_cast %add3A_148 : vector<16xf32> to vector<1x16xf32>
      tpu.vector_store %arg8[%swap3A_149, %swap3A_150], %swap3A_153 {strides = array<i32>} : memref<64x256xf32, #tpu.memory_space<vmem>>, vector<1x16xf32>,
      %get3A_154 = arith.index_cast %scan3A_84 : i32 to index
      %get3A_155 = arith.constant 80 : index
      %get3A_156 = tpu.vector_load %arg8[%get3A_154, %get3A_155] {strides = array<i32>} : memref<64x256xf32, #tpu.memory_space<vmem>>, vector<1x16xf32>,
      %get3A_157 = vector.shape_cast %get3A_156 : vector<1x16xf32> to vector<16xf32>
      %get3A_158 = arith.index_cast %scan3A_84 : i32 to index
      %get3A_159 = arith.constant 80 : index
      %get3A_160 = tpu.vector_load %arg9[%get3A_158, %get3A_159] {strides = array<i32>} : memref<64x256xf32, #tpu.memory_space<vmem>>, vector<1x16xf32>,
      %get3A_161 = vector.shape_cast %get3A_160 : vector<1x16xf32> to vector<16xf32>
      %add3A_162 = arith.addf %get3A_157, %get3A_161 : vector<16xf32>
      %swap3A_163 = arith.index_cast %scan3A_84 : i32 to index
      %swap3A_164 = arith.constant 80 : index
      %swap3A_165 = tpu.vector_load %arg8[%swap3A_163, %swap3A_164] {strides = array<i32>} : memref<64x256xf32, #tpu.memory_space<vmem>>, vector<1x16xf32>,
      %swap3A_166 = vector.shape_cast %swap3A_165 : vector<1x16xf32> to vector<16xf32>
      %swap3A_167 = vector.shape_cast %add3A_162 : vector<16xf32> to vector<1x16xf32>
      tpu.vector_store %arg8[%swap3A_163, %swap3A_164], %swap3A_167 {strides = array<i32>} : memref<64x256xf32, #tpu.memory_space<vmem>>, vector<1x16xf32>,
      %get3A_168 = arith.index_cast %scan3A_84 : i32 to index
      %get3A_169 = arith.constant 96 : index
      %get3A_170 = tpu.vector_load %arg8[%get3A_168, %get3A_169] {strides = array<i32>} : memref<64x256xf32, #tpu.memory_space<vmem>>, vector<1x16xf32>,
      %get3A_171 = vector.shape_cast %get3A_170 : vector<1x16xf32> to vector<16xf32>
      %get3A_172 = arith.index_cast %scan3A_84 : i32 to index
      %get3A_173 = arith.constant 96 : index
      %get3A_174 = tpu.vector_load %arg9[%get3A_172, %get3A_173] {strides = array<i32>} : memref<64x256xf32, #tpu.memory_space<vmem>>, vector<1x16xf32>,
      %get3A_175 = vector.shape_cast %get3A_174 : vector<1x16xf32> to vector<16xf32>
      %add3A_176 = arith.addf %get3A_171, %get3A_175 : vector<16xf32>
      %swap3A_177 = arith.index_cast %scan3A_84 : i32 to index
      %swap3A_178 = arith.constant 96 : index
      %swap3A_179 = tpu.vector_load %arg8[%swap3A_177, %swap3A_178] {strides = array<i32>} : memref<64x256xf32, #tpu.memory_space<vmem>>, vector<1x16xf32>,
      %swap3A_180 = vector.shape_cast %swap3A_179 : vector<1x16xf32> to vector<16xf32>
      %swap3A_181 = vector.shape_cast %add3A_176 : vector<16xf32> to vector<1x16xf32>
      tpu.vector_store %arg8[%swap3A_177, %swap3A_178], %swap3A_181 {strides = array<i32>} : memref<64x256xf32, #tpu.memory_space<vmem>>, vector<1x16xf32>,
      %get3A_182 = arith.index_cast %scan3A_84 : i32 to index
      %get3A_183 = arith.constant 112 : index
      %get3A_184 = tpu.vector_load %arg8[%get3A_182, %get3A_183] {strides = array<i32>} : memref<64x256xf32, #tpu.memory_space<vmem>>, vector<1x16xf32>,
      %get3A_185 = vector.shape_cast %get3A_184 : vector<1x16xf32> to vector<16xf32>
      %get3A_186 = arith.index_cast %scan3A_84 : i32 to index
      %get3A_187 = arith.constant 112 : index
      %get3A_188 = tpu.vector_load %arg9[%get3A_186, %get3A_187] {strides = array<i32>} : memref<64x256xf32, #tpu.memory_space<vmem>>, vector<1x16xf32>,
      %get3A_189 = vector.shape_cast %get3A_188 : vector<1x16xf32> to vector<16xf32>
      %add3A_190 = arith.addf %get3A_185, %get3A_189 : vector<16xf32>
      %swap3A_191 = arith.index_cast %scan3A_84 : i32 to index
      %swap3A_192 = arith.constant 112 : index
      %swap3A_193 = tpu.vector_load %arg8[%swap3A_191, %swap3A_192] {strides = array<i32>} : memref<64x256xf32, #tpu.memory_space<vmem>>, vector<1x16xf32>,
      %swap3A_194 = vector.shape_cast %swap3A_193 : vector<1x16xf32> to vector<16xf32>
      %swap3A_195 = vector.shape_cast %add3A_190 : vector<16xf32> to vector<1x16xf32>
      tpu.vector_store %arg8[%swap3A_191, %swap3A_192], %swap3A_195 {strides = array<i32>} : memref<64x256xf32, #tpu.memory_space<vmem>>, vector<1x16xf32>,
      %get3A_196 = arith.index_cast %scan3A_84 : i32 to index
      %get3A_197 = arith.constant 128 : index
      %get3A_198 = tpu.vector_load %arg8[%get3A_196, %get3A_197] {strides = array<i32>} : memref<64x256xf32, #tpu.memory_space<vmem>>, vector<1x16xf32>,
      %get3A_199 = vector.shape_cast %get3A_198 : vector<1x16xf32> to vector<16xf32>
      %get3A_200 = arith.index_cast %scan3A_84 : i32 to index
      %get3A_201 = arith.constant 128 : index
      %get3A_202 = tpu.vector_load %arg9[%get3A_200, %get3A_201] {strides = array<i32>} : memref<64x256xf32, #tpu.memory_space<vmem>>, vector<1x16xf32>,
      %get3A_203 = vector.shape_cast %get3A_202 : vector<1x16xf32> to vector<16xf32>
      %add3A_204 = arith.addf %get3A_199, %get3A_203 : vector<16xf32>
      %swap3A_205 = arith.index_cast %scan3A_84 : i32 to index
      %swap3A_206 = arith.constant 128 : index
      %swap3A_207 = tpu.vector_load %arg8[%swap3A_205, %swap3A_206] {strides = array<i32>} : memref<64x256xf32, #tpu.memory_space<vmem>>, vector<1x16xf32>,
      %swap3A_208 = vector.shape_cast %swap3A_207 : vector<1x16xf32> to vector<16xf32>
      %swap3A_209 = vector.shape_cast %add3A_204 : vector<16xf32> to vector<1x16xf32>
      tpu.vector_store %arg8[%swap3A_205, %swap3A_206], %swap3A_209 {strides = array<i32>} : memref<64x256xf32, #tpu.memory_space<vmem>>, vector<1x16xf32>,
      %get3A_210 = arith.index_cast %scan3A_84 : i32 to index
      %get3A_211 = arith.constant 144 : index
      %get3A_212 = tpu.vector_load %arg8[%get3A_210, %get3A_211] {strides = array<i32>} : memref<64x256xf32, #tpu.memory_space<vmem>>, vector<1x16xf32>,
      %get3A_213 = vector.shape_cast %get3A_212 : vector<1x16xf32> to vector<16xf32>
      %get3A_214 = arith.index_cast %scan3A_84 : i32 to index
      %get3A_215 = arith.constant 144 : index
      %get3A_216 = tpu.vector_load %arg9[%get3A_214, %get3A_215] {strides = array<i32>} : memref<64x256xf32, #tpu.memory_space<vmem>>, vector<1x16xf32>,
      %get3A_217 = vector.shape_cast %get3A_216 : vector<1x16xf32> to vector<16xf32>
      %add3A_218 = arith.addf %get3A_213, %get3A_217 : vector<16xf32>
      %swap3A_219 = arith.index_cast %scan3A_84 : i32 to index
      %swap3A_220 = arith.constant 144 : index
      %swap3A_221 = tpu.vector_load %arg8[%swap3A_219, %swap3A_220] {strides = array<i32>} : memref<64x256xf32, #tpu.memory_space<vmem>>, vector<1x16xf32>,
      %swap3A_222 = vector.shape_cast %swap3A_221 : vector<1x16xf32> to vector<16xf32>
      %swap3A_223 = vector.shape_cast %add3A_218 : vector<16xf32> to vector<1x16xf32>
      tpu.vector_store %arg8[%swap3A_219, %swap3A_220], %swap3A_223 {strides = array<i32>} : memref<64x256xf32, #tpu.memory_space<vmem>>, vector<1x16xf32>,
      %get3A_224 = arith.index_cast %scan3A_84 : i32 to index
      %get3A_225 = arith.constant 160 : index
      %get3A_226 = tpu.vector_load %arg8[%get3A_224, %get3A_225] {strides = array<i32>} : memref<64x256xf32, #tpu.memory_space<vmem>>, vector<1x16xf32>,
      %get3A_227 = vector.shape_cast %get3A_226 : vector<1x16xf32> to vector<16xf32>
      %get3A_228 = arith.index_cast %scan3A_84 : i32 to index
      %get3A_229 = arith.constant 160 : index
      %get3A_230 = tpu.vector_load %arg9[%get3A_228, %get3A_229] {strides = array<i32>} : memref<64x256xf32, #tpu.memory_space<vmem>>, vector<1x16xf32>,
      %get3A_231 = vector.shape_cast %get3A_230 : vector<1x16xf32> to vector<16xf32>
      %add3A_232 = arith.addf %get3A_227, %get3A_231 : vector<16xf32>
      %swap3A_233 = arith.index_cast %scan3A_84 : i32 to index
      %swap3A_234 = arith.constant 160 : index
      %swap3A_235 = tpu.vector_load %arg8[%swap3A_233, %swap3A_234] {strides = array<i32>} : memref<64x256xf32, #tpu.memory_space<vmem>>, vector<1x16xf32>,
      %swap3A_236 = vector.shape_cast %swap3A_235 : vector<1x16xf32> to vector<16xf32>
      %swap3A_237 = vector.shape_cast %add3A_232 : vector<16xf32> to vector<1x16xf32>
      tpu.vector_store %arg8[%swap3A_233, %swap3A_234], %swap3A_237 {strides = array<i32>} : memref<64x256xf32, #tpu.memory_space<vmem>>, vector<1x16xf32>,
      %get3A_238 = arith.index_cast %scan3A_84 : i32 to index
      %get3A_239 = arith.constant 176 : index
      %get3A_240 = tpu.vector_load %arg8[%get3A_238, %get3A_239] {strides = array<i32>} : memref<64x256xf32, #tpu.memory_space<vmem>>, vector<1x16xf32>,
      %get3A_241 = vector.shape_cast %get3A_240 : vector<1x16xf32> to vector<16xf32>
      %get3A_242 = arith.index_cast %scan3A_84 : i32 to index
      %get3A_243 = arith.constant 176 : index
      %get3A_244 = tpu.vector_load %arg9[%get3A_242, %get3A_243] {strides = array<i32>} : memref<64x256xf32, #tpu.memory_space<vmem>>, vector<1x16xf32>,
      %get3A_245 = vector.shape_cast %get3A_244 : vector<1x16xf32> to vector<16xf32>
      %add3A_246 = arith.addf %get3A_241, %get3A_245 : vector<16xf32>
      %swap3A_247 = arith.index_cast %scan3A_84 : i32 to index
      %swap3A_248 = arith.constant 176 : index
      %swap3A_249 = tpu.vector_load %arg8[%swap3A_247, %swap3A_248] {strides = array<i32>} : memref<64x256xf32, #tpu.memory_space<vmem>>, vector<1x16xf32>,
      %swap3A_250 = vector.shape_cast %swap3A_249 : vector<1x16xf32> to vector<16xf32>
      %swap3A_251 = vector.shape_cast %add3A_246 : vector<16xf32> to vector<1x16xf32>
      tpu.vector_store %arg8[%swap3A_247, %swap3A_248], %swap3A_251 {strides = array<i32>} : memref<64x256xf32, #tpu.memory_space<vmem>>, vector<1x16xf32>,
      %get3A_252 = arith.index_cast %scan3A_84 : i32 to index
      %get3A_253 = arith.constant 192 : index
      %get3A_254 = tpu.vector_load %arg8[%get3A_252, %get3A_253] {strides = array<i32>} : memref<64x256xf32, #tpu.memory_space<vmem>>, vector<1x16xf32>,
      %get3A_255 = vector.shape_cast %get3A_254 : vector<1x16xf32> to vector<16xf32>
      %get3A_256 = arith.index_cast %scan3A_84 : i32 to index
      %get3A_257 = arith.constant 192 : index
      %get3A_258 = tpu.vector_load %arg9[%get3A_256, %get3A_257] {strides = array<i32>} : memref<64x256xf32, #tpu.memory_space<vmem>>, vector<1x16xf32>,
      %get3A_259 = vector.shape_cast %get3A_258 : vector<1x16xf32> to vector<16xf32>
      %add3A_260 = arith.addf %get3A_255, %get3A_259 : vector<16xf32>
      %swap3A_261 = arith.index_cast %scan3A_84 : i32 to index
      %swap3A_262 = arith.constant 192 : index
      %swap3A_263 = tpu.vector_load %arg8[%swap3A_261, %swap3A_262] {strides = array<i32>} : memref<64x256xf32, #tpu.memory_space<vmem>>, vector<1x16xf32>,
      %swap3A_264 = vector.shape_cast %swap3A_263 : vector<1x16xf32> to vector<16xf32>
      %swap3A_265 = vector.shape_cast %add3A_260 : vector<16xf32> to vector<1x16xf32>
      tpu.vector_store %arg8[%swap3A_261, %swap3A_262], %swap3A_265 {strides = array<i32>} : memref<64x256xf32, #tpu.memory_space<vmem>>, vector<1x16xf32>,
      %get3A_266 = arith.index_cast %scan3A_84 : i32 to index
      %get3A_267 = arith.constant 208 : index
      %get3A_268 = tpu.vector_load %arg8[%get3A_266, %get3A_267] {strides = array<i32>} : memref<64x256xf32, #tpu.memory_space<vmem>>, vector<1x16xf32>,
      %get3A_269 = vector.shape_cast %get3A_268 : vector<1x16xf32> to vector<16xf32>
      %get3A_270 = arith.index_cast %scan3A_84 : i32 to index
      %get3A_271 = arith.constant 208 : index
      %get3A_272 = tpu.vector_load %arg9[%get3A_270, %get3A_271] {strides = array<i32>} : memref<64x256xf32, #tpu.memory_space<vmem>>, vector<1x16xf32>,
      %get3A_273 = vector.shape_cast %get3A_272 : vector<1x16xf32> to vector<16xf32>
      %add3A_274 = arith.addf %get3A_269, %get3A_273 : vector<16xf32>
      %swap3A_275 = arith.index_cast %scan3A_84 : i32 to index
      %swap3A_276 = arith.constant 208 : index
      %swap3A_277 = tpu.vector_load %arg8[%swap3A_275, %swap3A_276] {strides = array<i32>} : memref<64x256xf32, #tpu.memory_space<vmem>>, vector<1x16xf32>,
      %swap3A_278 = vector.shape_cast %swap3A_277 : vector<1x16xf32> to vector<16xf32>
      %swap3A_279 = vector.shape_cast %add3A_274 : vector<16xf32> to vector<1x16xf32>
      tpu.vector_store %arg8[%swap3A_275, %swap3A_276], %swap3A_279 {strides = array<i32>} : memref<64x256xf32, #tpu.memory_space<vmem>>, vector<1x16xf32>,
      %get3A_280 = arith.index_cast %scan3A_84 : i32 to index
      %get3A_281 = arith.constant 224 : index
      %get3A_282 = tpu.vector_load %arg8[%get3A_280, %get3A_281] {strides = array<i32>} : memref<64x256xf32, #tpu.memory_space<vmem>>, vector<1x16xf32>,
      %get3A_283 = vector.shape_cast %get3A_282 : vector<1x16xf32> to vector<16xf32>
      %get3A_284 = arith.index_cast %scan3A_84 : i32 to index
      %get3A_285 = arith.constant 224 : index
      %get3A_286 = tpu.vector_load %arg9[%get3A_284, %get3A_285] {strides = array<i32>} : memref<64x256xf32, #tpu.memory_space<vmem>>, vector<1x16xf32>,
      %get3A_287 = vector.shape_cast %get3A_286 : vector<1x16xf32> to vector<16xf32>
      %add3A_288 = arith.addf %get3A_283, %get3A_287 : vector<16xf32>
      %swap3A_289 = arith.index_cast %scan3A_84 : i32 to index
      %swap3A_290 = arith.constant 224 : index
      %swap3A_291 = tpu.vector_load %arg8[%swap3A_289, %swap3A_290] {strides = array<i32>} : memref<64x256xf32, #tpu.memory_space<vmem>>, vector<1x16xf32>,
      %swap3A_292 = vector.shape_cast %swap3A_291 : vector<1x16xf32> to vector<16xf32>
      %swap3A_293 = vector.shape_cast %add3A_288 : vector<16xf32> to vector<1x16xf32>
      tpu.vector_store %arg8[%swap3A_289, %swap3A_290], %swap3A_293 {strides = array<i32>} : memref<64x256xf32, #tpu.memory_space<vmem>>, vector<1x16xf32>,
      %get3A_294 = arith.index_cast %scan3A_84 : i32 to index
      %get3A_295 = arith.constant 240 : index
      %get3A_296 = tpu.vector_load %arg8[%get3A_294, %get3A_295] {strides = array<i32>} : memref<64x256xf32, #tpu.memory_space<vmem>>, vector<1x16xf32>,
      %get3A_297 = vector.shape_cast %get3A_296 : vector<1x16xf32> to vector<16xf32>
      %get3A_298 = arith.index_cast %scan3A_84 : i32 to index
      %get3A_299 = arith.constant 240 : index
      %get3A_300 = tpu.vector_load %arg9[%get3A_298, %get3A_299] {strides = array<i32>} : memref<64x256xf32, #tpu.memory_space<vmem>>, vector<1x16xf32>,
      %get3A_301 = vector.shape_cast %get3A_300 : vector<1x16xf32> to vector<16xf32>
      %add3A_302 = arith.addf %get3A_297, %get3A_301 : vector<16xf32>
      %swap3A_303 = arith.index_cast %scan3A_84 : i32 to index
      %swap3A_304 = arith.constant 240 : index
      %swap3A_305 = tpu.vector_load %arg8[%swap3A_303, %swap3A_304] {strides = array<i32>} : memref<64x256xf32, #tpu.memory_space<vmem>>, vector<1x16xf32>,
      %swap3A_306 = vector.shape_cast %swap3A_305 : vector<1x16xf32> to vector<16xf32>
      %swap3A_307 = vector.shape_cast %add3A_302 : vector<16xf32> to vector<1x16xf32>
      tpu.vector_store %arg8[%swap3A_303, %swap3A_304], %swap3A_307 {strides = array<i32>} : memref<64x256xf32, #tpu.memory_space<vmem>>, vector<1x16xf32>,
      %scan3A_308 = arith.constant 0 : i32
      scf.yield %scan3A_308 : i32
    }
    %scan3A_83 = arith.constant 64 : i32
    "tpu.region"() ({
      %run_scoped3A = tpu.sem_alloc : memref<!tpu.dma_semaphore, #tpu.memory_space<semaphore_mem>>
      %dma_start3A_84 = arith.constant 0 : i32
      %dma_start3A_85 = tpu.memref_slice %arg5[%add3A_64, %dma_start3A_84] : memref<8192x256xf32, #tpu.memory_space<hbm>> -> memref<64x256xf32, #tpu.memory_space<hbm>>
      %dma_start3A_86 = arith.constant 0 : i32
      %dma_start3A_87 = tpu.memref_slice %arg5[%add3A_64, %dma_start3A_86] : memref<8192x256xf32, #tpu.memory_space<hbm>> -> memref<64x256xf32, #tpu.memory_space<hbm>>
      tpu.enqueue_dma source(%arg8 : memref<64x256xf32, #tpu.memory_space<vmem>>) target(%dma_start3A_87 : memref<64x256xf32, #tpu.memory_space<hbm>>) target_semaphore(%run_scoped3A : memref<!tpu.dma_semaphore, #tpu.memory_space<semaphore_mem>>)
      %dma_wait3A_88 = arith.constant 0 : i32
      %dma_wait3A_89 = tpu.memref_slice %arg5[%add3A_64, %dma_wait3A_88] : memref<8192x256xf32, #tpu.memory_space<hbm>> -> memref<64x256xf32, #tpu.memory_space<hbm>>
      %dma_wait3A_90 = arith.constant 0 : i32
      %dma_wait3A_91 = tpu.memref_slice %arg5[%add3A_64, %dma_wait3A_90] : memref<8192x256xf32, #tpu.memory_space<hbm>> -> memref<64x256xf32, #tpu.memory_space<hbm>>
      tpu.wait_dma2 semaphore(%run_scoped3A : memref<!tpu.dma_semaphore, #tpu.memory_space<semaphore_mem>>) src(%arg8 : memref<64x256xf32, #tpu.memory_space<vmem>>) dst(%dma_wait3A_91 : memref<64x256xf32, #tpu.memory_space<hbm>>)
      tpu.yield
    }) : () -> ()
    return
  }
}

module attributes {stable_mosaic.version = 14 : i64} {
  func.func @_dest_body(%arg0: memref<8192xi32, #tpu.memory_space<vmem>>, %arg1: memref<8192xi32, #tpu.memory_space<vmem>>, %arg2: memref<8192xi32, #tpu.memory_space<vmem>>, %arg3: memref<8192xi32, #tpu.memory_space<vmem>>, %arg4: memref<1x8xi32, #tpu.memory_space<vmem>>, %arg5: memref<8192xi32, #tpu.memory_space<vmem>>, %arg6: memref<8192xi32, #tpu.memory_space<vmem>>, %arg7: memref<72xi32, #tpu.memory_space<vmem>>) attributes {dimension_semantics = [], scalar_prefetch = 0 : i64, scratch_operands = 0 : i64, tpu.core_type = #tpu.core_type<tc>} {
    %get3A = arith.constant 0 : index
    %get3A_0 = arith.constant 0 : index
    %get3A_1 = vector.load %arg4[%get3A, %get3A_0] : memref<1x8xi32, #tpu.memory_space<vmem>>, vector<1x8xi32>
    %add3A = arith.constant 255 : i32
    %add3A_2 = vector.broadcast %add3A : i32 to vector<1x8xi32>
    %add3A_3 = arith.addi %get3A_1, %add3A_2 : vector<1x8xi32>
    %shift_right_arithmetic3A = arith.constant 8 : i32
    %shift_right_arithmetic3A_4 = vector.broadcast %shift_right_arithmetic3A : i32 to vector<1x8xi32>
    %shift_right_arithmetic3A_5 = arith.shrsi %add3A_3, %shift_right_arithmetic3A_4 : vector<1x8xi32>
    %iota3A = tpu.iota {dimensions = array<i32: 0>} : vector<8x8xi32>
    %iota3A_6 = tpu.iota {dimensions = array<i32: 1>} : vector<8x8xi32>
    %lt3A = arith.cmpi slt, %iota3A, %iota3A_6 : vector<8x8xi32>
    %convert_element_type3A = arith.extui %lt3A : vector<8x8xi1> to vector<8x8xi32>
    %convert_element_type3A_7 = arith.sitofp %convert_element_type3A : vector<8x8xi32> to vector<8x8xf32>
    %convert_element_type3A_8 = arith.sitofp %shift_right_arithmetic3A_5 : vector<1x8xi32> to vector<1x8xf32>
    %dot_general3A = arith.constant dense<0.000000e+00> : vector<1x8xf32>
    %dot_general3A_9 = tpu.matmul %convert_element_type3A_8, %convert_element_type3A_7, %dot_general3A {dimension_numbers = #tpu.dot_dimension_numbers<[1], [0], [0], [1], [0, 0, 1, 1], [], []>, transpose_lhs_hint = false} : vector<1x8xf32>, vector<8x8xf32>, vector<1x8xf32> -> vector<1x8xf32>
    %convert_element_type3A_10 = arith.fptosi %dot_general3A_9 : vector<1x8xf32> to vector<1x8xi32>
    %mul3A = arith.constant 256 : i32
    %mul3A_11 = vector.broadcast %mul3A : i32 to vector<1x8xi32>
    %mul3A_12 = arith.muli %convert_element_type3A_10, %mul3A_11 : vector<1x8xi32>
    %iota3A_13 = tpu.iota {dimensions = array<i32: 1>} : vector<8192x8xi32>
    %get3A_14 = arith.constant 0 : index
    %get3A_15 = vector.load %arg0[%get3A_14] : memref<8192xi32, #tpu.memory_space<vmem>>, vector<8192xi32>
    %broadcast_in_dim3A = vector.shape_cast %get3A_15 : vector<8192xi32> to vector<8192x1xi32>
    %eq3A = vector.broadcast %broadcast_in_dim3A : vector<8192x1xi32> to vector<8192x8xi32>
    %eq3A_16 = arith.cmpi eq, %iota3A_13, %eq3A : vector<8192x8xi32>
    %convert_element_type3A_17 = arith.extui %eq3A_16 : vector<8192x8xi1> to vector<8192x8xi32>
    %get3A_18 = arith.constant 0 : index
    %get3A_19 = vector.load %arg1[%get3A_18] : memref<8192xi32, #tpu.memory_space<vmem>>, vector<8192xi32>
    %broadcast_in_dim3A_20 = vector.shape_cast %get3A_19 : vector<8192xi32> to vector<8192x1xi32>
    %eq3A_21 = vector.broadcast %broadcast_in_dim3A_20 : vector<8192x1xi32> to vector<8192x8xi32>
    %eq3A_22 = arith.cmpi eq, %iota3A_13, %eq3A_21 : vector<8192x8xi32>
    %convert_element_type3A_23 = arith.extui %eq3A_22 : vector<8192x8xi1> to vector<8192x8xi32>
    %get3A_24 = arith.constant 0 : index
    %get3A_25 = vector.load %arg2[%get3A_24] : memref<8192xi32, #tpu.memory_space<vmem>>, vector<8192xi32>
    %mul3A_26 = vector.broadcast %mul3A_12 : vector<1x8xi32> to vector<8192x8xi32>
    %mul3A_27 = arith.muli %convert_element_type3A_17, %mul3A_26 : vector<8192x8xi32>
    %reduce_sum3A = arith.constant dense<0> : vector<8192xi32>
    %reduce_sum3A_28 = vector.multi_reduction <add>, %mul3A_27, %reduce_sum3A [1] : vector<8192x8xi32> to vector<8192xi32>
    %add3A_29 = arith.addi %get3A_25, %reduce_sum3A_28 : vector<8192xi32>
    %swap3A = arith.constant 0 : index
    %swap3A_30 = vector.load %arg5[%swap3A] : memref<8192xi32, #tpu.memory_space<vmem>>, vector<8192xi32>
    tpu.vector_store %arg5[%swap3A], %add3A_29 {strides = array<i32>} : memref<8192xi32, #tpu.memory_space<vmem>>, vector<8192xi32>,
    %get3A_31 = arith.constant 0 : index
    %get3A_32 = vector.load %arg3[%get3A_31] : memref<8192xi32, #tpu.memory_space<vmem>>, vector<8192xi32>
    %mul3A_33 = vector.broadcast %mul3A_12 : vector<1x8xi32> to vector<8192x8xi32>
    %mul3A_34 = arith.muli %convert_element_type3A_23, %mul3A_33 : vector<8192x8xi32>
    %reduce_sum3A_35 = arith.constant dense<0> : vector<8192xi32>
    %reduce_sum3A_36 = vector.multi_reduction <add>, %mul3A_34, %reduce_sum3A_35 [1] : vector<8192x8xi32> to vector<8192xi32>
    %add3A_37 = arith.addi %get3A_32, %reduce_sum3A_36 : vector<8192xi32>
    %swap3A_38 = arith.constant 0 : index
    %swap3A_39 = vector.load %arg6[%swap3A_38] : memref<8192xi32, #tpu.memory_space<vmem>>, vector<8192xi32>
    tpu.vector_store %arg6[%swap3A_38], %add3A_37 {strides = array<i32>} : memref<8192xi32, #tpu.memory_space<vmem>>, vector<8192xi32>,
    %mul3A_40 = arith.constant 256 : i32
    %mul3A_41 = vector.broadcast %mul3A_40 : i32 to vector<1x8xi32>
    %mul3A_42 = arith.muli %shift_right_arithmetic3A_5, %mul3A_41 : vector<1x8xi32>
    %add3A_43 = arith.addi %mul3A_12, %mul3A_42 : vector<1x8xi32>
    %iota3A_44 = tpu.iota {dimensions = array<i32: 0>} : vector<72x8xi32>
    %mul3A_45 = arith.constant 256 : i32
    %mul3A_46 = vector.broadcast %mul3A_45 : i32 to vector<72x8xi32>
    %mul3A_47 = arith.muli %iota3A_44, %mul3A_46 : vector<72x8xi32>
    %ge3A = vector.broadcast %add3A_43 : vector<1x8xi32> to vector<72x8xi32>
    %ge3A_48 = arith.cmpi sge, %mul3A_47, %ge3A : vector<72x8xi32>
    %convert_element_type3A_49 = arith.extui %ge3A_48 : vector<72x8xi1> to vector<72x8xi32>
    %reduce_sum3A_50 = arith.constant dense<0> : vector<72xi32>
    %reduce_sum3A_51 = vector.multi_reduction <add>, %convert_element_type3A_49, %reduce_sum3A_50 [1] : vector<72x8xi32> to vector<72xi32>
    %min3A = arith.constant 7 : i32
    %min3A_52 = vector.broadcast %min3A : i32 to vector<72xi32>
    %min3A_53 = arith.minsi %reduce_sum3A_51, %min3A_52 : vector<72xi32>
    %swap3A_54 = arith.constant 0 : index
    %swap3A_55 = vector.load %arg7[%swap3A_54] : memref<72xi32, #tpu.memory_space<vmem>>, vector<72xi32>
    tpu.vector_store %arg7[%swap3A_54], %min3A_53 {strides = array<i32>} : memref<72xi32, #tpu.memory_space<vmem>>, vector<72xi32>,
    return
  }
}

module attributes {stable_mosaic.version = 14 : i64} {
  func.func @_gate_body(%arg0: i32, %arg1: memref<1024x768xf32, #tpu.memory_space<vmem>>, %arg2: memref<768x16xf32, #tpu.memory_space<vmem>>, %arg3: memref<16x8xf32, #tpu.memory_space<vmem>>, %arg4: memref<1024xi32, #tpu.memory_space<vmem>>, %arg5: memref<1024xi32, #tpu.memory_space<vmem>>, %arg6: memref<1024xf32, #tpu.memory_space<vmem>>, %arg7: memref<1024xf32, #tpu.memory_space<vmem>>, %arg8: memref<1024xi32, #tpu.memory_space<vmem>>, %arg9: memref<1024xi32, #tpu.memory_space<vmem>>, %arg10: memref<1x8xi32, #tpu.memory_space<vmem>>, %arg11: memref<1024x384xi32, #tpu.memory_space<vmem>>, %arg12: memref<1x8xf32, #tpu.memory_space<vmem>>) attributes {dimension_semantics = [#tpu.dimension_semantics<arbitrary>], iteration_bounds = array<i64: 8>, scalar_prefetch = 0 : i64, scratch_operands = 1 : i64, tpu.core_type = #tpu.core_type<tc>, window_params = [{transform_indices = @transform_0, window_bounds = array<i64: 1024, 768>}, {pipeline_mode = #tpu.pipeline_mode<synchronous>, transform_indices = @transform_1, window_bounds = array<i64: 768, 16>}, {pipeline_mode = #tpu.pipeline_mode<synchronous>, transform_indices = @transform_2, window_bounds = array<i64: 16, 8>}, {transform_indices = @transform_3, window_bounds = array<i64: 1024>}, {transform_indices = @transform_4, window_bounds = array<i64: 1024>}, {transform_indices = @transform_5, window_bounds = array<i64: 1024>}, {transform_indices = @transform_6, window_bounds = array<i64: 1024>}, {transform_indices = @transform_7, window_bounds = array<i64: 1024>}, {transform_indices = @transform_8, window_bounds = array<i64: 1024>}, {pipeline_mode = #tpu.pipeline_mode<synchronous>, transform_indices = @transform_9, window_bounds = array<i64: 1, 8>}, {transform_indices = @transform_10, window_bounds = array<i64: 1024, 384>}]} {
    %eq3A = arith.constant 0 : i32
    %eq3A_0 = arith.cmpi eq, %arg0, %eq3A : i32
    %convert_element_type3A = arith.extui %eq3A_0 : i1 to i32
    %cond3A = arith.constant 0 : i32
    %cond3A_1 = arith.cmpi ne, %convert_element_type3A, %cond3A : i32
    scf.if %cond3A_1 {
      %broadcast_in_dim3A_102 = arith.constant 0.000000e+00 : f32
      %broadcast_in_dim3A_103 = vector.broadcast %broadcast_in_dim3A_102 : f32 to vector<1x8xf32>
      %swap3A_104 = arith.constant 0 : index
      %swap3A_105 = arith.constant 0 : index
      %swap3A_106 = vector.load %arg12[%swap3A_104, %swap3A_105] : memref<1x8xf32, #tpu.memory_space<vmem>>, vector<1x8xf32>
      tpu.vector_store %arg12[%swap3A_104, %swap3A_105], %broadcast_in_dim3A_103 {strides = array<i32>} : memref<1x8xf32, #tpu.memory_space<vmem>>, vector<1x8xf32>,
    } else {
    }
    %get3A = arith.constant 0 : index
    %get3A_2 = arith.constant 0 : index
    %get3A_3 = vector.load %arg1[%get3A, %get3A_2] : memref<1024x768xf32, #tpu.memory_space<vmem>>, vector<1024x384xf32>
    %convert_element_type3A_4 = arith.truncf %get3A_3 : vector<1024x384xf32> to vector<1024x384xbf16>
    %bitcast_convert_type3A = tpu.bitcast %convert_element_type3A_4 : vector<1024x384xbf16> -> vector<1024x384xi16>
    %convert_element_type3A_5 = arith.extui %bitcast_convert_type3A : vector<1024x384xi16> to vector<1024x384xi32>
    %get3A_6 = arith.constant 0 : index
    %get3A_7 = arith.constant 384 : index
    %get3A_8 = vector.load %arg1[%get3A_6, %get3A_7] : memref<1024x768xf32, #tpu.memory_space<vmem>>, vector<1024x384xf32>
    %convert_element_type3A_9 = arith.truncf %get3A_8 : vector<1024x384xf32> to vector<1024x384xbf16>
    %bitcast_convert_type3A_10 = tpu.bitcast %convert_element_type3A_9 : vector<1024x384xbf16> -> vector<1024x384xi16>
    %convert_element_type3A_11 = arith.extui %bitcast_convert_type3A_10 : vector<1024x384xi16> to vector<1024x384xi32>
    %shift_left3A = arith.constant 16 : i32
    %shift_left3A_12 = vector.broadcast %shift_left3A : i32 to vector<1024x384xi32>
    %shift_left3A_13 = arith.shli %convert_element_type3A_11, %shift_left3A_12 : vector<1024x384xi32>
    %or3A = arith.ori %convert_element_type3A_5, %shift_left3A_13 : vector<1024x384xi32>
    %swap3A = arith.constant 0 : index
    %swap3A_14 = arith.constant 0 : index
    %swap3A_15 = vector.load %arg11[%swap3A, %swap3A_14] : memref<1024x384xi32, #tpu.memory_space<vmem>>, vector<1024x384xi32>
    tpu.vector_store %arg11[%swap3A, %swap3A_14], %or3A {strides = array<i32>} : memref<1024x384xi32, #tpu.memory_space<vmem>>, vector<1024x384xi32>,
    %get3A_16 = arith.constant 0 : index
    %get3A_17 = arith.constant 0 : index
    %get3A_18 = vector.load %arg1[%get3A_16, %get3A_17] : memref<1024x768xf32, #tpu.memory_space<vmem>>, vector<1024x768xf32>
    %get3A_19 = arith.constant 0 : index
    %get3A_20 = arith.constant 0 : index
    %get3A_21 = vector.load %arg2[%get3A_19, %get3A_20] : memref<768x16xf32, #tpu.memory_space<vmem>>, vector<768x16xf32>
    %dot_general3A = arith.constant dense<0.000000e+00> : vector<1024x16xf32>
    %dot_general3A_22 = tpu.matmul %get3A_18, %get3A_21, %dot_general3A {dimension_numbers = #tpu.dot_dimension_numbers<[1], [0], [0], [1], [0, 0, 1, 1], [], []>, transpose_lhs_hint = false} : vector<1024x768xf32>, vector<768x16xf32>, vector<1024x16xf32> -> vector<1024x16xf32>
    %tanh3A = math.tanh %dot_general3A_22 : vector<1024x16xf32>
    %get3A_23 = arith.constant 0 : index
    %get3A_24 = arith.constant 0 : index
    %get3A_25 = vector.load %arg3[%get3A_23, %get3A_24] : memref<16x8xf32, #tpu.memory_space<vmem>>, vector<16x8xf32>
    %dot_general3A_26 = arith.constant dense<0.000000e+00> : vector<1024x8xf32>
    %dot_general3A_27 = tpu.matmul %tanh3A, %get3A_25, %dot_general3A_26 {dimension_numbers = #tpu.dot_dimension_numbers<[1], [0], [0], [1], [0, 0, 1, 1], [], []>, transpose_lhs_hint = false} : vector<1024x16xf32>, vector<16x8xf32>, vector<1024x8xf32> -> vector<1024x8xf32>
    %reduce_max3A = arith.constant dense<0xFF800000> : vector<1024xf32>
    %reduce_max3A_28 = vector.multi_reduction <maximumf>, %dot_general3A_27, %reduce_max3A [1] : vector<1024x8xf32> to vector<1024xf32>
    %broadcast_in_dim3A = vector.shape_cast %reduce_max3A_28 : vector<1024xf32> to vector<1024x1xf32>
    %sub3A = vector.broadcast %broadcast_in_dim3A : vector<1024x1xf32> to vector<1024x8xf32>
    %sub3A_29 = arith.subf %dot_general3A_27, %sub3A : vector<1024x8xf32>
    %exp3A = math.exp %sub3A_29 : vector<1024x8xf32>
    %reduce_sum3A = arith.constant dense<0.000000e+00> : vector<1024xf32>
    %reduce_sum3A_30 = vector.multi_reduction <add>, %exp3A, %reduce_sum3A [1] : vector<1024x8xf32> to vector<1024xf32>
    %broadcast_in_dim3A_31 = vector.shape_cast %reduce_sum3A_30 : vector<1024xf32> to vector<1024x1xf32>
    %div3A = vector.broadcast %broadcast_in_dim3A_31 : vector<1024x1xf32> to vector<1024x8xf32>
    %div3A_32 = arith.divf %exp3A, %div3A : vector<1024x8xf32>
    %argmax3A = tpu.reduce_index %div3A_32 {axis = 1 : i32, kind = #tpu.reduction_kind<arg_max>} : vector<1024x8xf32> -> vector<1024xi32>
    %reduce_max3A_33 = arith.constant dense<0xFF800000> : vector<1024xf32>
    %reduce_max3A_34 = vector.multi_reduction <maximumf>, %div3A_32, %reduce_max3A_33 [1] : vector<1024x8xf32> to vector<1024xf32>
    %iota3A = tpu.iota {dimensions = array<i32: 1>} : vector<1024x8xi32>
    %broadcast_in_dim3A_35 = vector.shape_cast %argmax3A : vector<1024xi32> to vector<1024x1xi32>
    %eq3A_36 = vector.broadcast %broadcast_in_dim3A_35 : vector<1024x1xi32> to vector<1024x8xi32>
    %eq3A_37 = arith.cmpi eq, %iota3A, %eq3A_36 : vector<1024x8xi32>
    %jit3A = arith.constant -1.000000e+00 : f32
    %broadcast_in_dim3A_38 = vector.broadcast %jit3A : f32 to vector<1024x8xf32>
    %select_n3A = arith.select %eq3A_37, %broadcast_in_dim3A_38, %div3A_32 : vector<1024x8xi1>, vector<1024x8xf32>
    %argmax3A_39 = tpu.reduce_index %select_n3A {axis = 1 : i32, kind = #tpu.reduction_kind<arg_max>} : vector<1024x8xf32> -> vector<1024xi32>
    %reduce_max3A_40 = arith.constant dense<0xFF800000> : vector<1024xf32>
    %reduce_max3A_41 = vector.multi_reduction <maximumf>, %select_n3A, %reduce_max3A_40 [1] : vector<1024x8xf32> to vector<1024xf32>
    %add3A = arith.addf %reduce_max3A_34, %reduce_max3A_41 : vector<1024xf32>
    %add3A_42 = arith.constant 9.99999996E-13 : f32
    %add3A_43 = vector.broadcast %add3A_42 : f32 to vector<1024xf32>
    %add3A_44 = arith.addf %add3A, %add3A_43 : vector<1024xf32>
    %swap3A_45 = arith.constant 0 : index
    %swap3A_46 = vector.load %arg4[%swap3A_45] : memref<1024xi32, #tpu.memory_space<vmem>>, vector<1024xi32>
    tpu.vector_store %arg4[%swap3A_45], %argmax3A {strides = array<i32>} : memref<1024xi32, #tpu.memory_space<vmem>>, vector<1024xi32>,
    %swap3A_47 = arith.constant 0 : index
    %swap3A_48 = vector.load %arg5[%swap3A_47] : memref<1024xi32, #tpu.memory_space<vmem>>, vector<1024xi32>
    tpu.vector_store %arg5[%swap3A_47], %argmax3A_39 {strides = array<i32>} : memref<1024xi32, #tpu.memory_space<vmem>>, vector<1024xi32>,
    %div3A_49 = arith.divf %reduce_max3A_34, %add3A_44 : vector<1024xf32>
    %swap3A_50 = arith.constant 0 : index
    %swap3A_51 = vector.load %arg6[%swap3A_50] : memref<1024xf32, #tpu.memory_space<vmem>>, vector<1024xf32>
    tpu.vector_store %arg6[%swap3A_50], %div3A_49 {strides = array<i32>} : memref<1024xf32, #tpu.memory_space<vmem>>, vector<1024xf32>,
    %div3A_52 = arith.divf %reduce_max3A_41, %add3A_44 : vector<1024xf32>
    %swap3A_53 = arith.constant 0 : index
    %swap3A_54 = vector.load %arg7[%swap3A_53] : memref<1024xf32, #tpu.memory_space<vmem>>, vector<1024xf32>
    tpu.vector_store %arg7[%swap3A_53], %div3A_52 {strides = array<i32>} : memref<1024xf32, #tpu.memory_space<vmem>>, vector<1024xf32>,
    %broadcast_in_dim3A_55 = vector.shape_cast %argmax3A : vector<1024xi32> to vector<1024x1xi32>
    %eq3A_56 = vector.broadcast %broadcast_in_dim3A_55 : vector<1024x1xi32> to vector<1024x8xi32>
    %eq3A_57 = arith.cmpi eq, %iota3A, %eq3A_56 : vector<1024x8xi32>
    %convert_element_type3A_58 = arith.extui %eq3A_57 : vector<1024x8xi1> to vector<1024x8xi32>
    %convert_element_type3A_59 = arith.sitofp %convert_element_type3A_58 : vector<1024x8xi32> to vector<1024x8xf32>
    %broadcast_in_dim3A_60 = vector.shape_cast %argmax3A_39 : vector<1024xi32> to vector<1024x1xi32>
    %eq3A_61 = vector.broadcast %broadcast_in_dim3A_60 : vector<1024x1xi32> to vector<1024x8xi32>
    %eq3A_62 = arith.cmpi eq, %iota3A, %eq3A_61 : vector<1024x8xi32>
    %convert_element_type3A_63 = arith.extui %eq3A_62 : vector<1024x8xi1> to vector<1024x8xi32>
    %convert_element_type3A_64 = arith.sitofp %convert_element_type3A_63 : vector<1024x8xi32> to vector<1024x8xf32>
    %add3A_65 = arith.addf %convert_element_type3A_59, %convert_element_type3A_64 : vector<1024x8xf32>
    %iota3A_66 = tpu.iota {dimensions = array<i32: 0>} : vector<1024x1024xi32>
    %iota3A_67 = tpu.iota {dimensions = array<i32: 1>} : vector<1024x1024xi32>
    %gt3A = arith.cmpi sgt, %iota3A_66, %iota3A_67 : vector<1024x1024xi32>
    %convert_element_type3A_68 = arith.extui %gt3A : vector<1024x1024xi1> to vector<1024x1024xi32>
    %convert_element_type3A_69 = arith.sitofp %convert_element_type3A_68 : vector<1024x1024xi32> to vector<1024x1024xf32>
    %dot_general3A_70 = arith.constant dense<0.000000e+00> : vector<1024x8xf32>
    %dot_general3A_71 = tpu.matmul %convert_element_type3A_69, %add3A_65, %dot_general3A_70 {dimension_numbers = #tpu.dot_dimension_numbers<[1], [0], [0], [1], [0, 0, 1, 1], [], []>, transpose_lhs_hint = false} : vector<1024x1024xf32>, vector<1024x8xf32>, vector<1024x8xf32> -> vector<1024x8xf32>
    %get3A_72 = arith.constant 0 : index
    %get3A_73 = arith.constant 0 : index
    %get3A_74 = vector.load %arg12[%get3A_72, %get3A_73] : memref<1x8xf32, #tpu.memory_space<vmem>>, vector<1x8xf32>
    %add3A_75 = vector.broadcast %get3A_74 : vector<1x8xf32> to vector<1024x8xf32>
    %add3A_76 = arith.addf %dot_general3A_71, %add3A_75 : vector<1024x8xf32>
    %mul3A = arith.mulf %add3A_76, %convert_element_type3A_59 : vector<1024x8xf32>
    %reduce_sum3A_77 = arith.constant dense<0.000000e+00> : vector<1024xf32>
    %reduce_sum3A_78 = vector.multi_reduction <add>, %mul3A, %reduce_sum3A_77 [1] : vector<1024x8xf32> to vector<1024xf32>
    %convert_element_type3A_79 = arith.fptosi %reduce_sum3A_78 : vector<1024xf32> to vector<1024xi32>
    %swap3A_80 = arith.constant 0 : index
    %swap3A_81 = vector.load %arg8[%swap3A_80] : memref<1024xi32, #tpu.memory_space<vmem>>, vector<1024xi32>
    tpu.vector_store %arg8[%swap3A_80], %convert_element_type3A_79 {strides = array<i32>} : memref<1024xi32, #tpu.memory_space<vmem>>, vector<1024xi32>,
    %mul3A_82 = arith.mulf %add3A_76, %convert_element_type3A_64 : vector<1024x8xf32>
    %reduce_sum3A_83 = arith.constant dense<0.000000e+00> : vector<1024xf32>
    %reduce_sum3A_84 = vector.multi_reduction <add>, %mul3A_82, %reduce_sum3A_83 [1] : vector<1024x8xf32> to vector<1024xf32>
    %convert_element_type3A_85 = arith.fptosi %reduce_sum3A_84 : vector<1024xf32> to vector<1024xi32>
    %swap3A_86 = arith.constant 0 : index
    %swap3A_87 = vector.load %arg9[%swap3A_86] : memref<1024xi32, #tpu.memory_space<vmem>>, vector<1024xi32>
    tpu.vector_store %arg9[%swap3A_86], %convert_element_type3A_85 {strides = array<i32>} : memref<1024xi32, #tpu.memory_space<vmem>>, vector<1024xi32>,
    %get3A_88 = arith.constant 0 : index
    %get3A_89 = arith.constant 0 : index
    %get3A_90 = vector.load %arg12[%get3A_88, %get3A_89] : memref<1x8xf32, #tpu.memory_space<vmem>>, vector<1x8xf32>
    %reduce_sum3A_91 = arith.constant dense<0.000000e+00> : vector<8xf32>
    %reduce_sum3A_92 = vector.multi_reduction <add>, %add3A_65, %reduce_sum3A_91 [0] : vector<1024x8xf32> to vector<8xf32>
    %broadcast_in_dim3A_93 = vector.shape_cast %reduce_sum3A_92 : vector<8xf32> to vector<1x8xf32>
    %add3A_94 = arith.addf %get3A_90, %broadcast_in_dim3A_93 : vector<1x8xf32>
    %swap3A_95 = arith.constant 0 : index
    %swap3A_96 = arith.constant 0 : index
    %swap3A_97 = vector.load %arg12[%swap3A_95, %swap3A_96] : memref<1x8xf32, #tpu.memory_space<vmem>>, vector<1x8xf32>
    tpu.vector_store %arg12[%swap3A_95, %swap3A_96], %add3A_94 {strides = array<i32>} : memref<1x8xf32, #tpu.memory_space<vmem>>, vector<1x8xf32>,
    %convert_element_type3A_98 = arith.fptosi %add3A_94 : vector<1x8xf32> to vector<1x8xi32>
    %swap3A_99 = arith.constant 0 : index
    %swap3A_100 = arith.constant 0 : index
    %swap3A_101 = vector.load %arg10[%swap3A_99, %swap3A_100] : memref<1x8xi32, #tpu.memory_space<vmem>>, vector<1x8xi32>
    tpu.vector_store %arg10[%swap3A_99, %swap3A_100], %convert_element_type3A_98 {strides = array<i32>} : memref<1x8xi32, #tpu.memory_space<vmem>>, vector<1x8xi32>,
    return
  }
  func.func @transform_0(%arg0: i32) -> (i32, i32) {
    %c0_i32 = arith.constant 0 : i32
    %c0_i32_0 = arith.constant 0 : i32
    return %arg0, %c0_i32 : i32, i32
  }
  func.func @transform_1(%arg0: i32) -> (i32, i32) {
    %c0_i32 = arith.constant 0 : i32
    %c0_i32_0 = arith.constant 0 : i32
    %c0_i32_1 = arith.constant 0 : i32
    return %c0_i32, %c0_i32_0 : i32, i32
  }
  func.func @transform_2(%arg0: i32) -> (i32, i32) {
    %c0_i32 = arith.constant 0 : i32
    %c0_i32_0 = arith.constant 0 : i32
    %c0_i32_1 = arith.constant 0 : i32
    return %c0_i32, %c0_i32_0 : i32, i32
  }
  func.func @transform_3(%arg0: i32) -> i32 {
    %c0_i32 = arith.constant 0 : i32
    return %arg0 : i32
  }
  func.func @transform_4(%arg0: i32) -> i32 {
    %c0_i32 = arith.constant 0 : i32
    return %arg0 : i32
  }
  func.func @transform_5(%arg0: i32) -> i32 {
    %c0_i32 = arith.constant 0 : i32
    return %arg0 : i32
  }
  func.func @transform_6(%arg0: i32) -> i32 {
    %c0_i32 = arith.constant 0 : i32
    return %arg0 : i32
  }
  func.func @transform_7(%arg0: i32) -> i32 {
    %c0_i32 = arith.constant 0 : i32
    return %arg0 : i32
  }
  func.func @transform_8(%arg0: i32) -> i32 {
    %c0_i32 = arith.constant 0 : i32
    return %arg0 : i32
  }
  func.func @transform_9(%arg0: i32) -> (i32, i32) {
    %c0_i32 = arith.constant 0 : i32
    %c0_i32_0 = arith.constant 0 : i32
    %c0_i32_1 = arith.constant 0 : i32
    return %c0_i32, %c0_i32_0 : i32, i32
  }
  func.func @transform_10(%arg0: i32) -> (i32, i32) {
    %c0_i32 = arith.constant 0 : i32
    %c0_i32_0 = arith.constant 0 : i32
    return %arg0, %c0_i32 : i32, i32
  }
}

module attributes {stable_mosaic.version = 14 : i64} {
  func.func @_mlp_body(%arg0: i32, %arg1: memref<72xi32, #tpu.memory_space<smem>>, %arg2: memref<256x384xi32, #tpu.memory_space<vmem>>, %arg3: memref<256x1xf32, #tpu.memory_space<vmem>>, %arg4: memref<1x384x256xf32, #tpu.memory_space<vmem>>, %arg5: memref<1x384x256xf32, #tpu.memory_space<vmem>>, %arg6: memref<1x1x256xf32, #tpu.memory_space<vmem>>, %arg7: memref<1x1x256xf32, #tpu.memory_space<vmem>>, %arg8: memref<1x1x256xf32, #tpu.memory_space<vmem>>, %arg9: memref<1x256x256xf32, #tpu.memory_space<vmem>>, %arg10: memref<1x1x256xf32, #tpu.memory_space<vmem>>, %arg11: memref<1x1x256xf32, #tpu.memory_space<vmem>>, %arg12: memref<1x1x256xf32, #tpu.memory_space<vmem>>, %arg13: memref<1x256x256xf32, #tpu.memory_space<vmem>>, %arg14: memref<1x1x256xf32, #tpu.memory_space<vmem>>, %arg15: memref<256x256xf32, #tpu.memory_space<vmem>>) attributes {dimension_semantics = [#tpu.dimension_semantics<arbitrary>], iteration_bounds = array<i64: 72>, scalar_prefetch = 1 : i64, scratch_operands = 0 : i64, tpu.core_type = #tpu.core_type<tc>, window_params = [{transform_indices = @transform_0, window_bounds = array<i64: 256, 384>}, {transform_indices = @transform_1, window_bounds = array<i64: 256, 1>}, {transform_indices = @transform_2, window_bounds = array<i64: 1, 384, 256>}, {transform_indices = @transform_3, window_bounds = array<i64: 1, 384, 256>}, {transform_indices = @transform_4, window_bounds = array<i64: 1, 1, 256>}, {transform_indices = @transform_5, window_bounds = array<i64: 1, 1, 256>}, {transform_indices = @transform_6, window_bounds = array<i64: 1, 1, 256>}, {transform_indices = @transform_7, window_bounds = array<i64: 1, 256, 256>}, {transform_indices = @transform_8, window_bounds = array<i64: 1, 1, 256>}, {transform_indices = @transform_9, window_bounds = array<i64: 1, 1, 256>}, {transform_indices = @transform_10, window_bounds = array<i64: 1, 1, 256>}, {transform_indices = @transform_11, window_bounds = array<i64: 1, 256, 256>}, {transform_indices = @transform_12, window_bounds = array<i64: 1, 1, 256>}, {transform_indices = @transform_13, window_bounds = array<i64: 256, 256>}]} {
    %get3A = arith.constant 0 : index
    %get3A_0 = arith.constant 0 : index
    %get3A_1 = vector.load %arg2[%get3A, %get3A_0] : memref<256x384xi32, #tpu.memory_space<vmem>>, vector<256x384xi32>
    %shift_left3A = arith.constant 16 : i32
    %shift_left3A_2 = vector.broadcast %shift_left3A : i32 to vector<256x384xi32>
    %shift_left3A_3 = arith.shli %get3A_1, %shift_left3A_2 : vector<256x384xi32>
    %bitcast_convert_type3A = tpu.bitcast %shift_left3A_3 : vector<256x384xi32> -> vector<256x384xf32>
    %and3A = arith.constant -65536 : i32
    %and3A_4 = vector.broadcast %and3A : i32 to vector<256x384xi32>
    %and3A_5 = arith.andi %get3A_1, %and3A_4 : vector<256x384xi32>
    %bitcast_convert_type3A_6 = tpu.bitcast %and3A_5 : vector<256x384xi32> -> vector<256x384xf32>
    %get3A_7 = arith.constant 0 : index
    %get3A_8 = arith.constant 0 : index
    %get3A_9 = arith.constant 0 : index
    %get3A_10 = vector.load %arg4[%get3A_7, %get3A_8, %get3A_9] : memref<1x384x256xf32, #tpu.memory_space<vmem>>, vector<1x384x256xf32>
    %get3A_11 = vector.shape_cast %get3A_10 : vector<1x384x256xf32> to vector<384x256xf32>
    %dot_general3A = arith.constant dense<0.000000e+00> : vector<256x256xf32>
    %dot_general3A_12 = tpu.matmul %bitcast_convert_type3A, %get3A_11, %dot_general3A {dimension_numbers = #tpu.dot_dimension_numbers<[1], [0], [0], [1], [0, 0, 1, 1], [], []>, transpose_lhs_hint = false} : vector<256x384xf32>, vector<384x256xf32>, vector<256x256xf32> -> vector<256x256xf32>
    %get3A_13 = arith.constant 0 : index
    %get3A_14 = arith.constant 0 : index
    %get3A_15 = arith.constant 0 : index
    %get3A_16 = vector.load %arg5[%get3A_13, %get3A_14, %get3A_15] : memref<1x384x256xf32, #tpu.memory_space<vmem>>, vector<1x384x256xf32>
    %get3A_17 = vector.shape_cast %get3A_16 : vector<1x384x256xf32> to vector<384x256xf32>
    %dot_general3A_18 = arith.constant dense<0.000000e+00> : vector<256x256xf32>
    %dot_general3A_19 = tpu.matmul %bitcast_convert_type3A_6, %get3A_17, %dot_general3A_18 {dimension_numbers = #tpu.dot_dimension_numbers<[1], [0], [0], [1], [0, 0, 1, 1], [], []>, transpose_lhs_hint = false} : vector<256x384xf32>, vector<384x256xf32>, vector<256x256xf32> -> vector<256x256xf32>
    %add3A = arith.addf %dot_general3A_12, %dot_general3A_19 : vector<256x256xf32>
    %get3A_20 = arith.constant 0 : index
    %get3A_21 = arith.constant 0 : index
    %get3A_22 = arith.constant 0 : index
    %get3A_23 = vector.load %arg6[%get3A_20, %get3A_21, %get3A_22] : memref<1x1x256xf32, #tpu.memory_space<vmem>>, vector<1x1x256xf32>
    %get3A_24 = vector.shape_cast %get3A_23 : vector<1x1x256xf32> to vector<1x256xf32>
    %add3A_25 = vector.broadcast %get3A_24 : vector<1x256xf32> to vector<256x256xf32>
    %add3A_26 = arith.addf %add3A, %add3A_25 : vector<256x256xf32>
    %reduce_sum3A = arith.constant dense<0.000000e+00> : vector<256xf32>
    %reduce_sum3A_27 = vector.multi_reduction <add>, %add3A_26, %reduce_sum3A [1] : vector<256x256xf32> to vector<256xf32>
    %broadcast_in_dim3A = vector.shape_cast %reduce_sum3A_27 : vector<256xf32> to vector<256x1xf32>
    %div3A = arith.constant 2.560000e+02 : f32
    %div3A_28 = vector.broadcast %div3A : f32 to vector<256x1xf32>
    %div3A_29 = arith.divf %broadcast_in_dim3A, %div3A_28 : vector<256x1xf32>
    %sub3A = vector.broadcast %div3A_29 : vector<256x1xf32> to vector<256x256xf32>
    %sub3A_30 = arith.subf %add3A_26, %sub3A : vector<256x256xf32>
    %integer_pow3A = arith.mulf %sub3A_30, %sub3A_30 : vector<256x256xf32>
    %reduce_sum3A_31 = arith.constant dense<0.000000e+00> : vector<256xf32>
    %reduce_sum3A_32 = vector.multi_reduction <add>, %integer_pow3A, %reduce_sum3A_31 [1] : vector<256x256xf32> to vector<256xf32>
    %broadcast_in_dim3A_33 = vector.shape_cast %reduce_sum3A_32 : vector<256xf32> to vector<256x1xf32>
    %div3A_34 = arith.constant 2.560000e+02 : f32
    %div3A_35 = vector.broadcast %div3A_34 : f32 to vector<256x1xf32>
    %div3A_36 = arith.divf %broadcast_in_dim3A_33, %div3A_35 : vector<256x1xf32>
    %sub3A_37 = vector.broadcast %div3A_29 : vector<256x1xf32> to vector<256x256xf32>
    %sub3A_38 = arith.subf %add3A_26, %sub3A_37 : vector<256x256xf32>
    %add3A_39 = arith.constant 9.99999974E-6 : f32
    %add3A_40 = vector.broadcast %add3A_39 : f32 to vector<256x1xf32>
    %add3A_41 = arith.addf %div3A_36, %add3A_40 : vector<256x1xf32>
    %sqrt3A = math.sqrt %add3A_41 : vector<256x1xf32>
    %div3A_42 = vector.broadcast %sqrt3A : vector<256x1xf32> to vector<256x256xf32>
    %div3A_43 = arith.divf %sub3A_38, %div3A_42 : vector<256x256xf32>
    %get3A_44 = arith.constant 0 : index
    %get3A_45 = arith.constant 0 : index
    %get3A_46 = arith.constant 0 : index
    %get3A_47 = vector.load %arg7[%get3A_44, %get3A_45, %get3A_46] : memref<1x1x256xf32, #tpu.memory_space<vmem>>, vector<1x1x256xf32>
    %get3A_48 = vector.shape_cast %get3A_47 : vector<1x1x256xf32> to vector<1x256xf32>
    %mul3A = vector.broadcast %get3A_48 : vector<1x256xf32> to vector<256x256xf32>
    %mul3A_49 = arith.mulf %div3A_43, %mul3A : vector<256x256xf32>
    %get3A_50 = arith.constant 0 : index
    %get3A_51 = arith.constant 0 : index
    %get3A_52 = arith.constant 0 : index
    %get3A_53 = vector.load %arg8[%get3A_50, %get3A_51, %get3A_52] : memref<1x1x256xf32, #tpu.memory_space<vmem>>, vector<1x1x256xf32>
    %get3A_54 = vector.shape_cast %get3A_53 : vector<1x1x256xf32> to vector<1x256xf32>
    %add3A_55 = vector.broadcast %get3A_54 : vector<1x256xf32> to vector<256x256xf32>
    %add3A_56 = arith.addf %mul3A_49, %add3A_55 : vector<256x256xf32>
    %mul3A_57 = arith.constant 5.000000e-01 : f32
    %mul3A_58 = vector.broadcast %mul3A_57 : f32 to vector<256x256xf32>
    %mul3A_59 = arith.mulf %mul3A_58, %add3A_56 : vector<256x256xf32>
    %mul3A_60 = arith.constant 0.707106769 : f32
    %mul3A_61 = vector.broadcast %mul3A_60 : f32 to vector<256x256xf32>
    %mul3A_62 = arith.mulf %add3A_56, %mul3A_61 : vector<256x256xf32>
    %erf3A = math.erf %mul3A_62 : vector<256x256xf32>
    %add3A_63 = arith.constant 1.000000e+00 : f32
    %add3A_64 = vector.broadcast %add3A_63 : f32 to vector<256x256xf32>
    %add3A_65 = arith.addf %add3A_64, %erf3A : vector<256x256xf32>
    %mul3A_66 = arith.mulf %mul3A_59, %add3A_65 : vector<256x256xf32>
    %get3A_67 = arith.constant 0 : index
    %get3A_68 = arith.constant 0 : index
    %get3A_69 = arith.constant 0 : index
    %get3A_70 = vector.load %arg9[%get3A_67, %get3A_68, %get3A_69] : memref<1x256x256xf32, #tpu.memory_space<vmem>>, vector<1x256x256xf32>
    %get3A_71 = vector.shape_cast %get3A_70 : vector<1x256x256xf32> to vector<256x256xf32>
    %dot_general3A_72 = arith.constant dense<0.000000e+00> : vector<256x256xf32>
    %dot_general3A_73 = tpu.matmul %mul3A_66, %get3A_71, %dot_general3A_72 {dimension_numbers = #tpu.dot_dimension_numbers<[1], [0], [0], [1], [0, 0, 1, 1], [], []>, transpose_lhs_hint = false} : vector<256x256xf32>, vector<256x256xf32>, vector<256x256xf32> -> vector<256x256xf32>
    %get3A_74 = arith.constant 0 : index
    %get3A_75 = arith.constant 0 : index
    %get3A_76 = arith.constant 0 : index
    %get3A_77 = vector.load %arg10[%get3A_74, %get3A_75, %get3A_76] : memref<1x1x256xf32, #tpu.memory_space<vmem>>, vector<1x1x256xf32>
    %get3A_78 = vector.shape_cast %get3A_77 : vector<1x1x256xf32> to vector<1x256xf32>
    %add3A_79 = vector.broadcast %get3A_78 : vector<1x256xf32> to vector<256x256xf32>
    %add3A_80 = arith.addf %dot_general3A_73, %add3A_79 : vector<256x256xf32>
    %reduce_sum3A_81 = arith.constant dense<0.000000e+00> : vector<256xf32>
    %reduce_sum3A_82 = vector.multi_reduction <add>, %add3A_80, %reduce_sum3A_81 [1] : vector<256x256xf32> to vector<256xf32>
    %broadcast_in_dim3A_83 = vector.shape_cast %reduce_sum3A_82 : vector<256xf32> to vector<256x1xf32>
    %div3A_84 = arith.constant 2.560000e+02 : f32
    %div3A_85 = vector.broadcast %div3A_84 : f32 to vector<256x1xf32>
    %div3A_86 = arith.divf %broadcast_in_dim3A_83, %div3A_85 : vector<256x1xf32>
    %sub3A_87 = vector.broadcast %div3A_86 : vector<256x1xf32> to vector<256x256xf32>
    %sub3A_88 = arith.subf %add3A_80, %sub3A_87 : vector<256x256xf32>
    %integer_pow3A_89 = arith.mulf %sub3A_88, %sub3A_88 : vector<256x256xf32>
    %reduce_sum3A_90 = arith.constant dense<0.000000e+00> : vector<256xf32>
    %reduce_sum3A_91 = vector.multi_reduction <add>, %integer_pow3A_89, %reduce_sum3A_90 [1] : vector<256x256xf32> to vector<256xf32>
    %broadcast_in_dim3A_92 = vector.shape_cast %reduce_sum3A_91 : vector<256xf32> to vector<256x1xf32>
    %div3A_93 = arith.constant 2.560000e+02 : f32
    %div3A_94 = vector.broadcast %div3A_93 : f32 to vector<256x1xf32>
    %div3A_95 = arith.divf %broadcast_in_dim3A_92, %div3A_94 : vector<256x1xf32>
    %sub3A_96 = vector.broadcast %div3A_86 : vector<256x1xf32> to vector<256x256xf32>
    %sub3A_97 = arith.subf %add3A_80, %sub3A_96 : vector<256x256xf32>
    %add3A_98 = arith.constant 9.99999974E-6 : f32
    %add3A_99 = vector.broadcast %add3A_98 : f32 to vector<256x1xf32>
    %add3A_100 = arith.addf %div3A_95, %add3A_99 : vector<256x1xf32>
    %sqrt3A_101 = math.sqrt %add3A_100 : vector<256x1xf32>
    %div3A_102 = vector.broadcast %sqrt3A_101 : vector<256x1xf32> to vector<256x256xf32>
    %div3A_103 = arith.divf %sub3A_97, %div3A_102 : vector<256x256xf32>
    %get3A_104 = arith.constant 0 : index
    %get3A_105 = arith.constant 0 : index
    %get3A_106 = arith.constant 0 : index
    %get3A_107 = vector.load %arg11[%get3A_104, %get3A_105, %get3A_106] : memref<1x1x256xf32, #tpu.memory_space<vmem>>, vector<1x1x256xf32>
    %get3A_108 = vector.shape_cast %get3A_107 : vector<1x1x256xf32> to vector<1x256xf32>
    %mul3A_109 = vector.broadcast %get3A_108 : vector<1x256xf32> to vector<256x256xf32>
    %mul3A_110 = arith.mulf %div3A_103, %mul3A_109 : vector<256x256xf32>
    %get3A_111 = arith.constant 0 : index
    %get3A_112 = arith.constant 0 : index
    %get3A_113 = arith.constant 0 : index
    %get3A_114 = vector.load %arg12[%get3A_111, %get3A_112, %get3A_113] : memref<1x1x256xf32, #tpu.memory_space<vmem>>, vector<1x1x256xf32>
    %get3A_115 = vector.shape_cast %get3A_114 : vector<1x1x256xf32> to vector<1x256xf32>
    %add3A_116 = vector.broadcast %get3A_115 : vector<1x256xf32> to vector<256x256xf32>
    %add3A_117 = arith.addf %mul3A_110, %add3A_116 : vector<256x256xf32>
    %mul3A_118 = arith.constant 5.000000e-01 : f32
    %mul3A_119 = vector.broadcast %mul3A_118 : f32 to vector<256x256xf32>
    %mul3A_120 = arith.mulf %mul3A_119, %add3A_117 : vector<256x256xf32>
    %mul3A_121 = arith.constant 0.707106769 : f32
    %mul3A_122 = vector.broadcast %mul3A_121 : f32 to vector<256x256xf32>
    %mul3A_123 = arith.mulf %add3A_117, %mul3A_122 : vector<256x256xf32>
    %erf3A_124 = math.erf %mul3A_123 : vector<256x256xf32>
    %add3A_125 = arith.constant 1.000000e+00 : f32
    %add3A_126 = vector.broadcast %add3A_125 : f32 to vector<256x256xf32>
    %add3A_127 = arith.addf %add3A_126, %erf3A_124 : vector<256x256xf32>
    %mul3A_128 = arith.mulf %mul3A_120, %add3A_127 : vector<256x256xf32>
    %get3A_129 = arith.constant 0 : index
    %get3A_130 = arith.constant 0 : index
    %get3A_131 = arith.constant 0 : index
    %get3A_132 = vector.load %arg13[%get3A_129, %get3A_130, %get3A_131] : memref<1x256x256xf32, #tpu.memory_space<vmem>>, vector<1x256x256xf32>
    %get3A_133 = vector.shape_cast %get3A_132 : vector<1x256x256xf32> to vector<256x256xf32>
    %dot_general3A_134 = arith.constant dense<0.000000e+00> : vector<256x256xf32>
    %dot_general3A_135 = tpu.matmul %mul3A_128, %get3A_133, %dot_general3A_134 {dimension_numbers = #tpu.dot_dimension_numbers<[1], [0], [0], [1], [0, 0, 1, 1], [], []>, transpose_lhs_hint = false} : vector<256x256xf32>, vector<256x256xf32>, vector<256x256xf32> -> vector<256x256xf32>
    %get3A_136 = arith.constant 0 : index
    %get3A_137 = arith.constant 0 : index
    %get3A_138 = arith.constant 0 : index
    %get3A_139 = vector.load %arg14[%get3A_136, %get3A_137, %get3A_138] : memref<1x1x256xf32, #tpu.memory_space<vmem>>, vector<1x1x256xf32>
    %get3A_140 = vector.shape_cast %get3A_139 : vector<1x1x256xf32> to vector<1x256xf32>
    %add3A_141 = vector.broadcast %get3A_140 : vector<1x256xf32> to vector<256x256xf32>
    %add3A_142 = arith.addf %dot_general3A_135, %add3A_141 : vector<256x256xf32>
    %get3A_143 = arith.constant 0 : index
    %get3A_144 = arith.constant 0 : index
    %get3A_145 = vector.load %arg3[%get3A_143, %get3A_144] : memref<256x1xf32, #tpu.memory_space<vmem>>, vector<256x1xf32>
    %mul3A_146 = vector.broadcast %get3A_145 : vector<256x1xf32> to vector<256x256xf32>
    %mul3A_147 = arith.mulf %add3A_142, %mul3A_146 : vector<256x256xf32>
    %swap3A = arith.constant 0 : index
    %swap3A_148 = arith.constant 0 : index
    %swap3A_149 = vector.load %arg15[%swap3A, %swap3A_148] : memref<256x256xf32, #tpu.memory_space<vmem>>, vector<256x256xf32>
    tpu.vector_store %arg15[%swap3A, %swap3A_148], %mul3A_147 {strides = array<i32>} : memref<256x256xf32, #tpu.memory_space<vmem>>, vector<256x256xf32>,
    return
  }
  func.func @transform_0(%arg0: i32, %arg1: memref<72xi32, #tpu.memory_space<smem>>) -> (i32, i32) {
    %c0_i32 = arith.constant 0 : i32
    %c0_i32_0 = arith.constant 0 : i32
    return %arg0, %c0_i32 : i32, i32
  }
  func.func @transform_1(%arg0: i32, %arg1: memref<72xi32, #tpu.memory_space<smem>>) -> (i32, i32) {
    %c0_i32 = arith.constant 0 : i32
    %c0_i32_0 = arith.constant 0 : i32
    return %arg0, %c0_i32 : i32, i32
  }
  func.func @transform_2(%arg0: i32, %arg1: memref<72xi32, #tpu.memory_space<smem>>) -> (i32, i32, i32) {
    %get3A = arith.index_cast %arg0 : i32 to index
    %get3A_0 = memref.load %arg1[%get3A] : memref<72xi32, #tpu.memory_space<smem>>
    %c0_i32 = arith.constant 0 : i32
    %c0_i32_1 = arith.constant 0 : i32
    %c0_i32_2 = arith.constant 0 : i32
    return %get3A_0, %c0_i32, %c0_i32_1 : i32, i32, i32
  }
  func.func @transform_3(%arg0: i32, %arg1: memref<72xi32, #tpu.memory_space<smem>>) -> (i32, i32, i32) {
    %get3A = arith.index_cast %arg0 : i32 to index
    %get3A_0 = memref.load %arg1[%get3A] : memref<72xi32, #tpu.memory_space<smem>>
    %c1_i32 = arith.constant 1 : i32
    %c0_i32 = arith.constant 0 : i32
    %c0_i32_1 = arith.constant 0 : i32
    return %get3A_0, %c1_i32, %c0_i32 : i32, i32, i32
  }
  func.func @transform_4(%arg0: i32, %arg1: memref<72xi32, #tpu.memory_space<smem>>) -> (i32, i32, i32) {
    %get3A = arith.index_cast %arg0 : i32 to index
    %get3A_0 = memref.load %arg1[%get3A] : memref<72xi32, #tpu.memory_space<smem>>
    %c0_i32 = arith.constant 0 : i32
    %c0_i32_1 = arith.constant 0 : i32
    %c0_i32_2 = arith.constant 0 : i32
    return %get3A_0, %c0_i32, %c0_i32_1 : i32, i32, i32
  }
  func.func @transform_5(%arg0: i32, %arg1: memref<72xi32, #tpu.memory_space<smem>>) -> (i32, i32, i32) {
    %get3A = arith.index_cast %arg0 : i32 to index
    %get3A_0 = memref.load %arg1[%get3A] : memref<72xi32, #tpu.memory_space<smem>>
    %c0_i32 = arith.constant 0 : i32
    %c0_i32_1 = arith.constant 0 : i32
    %c0_i32_2 = arith.constant 0 : i32
    return %get3A_0, %c0_i32, %c0_i32_1 : i32, i32, i32
  }
  func.func @transform_6(%arg0: i32, %arg1: memref<72xi32, #tpu.memory_space<smem>>) -> (i32, i32, i32) {
    %get3A = arith.index_cast %arg0 : i32 to index
    %get3A_0 = memref.load %arg1[%get3A] : memref<72xi32, #tpu.memory_space<smem>>
    %c0_i32 = arith.constant 0 : i32
    %c0_i32_1 = arith.constant 0 : i32
    %c0_i32_2 = arith.constant 0 : i32
    return %get3A_0, %c0_i32, %c0_i32_1 : i32, i32, i32
  }
  func.func @transform_7(%arg0: i32, %arg1: memref<72xi32, #tpu.memory_space<smem>>) -> (i32, i32, i32) {
    %get3A = arith.index_cast %arg0 : i32 to index
    %get3A_0 = memref.load %arg1[%get3A] : memref<72xi32, #tpu.memory_space<smem>>
    %c0_i32 = arith.constant 0 : i32
    %c0_i32_1 = arith.constant 0 : i32
    %c0_i32_2 = arith.constant 0 : i32
    return %get3A_0, %c0_i32, %c0_i32_1 : i32, i32, i32
  }
  func.func @transform_8(%arg0: i32, %arg1: memref<72xi32, #tpu.memory_space<smem>>) -> (i32, i32, i32) {
    %get3A = arith.index_cast %arg0 : i32 to index
    %get3A_0 = memref.load %arg1[%get3A] : memref<72xi32, #tpu.memory_space<smem>>
    %c0_i32 = arith.constant 0 : i32
    %c0_i32_1 = arith.constant 0 : i32
    %c0_i32_2 = arith.constant 0 : i32
    return %get3A_0, %c0_i32, %c0_i32_1 : i32, i32, i32
  }
  func.func @transform_9(%arg0: i32, %arg1: memref<72xi32, #tpu.memory_space<smem>>) -> (i32, i32, i32) {
    %get3A = arith.index_cast %arg0 : i32 to index
    %get3A_0 = memref.load %arg1[%get3A] : memref<72xi32, #tpu.memory_space<smem>>
    %c0_i32 = arith.constant 0 : i32
    %c0_i32_1 = arith.constant 0 : i32
    %c0_i32_2 = arith.constant 0 : i32
    return %get3A_0, %c0_i32, %c0_i32_1 : i32, i32, i32
  }
  func.func @transform_10(%arg0: i32, %arg1: memref<72xi32, #tpu.memory_space<smem>>) -> (i32, i32, i32) {
    %get3A = arith.index_cast %arg0 : i32 to index
    %get3A_0 = memref.load %arg1[%get3A] : memref<72xi32, #tpu.memory_space<smem>>
    %c0_i32 = arith.constant 0 : i32
    %c0_i32_1 = arith.constant 0 : i32
    %c0_i32_2 = arith.constant 0 : i32
    return %get3A_0, %c0_i32, %c0_i32_1 : i32, i32, i32
  }
  func.func @transform_11(%arg0: i32, %arg1: memref<72xi32, #tpu.memory_space<smem>>) -> (i32, i32, i32) {
    %get3A = arith.index_cast %arg0 : i32 to index
    %get3A_0 = memref.load %arg1[%get3A] : memref<72xi32, #tpu.memory_space<smem>>
    %c0_i32 = arith.constant 0 : i32
    %c0_i32_1 = arith.constant 0 : i32
    %c0_i32_2 = arith.constant 0 : i32
    return %get3A_0, %c0_i32, %c0_i32_1 : i32, i32, i32
  }
  func.func @transform_12(%arg0: i32, %arg1: memref<72xi32, #tpu.memory_space<smem>>) -> (i32, i32, i32) {
    %get3A = arith.index_cast %arg0 : i32 to index
    %get3A_0 = memref.load %arg1[%get3A] : memref<72xi32, #tpu.memory_space<smem>>
    %c0_i32 = arith.constant 0 : i32
    %c0_i32_1 = arith.constant 0 : i32
    %c0_i32_2 = arith.constant 0 : i32
    return %get3A_0, %c0_i32, %c0_i32_1 : i32, i32, i32
  }
  func.func @transform_13(%arg0: i32, %arg1: memref<72xi32, #tpu.memory_space<smem>>) -> (i32, i32) {
    %c0_i32 = arith.constant 0 : i32
    %c0_i32_0 = arith.constant 0 : i32
    return %arg0, %c0_i32 : i32, i32
  }
}

</mosaic_0001>

<sc_bundles>
// kernel: kernel.10.cloned.1.call-start
scs
__scs_entry_jumppad:
0x0: {  	(pc) =	sbr.rel $0x88, $3  }
0x1: {  	(tag) =	ssettag $0x0;
	lr =	simm.s32 $0x1  }
0x2: {  	[smem:$0x3F94] =	sst lr;
	_ =	strace $0xD0000000  }
0x3: {  	_ = 	snop  }
0x4: {  	_ = 	snop  }
0x5: {  	_ = 	snop  }
0x6: {  	_ = 	snop  }
0x7: {  	_ = 	snop  }
__scs_overlays_trampoline_lowered:
0x8: {  	[smem:$0x3FA3] =	sst s0  }
0x9: {  	[smem:$0x3FA4] =	sst s1  }
0xa: {  	[smem:$0x3FA5] =	sst s2  }
0xb: {  	[smem:$0x3FA6] =	sst s3  }
0xc: {  	[smem:$0x3FA7] =	sst s4  }
0xd: {  	[smem:$0x3FA8] =	sst s5  }
0xe: {  	[smem:$0x3FA9] =	sst s6  }
0xf: {  	[smem:$0x3FAA] =	sst s7  }
0x10: {  	[smem:$0x3FAB] =	sst s8  }
0x11: {  	[smem:$0x3FAC] =	sst s9;
	s0 =	simm.s32 @!p0 $0x0  }
0x12: {  	s1 =	sld [smem:$0x3F92];
	s0 =	simm.s32 @p0 $0x1  }
0x13: {  	[smem:$0x3FAD] =	sst s0;
	s0 =	simm.s32 @!p1 $0x0  }
0x14: {  	s2 =	sld [smem:$0x3F91];
	s0 =	simm.s32 @p1 $0x1  }
0x15: {  	[smem:$0x3FAE] =	sst s0;
	s0 =	simm.s32 @!p2 $0x0  }
0x16: {  	s3 =	sld [smem:$0x3FDB];
	s0 =	simm.s32 @p2 $0x1  }
0x17: {  	s4 =	simm.s32 $0x1BF5;
	[smem:$0x3FB0] =	sst s0  }
0x18: {  	s0 =	sld [smem:$0x3F93];
	_ =	swait.ge [sflag:s4], $0x0  }
0x19: {  	s7 =	sld [smem:$0x3F94]  }
0x1a: {  	s8 =	sadd.s32 $0xFFFFE003, lr  }
0x1b: {  	s9 =	sadd.s32 $0xFFFFFEF7, lr;
	s5 =	simm.s32 $0xFFFFFFFF;
	p2 =	slt.u32 s8, $0xFFFFF086  }
0x1c: {  	p1 =	slt.u32 s9, $0xF7A;
	s5 =	simm.s32 @!p2 $0x0  }
0x1d: {  	s5 =	simm.s32 @p1 $0x1;
	p0 =	seq.s32 s7, s2  }
0x1e: {  	s7 =	smul.u32 @!p0 $0xF7A, s2;
	p2 =	seq.s32 @!p0 s5, $0x0  }
0x1f: {  	s9 =	smul.u32 $0xF7A, s1;
	s8 =	simm.s32 @!p0 $0x1BF5;
	p2 =	por !p2, p0  }
0x20: {  	[sflag:s8] =	ssyncset.s32 @!p0 $0xFFFFF086;
	s6 =	sadd.s32 @!p0 s3, s7;
	s7 =	simm.s32 @!p0 $0x108  }
0x21: {  	s3 =	sadd.s32 s3, s9;
	s6 =	sadd.s32 @!p0 $0x88, s6;
	s7 =	simm.s32 @p2 $0x1082  }
0x22: {  	[simem:s7], [sflag:s8] =	dma.local @!p0 [hbm:s6], $0xF7A  }
0x23: {  	s9 =	sor.u32 $0xD0000000, s2;
	s6 =	simm.s32 $0x108;
	_ =	swait.ge @!p0 [sflag:s8], $0x0  }
0x24: {  	s3 =	sadd.s32 $0x88, s3;
	s6 =	simm.s32 @!p1 $0x1082;
	[sflag:s4] =	ssyncset.s32 $0xFFFFF086  }
0x25: {  	[simem:s6], [sflag:s4] =	dma.local [hbm:s3], $0xF7A  }
0x26: {  	[smem:$0x3F94] =	sst s1;
	(tag) =	ssettag s2;
	_ =	strace s9  }
0x27: {  	s1 =	sld [smem:$0x3FA4]  }
0x28: {  	s2 =	sld [smem:$0x3FA5]  }
0x29: {  	s4 =	sld [smem:$0x3FA7]  }
0x2a: {  	p0 =	seq.s32 s5, $0x0;
	s5 =	sld [smem:$0x3FA8]  }
0x2b: {  	s6 =	sld [smem:$0x3FA9]  }
0x2c: {  	s7 =	sld [smem:$0x3FAA]  }
0x2d: {  	s3 =	simm.s32 $0x108;
	s8 =	sld [smem:$0x3FAB]  }
0x2e: {  	s3 =	simm.s32 @!p0 $0x1082;
	s9 =	sld [smem:$0x3FAC]  }
0x2f: {  	lr =	sadd.s32 s0, s3;
	s0 =	sld [smem:$0x3FA3]  }
0x30: {  	s3 =	sld [smem:$0x3FA6]  }
0x31: {  	[smem:$0x3FAF] =	sst s10  }
0x32: {  	s10 =	sld [smem:$0x3FAD];
	_ =	sdelay $0x3  }
0x33: {  	p0 =	seq.s32 s10, $0x1;
	s10 =	sld [smem:$0x3FAF];
	_ =	sdelay $0x3  }
0x34: {  	[smem:$0x3FAF] =	sst s10  }
0x35: {  	s10 =	sld [smem:$0x3FAE];
	_ =	sdelay $0x3  }
0x36: {  	p1 =	seq.s32 s10, $0x1;
	s10 =	sld [smem:$0x3FAF];
	_ =	sdelay $0x3  }
0x37: {  	[smem:$0x3FAF] =	sst s10  }
0x38: {  	s10 =	sld [smem:$0x3FB0]  }
0x39: {  	_ = 	snop;
	(pc) =	sbr.ind lr, $3  }
0x3a: {  	_ = 	snop  }
0x3b: {  	_ = 	snop  }
0x3c: {  	p2 =	seq.s32 s10, $0x1;
	s10 =	sld [smem:$0x3FAF]  }
0x3d: {  	_ =	shalt  }
0x3e: {  	_ =	shalt  }
0x3f: {  	_ =	shalt  }
0x40: {  	_ =	shalt  }
0x41: {  	_ =	shalt  }
0x42: {  	_ =	shalt  }
0x43: {  	_ =	shalt  }
0x44: {  	_ =	shalt  }
0x45: {  	_ =	shalt  }
0x46: {  	_ =	shalt  }
0x47: {  	_ =	shalt  }
0x48: {  	_ =	shalt  }
0x49: {  	_ =	shalt  }
0x4a: {  	_ =	shalt  }
0x4b: {  	_ =	shalt  }
0x4c: {  	_ =	shalt  }
0x4d: {  	_ =	shalt  }
0x4e: {  	_ =	shalt  }
0x4f: {  	_ =	shalt  }
0x50: {  	_ =	shalt  }
0x51: {  	_ =	shalt  }
0x52: {  	_ =	shalt  }
0x53: {  	_ =	shalt  }
0x54: {  	_ =	shalt  }
0x55: {  	_ =	shalt  }
0x56: {  	_ =	shalt  }
0x57: {  	_ =	shalt  }
0x58: {  	_ =	shalt  }
0x59: {  	_ =	shalt  }
0x5a: {  	_ =	shalt  }
0x5b: {  	_ =	shalt  }
0x5c: {  	_ =	shalt  }
0x5d: {  	_ =	shalt  }
0x5e: {  	_ =	shalt  }
0x5f: {  	_ =	shalt  }
0x60: {  	_ =	shalt  }
0x61: {  	_ =	shalt  }
0x62: {  	_ =	shalt  }
0x63: {  	_ =	shalt  }
0x64: {  	_ =	shalt  }
0x65: {  	_ =	shalt  }
0x66: {  	_ =	shalt  }
0x67: {  	_ =	shalt  }
0x68: {  	_ =	shalt  }
0x69: {  	_ =	shalt  }
0x6a: {  	_ =	shalt  }
0x6b: {  	_ =	shalt  }
0x6c: {  	_ =	shalt  }
0x6d: {  	_ =	shalt  }
0x6e: {  	_ =	shalt  }
0x6f: {  	_ =	shalt  }
0x70: {  	_ =	shalt  }
0x71: {  	_ =	shalt  }
0x72: {  	_ =	shalt  }
0x73: {  	_ =	shalt  }
0x74: {  	_ =	shalt  }
0x75: {  	_ =	shalt  }
0x76: {  	_ =	shalt  }
0x77: {  	_ =	shalt  }
0x78: {  	_ =	shalt  }
0x79: {  	_ =	shalt  }
0x7a: {  	_ =	shalt  }
0x7b: {  	_ =	shalt  }
0x7c: {  	_ =	shalt  }
0x7d: {  	_ =	shalt  }
0x7e: {  	_ =	shalt  }
0x7f: {  	_ =	shalt  }
0x80: {  	_ =	shalt  }
0x81: {  	_ =	shalt  }
0x82: {  	_ =	shalt  }
0x83: {  	_ =	shalt  }
0x84: {  	_ =	shalt  }
0x85: {  	_ =	shalt  }
0x86: {  	_ =	shalt  }
0x87: {  	_ =	shalt  }
.Lfunc_end0:
.L_simem_size_0:
called_computation.1_lowered:
.L_overlay_start_0:
0x88: {  	s2 =	sld [smem:$0x3FD9]  }
0x89: {  	s3 =	sld [smem:$0x3FFE];
	_ =	sdelay $0x1  }
0x8a: {  	s1 =	srdreg.scid  }
0x8b: {  	s0 =	sand.u32 $0x1, s1  }
0x8c: {  	s17 =	sshll.u32 s0, $0xA;
	s2 =	sadd.s32 s3, s2  }
0x8d: {  	s2 =	sadd.s32 s2, s17  }
0x8e: {  	[smem:$0x3FBB] =	sst s2  }
0x8f: {  	_ = 	snop  }
0x90: {  	s2 =	sld [smem:$0x3FD0];
	(tm) =	ssettm $0x1  }
0x91: {  	s18 =	sld [smem:$0x3FFB];
	_ =	sdelay $0x3  }
0x92: {  	_ =	strace s18  }
0x93: {  	s3 =	sld [smem:$0x3FFC];
	_ =	sdelay $0x3  }
0x94: {  	_ =	strace s3  }
0x95: {  	s3 =	sld [smem:$0x3FFD];
	_ =	sdelay $0x3  }
0x96: {  	_ =	strace s3  }
0x97: {  	_ =	strace $0x8FFFFFFF  }
0x98: {  	s19 =	sld [smem:$0x3FDB];
	_ =	sdelay $0x1  }
0x99: {  	s4 =	simm.s32 $_scs_section_size  }
0x9a: {  	s5 =	simm.s32 $_size__tile_overlayer_lowered;
	s6 =	simm.s32 $_tile_overlayer_lowered  }
0x9b: {  	s22 =	simm.s32 $0x1BFF;
	s21 =	sshll.u32 s6, $0x1;
	s3 =	sadd.s32 s4, s19  }
0x9c: {  	s7 =	simm.s32 $0x0;
	s20 =	sshll.u32 s5, $0x1;
	s5 =	sadd.s32 s21, s3  }
0x9d: {  	[timem:s7], [sflag:s22] =	dma.local [hbm:s5], s20  }
0x9e: {  	_ =	swait.ge [sflag:s22], s20  }
0x9f: {  	s4 =	ssub.s32 $0x0, s20;
	[sflag:s22] =	ssyncset.done $0x0  }
0xa0: {  	[sflag:s22] =	ssyncadd.s32 s4;
	_ =	sdelay $0x1  }
0xa1: {  	s23 =	simm.s32 $0x1B8B  }
0xa2: {  	_ =	swait.ge [sflag:s23], $0x1  }
0xa3: {  	[sflag:s23] =	ssyncset.done $0x0  }
0xa4: {  	s25 =	simm.s32 $0x1B8E;
	s24 =	sld [smem:$0x3FFE];
	[sflag:s23] =	ssyncadd.s32 $0xFFFFFFFF  }
0xa5: {  	s26 =	simm.s32 $execute0_lowered;
	[smem:$0x3FD2] =	sst s25  }
0xa6: {  	s5 =	sshll.u32 s26, $0x1;
	_ =	strace $0x80000049;
	[dreg:$0x1] =	wrdreg $0xFFFFFFFF  }
0xa7: {  	s28 =	simm.s32 $_size_execute0_lowered;
	s3 =	sadd.s32 s3, s5;
	[dreg:$0x0] =	wrdreg $0x0  }
0xa8: {  	s5 =	sshll.u32 s28, $0x1;
	[dreg:$0x2] =	wrdreg s3  }
0xa9: {  	[dreg:$0x3] =	wrdreg s5  }
0xaa: {  	[dreg:$0x4] =	wrdreg $0xC0  }
0xab: {  	_ =	task [dreg:s7], $0x5FFFF  }
0xac: {  	[dreg:$0x1] =	wrdreg $0xFFFFFFFF  }
0xad: {  	[dreg:$0x0] =	wrdreg $0x60  }
0xae: {  	[dreg:$0x2] =	wrdreg s24  }
0xaf: {  	[dreg:$0x3] =	wrdreg s2  }
0xb0: {  	[dreg:$0x4] =	wrdreg $0x9  }
0xb1: {  	_ =	task.clear_ibuf [dreg:s7], $0x5FFFF;
	_ =	strace $0x90000049  }
0xb2: {  	s29 =	simm.s32 $0x9;
	_ =	strace $0x8000004B  }
0xb3: {  	_ =	swait.ge [sflag:s29], $0x1  }
0xb4: {  	[sflag:s29] =	ssyncadd.s32 $0xFFFFFFFF  }
0xb5: {  	_ =	strace $0x9000004B  }
0xb6: {  	_ =	sfence  }
0xb7: {  	s30 =	sld [smem:$0x0];
	_ =	sdelay $0x2  }
0xb8: {  	s31 =	sshll.u32 s1, $0xD;
	s1 =	sshrl.u32 s1, $0x2  }
0xb9: {  	s3 =	sand.u32 $0x4000, s31;
	s1 =	sadd.s32 s1, s30  }
0xba: {  	s0 =	sor.u32 s3, s0;
	s1 =	sshll.u32 s1, $0x11  }
0xbb: {  	s0 =	sor.u32 s1, s0  }
0xbc: {  	s0 =	sadd.s32 $0x8F2B, s0  }
0xbd: {  	[sflag:s0] =	ssyncadd.remote.s32 $0x1  }
0xbe: {  	_ =	sfence.sel $0xFFFF  }
0xbf: {  	[dreg:$0x0] =	wrdreg $0xFFFFFFFF;
	(pc) =	sbr.abs _section_cstart, $3  }
0xc0: {  	[dreg:$0x1] =	wrdreg $0xFFFFFFFF  }
0xc1: {  	_ =	task.clear_ibuf [dreg:s7], $0x2FFFF;
	_ =	strace $0x9FFFFFFF  }
0xc2: {  	(tm) =	ssettm $0x7FFFFFFF  }
0xc3: {  	_ =	shalt  }
tec
execute0_lowered:
.L_overlay_start_1:
0x0: {  	(tag) =	ssettag $0x1  }
0x1: {  	s0 =	rddreg [dreg:$0x0]  }
0x2: {  	s1 =	rddreg [dreg:$0x1];
	s2 =	simm.s32 $0x0  }
0x3: {  	s3 =	srdreg.scid;
	s5 =	stileid.u32;
	s28 =	simm.s32 $0x4100  }
0x4: {  	s29 =	simm.s32 $0x4900;
	s30 =	simm.s32 $0x5100;
	s31 =	simm.s32 $0x5900  }
0x5: {  	[smem:$0x7FF] =	sst s2;
	s3 =	sand.u32 $0x1, s3;
	s4 =	sadd.s32 $0x62000, s0  }
0x6: {  	s5 =	sshll.u32 s5, $0x9;
	s7 =	sadd.s32 $0x62400, s0;
	s6 =	sshll.u32 s3, $0x8  }
0x7: {  	_ =	strace $0x8000004A;
	s8 =	ssub.s32 $0x2, s3;
	s5 =	sor.u32 s6, s5  }
0x8: {  	s3 =	sadd.s32 $0x13A800, s0;
	s16 =	sshrl.u32 s8, $0x1;
	s6 =	sshrl.u32 s5, $0x3  }
0x9: {  	s0 =	ssub.s32 s8, s16;
	s18 =	sor.u32 $0x40, s5;
	s19 =	sshll.u32 s5, $0x5  }
0xa: {  	s21 =	sor.u32 $0x80, s5;
	s5 =	sor.u32 $0xC0, s5;
	s17 =	sadd.s32 s4, s6  }
0xb: {  	s6 =	sadd.s32 s7, s6;
	s9 =	sshrl.u32 s18, $0x3;
	s8 =	sshll.u32 s18, $0x5  }
0xc: {  	s22 =	sshrl.u32 s21, $0x3;
	s25 =	sshrl.u32 s5, $0x3;
	s26 =	sshll.u32 s5, $0x5  }
0xd: {  	s16 =	smax.u32 s0, $0x1;
	s18 =	simm.s32 $0x80;
	[dreg:$0x3] =	wrdreg s17  }
0xe: {  	s0 =	simm.s32 $0x6100;
	s5 =	simm.s32 $0x7900;
	[dreg:$0x4] =	wrdreg s6  }
0xf: {  	s6 =	sadd.s32 s1, s19;
	s20 =	sadd.s32 s4, s9;
	s9 =	sadd.s32 s7, s9  }
0x10: {  	s8 =	sadd.s32 s1, s8;
	s23 =	sadd.s32 s4, s22;
	[dreg:$0x5] =	wrdreg s6  }
0x11: {  	s24 =	sadd.s32 s7, s22;
	s4 =	sadd.s32 s4, s25;
	[dreg:$0x6] =	wrdreg s20  }
0x12: {  	s14 =	sadd.s32 s7, s25;
	s15 =	sadd.s32 s1, s26;
	[dreg:$0x7] =	wrdreg s9  }
0x13: {  	s17 =	simm.s32 $0x3;
	s19 =	simm.s32 $0x100;
	[dreg:$0x8] =	wrdreg s8  }
0x14: {  	s22 =	simm.s32 $0x1900;
	s25 =	simm.s32 $0x3100;
	[dreg:$0x9] =	wrdreg s23  }
0x15: {  	s26 =	simm.s32 $0x3900;
	s7 =	simm.s32 $0x2;
	[dreg:$0xa] =	wrdreg s24  }
0x16: {  	s6 =	sshll.u32 s21, $0x5;
	[dreg:$0xc] =	wrdreg s4;
	s20 =	simm.s32 $0x900  }
0x17: {  	v2 =	vlaneseq.u32;
	s21 =	simm.s32 $0x1100;
	s23 =	simm.s32 $0x2100;
	s24 =	simm.s32 $0x2900  }
0x18: {  	vm0 =	vmmov $0xffff;
	v1 =	vshrl.u32 v2, $0x3;
	s4 =	simm.s32 $0x7100;
	s8 =	simm.s32 $0x0;
	s6 =	sadd.s32 s1, s6  }
0x19: {  	v0 =	vand.u32 $0x7, v2;
	v2 =	vor.u32 $0x8, v2;
	v1 =	vmul.u32 $0x8, v1;
	s1 =	simm.s32 $0x6900;
	[dreg:$0xb] =	wrdreg s6;
	s6 =	simm.s32 $0x1  }
.LBB2_1:
0x1a: {  	s9 =	rddreg [dreg:$0x3]  }
0x1b: {  	[tilespmem:s2], [sflag:$0x3] =	stream.linear.gather [hbm4b:s9+s2], $0x40, $0x38;
	[tilespmem:$0x8100] =	vst v63  }
0x1c: {  	_ =	swait.ge [sflag:s17], $0x40  }
0x1d: {  	[sflag:s17] =	ssyncset.done $0x0  }
0x1e: {  	s12 =	rddreg [dreg:$0x4];
	[sflag:s17] =	ssyncadd.s32 $0xFFFFFFC0  }
0x1f: {  	[tilespmem:s18], [sflag:$0x3] =	stream.linear.gather [hbm4b:s12+s2], $0x40, $0x38;
	[tilespmem:$0x8100] =	vst v63  }
0x20: {  	_ =	swait.ge [sflag:s17], $0x40  }
0x21: {  	[sflag:s17] =	ssyncset.done $0x0  }
0x22: {  	[sflag:s17] =	ssyncadd.s32 $0xFFFFFFC0  }
0x23: {  	v3 =	vld [tilespmem:$0x0];
	_ =	sdelay $0x4  }
0x24: {  	v4 =	vshll.u32 v3, $0x1  }
0x25: {  	v3 =	vand.u32 $0x7, v3;
	v4 =	vand.u32 $0xFFFFFFF0, v4  }
0x26: {  	v3 =	vor.u32 v3, v4  }
0x27: {  	v4 =	vperm.xlane v3, v0;
	_ =	sdelay $0x1  }
0x28: {  	v3 =	vperm.xlane v3, v2;
	v4 =	vadd.s32 v1, v4;
	_ =	sdelay $0x1  }
0x29: {  	v3 =	vadd.s32 v1, v3;
	_ =	sdelay $0x2  }
0x2a: {  	[tilespmem:s19], [sflag:$0x1] =	stream.indirect_vreg.gather [hbm4b:s3+s2], $0x80, v4, vm0, $0xb8;
	[tilespmem:$0x8100] =	vst v63  }
0x2b: {  	_ = 	snop  }
0x2c: {  	[tilespmem:s20], [sflag:$0x1] =	stream.indirect_vreg.gather [hbm4b:s3+s2], $0x80, v3, vm0, $0xb8;
	[tilespmem:$0x8100] =	vst v63  }
0x2d: {  	v3 =	vld [tilespmem:$0x10];
	_ =	sdelay $0x4  }
0x2e: {  	v4 =	vshll.u32 v3, $0x1  }
0x2f: {  	v3 =	vand.u32 $0x7, v3;
	v4 =	vand.u32 $0xFFFFFFF0, v4  }
0x30: {  	v3 =	vor.u32 v3, v4  }
0x31: {  	v4 =	vperm.xlane v3, v0;
	_ =	sdelay $0x1  }
0x32: {  	v3 =	vperm.xlane v3, v2;
	v4 =	vadd.s32 v1, v4;
	_ =	sdelay $0x1  }
0x33: {  	v3 =	vadd.s32 v1, v3;
	_ =	sdelay $0x2  }
0x34: {  	[tilespmem:s21], [sflag:$0x1] =	stream.indirect_vreg.gather [hbm4b:s3+s2], $0x80, v4, vm0, $0xb8;
	[tilespmem:$0x8100] =	vst v63  }
0x35: {  	_ = 	snop  }
0x36: {  	[tilespmem:s22], [sflag:$0x1] =	stream.indirect_vreg.gather [hbm4b:s3+s2], $0x80, v3, vm0, $0xb8;
	[tilespmem:$0x8100] =	vst v63  }
0x37: {  	v3 =	vld [tilespmem:$0x20];
	_ =	sdelay $0x4  }
0x38: {  	v4 =	vshll.u32 v3, $0x1  }
0x39: {  	v3 =	vand.u32 $0x7, v3;
	v4 =	vand.u32 $0xFFFFFFF0, v4  }
0x3a: {  	v3 =	vor.u32 v3, v4  }
0x3b: {  	v4 =	vperm.xlane v3, v0;
	_ =	sdelay $0x1  }
0x3c: {  	v3 =	vperm.xlane v3, v2;
	v4 =	vadd.s32 v1, v4;
	_ =	sdelay $0x1  }
0x3d: {  	v3 =	vadd.s32 v1, v3;
	_ =	sdelay $0x2  }
0x3e: {  	[tilespmem:s23], [sflag:$0x1] =	stream.indirect_vreg.gather [hbm4b:s3+s2], $0x80, v4, vm0, $0xb8;
	[tilespmem:$0x8100] =	vst v63  }
0x3f: {  	_ = 	snop  }
0x40: {  	[tilespmem:s24], [sflag:$0x1] =	stream.indirect_vreg.gather [hbm4b:s3+s2], $0x80, v3, vm0, $0xb8;
	[tilespmem:$0x8100] =	vst v63  }
0x41: {  	v3 =	vld [tilespmem:$0x30];
	_ =	sdelay $0x4  }
0x42: {  	v4 =	vshll.u32 v3, $0x1  }
0x43: {  	v3 =	vand.u32 $0x7, v3;
	v4 =	vand.u32 $0xFFFFFFF0, v4  }
0x44: {  	v3 =	vor.u32 v3, v4  }
0x45: {  	v4 =	vperm.xlane v3, v0;
	_ =	sdelay $0x1  }
0x46: {  	v3 =	vperm.xlane v3, v2;
	v4 =	vadd.s32 v1, v4;
	_ =	sdelay $0x1  }
0x47: {  	v3 =	vadd.s32 v1, v3;
	_ =	sdelay $0x2  }
0x48: {  	[tilespmem:s25], [sflag:$0x1] =	stream.indirect_vreg.gather [hbm4b:s3+s2], $0x80, v4, vm0, $0xb8;
	[tilespmem:$0x8100] =	vst v63  }
0x49: {  	_ = 	snop  }
0x4a: {  	[tilespmem:s26], [sflag:$0x1] =	stream.indirect_vreg.gather [hbm4b:s3+s2], $0x80, v3, vm0, $0xb8;
	[tilespmem:$0x8100] =	vst v63  }
0x4b: {  	v3 =	vld [tilespmem:$0x80];
	_ =	sdelay $0x4  }
0x4c: {  	v4 =	vshll.u32 v3, $0x1  }
0x4d: {  	v3 =	vand.u32 $0x7, v3;
	v4 =	vand.u32 $0xFFFFFFF0, v4  }
0x4e: {  	v3 =	vor.u32 v3, v4  }
0x4f: {  	v4 =	vperm.xlane v3, v0;
	_ =	sdelay $0x1  }
0x50: {  	v3 =	vperm.xlane v3, v2;
	v4 =	vadd.s32 v1, v4;
	_ =	sdelay $0x1  }
0x51: {  	v3 =	vadd.s32 v1, v3;
	_ =	sdelay $0x2  }
0x52: {  	[tilespmem:s28], [sflag:$0x2] =	stream.indirect_vreg.gather [hbm4b:s3+s2], $0x80, v4, vm0, $0xb8;
	[tilespmem:$0x8100] =	vst v63  }
0x53: {  	_ = 	snop  }
0x54: {  	[tilespmem:s29], [sflag:$0x2] =	stream.indirect_vreg.gather [hbm4b:s3+s2], $0x80, v3, vm0, $0xb8;
	[tilespmem:$0x8100] =	vst v63  }
0x55: {  	v3 =	vld [tilespmem:$0x90];
	_ =	sdelay $0x4  }
0x56: {  	v4 =	vshll.u32 v3, $0x1  }
0x57: {  	v3 =	vand.u32 $0x7, v3;
	v4 =	vand.u32 $0xFFFFFFF0, v4  }
0x58: {  	v3 =	vor.u32 v3, v4  }
0x59: {  	v4 =	vperm.xlane v3, v0;
	_ =	sdelay $0x1  }
0x5a: {  	v3 =	vperm.xlane v3, v2;
	v4 =	vadd.s32 v1, v4;
	_ =	sdelay $0x1  }
0x5b: {  	v3 =	vadd.s32 v1, v3;
	_ =	sdelay $0x2  }
0x5c: {  	[tilespmem:s30], [sflag:$0x2] =	stream.indirect_vreg.gather [hbm4b:s3+s2], $0x80, v4, vm0, $0xb8;
	[tilespmem:$0x8100] =	vst v63  }
0x5d: {  	_ = 	snop  }
0x5e: {  	[tilespmem:s31], [sflag:$0x2] =	stream.indirect_vreg.gather [hbm4b:s3+s2], $0x80, v3, vm0, $0xb8;
	[tilespmem:$0x8100] =	vst v63  }
0x5f: {  	v3 =	vld [tilespmem:$0xA0];
	_ =	sdelay $0x4  }
0x60: {  	v4 =	vshll.u32 v3, $0x1  }
0x61: {  	v3 =	vand.u32 $0x7, v3;
	v4 =	vand.u32 $0xFFFFFFF0, v4  }
0x62: {  	v3 =	vor.u32 v3, v4  }
0x63: {  	v4 =	vperm.xlane v3, v0;
	_ =	sdelay $0x1  }
0x64: {  	v3 =	vperm.xlane v3, v2;
	v4 =	vadd.s32 v1, v4;
	_ =	sdelay $0x1  }
0x65: {  	v3 =	vadd.s32 v1, v3;
	_ =	sdelay $0x2  }
0x66: {  	[tilespmem:s0], [sflag:$0x2] =	stream.indirect_vreg.gather [hbm4b:s3+s2], $0x80, v4, vm0, $0xb8;
	[tilespmem:$0x8100] =	vst v63  }
0x67: {  	_ = 	snop  }
0x68: {  	[tilespmem:s1], [sflag:$0x2] =	stream.indirect_vreg.gather [hbm4b:s3+s2], $0x80, v3, vm0, $0xb8;
	[tilespmem:$0x8100] =	vst v63  }
0x69: {  	v3 =	vld [tilespmem:$0xB0];
	_ =	sdelay $0x4  }
0x6a: {  	v4 =	vshll.u32 v3, $0x1  }
0x6b: {  	v3 =	vand.u32 $0x7, v3;
	v4 =	vand.u32 $0xFFFFFFF0, v4  }
0x6c: {  	v3 =	vor.u32 v3, v4  }
0x6d: {  	v4 =	vperm.xlane v3, v0;
	_ =	sdelay $0x1  }
0x6e: {  	v3 =	vperm.xlane v3, v2;
	v4 =	vadd.s32 v1, v4;
	_ =	sdelay $0x1  }
0x6f: {  	v3 =	vadd.s32 v1, v3;
	_ =	sdelay $0x2  }
0x70: {  	[tilespmem:s4], [sflag:$0x2] =	stream.indirect_vreg.gather [hbm4b:s3+s2], $0x80, v4, vm0, $0xb8;
	[tilespmem:$0x8100] =	vst v63  }
0x71: {  	_ = 	snop  }
0x72: {  	[tilespmem:s5], [sflag:$0x2] =	stream.indirect_vreg.gather [hbm4b:s3+s2], $0x80, v3, vm0, $0xb8;
	[tilespmem:$0x8100] =	vst v63  }
0x73: {  	_ =	swait.ge [sflag:s6], $0x4000  }
0x74: {  	[sflag:s6] =	ssyncset.done $0x0  }
0x75: {  	[sflag:s6] =	ssyncadd.s32 $0xFFFFC000  }
0x76: {  	_ =	swait.ge [sflag:s7], $0x4000  }
0x77: {  	s13 =	sand.u32 $0x3800, s2;
	s10 =	sand.u32 $0x380, s2;
	[sflag:s7] =	ssyncset.done $0x0  }
0x78: {  	s9 =	sor.u32 s10, s13;
	[sflag:s7] =	ssyncadd.s32 $0xFFFFC000  }
0x79: {  	v10 =	vld [tilespmem:s9+$0x4100]  }
0x7a: {  	v11 =	vld [tilespmem:s9+$0x4110]  }
0x7b: {  	v12 =	vld [tilespmem:s9+$0x4120]  }
0x7c: {  	v13 =	vld [tilespmem:s9+$0x4130]  }
0x7d: {  	v14 =	vld [tilespmem:s9+$0x4140]  }
0x7e: {  	v15 =	vld [tilespmem:s9+$0x4150]  }
0x7f: {  	v16 =	vld [tilespmem:s9+$0x4160]  }
0x80: {  	v17 =	vld [tilespmem:s9+$0x4170]  }
0x81: {  	v18 =	vld [tilespmem:s9+$0x4500]  }
0x82: {  	v9 =	vld [tilespmem:s9+$0x4510]  }
0x83: {  	v8 =	vld [tilespmem:s9+$0x4520]  }
0x84: {  	v7 =	vld [tilespmem:s9+$0x4530]  }
0x85: {  	v6 =	vld [tilespmem:s9+$0x4540]  }
0x86: {  	v5 =	vld [tilespmem:s9+$0x4550]  }
0x87: {  	v4 =	vld [tilespmem:s9+$0x4560]  }
0x88: {  	v3 =	vld [tilespmem:s9+$0x4570]  }
0x89: {  	v19 =	vld [tilespmem:s9+$0x100]  }
0x8a: {  	v20 =	vld [tilespmem:s9+$0x110]  }
0x8b: {  	v21 =	vld [tilespmem:s9+$0x120]  }
0x8c: {  	v22 =	vld [tilespmem:s9+$0x130]  }
0x8d: {  	v23 =	vld [tilespmem:s9+$0x140]  }
0x8e: {  	v10 =	vadd.f32 v10, v19;
	v19 =	vld [tilespmem:s9+$0x150]  }
0x8f: {  	v61 =	vld [tilespmem:s9+$0x160];
	v11 =	vadd.f32 v11, v20  }
0x90: {  	v62 =	vld [tilespmem:s9+$0x170];
	[tilespmem:s9+$0x100] =	vst v10;
	v10 =	vadd.f32 v12, v21  }
0x91: {  	v63 =	vld [tilespmem:s9+$0x500];
	[tilespmem:s9+$0x110] =	vst v11;
	v11 =	vadd.f32 v13, v22  }
0x92: {  	v13 =	vld [tilespmem:s9+$0x510];
	[tilespmem:s9+$0x120] =	vst v10;
	v10 =	vadd.f32 v14, v23  }
0x93: {  	v12 =	vld [tilespmem:s9+$0x520];
	[tilespmem:s9+$0x130] =	vst v11;
	v11 =	vadd.f32 v15, v19  }
0x94: {  	v14 =	vadd.f32 v16, v61;
	[tilespmem:s9+$0x140] =	vst v10;
	v10 =	vld [tilespmem:s9+$0x530]  }
0x95: {  	v16 =	vadd.f32 v17, v62;
	[tilespmem:s9+$0x150] =	vst v11;
	v11 =	vld [tilespmem:s9+$0x540]  }
0x96: {  	s11 =	simm.s32 $0x100;
	s10 =	simm.s32 $0x80;
	v15 =	vadd.f32 v18, v63;
	[tilespmem:s9+$0x160] =	vst v14;
	v14 =	vld [tilespmem:s9+$0x550]  }
.LBB2_2:
0x97: {  	s12 =	sand.u32 $0x3800, s11;
	s13 =	sand.u32 $0x380, s10;
	p0 =	sne.s32 s11, $0x3F00;
	[tilespmem:s9+$0x170] =	vst v16;
	v9 =	vadd.f32 v9, v13;
	v13 =	vld [tilespmem:s9+$0x560]  }
0x98: {  	s12 =	sor.u32 s13, s12;
	[tilespmem:s9+$0x500] =	vst v15;
	v8 =	vadd.f32 v8, v12;
	v12 =	vld [tilespmem:s9+$0x570]  }
0x99: {  	v15 =	vld [tilespmem:s12+$0x4100];
	[tilespmem:s9+$0x510] =	vst v9;
	v7 =	vadd.f32 v7, v10  }
0x9a: {  	v10 =	vld [tilespmem:s12+$0x4110];
	[tilespmem:s9+$0x520] =	vst v8;
	v6 =	vadd.f32 v6, v11  }
0x9b: {  	v11 =	vld [tilespmem:s12+$0x4120];
	[tilespmem:s9+$0x530] =	vst v7;
	v5 =	vadd.f32 v5, v14  }
0x9c: {  	v14 =	vld [tilespmem:s12+$0x4130];
	[tilespmem:s9+$0x540] =	vst v6;
	v4 =	vadd.f32 v4, v13  }
0x9d: {  	v13 =	vld [tilespmem:s12+$0x4140];
	[tilespmem:s9+$0x550] =	vst v5;
	v3 =	vadd.f32 v3, v12  }
0x9e: {  	v12 =	vld [tilespmem:s12+$0x4150];
	[tilespmem:s9+$0x560] =	vst v4  }
0x9f: {  	v16 =	vld [tilespmem:s12+$0x4160];
	[tilespmem:s9+$0x570] =	vst v3;
	s9 =	smov.u32 s12  }
0xa0: {  	v17 =	vld [tilespmem:s9+$0x4170]  }
0xa1: {  	v18 =	vld [tilespmem:s9+$0x4500]  }
0xa2: {  	v9 =	vld [tilespmem:s9+$0x4510]  }
0xa3: {  	v8 =	vld [tilespmem:s9+$0x4520]  }
0xa4: {  	v7 =	vld [tilespmem:s9+$0x4530]  }
0xa5: {  	v6 =	vld [tilespmem:s9+$0x4540]  }
0xa6: {  	v5 =	vld [tilespmem:s9+$0x4550]  }
0xa7: {  	v4 =	vld [tilespmem:s9+$0x4560]  }
0xa8: {  	v3 =	vld [tilespmem:s9+$0x4570]  }
0xa9: {  	v19 =	vld [tilespmem:s9+$0x100]  }
0xaa: {  	v20 =	vld [tilespmem:s9+$0x110]  }
0xab: {  	v21 =	vld [tilespmem:s9+$0x120]  }
0xac: {  	v22 =	vld [tilespmem:s9+$0x130]  }
0xad: {  	v23 =	vld [tilespmem:s9+$0x140]  }
0xae: {  	v15 =	vadd.f32 v15, v19;
	v19 =	vld [tilespmem:s9+$0x150]  }
0xaf: {  	v10 =	vadd.f32 v10, v20;
	v20 =	vld [tilespmem:s9+$0x160]  }
0xb0: {  	[tilespmem:s9+$0x100] =	vst v15;
	v11 =	vadd.f32 v11, v21;
	v15 =	vld [tilespmem:s9+$0x170]  }
0xb1: {  	[tilespmem:s9+$0x110] =	vst v10;
	v10 =	vadd.f32 v14, v22;
	v14 =	vld [tilespmem:s9+$0x500]  }
.Ltmp0:
0xb2: {  	[tilespmem:s9+$0x120] =	vst v11;
	v11 =	vadd.f32 v13, v23;
	v13 =	vld [tilespmem:s9+$0x510];
	(pc) =	sbr.rel @p0 .LBB2_2-.Ltmp0, $4  }
0xb3: {  	[tilespmem:s9+$0x130] =	vst v10;
	v19 =	vadd.f32 v12, v19;
	v12 =	vld [tilespmem:s9+$0x520]  }
0xb4: {  	[tilespmem:s9+$0x140] =	vst v11;
	v20 =	vadd.f32 v16, v20;
	v10 =	vld [tilespmem:s9+$0x530]  }
0xb5: {  	[tilespmem:s9+$0x150] =	vst v19;
	v16 =	vadd.f32 v17, v15;
	v11 =	vld [tilespmem:s9+$0x540]  }
0xb6: {  	s10 =	sadd.s32 $0x80, s10;
	s11 =	sadd.s32 $0x100, s11;
	[tilespmem:s9+$0x160] =	vst v20;
	v15 =	vadd.f32 v18, v14;
	v14 =	vld [tilespmem:s9+$0x550]  }
0xb7: {  	[tilespmem:s9+$0x170] =	vst v16;
	v9 =	vadd.f32 v9, v13;
	v13 =	vld [tilespmem:s9+$0x560]  }
0xb8: {  	[tilespmem:s9+$0x500] =	vst v15;
	v8 =	vadd.f32 v8, v12;
	v12 =	vld [tilespmem:s9+$0x570]  }
0xb9: {  	[tilespmem:s9+$0x510] =	vst v9;
	v7 =	vadd.f32 v7, v10  }
0xba: {  	[tilespmem:s9+$0x520] =	vst v8;
	v6 =	vadd.f32 v6, v11  }
0xbb: {  	[tilespmem:s9+$0x530] =	vst v7;
	v5 =	vadd.f32 v5, v14  }
0xbc: {  	[tilespmem:s9+$0x540] =	vst v6;
	v4 =	vadd.f32 v4, v13  }
0xbd: {  	[tilespmem:s9+$0x550] =	vst v5;
	v3 =	vadd.f32 v3, v12  }
0xbe: {  	[tilespmem:s9+$0x560] =	vst v4  }
0xbf: {  	s10 =	rddreg [dreg:$0x5];
	[tilespmem:s9+$0x570] =	vst v3;
	s9 =	simm.s32 $0x0  }
0xc0: {  	[hbm4b:s10+s9] =	stream.linear.scatter [tilespmem:s19], [sflag:$0x3], $0x4000, $0x38;
	[tilespmem:$0x8100] =	vst v63  }
0xc1: {  	_ =	swait.ge [sflag:s17], $0x4000  }
0xc2: {  	[sflag:s17] =	ssyncset.done $0x0  }
0xc3: {  	s11 =	rddreg [dreg:$0x6];
	[sflag:s17] =	ssyncadd.s32 $0xFFFFC000  }
0xc4: {  	[tilespmem:s9], [sflag:$0x3] =	stream.linear.gather [hbm4b:s11+s9], $0x40, $0x38;
	[tilespmem:$0x8100] =	vst v63  }
0xc5: {  	_ =	swait.ge [sflag:s17], $0x40  }
0xc6: {  	[sflag:s17] =	ssyncset.done $0x0  }
0xc7: {  	s12 =	rddreg [dreg:$0x7];
	[sflag:s17] =	ssyncadd.s32 $0xFFFFFFC0  }
0xc8: {  	[tilespmem:s18], [sflag:$0x3] =	stream.linear.gather [hbm4b:s12+s9], $0x40, $0x38;
	[tilespmem:$0x8100] =	vst v63  }
0xc9: {  	_ =	swait.ge [sflag:s17], $0x40  }
0xca: {  	[sflag:s17] =	ssyncset.done $0x0  }
0xcb: {  	[sflag:s17] =	ssyncadd.s32 $0xFFFFFFC0  }
0xcc: {  	v3 =	vld [tilespmem:$0x0];
	_ =	sdelay $0x4  }
0xcd: {  	v4 =	vshll.u32 v3, $0x1  }
0xce: {  	v3 =	vand.u32 $0x7, v3;
	v4 =	vand.u32 $0xFFFFFFF0, v4  }
0xcf: {  	v3 =	vor.u32 v3, v4  }
0xd0: {  	v4 =	vperm.xlane v3, v0;
	_ =	sdelay $0x1  }
0xd1: {  	v3 =	vperm.xlane v3, v2;
	v4 =	vadd.s32 v1, v4;
	_ =	sdelay $0x1  }
0xd2: {  	v3 =	vadd.s32 v1, v3;
	_ =	sdelay $0x2  }
0xd3: {  	[tilespmem:s19], [sflag:$0x1] =	stream.indirect_vreg.gather [hbm4b:s3+s9], $0x80, v4, vm0, $0xb8;
	[tilespmem:$0x8100] =	vst v63  }
0xd4: {  	_ = 	snop  }
0xd5: {  	[tilespmem:s20], [sflag:$0x1] =	stream.indirect_vreg.gather [hbm4b:s3+s9], $0x80, v3, vm0, $0xb8;
	[tilespmem:$0x8100] =	vst v63  }
0xd6: {  	v3 =	vld [tilespmem:$0x10];
	_ =	sdelay $0x4  }
0xd7: {  	v4 =	vshll.u32 v3, $0x1  }
0xd8: {  	v3 =	vand.u32 $0x7, v3;
	v4 =	vand.u32 $0xFFFFFFF0, v4  }
0xd9: {  	v3 =	vor.u32 v3, v4  }
0xda: {  	v4 =	vperm.xlane v3, v0;
	_ =	sdelay $0x1  }
0xdb: {  	v3 =	vperm.xlane v3, v2;
	v4 =	vadd.s32 v1, v4;
	_ =	sdelay $0x1  }
0xdc: {  	v3 =	vadd.s32 v1, v3;
	_ =	sdelay $0x2  }
0xdd: {  	[tilespmem:s21], [sflag:$0x1] =	stream.indirect_vreg.gather [hbm4b:s3+s9], $0x80, v4, vm0, $0xb8;
	[tilespmem:$0x8100] =	vst v63  }
0xde: {  	_ = 	snop  }
0xdf: {  	[tilespmem:s22], [sflag:$0x1] =	stream.indirect_vreg.gather [hbm4b:s3+s9], $0x80, v3, vm0, $0xb8;
	[tilespmem:$0x8100] =	vst v63  }
0xe0: {  	v3 =	vld [tilespmem:$0x20];
	_ =	sdelay $0x4  }
0xe1: {  	v4 =	vshll.u32 v3, $0x1  }
0xe2: {  	v3 =	vand.u32 $0x7, v3;
	v4 =	vand.u32 $0xFFFFFFF0, v4  }
0xe3: {  	v3 =	vor.u32 v3, v4  }
0xe4: {  	v4 =	vperm.xlane v3, v0;
	_ =	sdelay $0x1  }
0xe5: {  	v3 =	vperm.xlane v3, v2;
	v4 =	vadd.s32 v1, v4;
	_ =	sdelay $0x1  }
0xe6: {  	v3 =	vadd.s32 v1, v3;
	_ =	sdelay $0x2  }
0xe7: {  	[tilespmem:s23], [sflag:$0x1] =	stream.indirect_vreg.gather [hbm4b:s3+s9], $0x80, v4, vm0, $0xb8;
	[tilespmem:$0x8100] =	vst v63  }
0xe8: {  	_ = 	snop  }
0xe9: {  	[tilespmem:s24], [sflag:$0x1] =	stream.indirect_vreg.gather [hbm4b:s3+s9], $0x80, v3, vm0, $0xb8;
	[tilespmem:$0x8100] =	vst v63  }
0xea: {  	v3 =	vld [tilespmem:$0x30];
	_ =	sdelay $0x4  }
0xeb: {  	v4 =	vshll.u32 v3, $0x1  }
0xec: {  	v3 =	vand.u32 $0x7, v3;
	v4 =	vand.u32 $0xFFFFFFF0, v4  }
0xed: {  	v3 =	vor.u32 v3, v4  }
0xee: {  	v4 =	vperm.xlane v3, v0;
	_ =	sdelay $0x1  }
0xef: {  	v3 =	vperm.xlane v3, v2;
	v4 =	vadd.s32 v1, v4;
	_ =	sdelay $0x1  }
0xf0: {  	v3 =	vadd.s32 v1, v3;
	_ =	sdelay $0x2  }
0xf1: {  	[tilespmem:s25], [sflag:$0x1] =	stream.indirect_vreg.gather [hbm4b:s3+s9], $0x80, v4, vm0, $0xb8;
	[tilespmem:$0x8100] =	vst v63  }
0xf2: {  	_ = 	snop  }
0xf3: {  	[tilespmem:s26], [sflag:$0x1] =	stream.indirect_vreg.gather [hbm4b:s3+s9], $0x80, v3, vm0, $0xb8;
	[tilespmem:$0x8100] =	vst v63  }
0xf4: {  	v3 =	vld [tilespmem:$0x80];
	_ =	sdelay $0x4  }
0xf5: {  	v4 =	vshll.u32 v3, $0x1  }
0xf6: {  	v3 =	vand.u32 $0x7, v3;
	v4 =	vand.u32 $0xFFFFFFF0, v4  }
0xf7: {  	v3 =	vor.u32 v3, v4  }
0xf8: {  	v4 =	vperm.xlane v3, v0;
	_ =	sdelay $0x1  }
0xf9: {  	v3 =	vperm.xlane v3, v2;
	v4 =	vadd.s32 v1, v4;
	_ =	sdelay $0x1  }
0xfa: {  	v3 =	vadd.s32 v1, v3;
	_ =	sdelay $0x2  }
0xfb: {  	[tilespmem:s28], [sflag:$0x2] =	stream.indirect_vreg.gather [hbm4b:s3+s9], $0x80, v4, vm0, $0xb8;
	[tilespmem:$0x8100] =	vst v63  }
0xfc: {  	_ = 	snop  }
0xfd: {  	[tilespmem:s29], [sflag:$0x2] =	stream.indirect_vreg.gather [hbm4b:s3+s9], $0x80, v3, vm0, $0xb8;
	[tilespmem:$0x8100] =	vst v63  }
0xfe: {  	v3 =	vld [tilespmem:$0x90];
	_ =	sdelay $0x4  }
0xff: {  	v4 =	vshll.u32 v3, $0x1  }
0x100: {  	v3 =	vand.u32 $0x7, v3;
	v4 =	vand.u32 $0xFFFFFFF0, v4  }
0x101: {  	v3 =	vor.u32 v3, v4  }
0x102: {  	v4 =	vperm.xlane v3, v0;
	_ =	sdelay $0x1  }
0x103: {  	v3 =	vperm.xlane v3, v2;
	v4 =	vadd.s32 v1, v4;
	_ =	sdelay $0x1  }
0x104: {  	v3 =	vadd.s32 v1, v3;
	_ =	sdelay $0x2  }
0x105: {  	[tilespmem:s30], [sflag:$0x2] =	stream.indirect_vreg.gather [hbm4b:s3+s9], $0x80, v4, vm0, $0xb8;
	[tilespmem:$0x8100] =	vst v63  }
0x106: {  	_ = 	snop  }
0x107: {  	[tilespmem:s31], [sflag:$0x2] =	stream.indirect_vreg.gather [hbm4b:s3+s9], $0x80, v3, vm0, $0xb8;
	[tilespmem:$0x8100] =	vst v63  }
0x108: {  	v3 =	vld [tilespmem:$0xA0];
	_ =	sdelay $0x4  }
0x109: {  	v4 =	vshll.u32 v3, $0x1  }
0x10a: {  	v3 =	vand.u32 $0x7, v3;
	v4 =	vand.u32 $0xFFFFFFF0, v4  }
0x10b: {  	v3 =	vor.u32 v3, v4  }
0x10c: {  	v4 =	vperm.xlane v3, v0;
	_ =	sdelay $0x1  }
0x10d: {  	v3 =	vperm.xlane v3, v2;
	v4 =	vadd.s32 v1, v4;
	_ =	sdelay $0x1  }
0x10e: {  	v3 =	vadd.s32 v1, v3;
	_ =	sdelay $0x2  }
0x10f: {  	[tilespmem:s0], [sflag:$0x2] =	stream.indirect_vreg.gather [hbm4b:s3+s9], $0x80, v4, vm0, $0xb8;
	[tilespmem:$0x8100] =	vst v63  }
0x110: {  	_ = 	snop  }
0x111: {  	[tilespmem:s1], [sflag:$0x2] =	stream.indirect_vreg.gather [hbm4b:s3+s9], $0x80, v3, vm0, $0xb8;
	[tilespmem:$0x8100] =	vst v63  }
0x112: {  	v3 =	vld [tilespmem:$0xB0];
	_ =	sdelay $0x4  }
0x113: {  	v4 =	vshll.u32 v3, $0x1  }
0x114: {  	v3 =	vand.u32 $0x7, v3;
	v4 =	vand.u32 $0xFFFFFFF0, v4  }
0x115: {  	v3 =	vor.u32 v3, v4  }
0x116: {  	v4 =	vperm.xlane v3, v0;
	_ =	sdelay $0x1  }
0x117: {  	v3 =	vperm.xlane v3, v2;
	v4 =	vadd.s32 v1, v4;
	_ =	sdelay $0x1  }
0x118: {  	v3 =	vadd.s32 v1, v3;
	_ =	sdelay $0x2  }
0x119: {  	[tilespmem:s4], [sflag:$0x2] =	stream.indirect_vreg.gather [hbm4b:s3+s9], $0x80, v4, vm0, $0xb8;
	[tilespmem:$0x8100] =	vst v63  }
0x11a: {  	_ = 	snop  }
0x11b: {  	[tilespmem:s5], [sflag:$0x2] =	stream.indirect_vreg.gather [hbm4b:s3+s9], $0x80, v3, vm0, $0xb8;
	[tilespmem:$0x8100] =	vst v63  }
0x11c: {  	_ =	swait.ge [sflag:s6], $0x4000  }
0x11d: {  	[sflag:s6] =	ssyncset.done $0x0  }
0x11e: {  	[sflag:s6] =	ssyncadd.s32 $0xFFFFC000  }
0x11f: {  	_ =	swait.ge [sflag:s7], $0x4000  }
0x120: {  	s13 =	sand.u32 $0x3800, s9;
	s9 =	sand.u32 $0x380, s9;
	[sflag:s7] =	ssyncset.done $0x0  }
0x121: {  	s9 =	sor.u32 s9, s13;
	[sflag:s7] =	ssyncadd.s32 $0xFFFFC000  }
0x122: {  	v10 =	vld [tilespmem:s9+$0x4100]  }
0x123: {  	v11 =	vld [tilespmem:s9+$0x4110]  }
0x124: {  	v12 =	vld [tilespmem:s9+$0x4120]  }
0x125: {  	v13 =	vld [tilespmem:s9+$0x4130]  }
0x126: {  	v14 =	vld [tilespmem:s9+$0x4140]  }
0x127: {  	v15 =	vld [tilespmem:s9+$0x4150]  }
0x128: {  	v16 =	vld [tilespmem:s9+$0x4160]  }
0x129: {  	v17 =	vld [tilespmem:s9+$0x4170]  }
0x12a: {  	v18 =	vld [tilespmem:s9+$0x4500]  }
0x12b: {  	v9 =	vld [tilespmem:s9+$0x4510]  }
0x12c: {  	v8 =	vld [tilespmem:s9+$0x4520]  }
0x12d: {  	v7 =	vld [tilespmem:s9+$0x4530]  }
0x12e: {  	v6 =	vld [tilespmem:s9+$0x4540]  }
0x12f: {  	v5 =	vld [tilespmem:s9+$0x4550]  }
0x130: {  	v4 =	vld [tilespmem:s9+$0x4560]  }
0x131: {  	v3 =	vld [tilespmem:s9+$0x4570]  }
0x132: {  	v19 =	vld [tilespmem:s9+$0x100]  }
0x133: {  	v20 =	vld [tilespmem:s9+$0x110]  }
0x134: {  	v21 =	vld [tilespmem:s9+$0x120]  }
0x135: {  	v22 =	vld [tilespmem:s9+$0x130]  }
0x136: {  	v23 =	vld [tilespmem:s9+$0x140]  }
0x137: {  	v10 =	vadd.f32 v10, v19;
	v19 =	vld [tilespmem:s9+$0x150]  }
0x138: {  	v61 =	vld [tilespmem:s9+$0x160];
	v11 =	vadd.f32 v11, v20  }
0x139: {  	v62 =	vld [tilespmem:s9+$0x170];
	[tilespmem:s9+$0x100] =	vst v10;
	v10 =	vadd.f32 v12, v21  }
0x13a: {  	v63 =	vld [tilespmem:s9+$0x500];
	[tilespmem:s9+$0x110] =	vst v11;
	v11 =	vadd.f32 v13, v22  }
0x13b: {  	v13 =	vld [tilespmem:s9+$0x510];
	[tilespmem:s9+$0x120] =	vst v10;
	v10 =	vadd.f32 v14, v23  }
0x13c: {  	v12 =	vld [tilespmem:s9+$0x520];
	[tilespmem:s9+$0x130] =	vst v11;
	v11 =	vadd.f32 v15, v19  }
0x13d: {  	v14 =	vadd.f32 v16, v61;
	[tilespmem:s9+$0x140] =	vst v10;
	v10 =	vld [tilespmem:s9+$0x530]  }
0x13e: {  	v16 =	vadd.f32 v17, v62;
	[tilespmem:s9+$0x150] =	vst v11;
	v11 =	vld [tilespmem:s9+$0x540]  }
0x13f: {  	s10 =	simm.s32 $0x80;
	s11 =	simm.s32 $0x100;
	v15 =	vadd.f32 v18, v63;
	[tilespmem:s9+$0x160] =	vst v14;
	v14 =	vld [tilespmem:s9+$0x550]  }
.LBB2_4:
0x140: {  	s12 =	sand.u32 $0x3800, s11;
	s13 =	sand.u32 $0x380, s10;
	p0 =	sne.s32 s11, $0x3F00;
	[tilespmem:s9+$0x170] =	vst v16;
	v9 =	vadd.f32 v9, v13;
	v13 =	vld [tilespmem:s9+$0x560]  }
0x141: {  	s12 =	sor.u32 s13, s12;
	[tilespmem:s9+$0x500] =	vst v15;
	v8 =	vadd.f32 v8, v12;
	v12 =	vld [tilespmem:s9+$0x570]  }
0x142: {  	v15 =	vld [tilespmem:s12+$0x4100];
	[tilespmem:s9+$0x510] =	vst v9;
	v7 =	vadd.f32 v7, v10  }
0x143: {  	v10 =	vld [tilespmem:s12+$0x4110];
	[tilespmem:s9+$0x520] =	vst v8;
	v6 =	vadd.f32 v6, v11  }
0x144: {  	v11 =	vld [tilespmem:s12+$0x4120];
	[tilespmem:s9+$0x530] =	vst v7;
	v5 =	vadd.f32 v5, v14  }
0x145: {  	v14 =	vld [tilespmem:s12+$0x4130];
	[tilespmem:s9+$0x540] =	vst v6;
	v4 =	vadd.f32 v4, v13  }
0x146: {  	v13 =	vld [tilespmem:s12+$0x4140];
	[tilespmem:s9+$0x550] =	vst v5;
	v3 =	vadd.f32 v3, v12  }
0x147: {  	v12 =	vld [tilespmem:s12+$0x4150];
	[tilespmem:s9+$0x560] =	vst v4  }
0x148: {  	v16 =	vld [tilespmem:s12+$0x4160];
	[tilespmem:s9+$0x570] =	vst v3;
	s9 =	smov.u32 s12  }
0x149: {  	v17 =	vld [tilespmem:s9+$0x4170]  }
0x14a: {  	v18 =	vld [tilespmem:s9+$0x4500]  }
0x14b: {  	v9 =	vld [tilespmem:s9+$0x4510]  }
0x14c: {  	v8 =	vld [tilespmem:s9+$0x4520]  }
0x14d: {  	v7 =	vld [tilespmem:s9+$0x4530]  }
0x14e: {  	v6 =	vld [tilespmem:s9+$0x4540]  }
0x14f: {  	v5 =	vld [tilespmem:s9+$0x4550]  }
0x150: {  	v4 =	vld [tilespmem:s9+$0x4560]  }
0x151: {  	v3 =	vld [tilespmem:s9+$0x4570]  }
0x152: {  	v19 =	vld [tilespmem:s9+$0x100]  }
0x153: {  	v20 =	vld [tilespmem:s9+$0x110]  }
0x154: {  	v21 =	vld [tilespmem:s9+$0x120]  }
0x155: {  	v22 =	vld [tilespmem:s9+$0x130]  }
0x156: {  	v23 =	vld [tilespmem:s9+$0x140]  }
0x157: {  	v15 =	vadd.f32 v15, v19;
	v19 =	vld [tilespmem:s9+$0x150]  }
0x158: {  	v10 =	vadd.f32 v10, v20;
	v20 =	vld [tilespmem:s9+$0x160]  }
0x159: {  	[tilespmem:s9+$0x100] =	vst v15;
	v11 =	vadd.f32 v11, v21;
	v15 =	vld [tilespmem:s9+$0x170]  }
0x15a: {  	[tilespmem:s9+$0x110] =	vst v10;
	v10 =	vadd.f32 v14, v22;
	v14 =	vld [tilespmem:s9+$0x500]  }
.Ltmp1:
0x15b: {  	[tilespmem:s9+$0x120] =	vst v11;
	v11 =	vadd.f32 v13, v23;
	v13 =	vld [tilespmem:s9+$0x510];
	(pc) =	sbr.rel @p0 .LBB2_4-.Ltmp1, $4  }
0x15c: {  	[tilespmem:s9+$0x130] =	vst v10;
	v19 =	vadd.f32 v12, v19;
	v12 =	vld [tilespmem:s9+$0x520]  }
0x15d: {  	[tilespmem:s9+$0x140] =	vst v11;
	v20 =	vadd.f32 v16, v20;
	v10 =	vld [tilespmem:s9+$0x530]  }
0x15e: {  	[tilespmem:s9+$0x150] =	vst v19;
	v16 =	vadd.f32 v17, v15;
	v11 =	vld [tilespmem:s9+$0x540]  }
0x15f: {  	s10 =	sadd.s32 $0x80, s10;
	s11 =	sadd.s32 $0x100, s11;
	[tilespmem:s9+$0x160] =	vst v20;
	v15 =	vadd.f32 v18, v14;
	v14 =	vld [tilespmem:s9+$0x550]  }
0x160: {  	[tilespmem:s9+$0x170] =	vst v16;
	v9 =	vadd.f32 v9, v13;
	v13 =	vld [tilespmem:s9+$0x560]  }
0x161: {  	[tilespmem:s9+$0x500] =	vst v15;
	v8 =	vadd.f32 v8, v12;
	v12 =	vld [tilespmem:s9+$0x570]  }
0x162: {  	[tilespmem:s9+$0x510] =	vst v9;
	v7 =	vadd.f32 v7, v10  }
0x163: {  	[tilespmem:s9+$0x520] =	vst v8;
	v6 =	vadd.f32 v6, v11  }
0x164: {  	[tilespmem:s9+$0x530] =	vst v7;
	v5 =	vadd.f32 v5, v14  }
0x165: {  	[tilespmem:s9+$0x540] =	vst v6;
	v4 =	vadd.f32 v4, v13  }
0x166: {  	[tilespmem:s9+$0x550] =	vst v5;
	v3 =	vadd.f32 v3, v12  }
0x167: {  	[tilespmem:s9+$0x560] =	vst v4  }
0x168: {  	s10 =	rddreg [dreg:$0x8];
	[tilespmem:s9+$0x570] =	vst v3;
	s9 =	simm.s32 $0x0  }
0x169: {  	[hbm4b:s10+s9] =	stream.linear.scatter [tilespmem:s19], [sflag:$0x3], $0x4000, $0x38;
	[tilespmem:$0x8100] =	vst v63  }
0x16a: {  	_ =	swait.ge [sflag:s17], $0x4000  }
0x16b: {  	[sflag:s17] =	ssyncset.done $0x0  }
0x16c: {  	s11 =	rddreg [dreg:$0x9];
	[sflag:s17] =	ssyncadd.s32 $0xFFFFC000  }
0x16d: {  	[tilespmem:s9], [sflag:$0x3] =	stream.linear.gather [hbm4b:s11+s9], $0x40, $0x38;
	[tilespmem:$0x8100] =	vst v63  }
0x16e: {  	_ =	swait.ge [sflag:s17], $0x40  }
0x16f: {  	[sflag:s17] =	ssyncset.done $0x0  }
0x170: {  	s12 =	rddreg [dreg:$0xa];
	[sflag:s17] =	ssyncadd.s32 $0xFFFFFFC0  }
0x171: {  	[tilespmem:s18], [sflag:$0x3] =	stream.linear.gather [hbm4b:s12+s9], $0x40, $0x38;
	[tilespmem:$0x8100] =	vst v63  }
0x172: {  	_ =	swait.ge [sflag:s17], $0x40  }
0x173: {  	[sflag:s17] =	ssyncset.done $0x0  }
0x174: {  	[sflag:s17] =	ssyncadd.s32 $0xFFFFFFC0  }
0x175: {  	v3 =	vld [tilespmem:$0x0];
	_ =	sdelay $0x4  }
0x176: {  	v4 =	vshll.u32 v3, $0x1  }
0x177: {  	v3 =	vand.u32 $0x7, v3;
	v4 =	vand.u32 $0xFFFFFFF0, v4  }
0x178: {  	v3 =	vor.u32 v3, v4  }
0x179: {  	v4 =	vperm.xlane v3, v0;
	_ =	sdelay $0x1  }
0x17a: {  	v3 =	vperm.xlane v3, v2;
	v4 =	vadd.s32 v1, v4;
	_ =	sdelay $0x1  }
0x17b: {  	v3 =	vadd.s32 v1, v3;
	_ =	sdelay $0x2  }
0x17c: {  	[tilespmem:s19], [sflag:$0x1] =	stream.indirect_vreg.gather [hbm4b:s3+s9], $0x80, v4, vm0, $0xb8;
	[tilespmem:$0x8100] =	vst v63  }
0x17d: {  	_ = 	snop  }
0x17e: {  	[tilespmem:s20], [sflag:$0x1] =	stream.indirect_vreg.gather [hbm4b:s3+s9], $0x80, v3, vm0, $0xb8;
	[tilespmem:$0x8100] =	vst v63  }
0x17f: {  	v3 =	vld [tilespmem:$0x10];
	_ =	sdelay $0x4  }
0x180: {  	v4 =	vshll.u32 v3, $0x1  }
0x181: {  	v3 =	vand.u32 $0x7, v3;
	v4 =	vand.u32 $0xFFFFFFF0, v4  }
0x182: {  	v3 =	vor.u32 v3, v4  }
0x183: {  	v4 =	vperm.xlane v3, v0;
	_ =	sdelay $0x1  }
0x184: {  	v3 =	vperm.xlane v3, v2;
	v4 =	vadd.s32 v1, v4;
	_ =	sdelay $0x1  }
0x185: {  	v3 =	vadd.s32 v1, v3;
	_ =	sdelay $0x2  }
0x186: {  	[tilespmem:s21], [sflag:$0x1] =	stream.indirect_vreg.gather [hbm4b:s3+s9], $0x80, v4, vm0, $0xb8;
	[tilespmem:$0x8100] =	vst v63  }
0x187: {  	_ = 	snop  }
0x188: {  	[tilespmem:s22], [sflag:$0x1] =	stream.indirect_vreg.gather [hbm4b:s3+s9], $0x80, v3, vm0, $0xb8;
	[tilespmem:$0x8100] =	vst v63  }
0x189: {  	v3 =	vld [tilespmem:$0x20];
	_ =	sdelay $0x4  }
0x18a: {  	v4 =	vshll.u32 v3, $0x1  }
0x18b: {  	v3 =	vand.u32 $0x7, v3;
	v4 =	vand.u32 $0xFFFFFFF0, v4  }
0x18c: {  	v3 =	vor.u32 v3, v4  }
0x18d: {  	v4 =	vperm.xlane v3, v0;
	_ =	sdelay $0x1  }
0x18e: {  	v3 =	vperm.xlane v3, v2;
	v4 =	vadd.s32 v1, v4;
	_ =	sdelay $0x1  }
0x18f: {  	v3 =	vadd.s32 v1, v3;
	_ =	sdelay $0x2  }
0x190: {  	[tilespmem:s23], [sflag:$0x1] =	stream.indirect_vreg.gather [hbm4b:s3+s9], $0x80, v4, vm0, $0xb8;
	[tilespmem:$0x8100] =	vst v63  }
0x191: {  	_ = 	snop  }
0x192: {  	[tilespmem:s24], [sflag:$0x1] =	stream.indirect_vreg.gather [hbm4b:s3+s9], $0x80, v3, vm0, $0xb8;
	[tilespmem:$0x8100] =	vst v63  }
0x193: {  	v3 =	vld [tilespmem:$0x30];
	_ =	sdelay $0x4  }
0x194: {  	v4 =	vshll.u32 v3, $0x1  }
0x195: {  	v3 =	vand.u32 $0x7, v3;
	v4 =	vand.u32 $0xFFFFFFF0, v4  }
0x196: {  	v3 =	vor.u32 v3, v4  }
0x197: {  	v4 =	vperm.xlane v3, v0;
	_ =	sdelay $0x1  }
0x198: {  	v3 =	vperm.xlane v3, v2;
	v4 =	vadd.s32 v1, v4;
	_ =	sdelay $0x1  }
0x199: {  	v3 =	vadd.s32 v1, v3;
	_ =	sdelay $0x2  }
0x19a: {  	[tilespmem:s25], [sflag:$0x1] =	stream.indirect_vreg.gather [hbm4b:s3+s9], $0x80, v4, vm0, $0xb8;
	[tilespmem:$0x8100] =	vst v63  }
0x19b: {  	_ = 	snop  }
0x19c: {  	[tilespmem:s26], [sflag:$0x1] =	stream.indirect_vreg.gather [hbm4b:s3+s9], $0x80, v3, vm0, $0xb8;
	[tilespmem:$0x8100] =	vst v63  }
0x19d: {  	v3 =	vld [tilespmem:$0x80];
	_ =	sdelay $0x4  }
0x19e: {  	v4 =	vshll.u32 v3, $0x1  }
0x19f: {  	v3 =	vand.u32 $0x7, v3;
	v4 =	vand.u32 $0xFFFFFFF0, v4  }
0x1a0: {  	v3 =	vor.u32 v3, v4  }
0x1a1: {  	v4 =	vperm.xlane v3, v0;
	_ =	sdelay $0x1  }
0x1a2: {  	v3 =	vperm.xlane v3, v2;
	v4 =	vadd.s32 v1, v4;
	_ =	sdelay $0x1  }
0x1a3: {  	v3 =	vadd.s32 v1, v3;
	_ =	sdelay $0x2  }
0x1a4: {  	[tilespmem:s28], [sflag:$0x2] =	stream.indirect_vreg.gather [hbm4b:s3+s9], $0x80, v4, vm0, $0xb8;
	[tilespmem:$0x8100] =	vst v63  }
0x1a5: {  	_ = 	snop  }
0x1a6: {  	[tilespmem:s29], [sflag:$0x2] =	stream.indirect_vreg.gather [hbm4b:s3+s9], $0x80, v3, vm0, $0xb8;
	[tilespmem:$0x8100] =	vst v63  }
0x1a7: {  	v3 =	vld [tilespmem:$0x90];
	_ =	sdelay $0x4  }
0x1a8: {  	v4 =	vshll.u32 v3, $0x1  }
0x1a9: {  	v3 =	vand.u32 $0x7, v3;
	v4 =	vand.u32 $0xFFFFFFF0, v4  }
0x1aa: {  	v3 =	vor.u32 v3, v4  }
0x1ab: {  	v4 =	vperm.xlane v3, v0;
	_ =	sdelay $0x1  }
0x1ac: {  	v3 =	vperm.xlane v3, v2;
	v4 =	vadd.s32 v1, v4;
	_ =	sdelay $0x1  }
0x1ad: {  	v3 =	vadd.s32 v1, v3;
	_ =	sdelay $0x2  }
0x1ae: {  	[tilespmem:s30], [sflag:$0x2] =	stream.indirect_vreg.gather [hbm4b:s3+s9], $0x80, v4, vm0, $0xb8;
	[tilespmem:$0x8100] =	vst v63  }
0x1af: {  	_ = 	snop  }
0x1b0: {  	[tilespmem:s31], [sflag:$0x2] =	stream.indirect_vreg.gather [hbm4b:s3+s9], $0x80, v3, vm0, $0xb8;
	[tilespmem:$0x8100] =	vst v63  }
0x1b1: {  	v3 =	vld [tilespmem:$0xA0];
	_ =	sdelay $0x4  }
0x1b2: {  	v4 =	vshll.u32 v3, $0x1  }
0x1b3: {  	v3 =	vand.u32 $0x7, v3;
	v4 =	vand.u32 $0xFFFFFFF0, v4  }
0x1b4: {  	v3 =	vor.u32 v3, v4  }
0x1b5: {  	v4 =	vperm.xlane v3, v0;
	_ =	sdelay $0x1  }
0x1b6: {  	v3 =	vperm.xlane v3, v2;
	v4 =	vadd.s32 v1, v4;
	_ =	sdelay $0x1  }
0x1b7: {  	v3 =	vadd.s32 v1, v3;
	_ =	sdelay $0x2  }
0x1b8: {  	[tilespmem:s0], [sflag:$0x2] =	stream.indirect_vreg.gather [hbm4b:s3+s9], $0x80, v4, vm0, $0xb8;
	[tilespmem:$0x8100] =	vst v63  }
0x1b9: {  	_ = 	snop  }
0x1ba: {  	[tilespmem:s1], [sflag:$0x2] =	stream.indirect_vreg.gather [hbm4b:s3+s9], $0x80, v3, vm0, $0xb8;
	[tilespmem:$0x8100] =	vst v63  }
0x1bb: {  	v3 =	vld [tilespmem:$0xB0];
	_ =	sdelay $0x4  }
0x1bc: {  	v4 =	vshll.u32 v3, $0x1  }
0x1bd: {  	v3 =	vand.u32 $0x7, v3;
	v4 =	vand.u32 $0xFFFFFFF0, v4  }
0x1be: {  	v3 =	vor.u32 v3, v4  }
0x1bf: {  	v4 =	vperm.xlane v3, v0;
	_ =	sdelay $0x1  }
0x1c0: {  	v3 =	vperm.xlane v3, v2;
	v4 =	vadd.s32 v1, v4;
	_ =	sdelay $0x1  }
0x1c1: {  	v3 =	vadd.s32 v1, v3;
	_ =	sdelay $0x2  }
0x1c2: {  	[tilespmem:s4], [sflag:$0x2] =	stream.indirect_vreg.gather [hbm4b:s3+s9], $0x80, v4, vm0, $0xb8;
	[tilespmem:$0x8100] =	vst v63  }
0x1c3: {  	_ = 	snop  }
0x1c4: {  	[tilespmem:s5], [sflag:$0x2] =	stream.indirect_vreg.gather [hbm4b:s3+s9], $0x80, v3, vm0, $0xb8;
	[tilespmem:$0x8100] =	vst v63  }
0x1c5: {  	_ =	swait.ge [sflag:s6], $0x4000  }
0x1c6: {  	[sflag:s6] =	ssyncset.done $0x0  }
0x1c7: {  	[sflag:s6] =	ssyncadd.s32 $0xFFFFC000  }
0x1c8: {  	_ =	swait.ge [sflag:s7], $0x4000  }
0x1c9: {  	s13 =	sand.u32 $0x3800, s9;
	s9 =	sand.u32 $0x380, s9;
	[sflag:s7] =	ssyncset.done $0x0  }
0x1ca: {  	s9 =	sor.u32 s9, s13;
	[sflag:s7] =	ssyncadd.s32 $0xFFFFC000  }
0x1cb: {  	v10 =	vld [tilespmem:s9+$0x4100]  }
0x1cc: {  	v11 =	vld [tilespmem:s9+$0x4110]  }
0x1cd: {  	v12 =	vld [tilespmem:s9+$0x4120]  }
0x1ce: {  	v13 =	vld [tilespmem:s9+$0x4130]  }
0x1cf: {  	v14 =	vld [tilespmem:s9+$0x4140]  }
0x1d0: {  	v15 =	vld [tilespmem:s9+$0x4150]  }
0x1d1: {  	v16 =	vld [tilespmem:s9+$0x4160]  }
0x1d2: {  	v17 =	vld [tilespmem:s9+$0x4170]  }
0x1d3: {  	v18 =	vld [tilespmem:s9+$0x4500]  }
0x1d4: {  	v9 =	vld [tilespmem:s9+$0x4510]  }
0x1d5: {  	v8 =	vld [tilespmem:s9+$0x4520]  }
0x1d6: {  	v7 =	vld [tilespmem:s9+$0x4530]  }
0x1d7: {  	v6 =	vld [tilespmem:s9+$0x4540]  }
0x1d8: {  	v5 =	vld [tilespmem:s9+$0x4550]  }
0x1d9: {  	v4 =	vld [tilespmem:s9+$0x4560]  }
0x1da: {  	v3 =	vld [tilespmem:s9+$0x4570]  }
0x1db: {  	v19 =	vld [tilespmem:s9+$0x100]  }
0x1dc: {  	v20 =	vld [tilespmem:s9+$0x110]  }
0x1dd: {  	v21 =	vld [tilespmem:s9+$0x120]  }
0x1de: {  	v22 =	vld [tilespmem:s9+$0x130]  }
0x1df: {  	v23 =	vld [tilespmem:s9+$0x140]  }
0x1e0: {  	v10 =	vadd.f32 v10, v19;
	v19 =	vld [tilespmem:s9+$0x150]  }
0x1e1: {  	v61 =	vld [tilespmem:s9+$0x160];
	v11 =	vadd.f32 v11, v20  }
0x1e2: {  	v62 =	vld [tilespmem:s9+$0x170];
	[tilespmem:s9+$0x100] =	vst v10;
	v10 =	vadd.f32 v12, v21  }
0x1e3: {  	v63 =	vld [tilespmem:s9+$0x500];
	[tilespmem:s9+$0x110] =	vst v11;
	v11 =	vadd.f32 v13, v22  }
0x1e4: {  	v13 =	vld [tilespmem:s9+$0x510];
	[tilespmem:s9+$0x120] =	vst v10;
	v10 =	vadd.f32 v14, v23  }
0x1e5: {  	v12 =	vld [tilespmem:s9+$0x520];
	[tilespmem:s9+$0x130] =	vst v11;
	v11 =	vadd.f32 v15, v19  }
0x1e6: {  	v14 =	vadd.f32 v16, v61;
	[tilespmem:s9+$0x140] =	vst v10;
	v10 =	vld [tilespmem:s9+$0x530]  }
0x1e7: {  	v16 =	vadd.f32 v17, v62;
	[tilespmem:s9+$0x150] =	vst v11;
	v11 =	vld [tilespmem:s9+$0x540]  }
0x1e8: {  	s10 =	simm.s32 $0x80;
	s11 =	simm.s32 $0x100;
	v15 =	vadd.f32 v18, v63;
	[tilespmem:s9+$0x160] =	vst v14;
	v14 =	vld [tilespmem:s9+$0x550]  }
.LBB2_6:
0x1e9: {  	s12 =	sand.u32 $0x3800, s11;
	s13 =	sand.u32 $0x380, s10;
	p0 =	sne.s32 s11, $0x3F00;
	[tilespmem:s9+$0x170] =	vst v16;
	v9 =	vadd.f32 v9, v13;
	v13 =	vld [tilespmem:s9+$0x560]  }
0x1ea: {  	s12 =	sor.u32 s13, s12;
	[tilespmem:s9+$0x500] =	vst v15;
	v8 =	vadd.f32 v8, v12;
	v12 =	vld [tilespmem:s9+$0x570]  }
0x1eb: {  	v15 =	vld [tilespmem:s12+$0x4100];
	[tilespmem:s9+$0x510] =	vst v9;
	v7 =	vadd.f32 v7, v10  }
0x1ec: {  	v10 =	vld [tilespmem:s12+$0x4110];
	[tilespmem:s9+$0x520] =	vst v8;
	v6 =	vadd.f32 v6, v11  }
0x1ed: {  	v11 =	vld [tilespmem:s12+$0x4120];
	[tilespmem:s9+$0x530] =	vst v7;
	v5 =	vadd.f32 v5, v14  }
0x1ee: {  	v14 =	vld [tilespmem:s12+$0x4130];
	[tilespmem:s9+$0x540] =	vst v6;
	v4 =	vadd.f32 v4, v13  }
0x1ef: {  	v13 =	vld [tilespmem:s12+$0x4140];
	[tilespmem:s9+$0x550] =	vst v5;
	v3 =	vadd.f32 v3, v12  }
0x1f0: {  	v12 =	vld [tilespmem:s12+$0x4150];
	[tilespmem:s9+$0x560] =	vst v4  }
0x1f1: {  	v16 =	vld [tilespmem:s12+$0x4160];
	[tilespmem:s9+$0x570] =	vst v3;
	s9 =	smov.u32 s12  }
0x1f2: {  	v17 =	vld [tilespmem:s9+$0x4170]  }
0x1f3: {  	v18 =	vld [tilespmem:s9+$0x4500]  }
0x1f4: {  	v9 =	vld [tilespmem:s9+$0x4510]  }
0x1f5: {  	v8 =	vld [tilespmem:s9+$0x4520]  }
0x1f6: {  	v7 =	vld [tilespmem:s9+$0x4530]  }
0x1f7: {  	v6 =	vld [tilespmem:s9+$0x4540]  }
0x1f8: {  	v5 =	vld [tilespmem:s9+$0x4550]  }
0x1f9: {  	v4 =	vld [tilespmem:s9+$0x4560]  }
0x1fa: {  	v3 =	vld [tilespmem:s9+$0x4570]  }
0x1fb: {  	v19 =	vld [tilespmem:s9+$0x100]  }
0x1fc: {  	v20 =	vld [tilespmem:s9+$0x110]  }
0x1fd: {  	v21 =	vld [tilespmem:s9+$0x120]  }
0x1fe: {  	v22 =	vld [tilespmem:s9+$0x130]  }
0x1ff: {  	v23 =	vld [tilespmem:s9+$0x140]  }
0x200: {  	v15 =	vadd.f32 v15, v19;
	v19 =	vld [tilespmem:s9+$0x150]  }
0x201: {  	v10 =	vadd.f32 v10, v20;
	v20 =	vld [tilespmem:s9+$0x160]  }
0x202: {  	[tilespmem:s9+$0x100] =	vst v15;
	v11 =	vadd.f32 v11, v21;
	v15 =	vld [tilespmem:s9+$0x170]  }
0x203: {  	[tilespmem:s9+$0x110] =	vst v10;
	v10 =	vadd.f32 v14, v22;
	v14 =	vld [tilespmem:s9+$0x500]  }
.Ltmp2:
0x204: {  	[tilespmem:s9+$0x120] =	vst v11;
	v11 =	vadd.f32 v13, v23;
	v13 =	vld [tilespmem:s9+$0x510];
	(pc) =	sbr.rel @p0 .LBB2_6-.Ltmp2, $4  }
0x205: {  	[tilespmem:s9+$0x130] =	vst v10;
	v19 =	vadd.f32 v12, v19;
	v12 =	vld [tilespmem:s9+$0x520]  }
0x206: {  	[tilespmem:s9+$0x140] =	vst v11;
	v20 =	vadd.f32 v16, v20;
	v10 =	vld [tilespmem:s9+$0x530]  }
0x207: {  	[tilespmem:s9+$0x150] =	vst v19;
	v16 =	vadd.f32 v17, v15;
	v11 =	vld [tilespmem:s9+$0x540]  }
0x208: {  	s10 =	sadd.s32 $0x80, s10;
	s11 =	sadd.s32 $0x100, s11;
	[tilespmem:s9+$0x160] =	vst v20;
	v15 =	vadd.f32 v18, v14;
	v14 =	vld [tilespmem:s9+$0x550]  }
0x209: {  	[tilespmem:s9+$0x170] =	vst v16;
	v9 =	vadd.f32 v9, v13;
	v13 =	vld [tilespmem:s9+$0x560]  }
0x20a: {  	[tilespmem:s9+$0x500] =	vst v15;
	v8 =	vadd.f32 v8, v12;
	v12 =	vld [tilespmem:s9+$0x570]  }
0x20b: {  	[tilespmem:s9+$0x510] =	vst v9;
	v7 =	vadd.f32 v7, v10  }
0x20c: {  	[tilespmem:s9+$0x520] =	vst v8;
	v6 =	vadd.f32 v6, v11  }
0x20d: {  	[tilespmem:s9+$0x530] =	vst v7;
	v5 =	vadd.f32 v5, v14  }
0x20e: {  	[tilespmem:s9+$0x540] =	vst v6;
	v4 =	vadd.f32 v4, v13  }
0x20f: {  	[tilespmem:s9+$0x550] =	vst v5;
	v3 =	vadd.f32 v3, v12  }
0x210: {  	[tilespmem:s9+$0x560] =	vst v4  }
0x211: {  	s11 =	simm.s32 $0x0;
	s10 =	rddreg [dreg:$0xb];
	[tilespmem:s9+$0x570] =	vst v3  }
0x212: {  	[hbm4b:s10+s11] =	stream.linear.scatter [tilespmem:s19], [sflag:$0x3], $0x4000, $0x38;
	[tilespmem:$0x8100] =	vst v63  }
0x213: {  	_ =	swait.ge [sflag:s17], $0x4000  }
0x214: {  	[sflag:s17] =	ssyncset.done $0x0  }
0x215: {  	s12 =	rddreg [dreg:$0xc];
	[sflag:s17] =	ssyncadd.s32 $0xFFFFC000  }
0x216: {  	[tilespmem:s11], [sflag:$0x3] =	stream.linear.gather [hbm4b:s12+s11], $0x40, $0x38;
	[tilespmem:$0x8100] =	vst v63  }
0x217: {  	_ =	swait.ge [sflag:s17], $0x40  }
0x218: {  	[sflag:s17] =	ssyncset.done $0x0  }
0x219: {  	[sflag:s17] =	ssyncadd.s32 $0xFFFFFFC0  }
0x21a: {  	[tilespmem:s18], [sflag:$0x3] =	stream.linear.gather [hbm4b:s14+s11], $0x40, $0x38;
	[tilespmem:$0x8100] =	vst v63  }
0x21b: {  	_ =	swait.ge [sflag:s17], $0x40  }
0x21c: {  	[sflag:s17] =	ssyncset.done $0x0  }
0x21d: {  	[sflag:s17] =	ssyncadd.s32 $0xFFFFFFC0  }
0x21e: {  	v3 =	vld [tilespmem:$0x0];
	_ =	sdelay $0x4  }
0x21f: {  	v4 =	vshll.u32 v3, $0x1  }
0x220: {  	v3 =	vand.u32 $0x7, v3;
	v4 =	vand.u32 $0xFFFFFFF0, v4  }
0x221: {  	v3 =	vor.u32 v3, v4  }
0x222: {  	v4 =	vperm.xlane v3, v0;
	_ =	sdelay $0x1  }
0x223: {  	v3 =	vperm.xlane v3, v2;
	v4 =	vadd.s32 v1, v4;
	_ =	sdelay $0x1  }
0x224: {  	v3 =	vadd.s32 v1, v3;
	_ =	sdelay $0x2  }
0x225: {  	[tilespmem:s19], [sflag:$0x1] =	stream.indirect_vreg.gather [hbm4b:s3+s11], $0x80, v4, vm0, $0xb8;
	[tilespmem:$0x8100] =	vst v63  }
0x226: {  	_ = 	snop  }
0x227: {  	[tilespmem:s20], [sflag:$0x1] =	stream.indirect_vreg.gather [hbm4b:s3+s11], $0x80, v3, vm0, $0xb8;
	[tilespmem:$0x8100] =	vst v63  }
0x228: {  	v3 =	vld [tilespmem:$0x10];
	_ =	sdelay $0x4  }
0x229: {  	v4 =	vshll.u32 v3, $0x1  }
0x22a: {  	v3 =	vand.u32 $0x7, v3;
	v4 =	vand.u32 $0xFFFFFFF0, v4  }
0x22b: {  	v3 =	vor.u32 v3, v4  }
0x22c: {  	v4 =	vperm.xlane v3, v0;
	_ =	sdelay $0x1  }
0x22d: {  	v3 =	vperm.xlane v3, v2;
	v4 =	vadd.s32 v1, v4;
	_ =	sdelay $0x1  }
0x22e: {  	v3 =	vadd.s32 v1, v3;
	_ =	sdelay $0x2  }
0x22f: {  	[tilespmem:s21], [sflag:$0x1] =	stream.indirect_vreg.gather [hbm4b:s3+s11], $0x80, v4, vm0, $0xb8;
	[tilespmem:$0x8100] =	vst v63  }
0x230: {  	_ = 	snop  }
0x231: {  	[tilespmem:s22], [sflag:$0x1] =	stream.indirect_vreg.gather [hbm4b:s3+s11], $0x80, v3, vm0, $0xb8;
	[tilespmem:$0x8100] =	vst v63  }
0x232: {  	v3 =	vld [tilespmem:$0x20];
	_ =	sdelay $0x4  }
0x233: {  	v4 =	vshll.u32 v3, $0x1  }
0x234: {  	v3 =	vand.u32 $0x7, v3;
	v4 =	vand.u32 $0xFFFFFFF0, v4  }
0x235: {  	v3 =	vor.u32 v3, v4  }
0x236: {  	v4 =	vperm.xlane v3, v0;
	_ =	sdelay $0x1  }
0x237: {  	v3 =	vperm.xlane v3, v2;
	v4 =	vadd.s32 v1, v4;
	_ =	sdelay $0x1  }
0x238: {  	v3 =	vadd.s32 v1, v3;
	_ =	sdelay $0x2  }
0x239: {  	[tilespmem:s23], [sflag:$0x1] =	stream.indirect_vreg.gather [hbm4b:s3+s11], $0x80, v4, vm0, $0xb8;
	[tilespmem:$0x8100] =	vst v63  }
0x23a: {  	_ = 	snop  }
0x23b: {  	[tilespmem:s24], [sflag:$0x1] =	stream.indirect_vreg.gather [hbm4b:s3+s11], $0x80, v3, vm0, $0xb8;
	[tilespmem:$0x8100] =	vst v63  }
0x23c: {  	v3 =	vld [tilespmem:$0x30];
	_ =	sdelay $0x4  }
0x23d: {  	v4 =	vshll.u32 v3, $0x1  }
0x23e: {  	v3 =	vand.u32 $0x7, v3;
	v4 =	vand.u32 $0xFFFFFFF0, v4  }
0x23f: {  	v3 =	vor.u32 v3, v4  }
0x240: {  	v4 =	vperm.xlane v3, v0;
	_ =	sdelay $0x1  }
0x241: {  	v3 =	vperm.xlane v3, v2;
	v4 =	vadd.s32 v1, v4;
	_ =	sdelay $0x1  }
0x242: {  	v3 =	vadd.s32 v1, v3;
	_ =	sdelay $0x2  }
0x243: {  	[tilespmem:s25], [sflag:$0x1] =	stream.indirect_vreg.gather [hbm4b:s3+s11], $0x80, v4, vm0, $0xb8;
	[tilespmem:$0x8100] =	vst v63  }
0x244: {  	_ = 	snop  }
0x245: {  	[tilespmem:s26], [sflag:$0x1] =	stream.indirect_vreg.gather [hbm4b:s3+s11], $0x80, v3, vm0, $0xb8;
	[tilespmem:$0x8100] =	vst v63  }
0x246: {  	v3 =	vld [tilespmem:$0x80];
	_ =	sdelay $0x4  }
0x247: {  	v4 =	vshll.u32 v3, $0x1  }
0x248: {  	v3 =	vand.u32 $0x7, v3;
	v4 =	vand.u32 $0xFFFFFFF0, v4  }
0x249: {  	v3 =	vor.u32 v3, v4  }
0x24a: {  	v4 =	vperm.xlane v3, v0;
	_ =	sdelay $0x1  }
0x24b: {  	v3 =	vperm.xlane v3, v2;
	v4 =	vadd.s32 v1, v4;
	_ =	sdelay $0x1  }
0x24c: {  	v3 =	vadd.s32 v1, v3;
	_ =	sdelay $0x2  }
0x24d: {  	[tilespmem:s28], [sflag:$0x2] =	stream.indirect_vreg.gather [hbm4b:s3+s11], $0x80, v4, vm0, $0xb8;
	[tilespmem:$0x8100] =	vst v63  }
0x24e: {  	_ = 	snop  }
0x24f: {  	[tilespmem:s29], [sflag:$0x2] =	stream.indirect_vreg.gather [hbm4b:s3+s11], $0x80, v3, vm0, $0xb8;
	[tilespmem:$0x8100] =	vst v63  }
0x250: {  	v3 =	vld [tilespmem:$0x90];
	_ =	sdelay $0x4  }
0x251: {  	v4 =	vshll.u32 v3, $0x1  }
0x252: {  	v3 =	vand.u32 $0x7, v3;
	v4 =	vand.u32 $0xFFFFFFF0, v4  }
0x253: {  	v3 =	vor.u32 v3, v4  }
0x254: {  	v4 =	vperm.xlane v3, v0;
	_ =	sdelay $0x1  }
0x255: {  	v3 =	vperm.xlane v3, v2;
	v4 =	vadd.s32 v1, v4;
	_ =	sdelay $0x1  }
0x256: {  	v3 =	vadd.s32 v1, v3;
	_ =	sdelay $0x2  }
0x257: {  	[tilespmem:s30], [sflag:$0x2] =	stream.indirect_vreg.gather [hbm4b:s3+s11], $0x80, v4, vm0, $0xb8;
	[tilespmem:$0x8100] =	vst v63  }
0x258: {  	_ = 	snop  }
0x259: {  	[tilespmem:s31], [sflag:$0x2] =	stream.indirect_vreg.gather [hbm4b:s3+s11], $0x80, v3, vm0, $0xb8;
	[tilespmem:$0x8100] =	vst v63  }
0x25a: {  	v3 =	vld [tilespmem:$0xA0];
	_ =	sdelay $0x4  }
0x25b: {  	v4 =	vshll.u32 v3, $0x1  }
0x25c: {  	v3 =	vand.u32 $0x7, v3;
	v4 =	vand.u32 $0xFFFFFFF0, v4  }
0x25d: {  	v3 =	vor.u32 v3, v4  }
0x25e: {  	v4 =	vperm.xlane v3, v0;
	_ =	sdelay $0x1  }
0x25f: {  	v3 =	vperm.xlane v3, v2;
	v4 =	vadd.s32 v1, v4;
	_ =	sdelay $0x1  }
0x260: {  	v3 =	vadd.s32 v1, v3;
	_ =	sdelay $0x2  }
0x261: {  	[tilespmem:s0], [sflag:$0x2] =	stream.indirect_vreg.gather [hbm4b:s3+s11], $0x80, v4, vm0, $0xb8;
	[tilespmem:$0x8100] =	vst v63  }
0x262: {  	_ = 	snop  }
0x263: {  	[tilespmem:s1], [sflag:$0x2] =	stream.indirect_vreg.gather [hbm4b:s3+s11], $0x80, v3, vm0, $0xb8;
	[tilespmem:$0x8100] =	vst v63  }
0x264: {  	v3 =	vld [tilespmem:$0xB0];
	_ =	sdelay $0x4  }
0x265: {  	v4 =	vshll.u32 v3, $0x1  }
0x266: {  	v3 =	vand.u32 $0x7, v3;
	v4 =	vand.u32 $0xFFFFFFF0, v4  }
0x267: {  	v3 =	vor.u32 v3, v4  }
0x268: {  	v4 =	vperm.xlane v3, v0;
	_ =	sdelay $0x1  }
0x269: {  	v3 =	vperm.xlane v3, v2;
	v4 =	vadd.s32 v1, v4;
	_ =	sdelay $0x1  }
0x26a: {  	v3 =	vadd.s32 v1, v3;
	_ =	sdelay $0x2  }
0x26b: {  	[tilespmem:s4], [sflag:$0x2] =	stream.indirect_vreg.gather [hbm4b:s3+s11], $0x80, v4, vm0, $0xb8;
	[tilespmem:$0x8100] =	vst v63  }
0x26c: {  	_ = 	snop  }
0x26d: {  	[tilespmem:s5], [sflag:$0x2] =	stream.indirect_vreg.gather [hbm4b:s3+s11], $0x80, v3, vm0, $0xb8;
	[tilespmem:$0x8100] =	vst v63  }
0x26e: {  	_ =	swait.ge [sflag:s6], $0x4000  }
0x26f: {  	[sflag:s6] =	ssyncset.done $0x0  }
0x270: {  	[sflag:s6] =	ssyncadd.s32 $0xFFFFC000  }
0x271: {  	_ =	swait.ge [sflag:s7], $0x4000  }
0x272: {  	s13 =	sand.u32 $0x3800, s11;
	s9 =	sand.u32 $0x380, s11;
	[sflag:s7] =	ssyncset.done $0x0  }
0x273: {  	s9 =	sor.u32 s9, s13;
	[sflag:s7] =	ssyncadd.s32 $0xFFFFC000  }
0x274: {  	v10 =	vld [tilespmem:s9+$0x4100]  }
0x275: {  	v11 =	vld [tilespmem:s9+$0x4110]  }
0x276: {  	v12 =	vld [tilespmem:s9+$0x4120]  }
0x277: {  	v13 =	vld [tilespmem:s9+$0x4130]  }
0x278: {  	v14 =	vld [tilespmem:s9+$0x4140]  }
0x279: {  	v15 =	vld [tilespmem:s9+$0x4150]  }
0x27a: {  	v16 =	vld [tilespmem:s9+$0x4160]  }
0x27b: {  	v17 =	vld [tilespmem:s9+$0x4170]  }
0x27c: {  	v18 =	vld [tilespmem:s9+$0x4500]  }
0x27d: {  	v9 =	vld [tilespmem:s9+$0x4510]  }
0x27e: {  	v8 =	vld [tilespmem:s9+$0x4520]  }
0x27f: {  	v7 =	vld [tilespmem:s9+$0x4530]  }
0x280: {  	v6 =	vld [tilespmem:s9+$0x4540]  }
0x281: {  	v5 =	vld [tilespmem:s9+$0x4550]  }
0x282: {  	v4 =	vld [tilespmem:s9+$0x4560]  }
0x283: {  	v3 =	vld [tilespmem:s9+$0x4570]  }
0x284: {  	v19 =	vld [tilespmem:s9+$0x100]  }
0x285: {  	v20 =	vld [tilespmem:s9+$0x110]  }
0x286: {  	v21 =	vld [tilespmem:s9+$0x120]  }
0x287: {  	v22 =	vld [tilespmem:s9+$0x130]  }
0x288: {  	v23 =	vld [tilespmem:s9+$0x140]  }
0x289: {  	v10 =	vadd.f32 v10, v19;
	v19 =	vld [tilespmem:s9+$0x150]  }
0x28a: {  	v61 =	vld [tilespmem:s9+$0x160];
	v11 =	vadd.f32 v11, v20  }
0x28b: {  	v62 =	vld [tilespmem:s9+$0x170];
	[tilespmem:s9+$0x100] =	vst v10;
	v10 =	vadd.f32 v12, v21  }
0x28c: {  	v63 =	vld [tilespmem:s9+$0x500];
	[tilespmem:s9+$0x110] =	vst v11;
	v11 =	vadd.f32 v13, v22  }
0x28d: {  	v13 =	vld [tilespmem:s9+$0x510];
	[tilespmem:s9+$0x120] =	vst v10;
	v10 =	vadd.f32 v14, v23  }
0x28e: {  	v12 =	vld [tilespmem:s9+$0x520];
	[tilespmem:s9+$0x130] =	vst v11;
	v11 =	vadd.f32 v15, v19  }
0x28f: {  	v14 =	vadd.f32 v16, v61;
	[tilespmem:s9+$0x140] =	vst v10;
	v10 =	vld [tilespmem:s9+$0x530]  }
0x290: {  	v16 =	vadd.f32 v17, v62;
	[tilespmem:s9+$0x150] =	vst v11;
	v11 =	vld [tilespmem:s9+$0x540]  }
0x291: {  	s10 =	simm.s32 $0x80;
	s11 =	simm.s32 $0x100;
	v15 =	vadd.f32 v18, v63;
	[tilespmem:s9+$0x160] =	vst v14;
	v14 =	vld [tilespmem:s9+$0x550]  }
.LBB2_8:
0x292: {  	s12 =	sand.u32 $0x3800, s11;
	s13 =	sand.u32 $0x380, s10;
	p0 =	sne.s32 s11, $0x3F00;
	[tilespmem:s9+$0x170] =	vst v16;
	v9 =	vadd.f32 v9, v13;
	v13 =	vld [tilespmem:s9+$0x560]  }
0x293: {  	s12 =	sor.u32 s13, s12;
	[tilespmem:s9+$0x500] =	vst v15;
	v8 =	vadd.f32 v8, v12;
	v12 =	vld [tilespmem:s9+$0x570]  }
0x294: {  	v15 =	vld [tilespmem:s12+$0x4100];
	[tilespmem:s9+$0x510] =	vst v9;
	v7 =	vadd.f32 v7, v10  }
0x295: {  	v10 =	vld [tilespmem:s12+$0x4110];
	[tilespmem:s9+$0x520] =	vst v8;
	v6 =	vadd.f32 v6, v11  }
0x296: {  	v11 =	vld [tilespmem:s12+$0x4120];
	[tilespmem:s9+$0x530] =	vst v7;
	v5 =	vadd.f32 v5, v14  }
0x297: {  	v14 =	vld [tilespmem:s12+$0x4130];
	[tilespmem:s9+$0x540] =	vst v6;
	v4 =	vadd.f32 v4, v13  }
0x298: {  	v13 =	vld [tilespmem:s12+$0x4140];
	[tilespmem:s9+$0x550] =	vst v5;
	v3 =	vadd.f32 v3, v12  }
0x299: {  	v12 =	vld [tilespmem:s12+$0x4150];
	[tilespmem:s9+$0x560] =	vst v4  }
0x29a: {  	v16 =	vld [tilespmem:s12+$0x4160];
	[tilespmem:s9+$0x570] =	vst v3;
	s9 =	smov.u32 s12  }
0x29b: {  	v17 =	vld [tilespmem:s9+$0x4170]  }
0x29c: {  	v18 =	vld [tilespmem:s9+$0x4500]  }
0x29d: {  	v9 =	vld [tilespmem:s9+$0x4510]  }
0x29e: {  	v8 =	vld [tilespmem:s9+$0x4520]  }
0x29f: {  	v7 =	vld [tilespmem:s9+$0x4530]  }
0x2a0: {  	v6 =	vld [tilespmem:s9+$0x4540]  }
0x2a1: {  	v5 =	vld [tilespmem:s9+$0x4550]  }
0x2a2: {  	v4 =	vld [tilespmem:s9+$0x4560]  }
0x2a3: {  	v3 =	vld [tilespmem:s9+$0x4570]  }
0x2a4: {  	v19 =	vld [tilespmem:s9+$0x100]  }
0x2a5: {  	v20 =	vld [tilespmem:s9+$0x110]  }
0x2a6: {  	v21 =	vld [tilespmem:s9+$0x120]  }
0x2a7: {  	v22 =	vld [tilespmem:s9+$0x130]  }
0x2a8: {  	v23 =	vld [tilespmem:s9+$0x140]  }
0x2a9: {  	v15 =	vadd.f32 v15, v19;
	v19 =	vld [tilespmem:s9+$0x150]  }
0x2aa: {  	v10 =	vadd.f32 v10, v20;
	v20 =	vld [tilespmem:s9+$0x160]  }
0x2ab: {  	[tilespmem:s9+$0x100] =	vst v15;
	v11 =	vadd.f32 v11, v21;
	v15 =	vld [tilespmem:s9+$0x170]  }
0x2ac: {  	[tilespmem:s9+$0x110] =	vst v10;
	v10 =	vadd.f32 v14, v22;
	v14 =	vld [tilespmem:s9+$0x500]  }
.Ltmp3:
0x2ad: {  	[tilespmem:s9+$0x120] =	vst v11;
	v11 =	vadd.f32 v13, v23;
	v13 =	vld [tilespmem:s9+$0x510];
	(pc) =	sbr.rel @p0 .LBB2_8-.Ltmp3, $4  }
0x2ae: {  	[tilespmem:s9+$0x130] =	vst v10;
	v19 =	vadd.f32 v12, v19;
	v12 =	vld [tilespmem:s9+$0x520]  }
0x2af: {  	[tilespmem:s9+$0x140] =	vst v11;
	v20 =	vadd.f32 v16, v20;
	v10 =	vld [tilespmem:s9+$0x530]  }
0x2b0: {  	[tilespmem:s9+$0x150] =	vst v19;
	v16 =	vadd.f32 v17, v15;
	v11 =	vld [tilespmem:s9+$0x540]  }
0x2b1: {  	s10 =	sadd.s32 $0x80, s10;
	s11 =	sadd.s32 $0x100, s11;
	[tilespmem:s9+$0x160] =	vst v20;
	v15 =	vadd.f32 v18, v14;
	v14 =	vld [tilespmem:s9+$0x550]  }
0x2b2: {  	[tilespmem:s9+$0x170] =	vst v16;
	v9 =	vadd.f32 v9, v13;
	v62 =	vld [tilespmem:s9+$0x560]  }
0x2b3: {  	v63 =	vld [tilespmem:s9+$0x570];
	[tilespmem:s9+$0x500] =	vst v15;
	v8 =	vadd.f32 v8, v12  }
0x2b4: {  	[tilespmem:s9+$0x510] =	vst v9;
	v7 =	vadd.f32 v7, v10  }
0x2b5: {  	[tilespmem:s9+$0x520] =	vst v8;
	v6 =	vadd.f32 v6, v11  }
0x2b6: {  	[tilespmem:s9+$0x530] =	vst v7;
	v5 =	vadd.f32 v5, v14  }
0x2b7: {  	[tilespmem:s9+$0x540] =	vst v6;
	v4 =	vadd.f32 v4, v62  }
0x2b8: {  	s8 =	sadd.s32 $0x1, s8;
	v3 =	vadd.f32 v3, v63;
	[tilespmem:s9+$0x550] =	vst v5  }
0x2b9: {  	p0 =	sne.s32 s8, s16;
	[tilespmem:s9+$0x560] =	vst v4  }
.Ltmp4:
0x2ba: {  	[tilespmem:s9+$0x570] =	vst v3;
	(pc) =	sbr.rel @p0 .LBB2_1-.Ltmp4, $4  }
0x2bb: {  	[hbm4b:s15+s2] =	stream.linear.scatter [tilespmem:s19], [sflag:$0x3], $0x4000, $0x38;
	[tilespmem:$0x8100] =	vst v63  }
0x2bc: {  	_ =	swait.ge [sflag:s17], $0x4000  }
0x2bd: {  	[sflag:s17] =	ssyncset.done $0x0  }
0x2be: {  	[sflag:s17] =	ssyncadd.s32 $0xFFFFC000  }
0x2bf: {  	_ =	sfence.sel $0x180000  }
0x2c0: {  	[bflag:$0x0] =	sbarrier.arrive $0xFFFF  }
0x2c1: {  	_ =	strace $0x9000004A  }
0x2c2: {  	s0 =	stileid.u32;
	[bflag:$0x2] =	sbarrier.arrive $0xFFFF  }
0x2c3: {  	p0 =	sne.s32 s0, $0x0;
	s0 =	rddreg [dreg:$0x2]  }
0x2c4: {  	s0 =	sadd.s32 @!p0 $0x100000, s0  }
0x2c5: {  	[sflag:s0] =	ssyncadd.tile.s32 @!p0 $0x1;
	_ =	shalt  }
.Lfunc_end2:
_tile_overlayer_lowered:
.L_overlay_start_2:
0x2c6: {  	(tag) =	ssettag $0x2  }
0x2c7: {  	s0 =	rddreg [dreg:$0x0];
	s2 =	stileid.u32  }
0x2c8: {  	s1 =	rddreg [dreg:$0x1];
	p0 =	sne.s32 s2, $0x0  }
0x2c9: {  	s3 =	rddreg [dreg:$0x2];
	[bflag:$0x3] =	sbarrier.arrive $0xFFFF;
	s2 =	simm.s32 @!p0 $0x1C03  }
0x2ca: {  	[timem:s3], [sflag:s2] =	dma.local @!p0 [hbm:s0], s1  }
0x2cb: {  	s0 =	simm.s32 @!p0 $0x3  }
0x2cc: {  	_ =	swait.ge @!p0 [sflag:s0], s1  }
0x2cd: {  	s1 =	ssub.s32 @!p0 $0x0, s1;
	[sflag:s0] =	ssyncset.done @!p0 $0x0  }
0x2ce: {  	[sflag:s0] =	ssyncadd.s32 @!p0 s1  }
0x2cf: {  	[bflag:$0x3] =	sbarrier.arrive $0xFFFF  }
0x2d0: {  	_ =	shalt  }

// kernel: kernel.7.cloned.1.call-start
scs
__scs_entry_jumppad:
0x0: {  	(pc) =	sbr.rel $0x88, $3  }
0x1: {  	(tag) =	ssettag $0x0;
	lr =	simm.s32 $0x1  }
0x2: {  	[smem:$0x3F94] =	sst lr;
	_ =	strace $0xD0000000  }
0x3: {  	_ = 	snop  }
0x4: {  	_ = 	snop  }
0x5: {  	_ = 	snop  }
0x6: {  	_ = 	snop  }
0x7: {  	_ = 	snop  }
__scs_overlays_trampoline_lowered:
0x8: {  	[smem:$0x3FA3] =	sst s0  }
0x9: {  	[smem:$0x3FA4] =	sst s1  }
0xa: {  	[smem:$0x3FA5] =	sst s2  }
0xb: {  	[smem:$0x3FA6] =	sst s3  }
0xc: {  	[smem:$0x3FA7] =	sst s4  }
0xd: {  	[smem:$0x3FA8] =	sst s5  }
0xe: {  	[smem:$0x3FA9] =	sst s6  }
0xf: {  	[smem:$0x3FAA] =	sst s7  }
0x10: {  	[smem:$0x3FAB] =	sst s8  }
0x11: {  	[smem:$0x3FAC] =	sst s9;
	s0 =	simm.s32 @!p0 $0x0  }
0x12: {  	s1 =	sld [smem:$0x3F92];
	s0 =	simm.s32 @p0 $0x1  }
0x13: {  	[smem:$0x3FAD] =	sst s0;
	s0 =	simm.s32 @!p1 $0x0  }
0x14: {  	s2 =	sld [smem:$0x3F91];
	s0 =	simm.s32 @p1 $0x1  }
0x15: {  	[smem:$0x3FAE] =	sst s0;
	s0 =	simm.s32 @!p2 $0x0  }
0x16: {  	s3 =	sld [smem:$0x3FDB];
	s0 =	simm.s32 @p2 $0x1  }
0x17: {  	s4 =	simm.s32 $0x1BF5;
	[smem:$0x3FB0] =	sst s0  }
0x18: {  	s0 =	sld [smem:$0x3F93];
	_ =	swait.ge [sflag:s4], $0x0  }
0x19: {  	s7 =	sld [smem:$0x3F94]  }
0x1a: {  	s8 =	sadd.s32 $0xFFFFE003, lr  }
0x1b: {  	s9 =	sadd.s32 $0xFFFFFEF7, lr;
	s5 =	simm.s32 $0xFFFFFFFF;
	p2 =	slt.u32 s8, $0xFFFFF086  }
0x1c: {  	p1 =	slt.u32 s9, $0xF7A;
	s5 =	simm.s32 @!p2 $0x0  }
0x1d: {  	s5 =	simm.s32 @p1 $0x1;
	p0 =	seq.s32 s7, s2  }
0x1e: {  	s7 =	smul.u32 @!p0 $0xF7A, s2;
	p2 =	seq.s32 @!p0 s5, $0x0  }
0x1f: {  	s9 =	smul.u32 $0xF7A, s1;
	s8 =	simm.s32 @!p0 $0x1BF5;
	p2 =	por !p2, p0  }
0x20: {  	[sflag:s8] =	ssyncset.s32 @!p0 $0xFFFFF086;
	s6 =	sadd.s32 @!p0 s3, s7;
	s7 =	simm.s32 @!p0 $0x108  }
0x21: {  	s3 =	sadd.s32 s3, s9;
	s6 =	sadd.s32 @!p0 $0x88, s6;
	s7 =	simm.s32 @p2 $0x1082  }
0x22: {  	[simem:s7], [sflag:s8] =	dma.local @!p0 [hbm:s6], $0xF7A  }
0x23: {  	s9 =	sor.u32 $0xD0000000, s2;
	s6 =	simm.s32 $0x108;
	_ =	swait.ge @!p0 [sflag:s8], $0x0  }
0x24: {  	s3 =	sadd.s32 $0x88, s3;
	s6 =	simm.s32 @!p1 $0x1082;
	[sflag:s4] =	ssyncset.s32 $0xFFFFF086  }
0x25: {  	[simem:s6], [sflag:s4] =	dma.local [hbm:s3], $0xF7A  }
0x26: {  	[smem:$0x3F94] =	sst s1;
	(tag) =	ssettag s2;
	_ =	strace s9  }
0x27: {  	s1 =	sld [smem:$0x3FA4]  }
0x28: {  	s2 =	sld [smem:$0x3FA5]  }
0x29: {  	s4 =	sld [smem:$0x3FA7]  }
0x2a: {  	p0 =	seq.s32 s5, $0x0;
	s5 =	sld [smem:$0x3FA8]  }
0x2b: {  	s6 =	sld [smem:$0x3FA9]  }
0x2c: {  	s7 =	sld [smem:$0x3FAA]  }
0x2d: {  	s3 =	simm.s32 $0x108;
	s8 =	sld [smem:$0x3FAB]  }
0x2e: {  	s3 =	simm.s32 @!p0 $0x1082;
	s9 =	sld [smem:$0x3FAC]  }
0x2f: {  	lr =	sadd.s32 s0, s3;
	s0 =	sld [smem:$0x3FA3]  }
0x30: {  	s3 =	sld [smem:$0x3FA6]  }
0x31: {  	[smem:$0x3FAF] =	sst s10  }
0x32: {  	s10 =	sld [smem:$0x3FAD];
	_ =	sdelay $0x3  }
0x33: {  	p0 =	seq.s32 s10, $0x1;
	s10 =	sld [smem:$0x3FAF];
	_ =	sdelay $0x3  }
0x34: {  	[smem:$0x3FAF] =	sst s10  }
0x35: {  	s10 =	sld [smem:$0x3FAE];
	_ =	sdelay $0x3  }
0x36: {  	p1 =	seq.s32 s10, $0x1;
	s10 =	sld [smem:$0x3FAF];
	_ =	sdelay $0x3  }
0x37: {  	[smem:$0x3FAF] =	sst s10  }
0x38: {  	s10 =	sld [smem:$0x3FB0]  }
0x39: {  	_ = 	snop;
	(pc) =	sbr.ind lr, $3  }
0x3a: {  	_ = 	snop  }
0x3b: {  	_ = 	snop  }
0x3c: {  	p2 =	seq.s32 s10, $0x1;
	s10 =	sld [smem:$0x3FAF]  }
0x3d: {  	_ =	shalt  }
0x3e: {  	_ =	shalt  }
0x3f: {  	_ =	shalt  }
0x40: {  	_ =	shalt  }
0x41: {  	_ =	shalt  }
0x42: {  	_ =	shalt  }
0x43: {  	_ =	shalt  }
0x44: {  	_ =	shalt  }
0x45: {  	_ =	shalt  }
0x46: {  	_ =	shalt  }
0x47: {  	_ =	shalt  }
0x48: {  	_ =	shalt  }
0x49: {  	_ =	shalt  }
0x4a: {  	_ =	shalt  }
0x4b: {  	_ =	shalt  }
0x4c: {  	_ =	shalt  }
0x4d: {  	_ =	shalt  }
0x4e: {  	_ =	shalt  }
0x4f: {  	_ =	shalt  }
0x50: {  	_ =	shalt  }
0x51: {  	_ =	shalt  }
0x52: {  	_ =	shalt  }
0x53: {  	_ =	shalt  }
0x54: {  	_ =	shalt  }
0x55: {  	_ =	shalt  }
0x56: {  	_ =	shalt  }
0x57: {  	_ =	shalt  }
0x58: {  	_ =	shalt  }
0x59: {  	_ =	shalt  }
0x5a: {  	_ =	shalt  }
0x5b: {  	_ =	shalt  }
0x5c: {  	_ =	shalt  }
0x5d: {  	_ =	shalt  }
0x5e: {  	_ =	shalt  }
0x5f: {  	_ =	shalt  }
0x60: {  	_ =	shalt  }
0x61: {  	_ =	shalt  }
0x62: {  	_ =	shalt  }
0x63: {  	_ =	shalt  }
0x64: {  	_ =	shalt  }
0x65: {  	_ =	shalt  }
0x66: {  	_ =	shalt  }
0x67: {  	_ =	shalt  }
0x68: {  	_ =	shalt  }
0x69: {  	_ =	shalt  }
0x6a: {  	_ =	shalt  }
0x6b: {  	_ =	shalt  }
0x6c: {  	_ =	shalt  }
0x6d: {  	_ =	shalt  }
0x6e: {  	_ =	shalt  }
0x6f: {  	_ =	shalt  }
0x70: {  	_ =	shalt  }
0x71: {  	_ =	shalt  }
0x72: {  	_ =	shalt  }
0x73: {  	_ =	shalt  }
0x74: {  	_ =	shalt  }
0x75: {  	_ =	shalt  }
0x76: {  	_ =	shalt  }
0x77: {  	_ =	shalt  }
0x78: {  	_ =	shalt  }
0x79: {  	_ =	shalt  }
0x7a: {  	_ =	shalt  }
0x7b: {  	_ =	shalt  }
0x7c: {  	_ =	shalt  }
0x7d: {  	_ =	shalt  }
0x7e: {  	_ =	shalt  }
0x7f: {  	_ =	shalt  }
0x80: {  	_ =	shalt  }
0x81: {  	_ =	shalt  }
0x82: {  	_ =	shalt  }
0x83: {  	_ =	shalt  }
0x84: {  	_ =	shalt  }
0x85: {  	_ =	shalt  }
0x86: {  	_ =	shalt  }
0x87: {  	_ =	shalt  }
.Lfunc_end0:
.L_simem_size_0:
called_computation_lowered:
.L_overlay_start_0:
0x88: {  	s2 =	sld [smem:$0x3FD9]  }
0x89: {  	s3 =	sld [smem:$0x3FFE];
	_ =	sdelay $0x1  }
0x8a: {  	s1 =	srdreg.scid  }
0x8b: {  	s0 =	sand.u32 $0x1, s1  }
0x8c: {  	s17 =	sshll.u32 s0, $0xA;
	s2 =	sadd.s32 s3, s2  }
0x8d: {  	s2 =	sadd.s32 s2, s17  }
0x8e: {  	[smem:$0x3FBB] =	sst s2  }
0x8f: {  	_ = 	snop  }
0x90: {  	s2 =	sld [smem:$0x3FD0];
	(tm) =	ssettm $0x1  }
0x91: {  	s18 =	sld [smem:$0x3FFB];
	_ =	sdelay $0x3  }
0x92: {  	_ =	strace s18  }
0x93: {  	s3 =	sld [smem:$0x3FFC];
	_ =	sdelay $0x3  }
0x94: {  	_ =	strace s3  }
0x95: {  	s3 =	sld [smem:$0x3FFD];
	_ =	sdelay $0x3  }
0x96: {  	_ =	strace s3  }
0x97: {  	_ =	strace $0x8FFFFFFF  }
0x98: {  	s19 =	sld [smem:$0x3FDB];
	_ =	sdelay $0x1  }
0x99: {  	s4 =	simm.s32 $_scs_section_size  }
0x9a: {  	s5 =	simm.s32 $_size__tile_overlayer_lowered;
	s6 =	simm.s32 $_tile_overlayer_lowered  }
0x9b: {  	s22 =	simm.s32 $0x1BFF;
	s21 =	sshll.u32 s6, $0x1;
	s3 =	sadd.s32 s4, s19  }
0x9c: {  	s7 =	simm.s32 $0x0;
	s20 =	sshll.u32 s5, $0x1;
	s5 =	sadd.s32 s21, s3  }
0x9d: {  	[timem:s7], [sflag:s22] =	dma.local [hbm:s5], s20  }
0x9e: {  	_ =	swait.ge [sflag:s22], s20  }
0x9f: {  	s4 =	ssub.s32 $0x0, s20;
	[sflag:s22] =	ssyncset.done $0x0  }
0xa0: {  	[sflag:s22] =	ssyncadd.s32 s4;
	_ =	sdelay $0x1  }
0xa1: {  	s23 =	simm.s32 $0x1B8B  }
0xa2: {  	_ =	swait.ge [sflag:s23], $0x1  }
0xa3: {  	[sflag:s23] =	ssyncset.done $0x0  }
0xa4: {  	s25 =	simm.s32 $0x1B8E;
	s24 =	sld [smem:$0x3FFE];
	[sflag:s23] =	ssyncadd.s32 $0xFFFFFFFF  }
0xa5: {  	s26 =	simm.s32 $execute0_lowered;
	[smem:$0x3FD2] =	sst s25  }
0xa6: {  	s5 =	sshll.u32 s26, $0x1;
	_ =	strace $0x80000046;
	[dreg:$0x1] =	wrdreg $0xFFFFFFFF  }
0xa7: {  	s28 =	simm.s32 $_size_execute0_lowered;
	s3 =	sadd.s32 s3, s5;
	[dreg:$0x0] =	wrdreg $0x0  }
0xa8: {  	s5 =	sshll.u32 s28, $0x1;
	[dreg:$0x2] =	wrdreg s3  }
0xa9: {  	[dreg:$0x3] =	wrdreg s5  }
0xaa: {  	[dreg:$0x4] =	wrdreg $0xC0  }
0xab: {  	_ =	task [dreg:s7], $0x5FFFF  }
0xac: {  	[dreg:$0x1] =	wrdreg $0xFFFFFFFF  }
0xad: {  	[dreg:$0x0] =	wrdreg $0x60  }
0xae: {  	[dreg:$0x2] =	wrdreg s2  }
0xaf: {  	[dreg:$0x3] =	wrdreg s24  }
0xb0: {  	[dreg:$0x4] =	wrdreg $0x9  }
0xb1: {  	_ =	task.clear_ibuf [dreg:s7], $0x5FFFF;
	_ =	strace $0x90000046  }
0xb2: {  	s29 =	simm.s32 $0x9;
	_ =	strace $0x80000048  }
0xb3: {  	_ =	swait.ge [sflag:s29], $0x1  }
0xb4: {  	[sflag:s29] =	ssyncadd.s32 $0xFFFFFFFF  }
0xb5: {  	_ =	strace $0x90000048  }
0xb6: {  	_ =	sfence  }
0xb7: {  	s30 =	sld [smem:$0x0];
	_ =	sdelay $0x2  }
0xb8: {  	s31 =	sshll.u32 s1, $0xD;
	s1 =	sshrl.u32 s1, $0x2  }
0xb9: {  	s3 =	sand.u32 $0x4000, s31;
	s1 =	sadd.s32 s1, s30  }
0xba: {  	s0 =	sor.u32 s3, s0;
	s1 =	sshll.u32 s1, $0x11  }
0xbb: {  	s0 =	sor.u32 s1, s0  }
0xbc: {  	s0 =	sadd.s32 $0x8F2B, s0  }
0xbd: {  	[sflag:s0] =	ssyncadd.remote.s32 $0x1  }
0xbe: {  	_ =	sfence.sel $0xFFFF  }
0xbf: {  	[dreg:$0x0] =	wrdreg $0xFFFFFFFF;
	(pc) =	sbr.abs _section_cstart, $3  }
0xc0: {  	[dreg:$0x1] =	wrdreg $0xFFFFFFFF  }
0xc1: {  	_ =	task.clear_ibuf [dreg:s7], $0x2FFFF;
	_ =	strace $0x9FFFFFFF  }
0xc2: {  	(tm) =	ssettm $0x7FFFFFFF  }
0xc3: {  	_ =	shalt  }
tec
execute0_lowered:
.L_overlay_start_1:
0x0: {  	(tag) =	ssettag $0x1  }
0x1: {  	s0 =	srdreg.scid;
	s1 =	stileid.u32  }
0x2: {  	s0 =	sand.u32 $0x1, s0;
	s1 =	sshll.u32 s1, $0x1  }
0x3: {  	s1 =	sor.u32 s0, s1  }
0x4: {  	s2 =	smul.u32 $0x240, s1;
	_ =	sdelay $0x1  }
0x5: {  	s3 =	rddreg [dreg:$0x0];
	s5 =	sshrl.u32 s2, $0x3  }
0x6: {  	s4 =	rddreg [dreg:$0x1];
	s30 =	simm.s32 $0x1;
	s5 =	smul.u32 $0x180, s5  }
0x7: {  	s31 =	simm.s32 $0x3;
	s1 =	sshll.u32 s1, $0x8;
	s2 =	simm.s32 $0x0  }
0x8: {  	s1 =	sadd.s32 s3, s1;
	[smem:$0x7FF] =	sst s2;
	s5 =	sadd.s32 s5, s4  }
0x9: {  	_ =	strace $0x80000047;
	[dreg:$0x3] =	wrdreg s1;
	s20 =	sadd.s32 $0x62800, s5  }
0xa: {  	s7 =	simm.s32 $0x6800;
	s21 =	sadd.s32 $0x63400, s5;
	[dreg:$0x4] =	wrdreg s20  }
0xb: {  	s0 =	ssub.s32 $0x2, s0;
	s22 =	sadd.s32 $0x64000, s5;
	[dreg:$0x5] =	wrdreg s21  }
0xc: {  	s6 =	sshrl.u32 s0, $0x1;
	s23 =	sadd.s32 $0x64C00, s5;
	[dreg:$0x6] =	wrdreg s22  }
0xd: {  	s3 =	sadd.s32 $0x2000, s4;
	s24 =	sadd.s32 $0x65800, s5;
	[dreg:$0x7] =	wrdreg s23  }
0xe: {  	s0 =	ssub.s32 s0, s6;
	s25 =	sadd.s32 $0x66400, s5;
	[dreg:$0x8] =	wrdreg s24  }
0xf: {  	s1 =	simm.s32 $0x2;
	s26 =	sadd.s32 $0x67000, s5;
	[dreg:$0x9] =	wrdreg s25  }
0x10: {  	v2 =	vlaneseq.u32;
	s4 =	sadd.s32 $0x2100, s4;
	s28 =	sadd.s32 $0x67C00, s5;
	[dreg:$0xa] =	wrdreg s26  }
0x11: {  	vm0 =	vmmov $0xffff;
	vm1 =	vmmov $0xff;
	v1 =	vshrl.u32 v2, $0x3;
	s29 =	sadd.s32 $0x68800, s5;
	s5 =	smax.u32 s0, $0x1;
	[dreg:$0xb] =	wrdreg s28  }
0x12: {  	v0 =	vand.u32 $0x7, v2;
	v2 =	vor.u32 $0x8, v2;
	v1 =	vmul.u32 $0x8, v1;
	s0 =	simm.s32 $0x4;
	[dreg:$0xc] =	wrdreg s29;
	s22 =	simm.s32 $0x800  }
.LBB2_1:
0x13: {  	s6 =	rddreg [dreg:$0x3];
	s9 =	simm.s32 $0x5  }
0x14: {  	[tilespmem:s2], [sflag:$0x5] =	stream.linear.gather [hbm4b:s6+s2], $0x480, $0x38;
	[tilespmem:$0xC800] =	vst v63  }
0x15: {  	_ =	swait.ge [sflag:s9], $0x480  }
0x16: {  	[sflag:s9] =	ssyncset.done $0x0  }
0x17: {  	[sflag:s9] =	ssyncadd.s32 $0xFFFFFB80  }
0x18: {  	v3 =	vld [tilespmem:$0x0];
	_ =	sdelay $0x4  }
0x19: {  	v4 =	vshrl.u32 v3, $0x3  }
0x1a: {  	v4 =	vmul.u32 $0x18, v4  }
0x1b: {  	v3 =	vand.u32 $0x7, v3  }
0x1c: {  	v3 =	vor.u32 v3, v4  }
0x1d: {  	v4 =	vperm.xlane v3, v0;
	_ =	sdelay $0x1  }
0x1e: {  	v4 =	vadd.s32 v1, v4;
	_ =	sdelay $0x1  }
0x1f: {  	v3 =	vperm.xlane v3, v2;
	_ =	sdelay $0x1  }
0x20: {  	v3 =	vadd.s32 v1, v3  }
0x21: {  	[tilespmem:s22], [sflag:$0x1] =	stream.indirect_vreg.gather [hbm4b:s3+s2], $0x80, v4, vm0, $0xb8;
	[tilespmem:$0xC800] =	vst v63  }
0x22: {  	s10 =	simm.s32 $0x1000  }
0x23: {  	[tilespmem:s10], [sflag:$0x1] =	stream.indirect_vreg.gather [hbm4b:s4+s2], $0x80, v4, vm1, $0xb8;
	[tilespmem:$0xC800] =	vst v63  }
0x24: {  	s11 =	simm.s32 $0x1400  }
0x25: {  	[tilespmem:s11], [sflag:$0x1] =	stream.indirect_vreg.gather [hbm4b:s3+s2], $0x80, v3, vm0, $0xb8;
	[tilespmem:$0xC800] =	vst v63  }
0x26: {  	s12 =	simm.s32 $0x1C00  }
0x27: {  	[tilespmem:s12], [sflag:$0x1] =	stream.indirect_vreg.gather [hbm4b:s4+s2], $0x80, v3, vm1, $0xb8;
	[tilespmem:$0xC800] =	vst v63  }
0x28: {  	v3 =	vld [tilespmem:$0x10];
	_ =	sdelay $0x4  }
0x29: {  	v29 =	vshrl.u32 v3, $0x3  }
0x2a: {  	v4 =	vmul.u32 $0x18, v29  }
0x2b: {  	v3 =	vand.u32 $0x7, v3  }
0x2c: {  	v3 =	vor.u32 v3, v4  }
0x2d: {  	v4 =	vperm.xlane v3, v0;
	_ =	sdelay $0x1  }
0x2e: {  	v4 =	vadd.s32 v1, v4;
	_ =	sdelay $0x1  }
0x2f: {  	v3 =	vperm.xlane v3, v2;
	_ =	sdelay $0x1  }
0x30: {  	s13 =	simm.s32 $0x2000;
	v3 =	vadd.s32 v1, v3  }
0x31: {  	[tilespmem:s13], [sflag:$0x1] =	stream.indirect_vreg.gather [hbm4b:s3+s2], $0x80, v4, vm0, $0xb8;
	[tilespmem:$0xC800] =	vst v63  }
0x32: {  	s14 =	simm.s32 $0x2800  }
0x33: {  	[tilespmem:s14], [sflag:$0x1] =	stream.indirect_vreg.gather [hbm4b:s4+s2], $0x80, v4, vm1, $0xb8;
	[tilespmem:$0xC800] =	vst v63  }
0x34: {  	s15 =	simm.s32 $0x2C00  }
0x35: {  	[tilespmem:s15], [sflag:$0x1] =	stream.indirect_vreg.gather [hbm4b:s3+s2], $0x80, v3, vm0, $0xb8;
	[tilespmem:$0xC800] =	vst v63  }
0x36: {  	s16 =	simm.s32 $0x3400  }
0x37: {  	[tilespmem:s16], [sflag:$0x1] =	stream.indirect_vreg.gather [hbm4b:s4+s2], $0x80, v3, vm1, $0xb8;
	[tilespmem:$0xC800] =	vst v63  }
0x38: {  	v3 =	vld [tilespmem:$0x20];
	_ =	sdelay $0x4  }
0x39: {  	v30 =	vshrl.u32 v3, $0x3  }
0x3a: {  	v4 =	vmul.u32 $0x18, v30  }
0x3b: {  	v3 =	vand.u32 $0x7, v3  }
0x3c: {  	v3 =	vor.u32 v3, v4  }
0x3d: {  	v4 =	vperm.xlane v3, v0;
	_ =	sdelay $0x1  }
0x3e: {  	v4 =	vadd.s32 v1, v4;
	_ =	sdelay $0x1  }
0x3f: {  	v3 =	vperm.xlane v3, v2;
	_ =	sdelay $0x1  }
0x40: {  	s17 =	simm.s32 $0x3800;
	v3 =	vadd.s32 v1, v3  }
0x41: {  	[tilespmem:s17], [sflag:$0x1] =	stream.indirect_vreg.gather [hbm4b:s3+s2], $0x80, v4, vm0, $0xb8;
	[tilespmem:$0xC800] =	vst v63  }
0x42: {  	s18 =	simm.s32 $0x4000  }
0x43: {  	[tilespmem:s18], [sflag:$0x1] =	stream.indirect_vreg.gather [hbm4b:s4+s2], $0x80, v4, vm1, $0xb8;
	[tilespmem:$0xC800] =	vst v63  }
0x44: {  	s20 =	simm.s32 $0x4400  }
0x45: {  	[tilespmem:s20], [sflag:$0x1] =	stream.indirect_vreg.gather [hbm4b:s3+s2], $0x80, v3, vm0, $0xb8;
	[tilespmem:$0xC800] =	vst v63  }
0x46: {  	s21 =	simm.s32 $0x4C00  }
0x47: {  	[tilespmem:s21], [sflag:$0x1] =	stream.indirect_vreg.gather [hbm4b:s4+s2], $0x80, v3, vm1, $0xb8;
	[tilespmem:$0xC800] =	vst v63  }
0x48: {  	v3 =	vld [tilespmem:$0x30];
	_ =	sdelay $0x4  }
0x49: {  	v31 =	vshrl.u32 v3, $0x3  }
0x4a: {  	v4 =	vmul.u32 $0x18, v31  }
0x4b: {  	v3 =	vand.u32 $0x7, v3  }
0x4c: {  	v3 =	vor.u32 v3, v4  }
0x4d: {  	v4 =	vperm.xlane v3, v0;
	_ =	sdelay $0x1  }
0x4e: {  	v4 =	vadd.s32 v1, v4;
	_ =	sdelay $0x1  }
0x4f: {  	v3 =	vperm.xlane v3, v2;
	_ =	sdelay $0x1  }
0x50: {  	s24 =	simm.s32 $0x5000;
	v3 =	vadd.s32 v1, v3  }
0x51: {  	[tilespmem:s24], [sflag:$0x1] =	stream.indirect_vreg.gather [hbm4b:s3+s2], $0x80, v4, vm0, $0xb8;
	[tilespmem:$0xC800] =	vst v63  }
0x52: {  	s25 =	simm.s32 $0x5800  }
0x53: {  	[tilespmem:s25], [sflag:$0x1] =	stream.indirect_vreg.gather [hbm4b:s4+s2], $0x80, v4, vm1, $0xb8;
	[tilespmem:$0xC800] =	vst v63  }
0x54: {  	s26 =	simm.s32 $0x5C00  }
0x55: {  	[tilespmem:s26], [sflag:$0x1] =	stream.indirect_vreg.gather [hbm4b:s3+s2], $0x80, v3, vm0, $0xb8;
	[tilespmem:$0xC800] =	vst v63  }
0x56: {  	s28 =	simm.s32 $0x6400  }
0x57: {  	[tilespmem:s28], [sflag:$0x1] =	stream.indirect_vreg.gather [hbm4b:s4+s2], $0x80, v3, vm1, $0xb8;
	[tilespmem:$0xC800] =	vst v63  }
0x58: {  	v3 =	vld [tilespmem:$0x80];
	_ =	sdelay $0x4  }
0x59: {  	v32 =	vshrl.u32 v3, $0x3  }
0x5a: {  	v4 =	vmul.u32 $0x18, v32  }
0x5b: {  	v3 =	vand.u32 $0x7, v3  }
0x5c: {  	v3 =	vor.u32 v3, v4  }
0x5d: {  	v4 =	vperm.xlane v3, v0;
	_ =	sdelay $0x1  }
0x5e: {  	v4 =	vadd.s32 v1, v4;
	_ =	sdelay $0x1  }
0x5f: {  	v3 =	vperm.xlane v3, v2;
	_ =	sdelay $0x1  }
0x60: {  	v3 =	vadd.s32 v1, v3  }
0x61: {  	[tilespmem:s7], [sflag:$0x2] =	stream.indirect_vreg.gather [hbm4b:s3+s2], $0x80, v4, vm0, $0xb8;
	[tilespmem:$0xC800] =	vst v63  }
0x62: {  	s29 =	simm.s32 $0x7000  }
0x63: {  	[tilespmem:s29], [sflag:$0x2] =	stream.indirect_vreg.gather [hbm4b:s4+s2], $0x80, v4, vm1, $0xb8;
	[tilespmem:$0xC800] =	vst v63  }
0x64: {  	s24 =	simm.s32 $0x7400  }
0x65: {  	[tilespmem:s24], [sflag:$0x2] =	stream.indirect_vreg.gather [hbm4b:s3+s2], $0x80, v3, vm0, $0xb8;
	[tilespmem:$0xC800] =	vst v63  }
0x66: {  	s25 =	simm.s32 $0x7C00  }
0x67: {  	[tilespmem:s25], [sflag:$0x2] =	stream.indirect_vreg.gather [hbm4b:s4+s2], $0x80, v3, vm1, $0xb8;
	[tilespmem:$0xC800] =	vst v63  }
0x68: {  	v3 =	vld [tilespmem:$0x90];
	_ =	sdelay $0x4  }
0x69: {  	v33 =	vshrl.u32 v3, $0x3  }
0x6a: {  	v4 =	vmul.u32 $0x18, v33  }
0x6b: {  	v3 =	vand.u32 $0x7, v3  }
0x6c: {  	v3 =	vor.u32 v3, v4  }
0x6d: {  	v4 =	vperm.xlane v3, v0;
	_ =	sdelay $0x1  }
0x6e: {  	v4 =	vadd.s32 v1, v4;
	_ =	sdelay $0x1  }
0x6f: {  	v3 =	vperm.xlane v3, v2;
	_ =	sdelay $0x1  }
0x70: {  	s26 =	simm.s32 $0x8000;
	v3 =	vadd.s32 v1, v3  }
0x71: {  	[tilespmem:s26], [sflag:$0x2] =	stream.indirect_vreg.gather [hbm4b:s3+s2], $0x80, v4, vm0, $0xb8;
	[tilespmem:$0xC800] =	vst v63  }
0x72: {  	s29 =	simm.s32 $0x8800  }
0x73: {  	[tilespmem:s29], [sflag:$0x2] =	stream.indirect_vreg.gather [hbm4b:s4+s2], $0x80, v4, vm1, $0xb8;
	[tilespmem:$0xC800] =	vst v63  }
0x74: {  	s24 =	simm.s32 $0x8C00  }
0x75: {  	[tilespmem:s24], [sflag:$0x2] =	stream.indirect_vreg.gather [hbm4b:s3+s2], $0x80, v3, vm0, $0xb8;
	[tilespmem:$0xC800] =	vst v63  }
0x76: {  	s25 =	simm.s32 $0x9400  }
0x77: {  	[tilespmem:s25], [sflag:$0x2] =	stream.indirect_vreg.gather [hbm4b:s4+s2], $0x80, v3, vm1, $0xb8;
	[tilespmem:$0xC800] =	vst v63  }
0x78: {  	v3 =	vld [tilespmem:$0xA0];
	_ =	sdelay $0x4  }
0x79: {  	v34 =	vshrl.u32 v3, $0x3  }
0x7a: {  	v4 =	vmul.u32 $0x18, v34  }
0x7b: {  	v3 =	vand.u32 $0x7, v3  }
0x7c: {  	v3 =	vor.u32 v3, v4  }
0x7d: {  	v4 =	vperm.xlane v3, v0;
	_ =	sdelay $0x1  }
0x7e: {  	v4 =	vadd.s32 v1, v4;
	_ =	sdelay $0x1  }
0x7f: {  	v3 =	vperm.xlane v3, v2;
	_ =	sdelay $0x1  }
0x80: {  	s26 =	simm.s32 $0x9800;
	v3 =	vadd.s32 v1, v3  }
0x81: {  	[tilespmem:s26], [sflag:$0x2] =	stream.indirect_vreg.gather [hbm4b:s3+s2], $0x80, v4, vm0, $0xb8;
	[tilespmem:$0xC800] =	vst v63  }
0x82: {  	s25 =	simm.s32 $0xA000  }
0x83: {  	[tilespmem:s25], [sflag:$0x2] =	stream.indirect_vreg.gather [hbm4b:s4+s2], $0x80, v4, vm1, $0xb8;
	[tilespmem:$0xC800] =	vst v63  }
0x84: {  	s26 =	simm.s32 $0xA400  }
0x85: {  	[tilespmem:s26], [sflag:$0x2] =	stream.indirect_vreg.gather [hbm4b:s3+s2], $0x80, v3, vm0, $0xb8;
	[tilespmem:$0xC800] =	vst v63  }
0x86: {  	s25 =	simm.s32 $0xAC00  }
0x87: {  	[tilespmem:s25], [sflag:$0x2] =	stream.indirect_vreg.gather [hbm4b:s4+s2], $0x80, v3, vm1, $0xb8;
	[tilespmem:$0xC800] =	vst v63  }
0x88: {  	v3 =	vld [tilespmem:$0xB0];
	_ =	sdelay $0x4  }
0x89: {  	v35 =	vshrl.u32 v3, $0x3  }
0x8a: {  	v4 =	vmul.u32 $0x18, v35  }
0x8b: {  	v3 =	vand.u32 $0x7, v3  }
0x8c: {  	v3 =	vor.u32 v3, v4  }
0x8d: {  	v4 =	vperm.xlane v3, v0;
	_ =	sdelay $0x1  }
0x8e: {  	v4 =	vadd.s32 v1, v4;
	_ =	sdelay $0x1  }
0x8f: {  	v3 =	vperm.xlane v3, v2;
	_ =	sdelay $0x1  }
0x90: {  	s26 =	simm.s32 $0xB000;
	v3 =	vadd.s32 v1, v3  }
0x91: {  	[tilespmem:s26], [sflag:$0x2] =	stream.indirect_vreg.gather [hbm4b:s3+s2], $0x80, v4, vm0, $0xb8;
	[tilespmem:$0xC800] =	vst v63  }
0x92: {  	s26 =	simm.s32 $0xB800  }
0x93: {  	[tilespmem:s26], [sflag:$0x2] =	stream.indirect_vreg.gather [hbm4b:s4+s2], $0x80, v4, vm1, $0xb8;
	[tilespmem:$0xC800] =	vst v63  }
0x94: {  	s26 =	simm.s32 $0xBC00  }
0x95: {  	[tilespmem:s26], [sflag:$0x2] =	stream.indirect_vreg.gather [hbm4b:s3+s2], $0x80, v3, vm0, $0xb8;
	[tilespmem:$0xC800] =	vst v63  }
0x96: {  	s26 =	simm.s32 $0xC400  }
0x97: {  	[tilespmem:s26], [sflag:$0x2] =	stream.indirect_vreg.gather [hbm4b:s4+s2], $0x80, v3, vm1, $0xb8;
	[tilespmem:$0xC800] =	vst v63  }
0x98: {  	_ =	swait.ge [sflag:s30], $0x6000  }
0x99: {  	[sflag:s30] =	ssyncset.done $0x0  }
0x9a: {  	s6 =	rddreg [dreg:$0x4];
	[sflag:s30] =	ssyncadd.s32 $0xFFFFA000  }
0x9b: {  	[hbm4b:s6+s2] =	stream.linear.scatter [tilespmem:s22], [sflag:$0x3], $0x6000, $0x38;
	[tilespmem:$0xC800] =	vst v63  }
0x9c: {  	_ =	swait.ge [sflag:s31], $0x6000  }
0x9d: {  	[sflag:s31] =	ssyncset.done $0x0  }
0x9e: {  	[sflag:s31] =	ssyncadd.s32 $0xFFFFA000  }
0x9f: {  	v3 =	vld [tilespmem:$0x100];
	_ =	sdelay $0x4  }
0xa0: {  	v36 =	vshrl.u32 v3, $0x3  }
0xa1: {  	v4 =	vmul.u32 $0x18, v36  }
0xa2: {  	v3 =	vand.u32 $0x7, v3  }
0xa3: {  	v3 =	vor.u32 v3, v4  }
0xa4: {  	v4 =	vperm.xlane v3, v0;
	_ =	sdelay $0x1  }
0xa5: {  	v4 =	vadd.s32 v1, v4;
	_ =	sdelay $0x1  }
0xa6: {  	v3 =	vperm.xlane v3, v2;
	_ =	sdelay $0x1  }
0xa7: {  	v3 =	vadd.s32 v1, v3  }
0xa8: {  	[tilespmem:s22], [sflag:$0x1] =	stream.indirect_vreg.gather [hbm4b:s3+s2], $0x80, v4, vm0, $0xb8;
	[tilespmem:$0xC800] =	vst v63  }
0xa9: {  	s8 =	simm.s32 $0x1000  }
0xaa: {  	[tilespmem:s8], [sflag:$0x1] =	stream.indirect_vreg.gather [hbm4b:s4+s2], $0x80, v4, vm1, $0xb8;
	[tilespmem:$0xC800] =	vst v63  }
0xab: {  	s9 =	simm.s32 $0x1400  }
0xac: {  	[tilespmem:s9], [sflag:$0x1] =	stream.indirect_vreg.gather [hbm4b:s3+s2], $0x80, v3, vm0, $0xb8;
	[tilespmem:$0xC800] =	vst v63  }
0xad: {  	s23 =	simm.s32 $0x1C00  }
0xae: {  	[tilespmem:s23], [sflag:$0x1] =	stream.indirect_vreg.gather [hbm4b:s4+s2], $0x80, v3, vm1, $0xb8;
	[tilespmem:$0xC800] =	vst v63  }
0xaf: {  	v3 =	vld [tilespmem:$0x110];
	_ =	sdelay $0x4  }
0xb0: {  	v37 =	vshrl.u32 v3, $0x3  }
0xb1: {  	v4 =	vmul.u32 $0x18, v37  }
0xb2: {  	v3 =	vand.u32 $0x7, v3  }
0xb3: {  	v3 =	vor.u32 v3, v4  }
0xb4: {  	v4 =	vperm.xlane v3, v0;
	_ =	sdelay $0x1  }
0xb5: {  	v4 =	vadd.s32 v1, v4;
	_ =	sdelay $0x1  }
0xb6: {  	v3 =	vperm.xlane v3, v2;
	_ =	sdelay $0x1  }
0xb7: {  	s10 =	simm.s32 $0x2000;
	v3 =	vadd.s32 v1, v3  }
0xb8: {  	[tilespmem:s10], [sflag:$0x1] =	stream.indirect_vreg.gather [hbm4b:s3+s2], $0x80, v4, vm0, $0xb8;
	[tilespmem:$0xC800] =	vst v63  }
0xb9: {  	s11 =	simm.s32 $0x2800  }
0xba: {  	[tilespmem:s11], [sflag:$0x1] =	stream.indirect_vreg.gather [hbm4b:s4+s2], $0x80, v4, vm1, $0xb8;
	[tilespmem:$0xC800] =	vst v63  }
0xbb: {  	s12 =	simm.s32 $0x2C00  }
0xbc: {  	[tilespmem:s12], [sflag:$0x1] =	stream.indirect_vreg.gather [hbm4b:s3+s2], $0x80, v3, vm0, $0xb8;
	[tilespmem:$0xC800] =	vst v63  }
0xbd: {  	s19 =	simm.s32 $0x3400  }
0xbe: {  	[tilespmem:s19], [sflag:$0x1] =	stream.indirect_vreg.gather [hbm4b:s4+s2], $0x80, v3, vm1, $0xb8;
	[tilespmem:$0xC800] =	vst v63  }
0xbf: {  	v3 =	vld [tilespmem:$0x120];
	_ =	sdelay $0x4  }
0xc0: {  	v38 =	vshrl.u32 v3, $0x3  }
0xc1: {  	v4 =	vmul.u32 $0x18, v38  }
0xc2: {  	v3 =	vand.u32 $0x7, v3  }
0xc3: {  	v3 =	vor.u32 v3, v4  }
0xc4: {  	v4 =	vperm.xlane v3, v0;
	_ =	sdelay $0x1  }
0xc5: {  	v4 =	vadd.s32 v1, v4;
	_ =	sdelay $0x1  }
0xc6: {  	v3 =	vperm.xlane v3, v2;
	_ =	sdelay $0x1  }
0xc7: {  	s13 =	simm.s32 $0x3800;
	v3 =	vadd.s32 v1, v3  }
0xc8: {  	[tilespmem:s13], [sflag:$0x1] =	stream.indirect_vreg.gather [hbm4b:s3+s2], $0x80, v4, vm0, $0xb8;
	[tilespmem:$0xC800] =	vst v63  }
0xc9: {  	s14 =	simm.s32 $0x4000  }
0xca: {  	[tilespmem:s14], [sflag:$0x1] =	stream.indirect_vreg.gather [hbm4b:s4+s2], $0x80, v4, vm1, $0xb8;
	[tilespmem:$0xC800] =	vst v63  }
0xcb: {  	s15 =	simm.s32 $0x4400  }
0xcc: {  	[tilespmem:s15], [sflag:$0x1] =	stream.indirect_vreg.gather [hbm4b:s3+s2], $0x80, v3, vm0, $0xb8;
	[tilespmem:$0xC800] =	vst v63  }
0xcd: {  	s21 =	simm.s32 $0x4C00  }
0xce: {  	[tilespmem:s21], [sflag:$0x1] =	stream.indirect_vreg.gather [hbm4b:s4+s2], $0x80, v3, vm1, $0xb8;
	[tilespmem:$0xC800] =	vst v63  }
0xcf: {  	v3 =	vld [tilespmem:$0x130];
	_ =	sdelay $0x4  }
0xd0: {  	v39 =	vshrl.u32 v3, $0x3  }
0xd1: {  	v4 =	vmul.u32 $0x18, v39  }
0xd2: {  	v3 =	vand.u32 $0x7, v3  }
0xd3: {  	v3 =	vor.u32 v3, v4  }
0xd4: {  	v4 =	vperm.xlane v3, v0;
	_ =	sdelay $0x1  }
0xd5: {  	v4 =	vadd.s32 v1, v4;
	_ =	sdelay $0x1  }
0xd6: {  	v3 =	vperm.xlane v3, v2;
	_ =	sdelay $0x1  }
0xd7: {  	s16 =	simm.s32 $0x5000;
	v3 =	vadd.s32 v1, v3  }
0xd8: {  	[tilespmem:s16], [sflag:$0x1] =	stream.indirect_vreg.gather [hbm4b:s3+s2], $0x80, v4, vm0, $0xb8;
	[tilespmem:$0xC800] =	vst v63  }
0xd9: {  	s17 =	simm.s32 $0x5800  }
0xda: {  	[tilespmem:s17], [sflag:$0x1] =	stream.indirect_vreg.gather [hbm4b:s4+s2], $0x80, v4, vm1, $0xb8;
	[tilespmem:$0xC800] =	vst v63  }
0xdb: {  	s18 =	simm.s32 $0x5C00  }
0xdc: {  	[tilespmem:s18], [sflag:$0x1] =	stream.indirect_vreg.gather [hbm4b:s3+s2], $0x80, v3, vm0, $0xb8;
	[tilespmem:$0xC800] =	vst v63  }
0xdd: {  	s20 =	simm.s32 $0x6400  }
0xde: {  	[tilespmem:s20], [sflag:$0x1] =	stream.indirect_vreg.gather [hbm4b:s4+s2], $0x80, v3, vm1, $0xb8;
	[tilespmem:$0xC800] =	vst v63  }
0xdf: {  	_ =	swait.ge [sflag:s1], $0x6000  }
0xe0: {  	[sflag:s1] =	ssyncset.done $0x0  }
0xe1: {  	s6 =	rddreg [dreg:$0x5];
	[sflag:s1] =	ssyncadd.s32 $0xFFFFA000  }
0xe2: {  	[hbm4b:s6+s2] =	stream.linear.scatter [tilespmem:s7], [sflag:$0x4], $0x6000, $0x38;
	[tilespmem:$0xC800] =	vst v63  }
0xe3: {  	_ =	swait.ge [sflag:s0], $0x6000  }
0xe4: {  	[sflag:s0] =	ssyncset.done $0x0  }
0xe5: {  	[sflag:s0] =	ssyncadd.s32 $0xFFFFA000  }
0xe6: {  	v3 =	vld [tilespmem:$0x180];
	_ =	sdelay $0x4  }
0xe7: {  	v40 =	vshrl.u32 v3, $0x3  }
0xe8: {  	v4 =	vmul.u32 $0x18, v40  }
0xe9: {  	v3 =	vand.u32 $0x7, v3  }
0xea: {  	v3 =	vor.u32 v3, v4  }
0xeb: {  	v4 =	vperm.xlane v3, v0;
	_ =	sdelay $0x1  }
0xec: {  	v4 =	vadd.s32 v1, v4;
	_ =	sdelay $0x1  }
0xed: {  	v3 =	vperm.xlane v3, v2;
	_ =	sdelay $0x1  }
0xee: {  	v3 =	vadd.s32 v1, v3  }
0xef: {  	[tilespmem:s7], [sflag:$0x2] =	stream.indirect_vreg.gather [hbm4b:s3+s2], $0x80, v4, vm0, $0xb8;
	[tilespmem:$0xC800] =	vst v63  }
0xf0: {  	s6 =	simm.s32 $0x7000  }
0xf1: {  	[tilespmem:s6], [sflag:$0x2] =	stream.indirect_vreg.gather [hbm4b:s4+s2], $0x80, v4, vm1, $0xb8;
	[tilespmem:$0xC800] =	vst v63  }
0xf2: {  	s6 =	simm.s32 $0x7400  }
0xf3: {  	[tilespmem:s6], [sflag:$0x2] =	stream.indirect_vreg.gather [hbm4b:s3+s2], $0x80, v3, vm0, $0xb8;
	[tilespmem:$0xC800] =	vst v63  }
0xf4: {  	s28 =	simm.s32 $0x7C00  }
0xf5: {  	[tilespmem:s28], [sflag:$0x2] =	stream.indirect_vreg.gather [hbm4b:s4+s2], $0x80, v3, vm1, $0xb8;
	[tilespmem:$0xC800] =	vst v63  }
0xf6: {  	v3 =	vld [tilespmem:$0x190];
	_ =	sdelay $0x4  }
0xf7: {  	v41 =	vshrl.u32 v3, $0x3  }
0xf8: {  	v4 =	vmul.u32 $0x18, v41  }
0xf9: {  	v3 =	vand.u32 $0x7, v3  }
0xfa: {  	v3 =	vor.u32 v3, v4  }
0xfb: {  	v4 =	vperm.xlane v3, v0;
	_ =	sdelay $0x1  }
0xfc: {  	v4 =	vadd.s32 v1, v4;
	_ =	sdelay $0x1  }
0xfd: {  	v3 =	vperm.xlane v3, v2;
	_ =	sdelay $0x1  }
0xfe: {  	s28 =	simm.s32 $0x8000;
	v3 =	vadd.s32 v1, v3  }
0xff: {  	[tilespmem:s28], [sflag:$0x2] =	stream.indirect_vreg.gather [hbm4b:s3+s2], $0x80, v4, vm0, $0xb8;
	[tilespmem:$0xC800] =	vst v63  }
0x100: {  	s28 =	simm.s32 $0x8800  }
0x101: {  	[tilespmem:s28], [sflag:$0x2] =	stream.indirect_vreg.gather [hbm4b:s4+s2], $0x80, v4, vm1, $0xb8;
	[tilespmem:$0xC800] =	vst v63  }
0x102: {  	s29 =	simm.s32 $0x8C00  }
0x103: {  	[tilespmem:s29], [sflag:$0x2] =	stream.indirect_vreg.gather [hbm4b:s3+s2], $0x80, v3, vm0, $0xb8;
	[tilespmem:$0xC800] =	vst v63  }
0x104: {  	s24 =	simm.s32 $0x9400  }
0x105: {  	[tilespmem:s24], [sflag:$0x2] =	stream.indirect_vreg.gather [hbm4b:s4+s2], $0x80, v3, vm1, $0xb8;
	[tilespmem:$0xC800] =	vst v63  }
0x106: {  	v3 =	vld [tilespmem:$0x1A0];
	_ =	sdelay $0x4  }
0x107: {  	v42 =	vshrl.u32 v3, $0x3  }
0x108: {  	v4 =	vmul.u32 $0x18, v42  }
0x109: {  	v3 =	vand.u32 $0x7, v3  }
0x10a: {  	v3 =	vor.u32 v3, v4  }
0x10b: {  	v4 =	vperm.xlane v3, v0;
	_ =	sdelay $0x1  }
0x10c: {  	v4 =	vadd.s32 v1, v4;
	_ =	sdelay $0x1  }
0x10d: {  	v3 =	vperm.xlane v3, v2;
	_ =	sdelay $0x1  }
0x10e: {  	s24 =	simm.s32 $0x9800;
	v3 =	vadd.s32 v1, v3  }
0x10f: {  	[tilespmem:s24], [sflag:$0x2] =	stream.indirect_vreg.gather [hbm4b:s3+s2], $0x80, v4, vm0, $0xb8;
	[tilespmem:$0xC800] =	vst v63  }
0x110: {  	s29 =	simm.s32 $0xA000  }
0x111: {  	[tilespmem:s29], [sflag:$0x2] =	stream.indirect_vreg.gather [hbm4b:s4+s2], $0x80, v4, vm1, $0xb8;
	[tilespmem:$0xC800] =	vst v63  }
0x112: {  	s6 =	simm.s32 $0xA400  }
0x113: {  	[tilespmem:s6], [sflag:$0x2] =	stream.indirect_vreg.gather [hbm4b:s3+s2], $0x80, v3, vm0, $0xb8;
	[tilespmem:$0xC800] =	vst v63  }
0x114: {  	s25 =	simm.s32 $0xAC00  }
0x115: {  	[tilespmem:s25], [sflag:$0x2] =	stream.indirect_vreg.gather [hbm4b:s4+s2], $0x80, v3, vm1, $0xb8;
	[tilespmem:$0xC800] =	vst v63  }
0x116: {  	v3 =	vld [tilespmem:$0x1B0];
	_ =	sdelay $0x4  }
0x117: {  	v43 =	vshrl.u32 v3, $0x3  }
0x118: {  	v4 =	vmul.u32 $0x18, v43  }
0x119: {  	v3 =	vand.u32 $0x7, v3  }
0x11a: {  	v3 =	vor.u32 v3, v4  }
0x11b: {  	v4 =	vperm.xlane v3, v0;
	_ =	sdelay $0x1  }
0x11c: {  	v4 =	vadd.s32 v1, v4;
	_ =	sdelay $0x1  }
0x11d: {  	v3 =	vperm.xlane v3, v2;
	_ =	sdelay $0x1  }
0x11e: {  	s25 =	simm.s32 $0xB000;
	v3 =	vadd.s32 v1, v3  }
0x11f: {  	[tilespmem:s25], [sflag:$0x2] =	stream.indirect_vreg.gather [hbm4b:s3+s2], $0x80, v4, vm0, $0xb8;
	[tilespmem:$0xC800] =	vst v63  }
0x120: {  	s25 =	simm.s32 $0xB800  }
0x121: {  	[tilespmem:s25], [sflag:$0x2] =	stream.indirect_vreg.gather [hbm4b:s4+s2], $0x80, v4, vm1, $0xb8;
	[tilespmem:$0xC800] =	vst v63  }
0x122: {  	s6 =	simm.s32 $0xBC00  }
0x123: {  	[tilespmem:s6], [sflag:$0x2] =	stream.indirect_vreg.gather [hbm4b:s3+s2], $0x80, v3, vm0, $0xb8;
	[tilespmem:$0xC800] =	vst v63  }
0x124: {  	s26 =	simm.s32 $0xC400  }
0x125: {  	[tilespmem:s26], [sflag:$0x2] =	stream.indirect_vreg.gather [hbm4b:s4+s2], $0x80, v3, vm1, $0xb8;
	[tilespmem:$0xC800] =	vst v63  }
0x126: {  	_ =	swait.ge [sflag:s30], $0x6000  }
0x127: {  	[sflag:s30] =	ssyncset.done $0x0  }
0x128: {  	s26 =	rddreg [dreg:$0x6];
	[sflag:s30] =	ssyncadd.s32 $0xFFFFA000  }
0x129: {  	[hbm4b:s26+s2] =	stream.linear.scatter [tilespmem:s22], [sflag:$0x3], $0x6000, $0x38;
	[tilespmem:$0xC800] =	vst v63  }
0x12a: {  	_ =	swait.ge [sflag:s31], $0x6000  }
0x12b: {  	[sflag:s31] =	ssyncset.done $0x0  }
0x12c: {  	[sflag:s31] =	ssyncadd.s32 $0xFFFFA000  }
0x12d: {  	v3 =	vld [tilespmem:$0x200];
	_ =	sdelay $0x4  }
0x12e: {  	v44 =	vshrl.u32 v3, $0x3  }
0x12f: {  	v4 =	vmul.u32 $0x18, v44  }
0x130: {  	v3 =	vand.u32 $0x7, v3  }
0x131: {  	v3 =	vor.u32 v3, v4  }
0x132: {  	v4 =	vperm.xlane v3, v0;
	_ =	sdelay $0x1  }
0x133: {  	v4 =	vadd.s32 v1, v4;
	_ =	sdelay $0x1  }
0x134: {  	v3 =	vperm.xlane v3, v2;
	_ =	sdelay $0x1  }
0x135: {  	v3 =	vadd.s32 v1, v3  }
0x136: {  	[tilespmem:s22], [sflag:$0x1] =	stream.indirect_vreg.gather [hbm4b:s3+s2], $0x80, v4, vm0, $0xb8;
	[tilespmem:$0xC800] =	vst v63  }
0x137: {  	s8 =	simm.s32 $0x1000  }
0x138: {  	[tilespmem:s8], [sflag:$0x1] =	stream.indirect_vreg.gather [hbm4b:s4+s2], $0x80, v4, vm1, $0xb8;
	[tilespmem:$0xC800] =	vst v63  }
0x139: {  	s9 =	simm.s32 $0x1400  }
0x13a: {  	[tilespmem:s9], [sflag:$0x1] =	stream.indirect_vreg.gather [hbm4b:s3+s2], $0x80, v3, vm0, $0xb8;
	[tilespmem:$0xC800] =	vst v63  }
0x13b: {  	s23 =	simm.s32 $0x1C00  }
0x13c: {  	[tilespmem:s23], [sflag:$0x1] =	stream.indirect_vreg.gather [hbm4b:s4+s2], $0x80, v3, vm1, $0xb8;
	[tilespmem:$0xC800] =	vst v63  }
0x13d: {  	v3 =	vld [tilespmem:$0x210];
	_ =	sdelay $0x4  }
0x13e: {  	v45 =	vshrl.u32 v3, $0x3  }
0x13f: {  	v4 =	vmul.u32 $0x18, v45  }
0x140: {  	v3 =	vand.u32 $0x7, v3  }
0x141: {  	v3 =	vor.u32 v3, v4  }
0x142: {  	v4 =	vperm.xlane v3, v0;
	_ =	sdelay $0x1  }
0x143: {  	v4 =	vadd.s32 v1, v4;
	_ =	sdelay $0x1  }
0x144: {  	v3 =	vperm.xlane v3, v2;
	_ =	sdelay $0x1  }
0x145: {  	s10 =	simm.s32 $0x2000;
	v3 =	vadd.s32 v1, v3  }
0x146: {  	[tilespmem:s10], [sflag:$0x1] =	stream.indirect_vreg.gather [hbm4b:s3+s2], $0x80, v4, vm0, $0xb8;
	[tilespmem:$0xC800] =	vst v63  }
0x147: {  	s11 =	simm.s32 $0x2800  }
0x148: {  	[tilespmem:s11], [sflag:$0x1] =	stream.indirect_vreg.gather [hbm4b:s4+s2], $0x80, v4, vm1, $0xb8;
	[tilespmem:$0xC800] =	vst v63  }
0x149: {  	s12 =	simm.s32 $0x2C00  }
0x14a: {  	[tilespmem:s12], [sflag:$0x1] =	stream.indirect_vreg.gather [hbm4b:s3+s2], $0x80, v3, vm0, $0xb8;
	[tilespmem:$0xC800] =	vst v63  }
0x14b: {  	s19 =	simm.s32 $0x3400  }
0x14c: {  	[tilespmem:s19], [sflag:$0x1] =	stream.indirect_vreg.gather [hbm4b:s4+s2], $0x80, v3, vm1, $0xb8;
	[tilespmem:$0xC800] =	vst v63  }
0x14d: {  	v3 =	vld [tilespmem:$0x220];
	_ =	sdelay $0x4  }
0x14e: {  	v46 =	vshrl.u32 v3, $0x3  }
0x14f: {  	v4 =	vmul.u32 $0x18, v46  }
0x150: {  	v3 =	vand.u32 $0x7, v3  }
0x151: {  	v3 =	vor.u32 v3, v4  }
0x152: {  	v4 =	vperm.xlane v3, v0;
	_ =	sdelay $0x1  }
0x153: {  	v4 =	vadd.s32 v1, v4;
	_ =	sdelay $0x1  }
0x154: {  	v3 =	vperm.xlane v3, v2;
	_ =	sdelay $0x1  }
0x155: {  	s13 =	simm.s32 $0x3800;
	v3 =	vadd.s32 v1, v3  }
0x156: {  	[tilespmem:s13], [sflag:$0x1] =	stream.indirect_vreg.gather [hbm4b:s3+s2], $0x80, v4, vm0, $0xb8;
	[tilespmem:$0xC800] =	vst v63  }
0x157: {  	s14 =	simm.s32 $0x4000  }
0x158: {  	[tilespmem:s14], [sflag:$0x1] =	stream.indirect_vreg.gather [hbm4b:s4+s2], $0x80, v4, vm1, $0xb8;
	[tilespmem:$0xC800] =	vst v63  }
0x159: {  	s15 =	simm.s32 $0x4400  }
0x15a: {  	[tilespmem:s15], [sflag:$0x1] =	stream.indirect_vreg.gather [hbm4b:s3+s2], $0x80, v3, vm0, $0xb8;
	[tilespmem:$0xC800] =	vst v63  }
0x15b: {  	s21 =	simm.s32 $0x4C00  }
0x15c: {  	[tilespmem:s21], [sflag:$0x1] =	stream.indirect_vreg.gather [hbm4b:s4+s2], $0x80, v3, vm1, $0xb8;
	[tilespmem:$0xC800] =	vst v63  }
0x15d: {  	v3 =	vld [tilespmem:$0x230];
	_ =	sdelay $0x4  }
0x15e: {  	v47 =	vshrl.u32 v3, $0x3  }
0x15f: {  	v4 =	vmul.u32 $0x18, v47  }
0x160: {  	v3 =	vand.u32 $0x7, v3  }
0x161: {  	v3 =	vor.u32 v3, v4  }
0x162: {  	v4 =	vperm.xlane v3, v0;
	_ =	sdelay $0x1  }
0x163: {  	v4 =	vadd.s32 v1, v4;
	_ =	sdelay $0x1  }
0x164: {  	v3 =	vperm.xlane v3, v2;
	_ =	sdelay $0x1  }
0x165: {  	s16 =	simm.s32 $0x5000;
	v3 =	vadd.s32 v1, v3  }
0x166: {  	[tilespmem:s16], [sflag:$0x1] =	stream.indirect_vreg.gather [hbm4b:s3+s2], $0x80, v4, vm0, $0xb8;
	[tilespmem:$0xC800] =	vst v63  }
0x167: {  	s17 =	simm.s32 $0x5800  }
0x168: {  	[tilespmem:s17], [sflag:$0x1] =	stream.indirect_vreg.gather [hbm4b:s4+s2], $0x80, v4, vm1, $0xb8;
	[tilespmem:$0xC800] =	vst v63  }
0x169: {  	s18 =	simm.s32 $0x5C00  }
0x16a: {  	[tilespmem:s18], [sflag:$0x1] =	stream.indirect_vreg.gather [hbm4b:s3+s2], $0x80, v3, vm0, $0xb8;
	[tilespmem:$0xC800] =	vst v63  }
0x16b: {  	s20 =	simm.s32 $0x6400  }
0x16c: {  	[tilespmem:s20], [sflag:$0x1] =	stream.indirect_vreg.gather [hbm4b:s4+s2], $0x80, v3, vm1, $0xb8;
	[tilespmem:$0xC800] =	vst v63  }
0x16d: {  	_ =	swait.ge [sflag:s1], $0x6000  }
0x16e: {  	[sflag:s1] =	ssyncset.done $0x0  }
0x16f: {  	s18 =	rddreg [dreg:$0x7];
	[sflag:s1] =	ssyncadd.s32 $0xFFFFA000  }
0x170: {  	[hbm4b:s18+s2] =	stream.linear.scatter [tilespmem:s7], [sflag:$0x4], $0x6000, $0x38;
	[tilespmem:$0xC800] =	vst v63  }
0x171: {  	_ =	swait.ge [sflag:s0], $0x6000  }
0x172: {  	[sflag:s0] =	ssyncset.done $0x0  }
0x173: {  	[sflag:s0] =	ssyncadd.s32 $0xFFFFA000  }
0x174: {  	v3 =	vld [tilespmem:$0x280];
	_ =	sdelay $0x4  }
0x175: {  	v48 =	vshrl.u32 v3, $0x3  }
0x176: {  	v4 =	vmul.u32 $0x18, v48  }
0x177: {  	v3 =	vand.u32 $0x7, v3  }
0x178: {  	v3 =	vor.u32 v3, v4  }
0x179: {  	v4 =	vperm.xlane v3, v0;
	_ =	sdelay $0x1  }
0x17a: {  	v4 =	vadd.s32 v1, v4;
	_ =	sdelay $0x1  }
0x17b: {  	v3 =	vperm.xlane v3, v2;
	_ =	sdelay $0x1  }
0x17c: {  	v3 =	vadd.s32 v1, v3  }
0x17d: {  	[tilespmem:s7], [sflag:$0x2] =	stream.indirect_vreg.gather [hbm4b:s3+s2], $0x80, v4, vm0, $0xb8;
	[tilespmem:$0xC800] =	vst v63  }
0x17e: {  	s20 =	simm.s32 $0x7000  }
0x17f: {  	[tilespmem:s20], [sflag:$0x2] =	stream.indirect_vreg.gather [hbm4b:s4+s2], $0x80, v4, vm1, $0xb8;
	[tilespmem:$0xC800] =	vst v63  }
0x180: {  	s21 =	simm.s32 $0x7400  }
0x181: {  	[tilespmem:s21], [sflag:$0x2] =	stream.indirect_vreg.gather [hbm4b:s3+s2], $0x80, v3, vm0, $0xb8;
	[tilespmem:$0xC800] =	vst v63  }
0x182: {  	s8 =	simm.s32 $0x7C00  }
0x183: {  	[tilespmem:s8], [sflag:$0x2] =	stream.indirect_vreg.gather [hbm4b:s4+s2], $0x80, v3, vm1, $0xb8;
	[tilespmem:$0xC800] =	vst v63  }
0x184: {  	v3 =	vld [tilespmem:$0x290];
	_ =	sdelay $0x4  }
0x185: {  	v49 =	vshrl.u32 v3, $0x3  }
0x186: {  	v4 =	vmul.u32 $0x18, v49  }
0x187: {  	v3 =	vand.u32 $0x7, v3  }
0x188: {  	v3 =	vor.u32 v3, v4  }
0x189: {  	v4 =	vperm.xlane v3, v0;
	_ =	sdelay $0x1  }
0x18a: {  	v4 =	vadd.s32 v1, v4;
	_ =	sdelay $0x1  }
0x18b: {  	v3 =	vperm.xlane v3, v2;
	_ =	sdelay $0x1  }
0x18c: {  	s11 =	simm.s32 $0x8000;
	v3 =	vadd.s32 v1, v3  }
0x18d: {  	[tilespmem:s11], [sflag:$0x2] =	stream.indirect_vreg.gather [hbm4b:s3+s2], $0x80, v4, vm0, $0xb8;
	[tilespmem:$0xC800] =	vst v63  }
0x18e: {  	s12 =	simm.s32 $0x8800  }
0x18f: {  	[tilespmem:s12], [sflag:$0x2] =	stream.indirect_vreg.gather [hbm4b:s4+s2], $0x80, v4, vm1, $0xb8;
	[tilespmem:$0xC800] =	vst v63  }
0x190: {  	s28 =	simm.s32 $0x8C00  }
0x191: {  	[tilespmem:s28], [sflag:$0x2] =	stream.indirect_vreg.gather [hbm4b:s3+s2], $0x80, v3, vm0, $0xb8;
	[tilespmem:$0xC800] =	vst v63  }
0x192: {  	s13 =	simm.s32 $0x9400  }
0x193: {  	[tilespmem:s13], [sflag:$0x2] =	stream.indirect_vreg.gather [hbm4b:s4+s2], $0x80, v3, vm1, $0xb8;
	[tilespmem:$0xC800] =	vst v63  }
0x194: {  	v3 =	vld [tilespmem:$0x2A0];
	_ =	sdelay $0x4  }
0x195: {  	v50 =	vshrl.u32 v3, $0x3  }
0x196: {  	v4 =	vmul.u32 $0x18, v50  }
0x197: {  	v3 =	vand.u32 $0x7, v3  }
0x198: {  	v3 =	vor.u32 v3, v4  }
0x199: {  	v4 =	vperm.xlane v3, v0;
	_ =	sdelay $0x1  }
0x19a: {  	v4 =	vadd.s32 v1, v4;
	_ =	sdelay $0x1  }
0x19b: {  	v3 =	vperm.xlane v3, v2;
	_ =	sdelay $0x1  }
0x19c: {  	s24 =	simm.s32 $0x9800;
	v3 =	vadd.s32 v1, v3  }
0x19d: {  	[tilespmem:s24], [sflag:$0x2] =	stream.indirect_vreg.gather [hbm4b:s3+s2], $0x80, v4, vm0, $0xb8;
	[tilespmem:$0xC800] =	vst v63  }
0x19e: {  	s29 =	simm.s32 $0xA000  }
0x19f: {  	[tilespmem:s29], [sflag:$0x2] =	stream.indirect_vreg.gather [hbm4b:s4+s2], $0x80, v4, vm1, $0xb8;
	[tilespmem:$0xC800] =	vst v63  }
0x1a0: {  	s14 =	simm.s32 $0xA400  }
0x1a1: {  	[tilespmem:s14], [sflag:$0x2] =	stream.indirect_vreg.gather [hbm4b:s3+s2], $0x80, v3, vm0, $0xb8;
	[tilespmem:$0xC800] =	vst v63  }
0x1a2: {  	s15 =	simm.s32 $0xAC00  }
0x1a3: {  	[tilespmem:s15], [sflag:$0x2] =	stream.indirect_vreg.gather [hbm4b:s4+s2], $0x80, v3, vm1, $0xb8;
	[tilespmem:$0xC800] =	vst v63  }
0x1a4: {  	v3 =	vld [tilespmem:$0x2B0];
	_ =	sdelay $0x4  }
0x1a5: {  	v51 =	vshrl.u32 v3, $0x3  }
0x1a6: {  	v4 =	vmul.u32 $0x18, v51  }
0x1a7: {  	v3 =	vand.u32 $0x7, v3  }
0x1a8: {  	v3 =	vor.u32 v3, v4  }
0x1a9: {  	v4 =	vperm.xlane v3, v0;
	_ =	sdelay $0x1  }
0x1aa: {  	v4 =	vadd.s32 v1, v4;
	_ =	sdelay $0x1  }
0x1ab: {  	v3 =	vperm.xlane v3, v2;
	_ =	sdelay $0x1  }
0x1ac: {  	s16 =	simm.s32 $0xB000;
	v3 =	vadd.s32 v1, v3  }
0x1ad: {  	[tilespmem:s16], [sflag:$0x2] =	stream.indirect_vreg.gather [hbm4b:s3+s2], $0x80, v4, vm0, $0xb8;
	[tilespmem:$0xC800] =	vst v63  }
0x1ae: {  	s25 =	simm.s32 $0xB800  }
0x1af: {  	[tilespmem:s25], [sflag:$0x2] =	stream.indirect_vreg.gather [hbm4b:s4+s2], $0x80, v4, vm1, $0xb8;
	[tilespmem:$0xC800] =	vst v63  }
0x1b0: {  	s17 =	simm.s32 $0xBC00  }
0x1b1: {  	[tilespmem:s17], [sflag:$0x2] =	stream.indirect_vreg.gather [hbm4b:s3+s2], $0x80, v3, vm0, $0xb8;
	[tilespmem:$0xC800] =	vst v63  }
0x1b2: {  	s18 =	simm.s32 $0xC400  }
0x1b3: {  	[tilespmem:s18], [sflag:$0x2] =	stream.indirect_vreg.gather [hbm4b:s4+s2], $0x80, v3, vm1, $0xb8;
	[tilespmem:$0xC800] =	vst v63  }
0x1b4: {  	_ =	swait.ge [sflag:s30], $0x6000  }
0x1b5: {  	[sflag:s30] =	ssyncset.done $0x0  }
0x1b6: {  	s13 =	rddreg [dreg:$0x8];
	[sflag:s30] =	ssyncadd.s32 $0xFFFFA000  }
0x1b7: {  	[hbm4b:s13+s2] =	stream.linear.scatter [tilespmem:s22], [sflag:$0x3], $0x6000, $0x38;
	[tilespmem:$0xC800] =	vst v63  }
0x1b8: {  	_ =	swait.ge [sflag:s31], $0x6000  }
0x1b9: {  	[sflag:s31] =	ssyncset.done $0x0  }
0x1ba: {  	[sflag:s31] =	ssyncadd.s32 $0xFFFFA000  }
0x1bb: {  	v3 =	vld [tilespmem:$0x300];
	_ =	sdelay $0x4  }
0x1bc: {  	v52 =	vshrl.u32 v3, $0x3  }
0x1bd: {  	v4 =	vmul.u32 $0x18, v52  }
0x1be: {  	v3 =	vand.u32 $0x7, v3  }
0x1bf: {  	v3 =	vor.u32 v3, v4  }
0x1c0: {  	v4 =	vperm.xlane v3, v0;
	_ =	sdelay $0x1  }
0x1c1: {  	v4 =	vadd.s32 v1, v4;
	_ =	sdelay $0x1  }
0x1c2: {  	v3 =	vperm.xlane v3, v2;
	_ =	sdelay $0x1  }
0x1c3: {  	v3 =	vadd.s32 v1, v3  }
0x1c4: {  	[tilespmem:s22], [sflag:$0x1] =	stream.indirect_vreg.gather [hbm4b:s3+s2], $0x80, v4, vm0, $0xb8;
	[tilespmem:$0xC800] =	vst v63  }
0x1c5: {  	s14 =	simm.s32 $0x1000  }
0x1c6: {  	[tilespmem:s14], [sflag:$0x1] =	stream.indirect_vreg.gather [hbm4b:s4+s2], $0x80, v4, vm1, $0xb8;
	[tilespmem:$0xC800] =	vst v63  }
0x1c7: {  	s26 =	simm.s32 $0x1400  }
0x1c8: {  	[tilespmem:s26], [sflag:$0x1] =	stream.indirect_vreg.gather [hbm4b:s3+s2], $0x80, v3, vm0, $0xb8;
	[tilespmem:$0xC800] =	vst v63  }
0x1c9: {  	s15 =	simm.s32 $0x1C00  }
0x1ca: {  	[tilespmem:s15], [sflag:$0x1] =	stream.indirect_vreg.gather [hbm4b:s4+s2], $0x80, v3, vm1, $0xb8;
	[tilespmem:$0xC800] =	vst v63  }
0x1cb: {  	v3 =	vld [tilespmem:$0x310];
	_ =	sdelay $0x4  }
0x1cc: {  	v53 =	vshrl.u32 v3, $0x3  }
0x1cd: {  	v4 =	vmul.u32 $0x18, v53  }
0x1ce: {  	v3 =	vand.u32 $0x7, v3  }
0x1cf: {  	v3 =	vor.u32 v3, v4  }
0x1d0: {  	v4 =	vperm.xlane v3, v0;
	_ =	sdelay $0x1  }
0x1d1: {  	v4 =	vadd.s32 v1, v4;
	_ =	sdelay $0x1  }
0x1d2: {  	v3 =	vperm.xlane v3, v2;
	_ =	sdelay $0x1  }
0x1d3: {  	s23 =	simm.s32 $0x2000;
	v3 =	vadd.s32 v1, v3  }
0x1d4: {  	[tilespmem:s23], [sflag:$0x1] =	stream.indirect_vreg.gather [hbm4b:s3+s2], $0x80, v4, vm0, $0xb8;
	[tilespmem:$0xC800] =	vst v63  }
0x1d5: {  	s16 =	simm.s32 $0x2800  }
0x1d6: {  	[tilespmem:s16], [sflag:$0x1] =	stream.indirect_vreg.gather [hbm4b:s4+s2], $0x80, v4, vm1, $0xb8;
	[tilespmem:$0xC800] =	vst v63  }
0x1d7: {  	s17 =	simm.s32 $0x2C00  }
0x1d8: {  	[tilespmem:s17], [sflag:$0x1] =	stream.indirect_vreg.gather [hbm4b:s3+s2], $0x80, v3, vm0, $0xb8;
	[tilespmem:$0xC800] =	vst v63  }
0x1d9: {  	s18 =	simm.s32 $0x3400  }
0x1da: {  	[tilespmem:s18], [sflag:$0x1] =	stream.indirect_vreg.gather [hbm4b:s4+s2], $0x80, v3, vm1, $0xb8;
	[tilespmem:$0xC800] =	vst v63  }
0x1db: {  	v3 =	vld [tilespmem:$0x320];
	_ =	sdelay $0x4  }
0x1dc: {  	v54 =	vshrl.u32 v3, $0x3  }
0x1dd: {  	v4 =	vmul.u32 $0x18, v54  }
0x1de: {  	v3 =	vand.u32 $0x7, v3  }
0x1df: {  	v3 =	vor.u32 v3, v4  }
0x1e0: {  	v4 =	vperm.xlane v3, v0;
	_ =	sdelay $0x1  }
0x1e1: {  	v4 =	vadd.s32 v1, v4;
	_ =	sdelay $0x1  }
0x1e2: {  	v3 =	vperm.xlane v3, v2;
	_ =	sdelay $0x1  }
0x1e3: {  	s19 =	simm.s32 $0x3800;
	v3 =	vadd.s32 v1, v3  }
0x1e4: {  	[tilespmem:s19], [sflag:$0x1] =	stream.indirect_vreg.gather [hbm4b:s3+s2], $0x80, v4, vm0, $0xb8;
	[tilespmem:$0xC800] =	vst v63  }
0x1e5: {  	s19 =	simm.s32 $0x4000  }
0x1e6: {  	[tilespmem:s19], [sflag:$0x1] =	stream.indirect_vreg.gather [hbm4b:s4+s2], $0x80, v4, vm1, $0xb8;
	[tilespmem:$0xC800] =	vst v63  }
0x1e7: {  	s17 =	simm.s32 $0x4400  }
0x1e8: {  	[tilespmem:s17], [sflag:$0x1] =	stream.indirect_vreg.gather [hbm4b:s3+s2], $0x80, v3, vm0, $0xb8;
	[tilespmem:$0xC800] =	vst v63  }
0x1e9: {  	s18 =	simm.s32 $0x4C00  }
0x1ea: {  	[tilespmem:s18], [sflag:$0x1] =	stream.indirect_vreg.gather [hbm4b:s4+s2], $0x80, v3, vm1, $0xb8;
	[tilespmem:$0xC800] =	vst v63  }
0x1eb: {  	v3 =	vld [tilespmem:$0x330];
	_ =	sdelay $0x4  }
0x1ec: {  	v55 =	vshrl.u32 v3, $0x3  }
0x1ed: {  	v4 =	vmul.u32 $0x18, v55  }
0x1ee: {  	v3 =	vand.u32 $0x7, v3  }
0x1ef: {  	v3 =	vor.u32 v3, v4  }
0x1f0: {  	v4 =	vperm.xlane v3, v0;
	_ =	sdelay $0x1  }
0x1f1: {  	v4 =	vadd.s32 v1, v4;
	_ =	sdelay $0x1  }
0x1f2: {  	v3 =	vperm.xlane v3, v2;
	_ =	sdelay $0x1  }
0x1f3: {  	s18 =	simm.s32 $0x5000;
	v3 =	vadd.s32 v1, v3  }
0x1f4: {  	[tilespmem:s18], [sflag:$0x1] =	stream.indirect_vreg.gather [hbm4b:s3+s2], $0x80, v4, vm0, $0xb8;
	[tilespmem:$0xC800] =	vst v63  }
0x1f5: {  	s6 =	simm.s32 $0x5800  }
0x1f6: {  	[tilespmem:s6], [sflag:$0x1] =	stream.indirect_vreg.gather [hbm4b:s4+s2], $0x80, v4, vm1, $0xb8;
	[tilespmem:$0xC800] =	vst v63  }
0x1f7: {  	s6 =	simm.s32 $0x5C00  }
0x1f8: {  	[tilespmem:s6], [sflag:$0x1] =	stream.indirect_vreg.gather [hbm4b:s3+s2], $0x80, v3, vm0, $0xb8;
	[tilespmem:$0xC800] =	vst v63  }
0x1f9: {  	s6 =	simm.s32 $0x6400  }
0x1fa: {  	[tilespmem:s6], [sflag:$0x1] =	stream.indirect_vreg.gather [hbm4b:s4+s2], $0x80, v3, vm1, $0xb8;
	[tilespmem:$0xC800] =	vst v63  }
0x1fb: {  	_ =	swait.ge [sflag:s1], $0x6000  }
0x1fc: {  	[sflag:s1] =	ssyncset.done $0x0  }
0x1fd: {  	s6 =	rddreg [dreg:$0x9];
	[sflag:s1] =	ssyncadd.s32 $0xFFFFA000  }
0x1fe: {  	[hbm4b:s6+s2] =	stream.linear.scatter [tilespmem:s7], [sflag:$0x4], $0x6000, $0x38;
	[tilespmem:$0xC800] =	vst v63  }
0x1ff: {  	_ =	swait.ge [sflag:s0], $0x6000  }
0x200: {  	[sflag:s0] =	ssyncset.done $0x0  }
0x201: {  	[sflag:s0] =	ssyncadd.s32 $0xFFFFA000  }
0x202: {  	v3 =	vld [tilespmem:$0x380];
	_ =	sdelay $0x4  }
0x203: {  	v56 =	vshrl.u32 v3, $0x3  }
0x204: {  	v4 =	vmul.u32 $0x18, v56  }
0x205: {  	v3 =	vand.u32 $0x7, v3  }
0x206: {  	v3 =	vor.u32 v3, v4  }
0x207: {  	v4 =	vperm.xlane v3, v0;
	_ =	sdelay $0x1  }
0x208: {  	v4 =	vadd.s32 v1, v4;
	_ =	sdelay $0x1  }
0x209: {  	v3 =	vperm.xlane v3, v2;
	_ =	sdelay $0x1  }
0x20a: {  	v3 =	vadd.s32 v1, v3  }
0x20b: {  	[tilespmem:s7], [sflag:$0x2] =	stream.indirect_vreg.gather [hbm4b:s3+s2], $0x80, v4, vm0, $0xb8;
	[tilespmem:$0xC800] =	vst v63  }
0x20c: {  	s9 =	simm.s32 $0x7000  }
0x20d: {  	[tilespmem:s9], [sflag:$0x2] =	stream.indirect_vreg.gather [hbm4b:s4+s2], $0x80, v4, vm1, $0xb8;
	[tilespmem:$0xC800] =	vst v63  }
0x20e: {  	s10 =	simm.s32 $0x7400  }
0x20f: {  	[tilespmem:s10], [sflag:$0x2] =	stream.indirect_vreg.gather [hbm4b:s3+s2], $0x80, v3, vm0, $0xb8;
	[tilespmem:$0xC800] =	vst v63  }
0x210: {  	s10 =	simm.s32 $0x7C00  }
0x211: {  	[tilespmem:s10], [sflag:$0x2] =	stream.indirect_vreg.gather [hbm4b:s4+s2], $0x80, v3, vm1, $0xb8;
	[tilespmem:$0xC800] =	vst v63  }
0x212: {  	v3 =	vld [tilespmem:$0x390];
	_ =	sdelay $0x4  }
0x213: {  	v57 =	vshrl.u32 v3, $0x3  }
0x214: {  	v4 =	vmul.u32 $0x18, v57  }
0x215: {  	v3 =	vand.u32 $0x7, v3  }
0x216: {  	v3 =	vor.u32 v3, v4  }
0x217: {  	v4 =	vperm.xlane v3, v0;
	_ =	sdelay $0x1  }
0x218: {  	v4 =	vadd.s32 v1, v4;
	_ =	sdelay $0x1  }
0x219: {  	v3 =	vperm.xlane v3, v2;
	_ =	sdelay $0x1  }
0x21a: {  	s11 =	simm.s32 $0x8000;
	v3 =	vadd.s32 v1, v3  }
0x21b: {  	[tilespmem:s11], [sflag:$0x2] =	stream.indirect_vreg.gather [hbm4b:s3+s2], $0x80, v4, vm0, $0xb8;
	[tilespmem:$0xC800] =	vst v63  }
0x21c: {  	s12 =	simm.s32 $0x8800  }
0x21d: {  	[tilespmem:s12], [sflag:$0x2] =	stream.indirect_vreg.gather [hbm4b:s4+s2], $0x80, v4, vm1, $0xb8;
	[tilespmem:$0xC800] =	vst v63  }
0x21e: {  	s20 =	simm.s32 $0x8C00  }
0x21f: {  	[tilespmem:s20], [sflag:$0x2] =	stream.indirect_vreg.gather [hbm4b:s3+s2], $0x80, v3, vm0, $0xb8;
	[tilespmem:$0xC800] =	vst v63  }
0x220: {  	s9 =	simm.s32 $0x9400  }
0x221: {  	[tilespmem:s9], [sflag:$0x2] =	stream.indirect_vreg.gather [hbm4b:s4+s2], $0x80, v3, vm1, $0xb8;
	[tilespmem:$0xC800] =	vst v63  }
0x222: {  	v3 =	vld [tilespmem:$0x3A0];
	_ =	sdelay $0x4  }
0x223: {  	v58 =	vshrl.u32 v3, $0x3  }
0x224: {  	v4 =	vmul.u32 $0x18, v58  }
0x225: {  	v3 =	vand.u32 $0x7, v3  }
0x226: {  	v3 =	vor.u32 v3, v4  }
0x227: {  	v4 =	vperm.xlane v3, v0;
	_ =	sdelay $0x1  }
0x228: {  	v4 =	vadd.s32 v1, v4;
	_ =	sdelay $0x1  }
0x229: {  	v3 =	vperm.xlane v3, v2;
	_ =	sdelay $0x1  }
0x22a: {  	s21 =	simm.s32 $0x9800;
	v3 =	vadd.s32 v1, v3  }
0x22b: {  	[tilespmem:s21], [sflag:$0x2] =	stream.indirect_vreg.gather [hbm4b:s3+s2], $0x80, v4, vm0, $0xb8;
	[tilespmem:$0xC800] =	vst v63  }
0x22c: {  	s24 =	simm.s32 $0xA000  }
0x22d: {  	[tilespmem:s24], [sflag:$0x2] =	stream.indirect_vreg.gather [hbm4b:s4+s2], $0x80, v4, vm1, $0xb8;
	[tilespmem:$0xC800] =	vst v63  }
0x22e: {  	s28 =	simm.s32 $0xA400  }
0x22f: {  	[tilespmem:s28], [sflag:$0x2] =	stream.indirect_vreg.gather [hbm4b:s3+s2], $0x80, v3, vm0, $0xb8;
	[tilespmem:$0xC800] =	vst v63  }
0x230: {  	s10 =	simm.s32 $0xAC00  }
0x231: {  	[tilespmem:s10], [sflag:$0x2] =	stream.indirect_vreg.gather [hbm4b:s4+s2], $0x80, v3, vm1, $0xb8;
	[tilespmem:$0xC800] =	vst v63  }
0x232: {  	v3 =	vld [tilespmem:$0x3B0];
	_ =	sdelay $0x4  }
0x233: {  	v59 =	vshrl.u32 v3, $0x3  }
0x234: {  	v4 =	vmul.u32 $0x18, v59  }
0x235: {  	v3 =	vand.u32 $0x7, v3  }
0x236: {  	v3 =	vor.u32 v3, v4  }
0x237: {  	v4 =	vperm.xlane v3, v0;
	_ =	sdelay $0x1  }
0x238: {  	v4 =	vadd.s32 v1, v4;
	_ =	sdelay $0x1  }
0x239: {  	v3 =	vperm.xlane v3, v2;
	_ =	sdelay $0x1  }
0x23a: {  	s8 =	simm.s32 $0xB000;
	v3 =	vadd.s32 v1, v3  }
0x23b: {  	[tilespmem:s8], [sflag:$0x2] =	stream.indirect_vreg.gather [hbm4b:s3+s2], $0x80, v4, vm0, $0xb8;
	[tilespmem:$0xC800] =	vst v63  }
0x23c: {  	s29 =	simm.s32 $0xB800  }
0x23d: {  	[tilespmem:s29], [sflag:$0x2] =	stream.indirect_vreg.gather [hbm4b:s4+s2], $0x80, v4, vm1, $0xb8;
	[tilespmem:$0xC800] =	vst v63  }
0x23e: {  	s25 =	simm.s32 $0xBC00  }
0x23f: {  	[tilespmem:s25], [sflag:$0x2] =	stream.indirect_vreg.gather [hbm4b:s3+s2], $0x80, v3, vm0, $0xb8;
	[tilespmem:$0xC800] =	vst v63  }
0x240: {  	s11 =	simm.s32 $0xC400  }
0x241: {  	[tilespmem:s11], [sflag:$0x2] =	stream.indirect_vreg.gather [hbm4b:s4+s2], $0x80, v3, vm1, $0xb8;
	[tilespmem:$0xC800] =	vst v63  }
0x242: {  	_ =	swait.ge [sflag:s30], $0x6000  }
0x243: {  	[sflag:s30] =	ssyncset.done $0x0  }
0x244: {  	s12 =	rddreg [dreg:$0xa];
	[sflag:s30] =	ssyncadd.s32 $0xFFFFA000  }
0x245: {  	[hbm4b:s12+s2] =	stream.linear.scatter [tilespmem:s22], [sflag:$0x3], $0x6000, $0x38;
	[tilespmem:$0xC800] =	vst v63  }
0x246: {  	_ =	swait.ge [sflag:s31], $0x6000  }
0x247: {  	[sflag:s31] =	ssyncset.done $0x0  }
0x248: {  	[sflag:s31] =	ssyncadd.s32 $0xFFFFA000  }
0x249: {  	v3 =	vld [tilespmem:$0x400];
	_ =	sdelay $0x4  }
0x24a: {  	v60 =	vshrl.u32 v3, $0x3  }
0x24b: {  	v4 =	vmul.u32 $0x18, v60  }
0x24c: {  	v3 =	vand.u32 $0x7, v3  }
0x24d: {  	v3 =	vor.u32 v3, v4  }
0x24e: {  	v4 =	vperm.xlane v3, v0;
	_ =	sdelay $0x1  }
0x24f: {  	v4 =	vadd.s32 v1, v4;
	_ =	sdelay $0x1  }
0x250: {  	v3 =	vperm.xlane v3, v2;
	_ =	sdelay $0x1  }
0x251: {  	v3 =	vadd.s32 v1, v3  }
0x252: {  	[tilespmem:s22], [sflag:$0x1] =	stream.indirect_vreg.gather [hbm4b:s3+s2], $0x80, v4, vm0, $0xb8;
	[tilespmem:$0xC800] =	vst v63  }
0x253: {  	s14 =	simm.s32 $0x1000  }
0x254: {  	[tilespmem:s14], [sflag:$0x1] =	stream.indirect_vreg.gather [hbm4b:s4+s2], $0x80, v4, vm1, $0xb8;
	[tilespmem:$0xC800] =	vst v63  }
0x255: {  	s13 =	simm.s32 $0x1400  }
0x256: {  	[tilespmem:s13], [sflag:$0x1] =	stream.indirect_vreg.gather [hbm4b:s3+s2], $0x80, v3, vm0, $0xb8;
	[tilespmem:$0xC800] =	vst v63  }
0x257: {  	s20 =	simm.s32 $0x1C00  }
0x258: {  	[tilespmem:s20], [sflag:$0x1] =	stream.indirect_vreg.gather [hbm4b:s4+s2], $0x80, v3, vm1, $0xb8;
	[tilespmem:$0xC800] =	vst v63  }
0x259: {  	v3 =	vld [tilespmem:$0x410];
	_ =	sdelay $0x4  }
0x25a: {  	v61 =	vshrl.u32 v3, $0x3  }
0x25b: {  	v4 =	vmul.u32 $0x18, v61  }
0x25c: {  	v3 =	vand.u32 $0x7, v3  }
0x25d: {  	v3 =	vor.u32 v3, v4  }
0x25e: {  	v4 =	vperm.xlane v3, v0;
	_ =	sdelay $0x1  }
0x25f: {  	v4 =	vadd.s32 v1, v4;
	_ =	sdelay $0x1  }
0x260: {  	v3 =	vperm.xlane v3, v2;
	_ =	sdelay $0x1  }
0x261: {  	s26 =	simm.s32 $0x2000;
	v3 =	vadd.s32 v1, v3  }
0x262: {  	[tilespmem:s26], [sflag:$0x1] =	stream.indirect_vreg.gather [hbm4b:s3+s2], $0x80, v4, vm0, $0xb8;
	[tilespmem:$0xC800] =	vst v63  }
0x263: {  	s23 =	simm.s32 $0x2800  }
0x264: {  	[tilespmem:s23], [sflag:$0x1] =	stream.indirect_vreg.gather [hbm4b:s4+s2], $0x80, v4, vm1, $0xb8;
	[tilespmem:$0xC800] =	vst v63  }
0x265: {  	s15 =	simm.s32 $0x2C00  }
0x266: {  	[tilespmem:s15], [sflag:$0x1] =	stream.indirect_vreg.gather [hbm4b:s3+s2], $0x80, v3, vm0, $0xb8;
	[tilespmem:$0xC800] =	vst v63  }
0x267: {  	s21 =	simm.s32 $0x3400  }
0x268: {  	[tilespmem:s21], [sflag:$0x1] =	stream.indirect_vreg.gather [hbm4b:s4+s2], $0x80, v3, vm1, $0xb8;
	[tilespmem:$0xC800] =	vst v63  }
0x269: {  	v3 =	vld [tilespmem:$0x420];
	_ =	sdelay $0x4  }
0x26a: {  	v62 =	vshrl.u32 v3, $0x3  }
0x26b: {  	v4 =	vmul.u32 $0x18, v62  }
0x26c: {  	v3 =	vand.u32 $0x7, v3  }
0x26d: {  	v3 =	vor.u32 v3, v4  }
0x26e: {  	v4 =	vperm.xlane v3, v0;
	_ =	sdelay $0x1  }
0x26f: {  	v4 =	vadd.s32 v1, v4;
	_ =	sdelay $0x1  }
0x270: {  	v3 =	vperm.xlane v3, v2;
	_ =	sdelay $0x1  }
0x271: {  	s16 =	simm.s32 $0x3800;
	v3 =	vadd.s32 v1, v3  }
0x272: {  	[tilespmem:s16], [sflag:$0x1] =	stream.indirect_vreg.gather [hbm4b:s3+s2], $0x80, v4, vm0, $0xb8;
	[tilespmem:$0xC800] =	vst v63  }
0x273: {  	s19 =	simm.s32 $0x4000  }
0x274: {  	[tilespmem:s19], [sflag:$0x1] =	stream.indirect_vreg.gather [hbm4b:s4+s2], $0x80, v4, vm1, $0xb8;
	[tilespmem:$0xC800] =	vst v63  }
0x275: {  	s17 =	simm.s32 $0x4400  }
0x276: {  	[tilespmem:s17], [sflag:$0x1] =	stream.indirect_vreg.gather [hbm4b:s3+s2], $0x80, v3, vm0, $0xb8;
	[tilespmem:$0xC800] =	vst v63  }
0x277: {  	s23 =	simm.s32 $0x4C00  }
0x278: {  	[tilespmem:s23], [sflag:$0x1] =	stream.indirect_vreg.gather [hbm4b:s4+s2], $0x80, v3, vm1, $0xb8;
	[tilespmem:$0xC800] =	vst v63  }
0x279: {  	v3 =	vld [tilespmem:$0x430];
	_ =	sdelay $0x4  }
0x27a: {  	v63 =	vshrl.u32 v3, $0x3  }
0x27b: {  	v4 =	vmul.u32 $0x18, v63  }
0x27c: {  	v3 =	vand.u32 $0x7, v3  }
0x27d: {  	v3 =	vor.u32 v3, v4  }
0x27e: {  	v4 =	vperm.xlane v3, v0;
	_ =	sdelay $0x1  }
0x27f: {  	v4 =	vadd.s32 v1, v4;
	_ =	sdelay $0x1  }
0x280: {  	v3 =	vperm.xlane v3, v2;
	_ =	sdelay $0x1  }
0x281: {  	s18 =	simm.s32 $0x5000;
	v3 =	vadd.s32 v1, v3  }
0x282: {  	[tilespmem:s18], [sflag:$0x1] =	stream.indirect_vreg.gather [hbm4b:s3+s2], $0x80, v4, vm0, $0xb8;
	[tilespmem:$0xC800] =	vst v63  }
0x283: {  	s24 =	simm.s32 $0x5800  }
0x284: {  	[tilespmem:s24], [sflag:$0x1] =	stream.indirect_vreg.gather [hbm4b:s4+s2], $0x80, v4, vm1, $0xb8;
	[tilespmem:$0xC800] =	vst v63  }
0x285: {  	s25 =	simm.s32 $0x5C00  }
0x286: {  	[tilespmem:s25], [sflag:$0x1] =	stream.indirect_vreg.gather [hbm4b:s3+s2], $0x80, v3, vm0, $0xb8;
	[tilespmem:$0xC800] =	vst v63  }
0x287: {  	s26 =	simm.s32 $0x6400  }
0x288: {  	[tilespmem:s26], [sflag:$0x1] =	stream.indirect_vreg.gather [hbm4b:s4+s2], $0x80, v3, vm1, $0xb8;
	[tilespmem:$0xC800] =	vst v63  }
0x289: {  	_ =	swait.ge [sflag:s1], $0x6000  }
0x28a: {  	[sflag:s1] =	ssyncset.done $0x0  }
0x28b: {  	s28 =	rddreg [dreg:$0xb];
	[sflag:s1] =	ssyncadd.s32 $0xFFFFA000  }
0x28c: {  	[hbm4b:s28+s2] =	stream.linear.scatter [tilespmem:s7], [sflag:$0x4], $0x6000, $0x38;
	[tilespmem:$0xC800] =	vst v63  }
0x28d: {  	_ =	swait.ge [sflag:s30], $0x6000  }
0x28e: {  	[sflag:s30] =	ssyncset.done $0x0  }
0x28f: {  	s29 =	rddreg [dreg:$0xc];
	[sflag:s30] =	ssyncadd.s32 $0xFFFFA000  }
0x290: {  	[hbm4b:s29+s2] =	stream.linear.scatter [tilespmem:s22], [sflag:$0x3], $0x6000, $0x38;
	[tilespmem:$0xC800] =	vst v63  }
0x291: {  	p0 =	sne.s32 s5, $0x1;
	_ =	swait.ge [sflag:s0], $0x6000  }
.Ltmp0:
0x292: {  	[sflag:s0] =	ssyncset.done $0x0;
	(pc) =	sbr.rel @p0 .LBB2_1-.Ltmp0, $4  }
0x293: {  	[sflag:s0] =	ssyncadd.s32 $0xFFFFA000  }
0x294: {  	_ =	swait.ge [sflag:s31], $0x6000  }
0x295: {  	[sflag:s31] =	ssyncset.done $0x0  }
0x296: {  	s5 =	sadd.s32 $0xFFFFFFFF, s5;
	[sflag:s31] =	ssyncadd.s32 $0xFFFFA000  }
0x297: {  	_ =	sfence.sel $0x180000  }
0x298: {  	[bflag:$0x0] =	sbarrier.arrive $0xFFFF  }
0x299: {  	_ =	strace $0x90000047  }
0x29a: {  	s0 =	stileid.u32;
	[bflag:$0x2] =	sbarrier.arrive $0xFFFF  }
0x29b: {  	p0 =	sne.s32 s0, $0x0;
	s0 =	rddreg [dreg:$0x2]  }
0x29c: {  	s0 =	sadd.s32 @!p0 $0x100000, s0  }
0x29d: {  	[sflag:s0] =	ssyncadd.tile.s32 @!p0 $0x1;
	_ =	shalt  }
.Lfunc_end2:
_tile_overlayer_lowered:
.L_overlay_start_2:
0x29e: {  	(tag) =	ssettag $0x2  }
0x29f: {  	s0 =	rddreg [dreg:$0x0];
	s2 =	stileid.u32  }
0x2a0: {  	s1 =	rddreg [dreg:$0x1];
	p0 =	sne.s32 s2, $0x0  }
0x2a1: {  	s3 =	rddreg [dreg:$0x2];
	[bflag:$0x3] =	sbarrier.arrive $0xFFFF;
	s2 =	simm.s32 @!p0 $0x1C05  }
0x2a2: {  	[timem:s3], [sflag:s2] =	dma.local @!p0 [hbm:s0], s1  }
0x2a3: {  	s0 =	simm.s32 @!p0 $0x5  }
0x2a4: {  	_ =	swait.ge @!p0 [sflag:s0], s1  }
0x2a5: {  	s1 =	ssub.s32 @!p0 $0x0, s1;
	[sflag:s0] =	ssyncset.done @!p0 $0x0  }
0x2a6: {  	[sflag:s0] =	ssyncadd.s32 @!p0 s1  }
0x2a7: {  	[bflag:$0x3] =	sbarrier.arrive $0xFFFF  }
0x2a8: {  	_ =	shalt  }

</sc_bundles>
